<compile_context>
chip_gen: v7x
topology: tpu7x:2x2x1
jax: 0.10.2.dev20260603
libtpu: 0.0.44.dev20260713+nightly
codegen_flags: <defaults>
</compile_context>

<pallas_src>
import functools

import jax
import jax.numpy as jnp
from jax import lax
from jax.experimental import pallas as pl
from jax.experimental.pallas import tpu as pltpu
from jax.experimental.pallas import tpu_sc as plsc

_N = 10000
_D = 128
_E = 320000

_CHUNK = 80
_NCH = _E // _CHUNK
_HCPT = 32
_NQ = _NCH // _HCPT
_ACC_ROWS = 10112
_RPT = _ACC_ROWS // 16
_NBUF = 4

_sc_mesh = plsc.VectorSubcoreMesh(core_axis_name="c", subcore_axis_name="s")


@functools.partial(
    pl.kernel,
    out_type=(
        jax.ShapeDtypeStruct((_ACC_ROWS, _D), jnp.float32),
        jax.ShapeDtypeStruct((_ACC_ROWS, _D), jnp.float32),
    ),
    mesh=_sc_mesh,
    scratch_types=[
        pltpu.VMEM((_HCPT, _CHUNK), jnp.int32),
        pltpu.VMEM((_HCPT, _CHUNK), jnp.int32),
        [pltpu.VMEM((_CHUNK, _D), jnp.float32) for _ in range(_NBUF)],
        pltpu.VMEM_SHARED((_ACC_ROWS, _D), jnp.float32),
        [pltpu.SemaphoreType.DMA for _ in range(_NBUF)],
        [pltpu.SemaphoreType.DMA for _ in range(_NBUF)],
    ],
)
def _segsum(table, edges, out0, out1, src_v, dst_v, bufs, acc, gsems, ssems):
    cid = lax.axis_index("c")
    sid = lax.axis_index("s")
    wid = cid * 16 + sid

    def _g_start(b, j, sem):
        pltpu.make_async_copy(table.at[src_v.at[j]], bufs[b], sem).start()

    def _g_wait(b, j, sem):
        pltpu.make_async_copy(table.at[src_v.at[j]], bufs[b], sem).wait()

    def _s_start(b, j, sem):
        pltpu.make_async_copy(bufs[b], acc.at[dst_v.at[j]], sem).start(add=True)

    def _s_wait(b, j, sem):
        pltpu.make_async_copy(bufs[b], acc.at[dst_v.at[j]], sem).wait()

    def _load_idx(qg):
        pltpu.sync_copy(edges.at[0, pl.ds(qg * _HCPT, _HCPT)], src_v)
        pltpu.sync_copy(edges.at[1, pl.ds(qg * _HCPT, _HCPT)], dst_v)

    has_q0 = wid * 4 < _NQ
    @pl.when(has_q0)
    def _():
        _load_idx(wid * 4)
        for j in range(3):
            _g_start(j, j, gsems[j])

    def _zero_row(i, carry):
        for j in range(_D // 16):
            bufs[3][i, pl.ds(j * 16, 16)] = jnp.zeros((16,), jnp.float32)
        return carry

    with jax.named_scope("zero_acc"):
        lax.fori_loop(0, _CHUNK, _zero_row, 0)
        for k in range(_RPT // _CHUNK):
            pltpu.sync_copy(bufs[3], acc.at[pl.ds(sid * _RPT + k * _CHUNK, _CHUNK)])
        rem = _RPT % _CHUNK
        pltpu.sync_copy(
            bufs[3].at[pl.ds(0, rem)],
            acc.at[pl.ds(sid * _RPT + (_RPT // _CHUNK) * _CHUNK, rem)])
        plsc.subcore_barrier()

    def _quad(q, carry):
        for j4 in range(_NBUF):
            j = _NBUF * q + j4
            b3 = (j4 + 3) % _NBUF

            @pl.when(j >= 1)
            def _():
                _s_wait(b3, j - 1, ssems[b3])

            _g_wait(j4, j, gsems[j4])
            _s_start(j4, j, ssems[j4])

            @pl.when(j + 3 < _HCPT)
            def _():
                _g_start(b3, j + 3, gsems[b3])
        return carry

    def _run_quarter():
        lax.fori_loop(0, _HCPT // _NBUF, _quad, 0)
        _s_wait((_HCPT - 1) % _NBUF, _HCPT - 1, ssems[(_HCPT - 1) % _NBUF])

    for h in range(4):
      with jax.named_scope(f"edges_{h}"):
        qg = wid * 4 + h

        @pl.when(qg < _NQ)
        def _():
            if h > 0:
                _load_idx(qg)
                for j in range(3):
                    _g_start(j, j, gsems[j])
            _run_quarter()
    plsc.subcore_barrier()

    with jax.named_scope("dump"):
        @pl.when(cid == 0)
        def _():
            pltpu.sync_copy(acc.at[pl.ds(sid * _RPT, _RPT)], out0.at[pl.ds(sid * _RPT, _RPT)])

        @pl.when(cid == 1)
        def _():
            pltpu.sync_copy(acc.at[pl.ds(sid * _RPT, _RPT)], out1.at[pl.ds(sid * _RPT, _RPT)])


def _mlp_body(x_ref, p0_ref, p1_ref, w1_ref, b1_ref, w2_ref, b2_ref, g_ref, be_ref, o_ref):
    h = x_ref[...] + p0_ref[...] + p1_ref[...]
    h = jnp.dot(h, w1_ref[...], preferred_element_type=jnp.float32) + b1_ref[...]
    h = jnp.maximum(h, 0.0)
    h = jnp.dot(h, w2_ref[...], preferred_element_type=jnp.float32) + b2_ref[...]
    mu = jnp.mean(h, axis=1, keepdims=True)
    c = h - mu
    var = jnp.mean(c * c, axis=1, keepdims=True)
    h = c * lax.rsqrt(var + 1e-5) * g_ref[...] + be_ref[...]
    o_ref[...] = jnp.maximum(h, 0.0)


_BLK = 1000


def _mlp(x, p0, p1, w1, b1, w2, b2, g, be):
    bs_x = pl.BlockSpec((_BLK, _D), lambda i: (i, 0))
    bs_w = pl.BlockSpec((_D, _D), lambda i: (0, 0))
    bs_v = pl.BlockSpec((1, _D), lambda i: (0, 0))
    return pl.pallas_call(
        _mlp_body,
        out_shape=jax.ShapeDtypeStruct((_N, _D), jnp.float32),
        grid=(_N // _BLK,),
        in_specs=[bs_x, bs_x, bs_x, bs_w, bs_v, bs_w, bs_v, bs_v, bs_v],
        out_specs=bs_x,
    )(x, p0, p1, w1, b1.reshape(1, _D), w2, b2.reshape(1, _D),
      g.reshape(1, _D), be.reshape(1, _D))


def _layer(h, edges, w1, b1, w2, b2, g, be):
    p0, p1 = _segsum(h, edges)
    return _mlp(h, p0, p1, w1, b1, w2, b2, g, be)


def kernel(x, edge_index, W1_0, b1_0, W2_0, b2_0, g_0, be_0,
           W1_1, b1_1, W2_1, b2_1, g_1, be_1):
    edges = edge_index.reshape(2, _NCH, _CHUNK)
    h = _layer(x, edges, W1_0, b1_0, W2_0, b2_0, g_0, be_0)
    h = _layer(h, edges, W1_1, b1_1, W2_1, b2_1, g_1, be_1)
    return h

# --- scband reference (transcript-rebuilt; emitter-appended) ---
"""Pipeline reference for scband-gnnencoder-67585605370471 (READ-ONLY COPY).

The authoritative reference and input builder live on the scoring server;
editing this copy changes nothing except your own understanding.
"""

import jax, jax.numpy as jnp
import numpy as np

N = 10000
D = 128
H = 128
E = 320000

def setup_inputs(seed: int = 0):
    key = jax.random.key(seed)
    ks = jax.random.split(key, 16)
    x = jax.random.normal(ks[0], (N, D), dtype=jnp.float32)
    edge_index = jax.random.randint(ks[1], (2, E), 0, N, dtype=jnp.int32)
    def lin(k, fan_in, shape):
        return jax.random.uniform(k, shape, jnp.float32, -1.0, 1.0) / np.sqrt(fan_in)
    W1_0 = lin(ks[2], D, (D, H)); b1_0 = lin(ks[3], D, (H,))
    W2_0 = lin(ks[4], H, (H, H)); b2_0 = lin(ks[5], H, (H,))
    g_0 = jnp.ones((H,), jnp.float32); be_0 = jnp.zeros((H,), jnp.float32)
    W1_1 = lin(ks[6], H, (H, H)); b1_1 = lin(ks[7], H, (H,))
    W2_1 = lin(ks[8], H, (H, H)); b2_1 = lin(ks[9], H, (H,))
    g_1 = jnp.ones((H,), jnp.float32); be_1 = jnp.zeros((H,), jnp.float32)
    return {"x": x, "edge_index": edge_index, "W1_0": W1_0, "b1_0": b1_0, "W2_0": W2_0, "b2_0": b2_0, "g_0": g_0, "be_0": be_0, "W1_1": W1_1, "b1_1": b1_1, "W2_1": W2_1, "b2_1": b2_1, "g_1": g_1, "be_1": be_1}

def _layernorm(h, g, b):
    mu = jnp.mean(h, axis=-1, keepdims=True)
    var = jnp.mean((h - mu) ** 2, axis=-1, keepdims=True)
    return (h - mu) / jnp.sqrt(var + 1e-5) * g + b

def _gin_layer(x, src, dst, W1, b1, W2, b2, g, be):
    # GINConv with eps=0: h = mlp((1+eps)*x + sum_{j in N(i)} x_j)
    agg = jax.ops.segment_sum(x[src], dst, num_segments=N)
    h = x + agg
    h = jnp.maximum(h @ W1 + b1, 0.0)
    h = h @ W2 + b2
    h = _layernorm(h, g, be)
    return jnp.maximum(h, 0.0)  # dropout p=0.0 (eval) -> identity

def reference(x, edge_index, W1_0, b1_0, W2_0, b2_0, g_0, be_0, W1_1, b1_1, W2_1, b2_1, g_1, be_1):
    src, dst = edge_index[0], edge_index[1]
    h = _gin_layer(x, src, dst, W1_0, b1_0, W2_0, b2_0, g_0, be_0)
    h = _gin_layer(h, src, dst, W1_1, b1_1, W2_1, b2_1, g_1, be_1)
    return h

if __name__ == "__main__":
    import jax
    _d = setup_inputs()
    print(jax.jit(kernel)(*tuple(_d.values())))

</pallas_src>

<mosaic_0001>
#map = affine_map<(d0, d1) -> (0, 0)>
#map1 = affine_map<(d0, d1) -> (0, 0, 0)>
module attributes {stable_mosaic.version = 14 : i64} {
  func.func @_segsum(%arg0: i32, %arg1: i32, %arg2: memref<10000x128xf32, #tpu.memory_space<hbm>>, %arg3: memref<2x4000x80xi32, #tpu.memory_space<hbm>>, %arg4: memref<10112x128xf32, #tpu.memory_space<hbm>>, %arg5: memref<10112x128xf32, #tpu.memory_space<hbm>>, %arg6: memref<32x80xi32, #tpu.memory_space<vmem>>, %arg7: memref<32x80xi32, #tpu.memory_space<vmem>>, %arg8: memref<80x128xf32, #tpu.memory_space<vmem>>, %arg9: memref<80x128xf32, #tpu.memory_space<vmem>>, %arg10: memref<80x128xf32, #tpu.memory_space<vmem>>, %arg11: memref<80x128xf32, #tpu.memory_space<vmem>>, %arg12: memref<10112x128xf32, #tpu.memory_space<vmem_shared>>, %arg13: memref<!tpu.dma_semaphore, #tpu.memory_space<semaphore_mem>>, %arg14: memref<!tpu.dma_semaphore, #tpu.memory_space<semaphore_mem>>, %arg15: memref<!tpu.dma_semaphore, #tpu.memory_space<semaphore_mem>>, %arg16: memref<!tpu.dma_semaphore, #tpu.memory_space<semaphore_mem>>, %arg17: memref<!tpu.dma_semaphore, #tpu.memory_space<semaphore_mem>>, %arg18: memref<!tpu.dma_semaphore, #tpu.memory_space<semaphore_mem>>, %arg19: memref<!tpu.dma_semaphore, #tpu.memory_space<semaphore_mem>>, %arg20: memref<!tpu.dma_semaphore, #tpu.memory_space<semaphore_mem>>) attributes {dimension_semantics = [#tpu.dimension_semantics<core_parallel>, #tpu.dimension_semantics<subcore_parallel>], iteration_bounds = array<i64: 2, 16>, scalar_prefetch = 0 : i64, scratch_operands = 15 : i64, tpu.core_type = #tpu.core_type<sc_vector_subcore>, window_params = [{transform_indices = #map}, {transform_indices = #map1}, {transform_indices = #map}, {transform_indices = #map}]} {
    %mul3A = arith.constant 16 : i32
    %mul3A_0 = arith.muli %arg0, %mul3A : i32
    %add3A = arith.addi %mul3A_0, %arg1 : i32
    %mul3A_1 = arith.constant 4 : i32
    %mul3A_2 = arith.muli %add3A, %mul3A_1 : i32
    %lt3A = arith.constant 125 : i32
    %lt3A_3 = arith.cmpi slt, %mul3A_2, %lt3A : i32
    %convert_element_type3A = arith.extui %lt3A_3 : i1 to i32
    %cond3A = arith.constant 0 : i32
    %cond3A_4 = arith.cmpi ne, %convert_element_type3A, %cond3A : i32
    scf.if %cond3A_4 {
      %mul3A_88 = arith.constant 4 : i32
      %mul3A_89 = arith.muli %add3A, %mul3A_88 : i32
      %mul3A_90 = arith.constant 32 : i32
      %mul3A_91 = arith.muli %mul3A_89, %mul3A_90 : i32
      %run_scoped3A = arith.constant 0 : i32
      "tpu.region"() ({
        %run_scoped3A_115 = tpu.sem_alloc : memref<!tpu.dma_semaphore, #tpu.memory_space<semaphore_mem>>
        %dma_start3A_116 = arith.constant 0 : i32
        %dma_start3A_117 = tpu.memref_slice %arg3[%run_scoped3A, %mul3A_91, %dma_start3A_116] : memref<2x4000x80xi32, #tpu.memory_space<hbm>> -> memref<1x32x80xi32, #tpu.memory_space<hbm>>
        %dma_start3A_118 = tpu.memref_squeeze %dma_start3A_117 : memref<1x32x80xi32, #tpu.memory_space<hbm>> -> memref<32x80xi32, #tpu.memory_space<hbm>>
        %dma_start3A_119 = arith.constant 0 : i32
        %dma_start3A_120 = tpu.memref_slice %arg3[%run_scoped3A, %mul3A_91, %dma_start3A_119] : memref<2x4000x80xi32, #tpu.memory_space<hbm>> -> memref<1x32x80xi32, #tpu.memory_space<hbm>>
        %dma_start3A_121 = tpu.memref_squeeze %dma_start3A_120 : memref<1x32x80xi32, #tpu.memory_space<hbm>> -> memref<32x80xi32, #tpu.memory_space<hbm>>
        tpu.enqueue_dma source(%dma_start3A_121 : memref<32x80xi32, #tpu.memory_space<hbm>>) target(%arg6 : memref<32x80xi32, #tpu.memory_space<vmem>>) target_semaphore(%run_scoped3A_115 : memref<!tpu.dma_semaphore, #tpu.memory_space<semaphore_mem>>)
        %dma_wait3A = arith.constant 0 : i32
        %dma_wait3A_122 = tpu.memref_slice %arg3[%run_scoped3A, %mul3A_91, %dma_wait3A] : memref<2x4000x80xi32, #tpu.memory_space<hbm>> -> memref<1x32x80xi32, #tpu.memory_space<hbm>>
        %dma_wait3A_123 = tpu.memref_squeeze %dma_wait3A_122 : memref<1x32x80xi32, #tpu.memory_space<hbm>> -> memref<32x80xi32, #tpu.memory_space<hbm>>
        %dma_wait3A_124 = arith.constant 0 : i32
        %dma_wait3A_125 = tpu.memref_slice %arg3[%run_scoped3A, %mul3A_91, %dma_wait3A_124] : memref<2x4000x80xi32, #tpu.memory_space<hbm>> -> memref<1x32x80xi32, #tpu.memory_space<hbm>>
        %dma_wait3A_126 = tpu.memref_squeeze %dma_wait3A_125 : memref<1x32x80xi32, #tpu.memory_space<hbm>> -> memref<32x80xi32, #tpu.memory_space<hbm>>
        tpu.wait_dma2 semaphore(%run_scoped3A_115 : memref<!tpu.dma_semaphore, #tpu.memory_space<semaphore_mem>>) src(%dma_wait3A_126 : memref<32x80xi32, #tpu.memory_space<hbm>>) dst(%arg6 : memref<32x80xi32, #tpu.memory_space<vmem>>)
        tpu.yield
      }) : () -> ()
      %mul3A_92 = arith.constant 32 : i32
      %mul3A_93 = arith.muli %mul3A_89, %mul3A_92 : i32
      %run_scoped3A_94 = arith.constant 1 : i32
      "tpu.region"() ({
        %run_scoped3A_115 = tpu.sem_alloc : memref<!tpu.dma_semaphore, #tpu.memory_space<semaphore_mem>>
        %dma_start3A_116 = arith.constant 0 : i32
        %dma_start3A_117 = tpu.memref_slice %arg3[%run_scoped3A_94, %mul3A_93, %dma_start3A_116] : memref<2x4000x80xi32, #tpu.memory_space<hbm>> -> memref<1x32x80xi32, #tpu.memory_space<hbm>>
        %dma_start3A_118 = tpu.memref_squeeze %dma_start3A_117 : memref<1x32x80xi32, #tpu.memory_space<hbm>> -> memref<32x80xi32, #tpu.memory_space<hbm>>
        %dma_start3A_119 = arith.constant 0 : i32
        %dma_start3A_120 = tpu.memref_slice %arg3[%run_scoped3A_94, %mul3A_93, %dma_start3A_119] : memref<2x4000x80xi32, #tpu.memory_space<hbm>> -> memref<1x32x80xi32, #tpu.memory_space<hbm>>
        %dma_start3A_121 = tpu.memref_squeeze %dma_start3A_120 : memref<1x32x80xi32, #tpu.memory_space<hbm>> -> memref<32x80xi32, #tpu.memory_space<hbm>>
        tpu.enqueue_dma source(%dma_start3A_121 : memref<32x80xi32, #tpu.memory_space<hbm>>) target(%arg7 : memref<32x80xi32, #tpu.memory_space<vmem>>) target_semaphore(%run_scoped3A_115 : memref<!tpu.dma_semaphore, #tpu.memory_space<semaphore_mem>>)
        %dma_wait3A = arith.constant 0 : i32
        %dma_wait3A_122 = tpu.memref_slice %arg3[%run_scoped3A_94, %mul3A_93, %dma_wait3A] : memref<2x4000x80xi32, #tpu.memory_space<hbm>> -> memref<1x32x80xi32, #tpu.memory_space<hbm>>
        %dma_wait3A_123 = tpu.memref_squeeze %dma_wait3A_122 : memref<1x32x80xi32, #tpu.memory_space<hbm>> -> memref<32x80xi32, #tpu.memory_space<hbm>>
        %dma_wait3A_124 = arith.constant 0 : i32
        %dma_wait3A_125 = tpu.memref_slice %arg3[%run_scoped3A_94, %mul3A_93, %dma_wait3A_124] : memref<2x4000x80xi32, #tpu.memory_space<hbm>> -> memref<1x32x80xi32, #tpu.memory_space<hbm>>
        %dma_wait3A_126 = tpu.memref_squeeze %dma_wait3A_125 : memref<1x32x80xi32, #tpu.memory_space<hbm>> -> memref<32x80xi32, #tpu.memory_space<hbm>>
        tpu.wait_dma2 semaphore(%run_scoped3A_115 : memref<!tpu.dma_semaphore, #tpu.memory_space<semaphore_mem>>) src(%dma_wait3A_126 : memref<32x80xi32, #tpu.memory_space<hbm>>) dst(%arg7 : memref<32x80xi32, #tpu.memory_space<vmem>>)
        tpu.yield
      }) : () -> ()
      %dma_start3A = arith.constant 0 : i32
      %dma_start3A_95 = arith.constant 0 : i32
      %dma_start3A_96 = tpu.memref_slice %arg6[%dma_start3A, %dma_start3A_95] : memref<32x80xi32, #tpu.memory_space<vmem>> -> memref<1x80xi32, #tpu.memory_space<vmem>>
      %dma_start3A_97 = tpu.memref_squeeze %dma_start3A_96 : memref<1x80xi32, #tpu.memory_space<vmem>> -> memref<80xi32, #tpu.memory_space<vmem>>
      %dma_start3A_98 = arith.constant 0 : i32
      %dma_start3A_99 = arith.constant 0 : i32
      %dma_start3A_100 = tpu.memref_slice %arg2[%dma_start3A_98, %dma_start3A_99] : memref<10000x128xf32, #tpu.memory_space<hbm>> -> memref<10000x128xf32, #tpu.memory_space<hbm>>
      tpu.enqueue_indirect_dma source(%dma_start3A_100 : memref<10000x128xf32, #tpu.memory_space<hbm>>) target(%arg8 : memref<80x128xf32, #tpu.memory_space<vmem>>) offsets(%dma_start3A_97 : memref<80xi32, #tpu.memory_space<vmem>>) semaphore(%arg13 : memref<!tpu.dma_semaphore, #tpu.memory_space<semaphore_mem>>)
      %dma_start3A_101 = arith.constant 1 : i32
      %dma_start3A_102 = arith.constant 0 : i32
      %dma_start3A_103 = tpu.memref_slice %arg6[%dma_start3A_101, %dma_start3A_102] : memref<32x80xi32, #tpu.memory_space<vmem>> -> memref<1x80xi32, #tpu.memory_space<vmem>>
      %dma_start3A_104 = tpu.memref_squeeze %dma_start3A_103 : memref<1x80xi32, #tpu.memory_space<vmem>> -> memref<80xi32, #tpu.memory_space<vmem>>
      %dma_start3A_105 = arith.constant 0 : i32
      %dma_start3A_106 = arith.constant 0 : i32
      %dma_start3A_107 = tpu.memref_slice %arg2[%dma_start3A_105, %dma_start3A_106] : memref<10000x128xf32, #tpu.memory_space<hbm>> -> memref<10000x128xf32, #tpu.memory_space<hbm>>
      tpu.enqueue_indirect_dma source(%dma_start3A_107 : memref<10000x128xf32, #tpu.memory_space<hbm>>) target(%arg9 : memref<80x128xf32, #tpu.memory_space<vmem>>) offsets(%dma_start3A_104 : memref<80xi32, #tpu.memory_space<vmem>>) semaphore(%arg14 : memref<!tpu.dma_semaphore, #tpu.memory_space<semaphore_mem>>)
      %dma_start3A_108 = arith.constant 2 : i32
      %dma_start3A_109 = arith.constant 0 : i32
      %dma_start3A_110 = tpu.memref_slice %arg6[%dma_start3A_108, %dma_start3A_109] : memref<32x80xi32, #tpu.memory_space<vmem>> -> memref<1x80xi32, #tpu.memory_space<vmem>>
      %dma_start3A_111 = tpu.memref_squeeze %dma_start3A_110 : memref<1x80xi32, #tpu.memory_space<vmem>> -> memref<80xi32, #tpu.memory_space<vmem>>
      %dma_start3A_112 = arith.constant 0 : i32
      %dma_start3A_113 = arith.constant 0 : i32
      %dma_start3A_114 = tpu.memref_slice %arg2[%dma_start3A_112, %dma_start3A_113] : memref<10000x128xf32, #tpu.memory_space<hbm>> -> memref<10000x128xf32, #tpu.memory_space<hbm>>
      tpu.enqueue_indirect_dma source(%dma_start3A_114 : memref<10000x128xf32, #tpu.memory_space<hbm>>) target(%arg10 : memref<80x128xf32, #tpu.memory_space<vmem>>) offsets(%dma_start3A_111 : memref<80xi32, #tpu.memory_space<vmem>>) semaphore(%arg15 : memref<!tpu.dma_semaphore, #tpu.memory_space<semaphore_mem>>)
    } else {
    }
    "tpu.trace_start"() <{level = 10 : i32, message = "zero_acc"}> : () -> ()
    %scan3A = arith.constant 0 : i32
    %scan3A_5 = arith.constant 0 : i32
    %scan3A_6 = arith.constant 80 : i32
    %scan3A_7 = arith.addi %scan3A_5, %scan3A_6 : i32
    %scan3A_8 = arith.constant 1 : i32
    scf.for %scan3A_88 = %scan3A_5 to %scan3A_7 step %scan3A_8  : i32 {
      %broadcast_in_dim3A = arith.constant 0.000000e+00 : f32
      %broadcast_in_dim3A_89 = vector.broadcast %broadcast_in_dim3A : f32 to vector<16xf32>
      %swap3A = arith.index_cast %scan3A_88 : i32 to index
      %swap3A_90 = arith.constant 0 : index
      %swap3A_91 = tpu.vector_load %arg11[%swap3A, %swap3A_90] {strides = array<i32>} : memref<80x128xf32, #tpu.memory_space<vmem>>, vector<1x16xf32>,
      %swap3A_92 = vector.shape_cast %swap3A_91 : vector<1x16xf32> to vector<16xf32>
      %swap3A_93 = vector.shape_cast %broadcast_in_dim3A_89 : vector<16xf32> to vector<1x16xf32>
      tpu.vector_store %arg11[%swap3A, %swap3A_90], %swap3A_93 {strides = array<i32>} : memref<80x128xf32, #tpu.memory_space<vmem>>, vector<1x16xf32>,
      %broadcast_in_dim3A_94 = arith.constant 0.000000e+00 : f32
      %broadcast_in_dim3A_95 = vector.broadcast %broadcast_in_dim3A_94 : f32 to vector<16xf32>
      %swap3A_96 = arith.index_cast %scan3A_88 : i32 to index
      %swap3A_97 = arith.constant 16 : index
      %swap3A_98 = tpu.vector_load %arg11[%swap3A_96, %swap3A_97] {strides = array<i32>} : memref<80x128xf32, #tpu.memory_space<vmem>>, vector<1x16xf32>,
      %swap3A_99 = vector.shape_cast %swap3A_98 : vector<1x16xf32> to vector<16xf32>
      %swap3A_100 = vector.shape_cast %broadcast_in_dim3A_95 : vector<16xf32> to vector<1x16xf32>
      tpu.vector_store %arg11[%swap3A_96, %swap3A_97], %swap3A_100 {strides = array<i32>} : memref<80x128xf32, #tpu.memory_space<vmem>>, vector<1x16xf32>,
      %broadcast_in_dim3A_101 = arith.constant 0.000000e+00 : f32
      %broadcast_in_dim3A_102 = vector.broadcast %broadcast_in_dim3A_101 : f32 to vector<16xf32>
      %swap3A_103 = arith.index_cast %scan3A_88 : i32 to index
      %swap3A_104 = arith.constant 32 : index
      %swap3A_105 = tpu.vector_load %arg11[%swap3A_103, %swap3A_104] {strides = array<i32>} : memref<80x128xf32, #tpu.memory_space<vmem>>, vector<1x16xf32>,
      %swap3A_106 = vector.shape_cast %swap3A_105 : vector<1x16xf32> to vector<16xf32>
      %swap3A_107 = vector.shape_cast %broadcast_in_dim3A_102 : vector<16xf32> to vector<1x16xf32>
      tpu.vector_store %arg11[%swap3A_103, %swap3A_104], %swap3A_107 {strides = array<i32>} : memref<80x128xf32, #tpu.memory_space<vmem>>, vector<1x16xf32>,
      %broadcast_in_dim3A_108 = arith.constant 0.000000e+00 : f32
      %broadcast_in_dim3A_109 = vector.broadcast %broadcast_in_dim3A_108 : f32 to vector<16xf32>
      %swap3A_110 = arith.index_cast %scan3A_88 : i32 to index
      %swap3A_111 = arith.constant 48 : index
      %swap3A_112 = tpu.vector_load %arg11[%swap3A_110, %swap3A_111] {strides = array<i32>} : memref<80x128xf32, #tpu.memory_space<vmem>>, vector<1x16xf32>,
      %swap3A_113 = vector.shape_cast %swap3A_112 : vector<1x16xf32> to vector<16xf32>
      %swap3A_114 = vector.shape_cast %broadcast_in_dim3A_109 : vector<16xf32> to vector<1x16xf32>
      tpu.vector_store %arg11[%swap3A_110, %swap3A_111], %swap3A_114 {strides = array<i32>} : memref<80x128xf32, #tpu.memory_space<vmem>>, vector<1x16xf32>,
      %broadcast_in_dim3A_115 = arith.constant 0.000000e+00 : f32
      %broadcast_in_dim3A_116 = vector.broadcast %broadcast_in_dim3A_115 : f32 to vector<16xf32>
      %swap3A_117 = arith.index_cast %scan3A_88 : i32 to index
      %swap3A_118 = arith.constant 64 : index
      %swap3A_119 = tpu.vector_load %arg11[%swap3A_117, %swap3A_118] {strides = array<i32>} : memref<80x128xf32, #tpu.memory_space<vmem>>, vector<1x16xf32>,
      %swap3A_120 = vector.shape_cast %swap3A_119 : vector<1x16xf32> to vector<16xf32>
      %swap3A_121 = vector.shape_cast %broadcast_in_dim3A_116 : vector<16xf32> to vector<1x16xf32>
      tpu.vector_store %arg11[%swap3A_117, %swap3A_118], %swap3A_121 {strides = array<i32>} : memref<80x128xf32, #tpu.memory_space<vmem>>, vector<1x16xf32>,
      %broadcast_in_dim3A_122 = arith.constant 0.000000e+00 : f32
      %broadcast_in_dim3A_123 = vector.broadcast %broadcast_in_dim3A_122 : f32 to vector<16xf32>
      %swap3A_124 = arith.index_cast %scan3A_88 : i32 to index
      %swap3A_125 = arith.constant 80 : index
      %swap3A_126 = tpu.vector_load %arg11[%swap3A_124, %swap3A_125] {strides = array<i32>} : memref<80x128xf32, #tpu.memory_space<vmem>>, vector<1x16xf32>,
      %swap3A_127 = vector.shape_cast %swap3A_126 : vector<1x16xf32> to vector<16xf32>
      %swap3A_128 = vector.shape_cast %broadcast_in_dim3A_123 : vector<16xf32> to vector<1x16xf32>
      tpu.vector_store %arg11[%swap3A_124, %swap3A_125], %swap3A_128 {strides = array<i32>} : memref<80x128xf32, #tpu.memory_space<vmem>>, vector<1x16xf32>,
      %broadcast_in_dim3A_129 = arith.constant 0.000000e+00 : f32
      %broadcast_in_dim3A_130 = vector.broadcast %broadcast_in_dim3A_129 : f32 to vector<16xf32>
      %swap3A_131 = arith.index_cast %scan3A_88 : i32 to index
      %swap3A_132 = arith.constant 96 : index
      %swap3A_133 = tpu.vector_load %arg11[%swap3A_131, %swap3A_132] {strides = array<i32>} : memref<80x128xf32, #tpu.memory_space<vmem>>, vector<1x16xf32>,
      %swap3A_134 = vector.shape_cast %swap3A_133 : vector<1x16xf32> to vector<16xf32>
      %swap3A_135 = vector.shape_cast %broadcast_in_dim3A_130 : vector<16xf32> to vector<1x16xf32>
      tpu.vector_store %arg11[%swap3A_131, %swap3A_132], %swap3A_135 {strides = array<i32>} : memref<80x128xf32, #tpu.memory_space<vmem>>, vector<1x16xf32>,
      %broadcast_in_dim3A_136 = arith.constant 0.000000e+00 : f32
      %broadcast_in_dim3A_137 = vector.broadcast %broadcast_in_dim3A_136 : f32 to vector<16xf32>
      %swap3A_138 = arith.index_cast %scan3A_88 : i32 to index
      %swap3A_139 = arith.constant 112 : index
      %swap3A_140 = tpu.vector_load %arg11[%swap3A_138, %swap3A_139] {strides = array<i32>} : memref<80x128xf32, #tpu.memory_space<vmem>>, vector<1x16xf32>,
      %swap3A_141 = vector.shape_cast %swap3A_140 : vector<1x16xf32> to vector<16xf32>
      %swap3A_142 = vector.shape_cast %broadcast_in_dim3A_137 : vector<16xf32> to vector<1x16xf32>
      tpu.vector_store %arg11[%swap3A_138, %swap3A_139], %swap3A_142 {strides = array<i32>} : memref<80x128xf32, #tpu.memory_space<vmem>>, vector<1x16xf32>,
    }
    %scan3A_9 = arith.constant 80 : i32
    %mul3A_10 = arith.constant 632 : i32
    %mul3A_11 = arith.muli %arg1, %mul3A_10 : i32
    %add3A_12 = arith.constant 0 : i32
    %add3A_13 = arith.addi %mul3A_11, %add3A_12 : i32
    "tpu.region"() ({
      %run_scoped3A = tpu.sem_alloc : memref<!tpu.dma_semaphore, #tpu.memory_space<semaphore_mem>>
      %dma_start3A = arith.constant 0 : i32
      %dma_start3A_88 = tpu.memref_slice %arg12[%add3A_13, %dma_start3A] : memref<10112x128xf32, #tpu.memory_space<vmem_shared>> -> memref<80x128xf32, #tpu.memory_space<vmem_shared>>
      %dma_start3A_89 = arith.constant 0 : i32
      %dma_start3A_90 = tpu.memref_slice %arg12[%add3A_13, %dma_start3A_89] : memref<10112x128xf32, #tpu.memory_space<vmem_shared>> -> memref<80x128xf32, #tpu.memory_space<vmem_shared>>
      tpu.enqueue_dma source(%arg11 : memref<80x128xf32, #tpu.memory_space<vmem>>) target(%dma_start3A_90 : memref<80x128xf32, #tpu.memory_space<vmem_shared>>) target_semaphore(%run_scoped3A : memref<!tpu.dma_semaphore, #tpu.memory_space<semaphore_mem>>)
      %dma_wait3A = arith.constant 0 : i32
      %dma_wait3A_91 = tpu.memref_slice %arg12[%add3A_13, %dma_wait3A] : memref<10112x128xf32, #tpu.memory_space<vmem_shared>> -> memref<80x128xf32, #tpu.memory_space<vmem_shared>>
      %dma_wait3A_92 = arith.constant 0 : i32
      %dma_wait3A_93 = tpu.memref_slice %arg12[%add3A_13, %dma_wait3A_92] : memref<10112x128xf32, #tpu.memory_space<vmem_shared>> -> memref<80x128xf32, #tpu.memory_space<vmem_shared>>
      tpu.wait_dma2 semaphore(%run_scoped3A : memref<!tpu.dma_semaphore, #tpu.memory_space<semaphore_mem>>) src(%arg11 : memref<80x128xf32, #tpu.memory_space<vmem>>) dst(%dma_wait3A_93 : memref<80x128xf32, #tpu.memory_space<vmem_shared>>)
      tpu.yield
    }) : () -> ()
    %mul3A_14 = arith.constant 632 : i32
    %mul3A_15 = arith.muli %arg1, %mul3A_14 : i32
    %add3A_16 = arith.constant 80 : i32
    %add3A_17 = arith.addi %mul3A_15, %add3A_16 : i32
    "tpu.region"() ({
      %run_scoped3A = tpu.sem_alloc : memref<!tpu.dma_semaphore, #tpu.memory_space<semaphore_mem>>
      %dma_start3A = arith.constant 0 : i32
      %dma_start3A_88 = tpu.memref_slice %arg12[%add3A_17, %dma_start3A] : memref<10112x128xf32, #tpu.memory_space<vmem_shared>> -> memref<80x128xf32, #tpu.memory_space<vmem_shared>>
      %dma_start3A_89 = arith.constant 0 : i32
      %dma_start3A_90 = tpu.memref_slice %arg12[%add3A_17, %dma_start3A_89] : memref<10112x128xf32, #tpu.memory_space<vmem_shared>> -> memref<80x128xf32, #tpu.memory_space<vmem_shared>>
      tpu.enqueue_dma source(%arg11 : memref<80x128xf32, #tpu.memory_space<vmem>>) target(%dma_start3A_90 : memref<80x128xf32, #tpu.memory_space<vmem_shared>>) target_semaphore(%run_scoped3A : memref<!tpu.dma_semaphore, #tpu.memory_space<semaphore_mem>>)
      %dma_wait3A = arith.constant 0 : i32
      %dma_wait3A_91 = tpu.memref_slice %arg12[%add3A_17, %dma_wait3A] : memref<10112x128xf32, #tpu.memory_space<vmem_shared>> -> memref<80x128xf32, #tpu.memory_space<vmem_shared>>
      %dma_wait3A_92 = arith.constant 0 : i32
      %dma_wait3A_93 = tpu.memref_slice %arg12[%add3A_17, %dma_wait3A_92] : memref<10112x128xf32, #tpu.memory_space<vmem_shared>> -> memref<80x128xf32, #tpu.memory_space<vmem_shared>>
      tpu.wait_dma2 semaphore(%run_scoped3A : memref<!tpu.dma_semaphore, #tpu.memory_space<semaphore_mem>>) src(%arg11 : memref<80x128xf32, #tpu.memory_space<vmem>>) dst(%dma_wait3A_93 : memref<80x128xf32, #tpu.memory_space<vmem_shared>>)
      tpu.yield
    }) : () -> ()
    %mul3A_18 = arith.constant 632 : i32
    %mul3A_19 = arith.muli %arg1, %mul3A_18 : i32
    %add3A_20 = arith.constant 160 : i32
    %add3A_21 = arith.addi %mul3A_19, %add3A_20 : i32
    "tpu.region"() ({
      %run_scoped3A = tpu.sem_alloc : memref<!tpu.dma_semaphore, #tpu.memory_space<semaphore_mem>>
      %dma_start3A = arith.constant 0 : i32
      %dma_start3A_88 = tpu.memref_slice %arg12[%add3A_21, %dma_start3A] : memref<10112x128xf32, #tpu.memory_space<vmem_shared>> -> memref<80x128xf32, #tpu.memory_space<vmem_shared>>
      %dma_start3A_89 = arith.constant 0 : i32
      %dma_start3A_90 = tpu.memref_slice %arg12[%add3A_21, %dma_start3A_89] : memref<10112x128xf32, #tpu.memory_space<vmem_shared>> -> memref<80x128xf32, #tpu.memory_space<vmem_shared>>
      tpu.enqueue_dma source(%arg11 : memref<80x128xf32, #tpu.memory_space<vmem>>) target(%dma_start3A_90 : memref<80x128xf32, #tpu.memory_space<vmem_shared>>) target_semaphore(%run_scoped3A : memref<!tpu.dma_semaphore, #tpu.memory_space<semaphore_mem>>)
      %dma_wait3A = arith.constant 0 : i32
      %dma_wait3A_91 = tpu.memref_slice %arg12[%add3A_21, %dma_wait3A] : memref<10112x128xf32, #tpu.memory_space<vmem_shared>> -> memref<80x128xf32, #tpu.memory_space<vmem_shared>>
      %dma_wait3A_92 = arith.constant 0 : i32
      %dma_wait3A_93 = tpu.memref_slice %arg12[%add3A_21, %dma_wait3A_92] : memref<10112x128xf32, #tpu.memory_space<vmem_shared>> -> memref<80x128xf32, #tpu.memory_space<vmem_shared>>
      tpu.wait_dma2 semaphore(%run_scoped3A : memref<!tpu.dma_semaphore, #tpu.memory_space<semaphore_mem>>) src(%arg11 : memref<80x128xf32, #tpu.memory_space<vmem>>) dst(%dma_wait3A_93 : memref<80x128xf32, #tpu.memory_space<vmem_shared>>)
      tpu.yield
    }) : () -> ()
    %mul3A_22 = arith.constant 632 : i32
    %mul3A_23 = arith.muli %arg1, %mul3A_22 : i32
    %add3A_24 = arith.constant 240 : i32
    %add3A_25 = arith.addi %mul3A_23, %add3A_24 : i32
    "tpu.region"() ({
      %run_scoped3A = tpu.sem_alloc : memref<!tpu.dma_semaphore, #tpu.memory_space<semaphore_mem>>
      %dma_start3A = arith.constant 0 : i32
      %dma_start3A_88 = tpu.memref_slice %arg12[%add3A_25, %dma_start3A] : memref<10112x128xf32, #tpu.memory_space<vmem_shared>> -> memref<80x128xf32, #tpu.memory_space<vmem_shared>>
      %dma_start3A_89 = arith.constant 0 : i32
      %dma_start3A_90 = tpu.memref_slice %arg12[%add3A_25, %dma_start3A_89] : memref<10112x128xf32, #tpu.memory_space<vmem_shared>> -> memref<80x128xf32, #tpu.memory_space<vmem_shared>>
      tpu.enqueue_dma source(%arg11 : memref<80x128xf32, #tpu.memory_space<vmem>>) target(%dma_start3A_90 : memref<80x128xf32, #tpu.memory_space<vmem_shared>>) target_semaphore(%run_scoped3A : memref<!tpu.dma_semaphore, #tpu.memory_space<semaphore_mem>>)
      %dma_wait3A = arith.constant 0 : i32
      %dma_wait3A_91 = tpu.memref_slice %arg12[%add3A_25, %dma_wait3A] : memref<10112x128xf32, #tpu.memory_space<vmem_shared>> -> memref<80x128xf32, #tpu.memory_space<vmem_shared>>
      %dma_wait3A_92 = arith.constant 0 : i32
      %dma_wait3A_93 = tpu.memref_slice %arg12[%add3A_25, %dma_wait3A_92] : memref<10112x128xf32, #tpu.memory_space<vmem_shared>> -> memref<80x128xf32, #tpu.memory_space<vmem_shared>>
      tpu.wait_dma2 semaphore(%run_scoped3A : memref<!tpu.dma_semaphore, #tpu.memory_space<semaphore_mem>>) src(%arg11 : memref<80x128xf32, #tpu.memory_space<vmem>>) dst(%dma_wait3A_93 : memref<80x128xf32, #tpu.memory_space<vmem_shared>>)
      tpu.yield
    }) : () -> ()
    %mul3A_26 = arith.constant 632 : i32
    %mul3A_27 = arith.muli %arg1, %mul3A_26 : i32
    %add3A_28 = arith.constant 320 : i32
    %add3A_29 = arith.addi %mul3A_27, %add3A_28 : i32
    "tpu.region"() ({
      %run_scoped3A = tpu.sem_alloc : memref<!tpu.dma_semaphore, #tpu.memory_space<semaphore_mem>>
      %dma_start3A = arith.constant 0 : i32
      %dma_start3A_88 = tpu.memref_slice %arg12[%add3A_29, %dma_start3A] : memref<10112x128xf32, #tpu.memory_space<vmem_shared>> -> memref<80x128xf32, #tpu.memory_space<vmem_shared>>
      %dma_start3A_89 = arith.constant 0 : i32
      %dma_start3A_90 = tpu.memref_slice %arg12[%add3A_29, %dma_start3A_89] : memref<10112x128xf32, #tpu.memory_space<vmem_shared>> -> memref<80x128xf32, #tpu.memory_space<vmem_shared>>
      tpu.enqueue_dma source(%arg11 : memref<80x128xf32, #tpu.memory_space<vmem>>) target(%dma_start3A_90 : memref<80x128xf32, #tpu.memory_space<vmem_shared>>) target_semaphore(%run_scoped3A : memref<!tpu.dma_semaphore, #tpu.memory_space<semaphore_mem>>)
      %dma_wait3A = arith.constant 0 : i32
      %dma_wait3A_91 = tpu.memref_slice %arg12[%add3A_29, %dma_wait3A] : memref<10112x128xf32, #tpu.memory_space<vmem_shared>> -> memref<80x128xf32, #tpu.memory_space<vmem_shared>>
      %dma_wait3A_92 = arith.constant 0 : i32
      %dma_wait3A_93 = tpu.memref_slice %arg12[%add3A_29, %dma_wait3A_92] : memref<10112x128xf32, #tpu.memory_space<vmem_shared>> -> memref<80x128xf32, #tpu.memory_space<vmem_shared>>
      tpu.wait_dma2 semaphore(%run_scoped3A : memref<!tpu.dma_semaphore, #tpu.memory_space<semaphore_mem>>) src(%arg11 : memref<80x128xf32, #tpu.memory_space<vmem>>) dst(%dma_wait3A_93 : memref<80x128xf32, #tpu.memory_space<vmem_shared>>)
      tpu.yield
    }) : () -> ()
    %mul3A_30 = arith.constant 632 : i32
    %mul3A_31 = arith.muli %arg1, %mul3A_30 : i32
    %add3A_32 = arith.constant 400 : i32
    %add3A_33 = arith.addi %mul3A_31, %add3A_32 : i32
    "tpu.region"() ({
      %run_scoped3A = tpu.sem_alloc : memref<!tpu.dma_semaphore, #tpu.memory_space<semaphore_mem>>
      %dma_start3A = arith.constant 0 : i32
      %dma_start3A_88 = tpu.memref_slice %arg12[%add3A_33, %dma_start3A] : memref<10112x128xf32, #tpu.memory_space<vmem_shared>> -> memref<80x128xf32, #tpu.memory_space<vmem_shared>>
      %dma_start3A_89 = arith.constant 0 : i32
      %dma_start3A_90 = tpu.memref_slice %arg12[%add3A_33, %dma_start3A_89] : memref<10112x128xf32, #tpu.memory_space<vmem_shared>> -> memref<80x128xf32, #tpu.memory_space<vmem_shared>>
      tpu.enqueue_dma source(%arg11 : memref<80x128xf32, #tpu.memory_space<vmem>>) target(%dma_start3A_90 : memref<80x128xf32, #tpu.memory_space<vmem_shared>>) target_semaphore(%run_scoped3A : memref<!tpu.dma_semaphore, #tpu.memory_space<semaphore_mem>>)
      %dma_wait3A = arith.constant 0 : i32
      %dma_wait3A_91 = tpu.memref_slice %arg12[%add3A_33, %dma_wait3A] : memref<10112x128xf32, #tpu.memory_space<vmem_shared>> -> memref<80x128xf32, #tpu.memory_space<vmem_shared>>
      %dma_wait3A_92 = arith.constant 0 : i32
      %dma_wait3A_93 = tpu.memref_slice %arg12[%add3A_33, %dma_wait3A_92] : memref<10112x128xf32, #tpu.memory_space<vmem_shared>> -> memref<80x128xf32, #tpu.memory_space<vmem_shared>>
      tpu.wait_dma2 semaphore(%run_scoped3A : memref<!tpu.dma_semaphore, #tpu.memory_space<semaphore_mem>>) src(%arg11 : memref<80x128xf32, #tpu.memory_space<vmem>>) dst(%dma_wait3A_93 : memref<80x128xf32, #tpu.memory_space<vmem_shared>>)
      tpu.yield
    }) : () -> ()
    %mul3A_34 = arith.constant 632 : i32
    %mul3A_35 = arith.muli %arg1, %mul3A_34 : i32
    %add3A_36 = arith.constant 480 : i32
    %add3A_37 = arith.addi %mul3A_35, %add3A_36 : i32
    "tpu.region"() ({
      %run_scoped3A = tpu.sem_alloc : memref<!tpu.dma_semaphore, #tpu.memory_space<semaphore_mem>>
      %dma_start3A = arith.constant 0 : i32
      %dma_start3A_88 = tpu.memref_slice %arg12[%add3A_37, %dma_start3A] : memref<10112x128xf32, #tpu.memory_space<vmem_shared>> -> memref<80x128xf32, #tpu.memory_space<vmem_shared>>
      %dma_start3A_89 = arith.constant 0 : i32
      %dma_start3A_90 = tpu.memref_slice %arg12[%add3A_37, %dma_start3A_89] : memref<10112x128xf32, #tpu.memory_space<vmem_shared>> -> memref<80x128xf32, #tpu.memory_space<vmem_shared>>
      tpu.enqueue_dma source(%arg11 : memref<80x128xf32, #tpu.memory_space<vmem>>) target(%dma_start3A_90 : memref<80x128xf32, #tpu.memory_space<vmem_shared>>) target_semaphore(%run_scoped3A : memref<!tpu.dma_semaphore, #tpu.memory_space<semaphore_mem>>)
      %dma_wait3A = arith.constant 0 : i32
      %dma_wait3A_91 = tpu.memref_slice %arg12[%add3A_37, %dma_wait3A] : memref<10112x128xf32, #tpu.memory_space<vmem_shared>> -> memref<80x128xf32, #tpu.memory_space<vmem_shared>>
      %dma_wait3A_92 = arith.constant 0 : i32
      %dma_wait3A_93 = tpu.memref_slice %arg12[%add3A_37, %dma_wait3A_92] : memref<10112x128xf32, #tpu.memory_space<vmem_shared>> -> memref<80x128xf32, #tpu.memory_space<vmem_shared>>
      tpu.wait_dma2 semaphore(%run_scoped3A : memref<!tpu.dma_semaphore, #tpu.memory_space<semaphore_mem>>) src(%arg11 : memref<80x128xf32, #tpu.memory_space<vmem>>) dst(%dma_wait3A_93 : memref<80x128xf32, #tpu.memory_space<vmem_shared>>)
      tpu.yield
    }) : () -> ()
    %mul3A_38 = arith.constant 632 : i32
    %mul3A_39 = arith.muli %arg1, %mul3A_38 : i32
    %add3A_40 = arith.constant 560 : i32
    %add3A_41 = arith.addi %mul3A_39, %add3A_40 : i32
    "tpu.region"() ({
      %run_scoped3A = tpu.sem_alloc : memref<!tpu.dma_semaphore, #tpu.memory_space<semaphore_mem>>
      %dma_start3A = arith.constant 0 : i32
      %dma_start3A_88 = arith.constant 0 : i32
      %dma_start3A_89 = tpu.memref_slice %arg11[%dma_start3A, %dma_start3A_88] : memref<80x128xf32, #tpu.memory_space<vmem>> -> memref<72x128xf32, #tpu.memory_space<vmem>>
      %dma_start3A_90 = arith.constant 0 : i32
      %dma_start3A_91 = tpu.memref_slice %arg12[%add3A_41, %dma_start3A_90] : memref<10112x128xf32, #tpu.memory_space<vmem_shared>> -> memref<72x128xf32, #tpu.memory_space<vmem_shared>>
      %dma_start3A_92 = arith.constant 0 : i32
      %dma_start3A_93 = tpu.memref_slice %arg12[%add3A_41, %dma_start3A_92] : memref<10112x128xf32, #tpu.memory_space<vmem_shared>> -> memref<72x128xf32, #tpu.memory_space<vmem_shared>>
      %dma_start3A_94 = arith.constant 0 : i32
      %dma_start3A_95 = arith.constant 0 : i32
      %dma_start3A_96 = tpu.memref_slice %arg11[%dma_start3A_94, %dma_start3A_95] : memref<80x128xf32, #tpu.memory_space<vmem>> -> memref<72x128xf32, #tpu.memory_space<vmem>>
      tpu.enqueue_dma source(%dma_start3A_96 : memref<72x128xf32, #tpu.memory_space<vmem>>) target(%dma_start3A_93 : memref<72x128xf32, #tpu.memory_space<vmem_shared>>) target_semaphore(%run_scoped3A : memref<!tpu.dma_semaphore, #tpu.memory_space<semaphore_mem>>)
      %dma_wait3A = arith.constant 0 : i32
      %dma_wait3A_97 = arith.constant 0 : i32
      %dma_wait3A_98 = tpu.memref_slice %arg11[%dma_wait3A, %dma_wait3A_97] : memref<80x128xf32, #tpu.memory_space<vmem>> -> memref<72x128xf32, #tpu.memory_space<vmem>>
      %dma_wait3A_99 = arith.constant 0 : i32
      %dma_wait3A_100 = tpu.memref_slice %arg12[%add3A_41, %dma_wait3A_99] : memref<10112x128xf32, #tpu.memory_space<vmem_shared>> -> memref<72x128xf32, #tpu.memory_space<vmem_shared>>
      %dma_wait3A_101 = arith.constant 0 : i32
      %dma_wait3A_102 = tpu.memref_slice %arg12[%add3A_41, %dma_wait3A_101] : memref<10112x128xf32, #tpu.memory_space<vmem_shared>> -> memref<72x128xf32, #tpu.memory_space<vmem_shared>>
      %dma_wait3A_103 = arith.constant 0 : i32
      %dma_wait3A_104 = arith.constant 0 : i32
      %dma_wait3A_105 = tpu.memref_slice %arg11[%dma_wait3A_103, %dma_wait3A_104] : memref<80x128xf32, #tpu.memory_space<vmem>> -> memref<72x128xf32, #tpu.memory_space<vmem>>
      tpu.wait_dma2 semaphore(%run_scoped3A : memref<!tpu.dma_semaphore, #tpu.memory_space<semaphore_mem>>) src(%dma_wait3A_105 : memref<72x128xf32, #tpu.memory_space<vmem>>) dst(%dma_wait3A_102 : memref<72x128xf32, #tpu.memory_space<vmem_shared>>)
      tpu.yield
    }) : () -> ()
    %barrier3A = arith.constant 0 : index
    tpu.barrier barrier_id(%barrier3A)
    "tpu.trace_stop"() : () -> ()
    "tpu.trace_start"() <{level = 10 : i32, message = "edges_0"}> : () -> ()
    %mul3A_42 = arith.constant 4 : i32
    %mul3A_43 = arith.muli %add3A, %mul3A_42 : i32
    %add3A_44 = arith.constant 0 : i32
    %add3A_45 = arith.addi %mul3A_43, %add3A_44 : i32
    %lt3A_46 = arith.constant 125 : i32
    %lt3A_47 = arith.cmpi slt, %add3A_45, %lt3A_46 : i32
    %convert_element_type3A_48 = arith.extui %lt3A_47 : i1 to i32
    %cond3A_49 = arith.constant 0 : i32
    %cond3A_50 = arith.cmpi ne, %convert_element_type3A_48, %cond3A_49 : i32
    scf.if %cond3A_50 {
      %scan3A_88 = arith.constant 0 : i32
      %scan3A_89 = arith.constant 0 : i32
      %scan3A_90 = arith.constant 8 : i32
      %scan3A_91 = arith.addi %scan3A_89, %scan3A_90 : i32
      %scan3A_92 = arith.constant 1 : i32
      scf.for %scan3A_100 = %scan3A_89 to %scan3A_91 step %scan3A_92  : i32 {
        %mul3A_101 = arith.constant 4 : i32
        %mul3A_102 = arith.muli %mul3A_101, %scan3A_100 : i32
        %add3A_103 = arith.constant 0 : i32
        %add3A_104 = arith.addi %mul3A_102, %add3A_103 : i32
        %ge3A = arith.constant 1 : i32
        %ge3A_105 = arith.cmpi sge, %add3A_104, %ge3A : i32
        %convert_element_type3A_106 = arith.extui %ge3A_105 : i1 to i32
        %cond3A_107 = arith.constant 0 : i32
        %cond3A_108 = arith.cmpi ne, %convert_element_type3A_106, %cond3A_107 : i32
        scf.if %cond3A_108 {
          %sub3A = arith.constant 1 : i32
          %sub3A_211 = arith.subi %add3A_104, %sub3A : i32
          %dma_wait3A_212 = arith.constant 0 : i32
          %dma_wait3A_213 = tpu.memref_slice %arg7[%sub3A_211, %dma_wait3A_212] : memref<32x80xi32, #tpu.memory_space<vmem>> -> memref<1x80xi32, #tpu.memory_space<vmem>>
          %dma_wait3A_214 = tpu.memref_squeeze %dma_wait3A_213 : memref<1x80xi32, #tpu.memory_space<vmem>> -> memref<80xi32, #tpu.memory_space<vmem>>
          %dma_wait3A_215 = arith.constant 0 : i32
          %dma_wait3A_216 = arith.constant 0 : i32
          %dma_wait3A_217 = tpu.memref_slice %arg12[%dma_wait3A_215, %dma_wait3A_216] : memref<10112x128xf32, #tpu.memory_space<vmem_shared>> -> memref<10112x128xf32, #tpu.memory_space<vmem_shared>>
          tpu.wait_indirect_dma semaphore(%arg20 : memref<!tpu.dma_semaphore, #tpu.memory_space<semaphore_mem>>) src(%arg11 : memref<80x128xf32, #tpu.memory_space<vmem>>) dst(%dma_wait3A_217 : memref<10112x128xf32, #tpu.memory_space<vmem_shared>>)
        } else {
        }
        %dma_wait3A_109 = arith.constant 0 : i32
        %dma_wait3A_110 = tpu.memref_slice %arg6[%add3A_104, %dma_wait3A_109] : memref<32x80xi32, #tpu.memory_space<vmem>> -> memref<1x80xi32, #tpu.memory_space<vmem>>
        %dma_wait3A_111 = tpu.memref_squeeze %dma_wait3A_110 : memref<1x80xi32, #tpu.memory_space<vmem>> -> memref<80xi32, #tpu.memory_space<vmem>>
        %dma_wait3A_112 = arith.constant 0 : i32
        %dma_wait3A_113 = arith.constant 0 : i32
        %dma_wait3A_114 = tpu.memref_slice %arg2[%dma_wait3A_112, %dma_wait3A_113] : memref<10000x128xf32, #tpu.memory_space<hbm>> -> memref<10000x128xf32, #tpu.memory_space<hbm>>
        tpu.wait_indirect_dma semaphore(%arg13 : memref<!tpu.dma_semaphore, #tpu.memory_space<semaphore_mem>>) src(%dma_wait3A_114 : memref<10000x128xf32, #tpu.memory_space<hbm>>) dst(%arg8 : memref<80x128xf32, #tpu.memory_space<vmem>>)
        %dma_start3A = arith.constant 0 : i32
        %dma_start3A_115 = tpu.memref_slice %arg7[%add3A_104, %dma_start3A] : memref<32x80xi32, #tpu.memory_space<vmem>> -> memref<1x80xi32, #tpu.memory_space<vmem>>
        %dma_start3A_116 = tpu.memref_squeeze %dma_start3A_115 : memref<1x80xi32, #tpu.memory_space<vmem>> -> memref<80xi32, #tpu.memory_space<vmem>>
        %dma_start3A_117 = arith.constant 0 : i32
        %dma_start3A_118 = arith.constant 0 : i32
        %dma_start3A_119 = tpu.memref_slice %arg12[%dma_start3A_117, %dma_start3A_118] : memref<10112x128xf32, #tpu.memory_space<vmem_shared>> -> memref<10112x128xf32, #tpu.memory_space<vmem_shared>>
        tpu.enqueue_indirect_dma source(%arg8 : memref<80x128xf32, #tpu.memory_space<vmem>>) target(%dma_start3A_119 : memref<10112x128xf32, #tpu.memory_space<vmem_shared>>) offsets(%dma_start3A_116 : memref<80xi32, #tpu.memory_space<vmem>>) semaphore(%arg17 : memref<!tpu.dma_semaphore, #tpu.memory_space<semaphore_mem>>) {add = true}
        %add3A_120 = arith.constant 3 : i32
        %add3A_121 = arith.addi %add3A_104, %add3A_120 : i32
        %lt3A_122 = arith.constant 32 : i32
        %lt3A_123 = arith.cmpi slt, %add3A_121, %lt3A_122 : i32
        %convert_element_type3A_124 = arith.extui %lt3A_123 : i1 to i32
        %cond3A_125 = arith.constant 0 : i32
        %cond3A_126 = arith.cmpi ne, %convert_element_type3A_124, %cond3A_125 : i32
        scf.if %cond3A_126 {
          %add3A_211 = arith.constant 3 : i32
          %add3A_212 = arith.addi %add3A_104, %add3A_211 : i32
          %dma_start3A_213 = arith.constant 0 : i32
          %dma_start3A_214 = tpu.memref_slice %arg6[%add3A_212, %dma_start3A_213] : memref<32x80xi32, #tpu.memory_space<vmem>> -> memref<1x80xi32, #tpu.memory_space<vmem>>
          %dma_start3A_215 = tpu.memref_squeeze %dma_start3A_214 : memref<1x80xi32, #tpu.memory_space<vmem>> -> memref<80xi32, #tpu.memory_space<vmem>>
          %dma_start3A_216 = arith.constant 0 : i32
          %dma_start3A_217 = arith.constant 0 : i32
          %dma_start3A_218 = tpu.memref_slice %arg2[%dma_start3A_216, %dma_start3A_217] : memref<10000x128xf32, #tpu.memory_space<hbm>> -> memref<10000x128xf32, #tpu.memory_space<hbm>>
          tpu.enqueue_indirect_dma source(%dma_start3A_218 : memref<10000x128xf32, #tpu.memory_space<hbm>>) target(%arg11 : memref<80x128xf32, #tpu.memory_space<vmem>>) offsets(%dma_start3A_215 : memref<80xi32, #tpu.memory_space<vmem>>) semaphore(%arg16 : memref<!tpu.dma_semaphore, #tpu.memory_space<semaphore_mem>>)
        } else {
        }
        %mul3A_127 = arith.constant 4 : i32
        %mul3A_128 = arith.muli %mul3A_127, %scan3A_100 : i32
        %add3A_129 = arith.constant 1 : i32
        %add3A_130 = arith.addi %mul3A_128, %add3A_129 : i32
        %ge3A_131 = arith.constant 1 : i32
        %ge3A_132 = arith.cmpi sge, %add3A_130, %ge3A_131 : i32
        %convert_element_type3A_133 = arith.extui %ge3A_132 : i1 to i32
        %cond3A_134 = arith.constant 0 : i32
        %cond3A_135 = arith.cmpi ne, %convert_element_type3A_133, %cond3A_134 : i32
        scf.if %cond3A_135 {
          %sub3A = arith.constant 1 : i32
          %sub3A_211 = arith.subi %add3A_130, %sub3A : i32
          %dma_wait3A_212 = arith.constant 0 : i32
          %dma_wait3A_213 = tpu.memref_slice %arg7[%sub3A_211, %dma_wait3A_212] : memref<32x80xi32, #tpu.memory_space<vmem>> -> memref<1x80xi32, #tpu.memory_space<vmem>>
          %dma_wait3A_214 = tpu.memref_squeeze %dma_wait3A_213 : memref<1x80xi32, #tpu.memory_space<vmem>> -> memref<80xi32, #tpu.memory_space<vmem>>
          %dma_wait3A_215 = arith.constant 0 : i32
          %dma_wait3A_216 = arith.constant 0 : i32
          %dma_wait3A_217 = tpu.memref_slice %arg12[%dma_wait3A_215, %dma_wait3A_216] : memref<10112x128xf32, #tpu.memory_space<vmem_shared>> -> memref<10112x128xf32, #tpu.memory_space<vmem_shared>>
          tpu.wait_indirect_dma semaphore(%arg17 : memref<!tpu.dma_semaphore, #tpu.memory_space<semaphore_mem>>) src(%arg8 : memref<80x128xf32, #tpu.memory_space<vmem>>) dst(%dma_wait3A_217 : memref<10112x128xf32, #tpu.memory_space<vmem_shared>>)
        } else {
        }
        %dma_wait3A_136 = arith.constant 0 : i32
        %dma_wait3A_137 = tpu.memref_slice %arg6[%add3A_130, %dma_wait3A_136] : memref<32x80xi32, #tpu.memory_space<vmem>> -> memref<1x80xi32, #tpu.memory_space<vmem>>
        %dma_wait3A_138 = tpu.memref_squeeze %dma_wait3A_137 : memref<1x80xi32, #tpu.memory_space<vmem>> -> memref<80xi32, #tpu.memory_space<vmem>>
        %dma_wait3A_139 = arith.constant 0 : i32
        %dma_wait3A_140 = arith.constant 0 : i32
        %dma_wait3A_141 = tpu.memref_slice %arg2[%dma_wait3A_139, %dma_wait3A_140] : memref<10000x128xf32, #tpu.memory_space<hbm>> -> memref<10000x128xf32, #tpu.memory_space<hbm>>
        tpu.wait_indirect_dma semaphore(%arg14 : memref<!tpu.dma_semaphore, #tpu.memory_space<semaphore_mem>>) src(%dma_wait3A_141 : memref<10000x128xf32, #tpu.memory_space<hbm>>) dst(%arg9 : memref<80x128xf32, #tpu.memory_space<vmem>>)
        %dma_start3A_142 = arith.constant 0 : i32
        %dma_start3A_143 = tpu.memref_slice %arg7[%add3A_130, %dma_start3A_142] : memref<32x80xi32, #tpu.memory_space<vmem>> -> memref<1x80xi32, #tpu.memory_space<vmem>>
        %dma_start3A_144 = tpu.memref_squeeze %dma_start3A_143 : memref<1x80xi32, #tpu.memory_space<vmem>> -> memref<80xi32, #tpu.memory_space<vmem>>
        %dma_start3A_145 = arith.constant 0 : i32
        %dma_start3A_146 = arith.constant 0 : i32
        %dma_start3A_147 = tpu.memref_slice %arg12[%dma_start3A_145, %dma_start3A_146] : memref<10112x128xf32, #tpu.memory_space<vmem_shared>> -> memref<10112x128xf32, #tpu.memory_space<vmem_shared>>
        tpu.enqueue_indirect_dma source(%arg9 : memref<80x128xf32, #tpu.memory_space<vmem>>) target(%dma_start3A_147 : memref<10112x128xf32, #tpu.memory_space<vmem_shared>>) offsets(%dma_start3A_144 : memref<80xi32, #tpu.memory_space<vmem>>) semaphore(%arg18 : memref<!tpu.dma_semaphore, #tpu.memory_space<semaphore_mem>>) {add = true}
        %add3A_148 = arith.constant 3 : i32
        %add3A_149 = arith.addi %add3A_130, %add3A_148 : i32
        %lt3A_150 = arith.constant 32 : i32
        %lt3A_151 = arith.cmpi slt, %add3A_149, %lt3A_150 : i32
        %convert_element_type3A_152 = arith.extui %lt3A_151 : i1 to i32
        %cond3A_153 = arith.constant 0 : i32
        %cond3A_154 = arith.cmpi ne, %convert_element_type3A_152, %cond3A_153 : i32
        scf.if %cond3A_154 {
          %add3A_211 = arith.constant 3 : i32
          %add3A_212 = arith.addi %add3A_130, %add3A_211 : i32
          %dma_start3A_213 = arith.constant 0 : i32
          %dma_start3A_214 = tpu.memref_slice %arg6[%add3A_212, %dma_start3A_213] : memref<32x80xi32, #tpu.memory_space<vmem>> -> memref<1x80xi32, #tpu.memory_space<vmem>>
          %dma_start3A_215 = tpu.memref_squeeze %dma_start3A_214 : memref<1x80xi32, #tpu.memory_space<vmem>> -> memref<80xi32, #tpu.memory_space<vmem>>
          %dma_start3A_216 = arith.constant 0 : i32
          %dma_start3A_217 = arith.constant 0 : i32
          %dma_start3A_218 = tpu.memref_slice %arg2[%dma_start3A_216, %dma_start3A_217] : memref<10000x128xf32, #tpu.memory_space<hbm>> -> memref<10000x128xf32, #tpu.memory_space<hbm>>
          tpu.enqueue_indirect_dma source(%dma_start3A_218 : memref<10000x128xf32, #tpu.memory_space<hbm>>) target(%arg8 : memref<80x128xf32, #tpu.memory_space<vmem>>) offsets(%dma_start3A_215 : memref<80xi32, #tpu.memory_space<vmem>>) semaphore(%arg13 : memref<!tpu.dma_semaphore, #tpu.memory_space<semaphore_mem>>)
        } else {
        }
        %mul3A_155 = arith.constant 4 : i32
        %mul3A_156 = arith.muli %mul3A_155, %scan3A_100 : i32
        %add3A_157 = arith.constant 2 : i32
        %add3A_158 = arith.addi %mul3A_156, %add3A_157 : i32
        %ge3A_159 = arith.constant 1 : i32
        %ge3A_160 = arith.cmpi sge, %add3A_158, %ge3A_159 : i32
        %convert_element_type3A_161 = arith.extui %ge3A_160 : i1 to i32
        %cond3A_162 = arith.constant 0 : i32
        %cond3A_163 = arith.cmpi ne, %convert_element_type3A_161, %cond3A_162 : i32
        scf.if %cond3A_163 {
          %sub3A = arith.constant 1 : i32
          %sub3A_211 = arith.subi %add3A_158, %sub3A : i32
          %dma_wait3A_212 = arith.constant 0 : i32
          %dma_wait3A_213 = tpu.memref_slice %arg7[%sub3A_211, %dma_wait3A_212] : memref<32x80xi32, #tpu.memory_space<vmem>> -> memref<1x80xi32, #tpu.memory_space<vmem>>
          %dma_wait3A_214 = tpu.memref_squeeze %dma_wait3A_213 : memref<1x80xi32, #tpu.memory_space<vmem>> -> memref<80xi32, #tpu.memory_space<vmem>>
          %dma_wait3A_215 = arith.constant 0 : i32
          %dma_wait3A_216 = arith.constant 0 : i32
          %dma_wait3A_217 = tpu.memref_slice %arg12[%dma_wait3A_215, %dma_wait3A_216] : memref<10112x128xf32, #tpu.memory_space<vmem_shared>> -> memref<10112x128xf32, #tpu.memory_space<vmem_shared>>
          tpu.wait_indirect_dma semaphore(%arg18 : memref<!tpu.dma_semaphore, #tpu.memory_space<semaphore_mem>>) src(%arg9 : memref<80x128xf32, #tpu.memory_space<vmem>>) dst(%dma_wait3A_217 : memref<10112x128xf32, #tpu.memory_space<vmem_shared>>)
        } else {
        }
        %dma_wait3A_164 = arith.constant 0 : i32
        %dma_wait3A_165 = tpu.memref_slice %arg6[%add3A_158, %dma_wait3A_164] : memref<32x80xi32, #tpu.memory_space<vmem>> -> memref<1x80xi32, #tpu.memory_space<vmem>>
        %dma_wait3A_166 = tpu.memref_squeeze %dma_wait3A_165 : memref<1x80xi32, #tpu.memory_space<vmem>> -> memref<80xi32, #tpu.memory_space<vmem>>
        %dma_wait3A_167 = arith.constant 0 : i32
        %dma_wait3A_168 = arith.constant 0 : i32
        %dma_wait3A_169 = tpu.memref_slice %arg2[%dma_wait3A_167, %dma_wait3A_168] : memref<10000x128xf32, #tpu.memory_space<hbm>> -> memref<10000x128xf32, #tpu.memory_space<hbm>>
        tpu.wait_indirect_dma semaphore(%arg15 : memref<!tpu.dma_semaphore, #tpu.memory_space<semaphore_mem>>) src(%dma_wait3A_169 : memref<10000x128xf32, #tpu.memory_space<hbm>>) dst(%arg10 : memref<80x128xf32, #tpu.memory_space<vmem>>)
        %dma_start3A_170 = arith.constant 0 : i32
        %dma_start3A_171 = tpu.memref_slice %arg7[%add3A_158, %dma_start3A_170] : memref<32x80xi32, #tpu.memory_space<vmem>> -> memref<1x80xi32, #tpu.memory_space<vmem>>
        %dma_start3A_172 = tpu.memref_squeeze %dma_start3A_171 : memref<1x80xi32, #tpu.memory_space<vmem>> -> memref<80xi32, #tpu.memory_space<vmem>>
        %dma_start3A_173 = arith.constant 0 : i32
        %dma_start3A_174 = arith.constant 0 : i32
        %dma_start3A_175 = tpu.memref_slice %arg12[%dma_start3A_173, %dma_start3A_174] : memref<10112x128xf32, #tpu.memory_space<vmem_shared>> -> memref<10112x128xf32, #tpu.memory_space<vmem_shared>>
        tpu.enqueue_indirect_dma source(%arg10 : memref<80x128xf32, #tpu.memory_space<vmem>>) target(%dma_start3A_175 : memref<10112x128xf32, #tpu.memory_space<vmem_shared>>) offsets(%dma_start3A_172 : memref<80xi32, #tpu.memory_space<vmem>>) semaphore(%arg19 : memref<!tpu.dma_semaphore, #tpu.memory_space<semaphore_mem>>) {add = true}
        %add3A_176 = arith.constant 3 : i32
        %add3A_177 = arith.addi %add3A_158, %add3A_176 : i32
        %lt3A_178 = arith.constant 32 : i32
        %lt3A_179 = arith.cmpi slt, %add3A_177, %lt3A_178 : i32
        %convert_element_type3A_180 = arith.extui %lt3A_179 : i1 to i32
        %cond3A_181 = arith.constant 0 : i32
        %cond3A_182 = arith.cmpi ne, %convert_element_type3A_180, %cond3A_181 : i32
        scf.if %cond3A_182 {
          %add3A_211 = arith.constant 3 : i32
          %add3A_212 = arith.addi %add3A_158, %add3A_211 : i32
          %dma_start3A_213 = arith.constant 0 : i32
          %dma_start3A_214 = tpu.memref_slice %arg6[%add3A_212, %dma_start3A_213] : memref<32x80xi32, #tpu.memory_space<vmem>> -> memref<1x80xi32, #tpu.memory_space<vmem>>
          %dma_start3A_215 = tpu.memref_squeeze %dma_start3A_214 : memref<1x80xi32, #tpu.memory_space<vmem>> -> memref<80xi32, #tpu.memory_space<vmem>>
          %dma_start3A_216 = arith.constant 0 : i32
          %dma_start3A_217 = arith.constant 0 : i32
          %dma_start3A_218 = tpu.memref_slice %arg2[%dma_start3A_216, %dma_start3A_217] : memref<10000x128xf32, #tpu.memory_space<hbm>> -> memref<10000x128xf32, #tpu.memory_space<hbm>>
          tpu.enqueue_indirect_dma source(%dma_start3A_218 : memref<10000x128xf32, #tpu.memory_space<hbm>>) target(%arg9 : memref<80x128xf32, #tpu.memory_space<vmem>>) offsets(%dma_start3A_215 : memref<80xi32, #tpu.memory_space<vmem>>) semaphore(%arg14 : memref<!tpu.dma_semaphore, #tpu.memory_space<semaphore_mem>>)
        } else {
        }
        %mul3A_183 = arith.constant 4 : i32
        %mul3A_184 = arith.muli %mul3A_183, %scan3A_100 : i32
        %add3A_185 = arith.constant 3 : i32
        %add3A_186 = arith.addi %mul3A_184, %add3A_185 : i32
        %ge3A_187 = arith.constant 1 : i32
        %ge3A_188 = arith.cmpi sge, %add3A_186, %ge3A_187 : i32
        %convert_element_type3A_189 = arith.extui %ge3A_188 : i1 to i32
        %cond3A_190 = arith.constant 0 : i32
        %cond3A_191 = arith.cmpi ne, %convert_element_type3A_189, %cond3A_190 : i32
        scf.if %cond3A_191 {
          %sub3A = arith.constant 1 : i32
          %sub3A_211 = arith.subi %add3A_186, %sub3A : i32
          %dma_wait3A_212 = arith.constant 0 : i32
          %dma_wait3A_213 = tpu.memref_slice %arg7[%sub3A_211, %dma_wait3A_212] : memref<32x80xi32, #tpu.memory_space<vmem>> -> memref<1x80xi32, #tpu.memory_space<vmem>>
          %dma_wait3A_214 = tpu.memref_squeeze %dma_wait3A_213 : memref<1x80xi32, #tpu.memory_space<vmem>> -> memref<80xi32, #tpu.memory_space<vmem>>
          %dma_wait3A_215 = arith.constant 0 : i32
          %dma_wait3A_216 = arith.constant 0 : i32
          %dma_wait3A_217 = tpu.memref_slice %arg12[%dma_wait3A_215, %dma_wait3A_216] : memref<10112x128xf32, #tpu.memory_space<vmem_shared>> -> memref<10112x128xf32, #tpu.memory_space<vmem_shared>>
          tpu.wait_indirect_dma semaphore(%arg19 : memref<!tpu.dma_semaphore, #tpu.memory_space<semaphore_mem>>) src(%arg10 : memref<80x128xf32, #tpu.memory_space<vmem>>) dst(%dma_wait3A_217 : memref<10112x128xf32, #tpu.memory_space<vmem_shared>>)
        } else {
        }
        %dma_wait3A_192 = arith.constant 0 : i32
        %dma_wait3A_193 = tpu.memref_slice %arg6[%add3A_186, %dma_wait3A_192] : memref<32x80xi32, #tpu.memory_space<vmem>> -> memref<1x80xi32, #tpu.memory_space<vmem>>
        %dma_wait3A_194 = tpu.memref_squeeze %dma_wait3A_193 : memref<1x80xi32, #tpu.memory_space<vmem>> -> memref<80xi32, #tpu.memory_space<vmem>>
        %dma_wait3A_195 = arith.constant 0 : i32
        %dma_wait3A_196 = arith.constant 0 : i32
        %dma_wait3A_197 = tpu.memref_slice %arg2[%dma_wait3A_195, %dma_wait3A_196] : memref<10000x128xf32, #tpu.memory_space<hbm>> -> memref<10000x128xf32, #tpu.memory_space<hbm>>
        tpu.wait_indirect_dma semaphore(%arg16 : memref<!tpu.dma_semaphore, #tpu.memory_space<semaphore_mem>>) src(%dma_wait3A_197 : memref<10000x128xf32, #tpu.memory_space<hbm>>) dst(%arg11 : memref<80x128xf32, #tpu.memory_space<vmem>>)
        %dma_start3A_198 = arith.constant 0 : i32
        %dma_start3A_199 = tpu.memref_slice %arg7[%add3A_186, %dma_start3A_198] : memref<32x80xi32, #tpu.memory_space<vmem>> -> memref<1x80xi32, #tpu.memory_space<vmem>>
        %dma_start3A_200 = tpu.memref_squeeze %dma_start3A_199 : memref<1x80xi32, #tpu.memory_space<vmem>> -> memref<80xi32, #tpu.memory_space<vmem>>
        %dma_start3A_201 = arith.constant 0 : i32
        %dma_start3A_202 = arith.constant 0 : i32
        %dma_start3A_203 = tpu.memref_slice %arg12[%dma_start3A_201, %dma_start3A_202] : memref<10112x128xf32, #tpu.memory_space<vmem_shared>> -> memref<10112x128xf32, #tpu.memory_space<vmem_shared>>
        tpu.enqueue_indirect_dma source(%arg11 : memref<80x128xf32, #tpu.memory_space<vmem>>) target(%dma_start3A_203 : memref<10112x128xf32, #tpu.memory_space<vmem_shared>>) offsets(%dma_start3A_200 : memref<80xi32, #tpu.memory_space<vmem>>) semaphore(%arg20 : memref<!tpu.dma_semaphore, #tpu.memory_space<semaphore_mem>>) {add = true}
        %add3A_204 = arith.constant 3 : i32
        %add3A_205 = arith.addi %add3A_186, %add3A_204 : i32
        %lt3A_206 = arith.constant 32 : i32
        %lt3A_207 = arith.cmpi slt, %add3A_205, %lt3A_206 : i32
        %convert_element_type3A_208 = arith.extui %lt3A_207 : i1 to i32
        %cond3A_209 = arith.constant 0 : i32
        %cond3A_210 = arith.cmpi ne, %convert_element_type3A_208, %cond3A_209 : i32
        scf.if %cond3A_210 {
          %add3A_211 = arith.constant 3 : i32
          %add3A_212 = arith.addi %add3A_186, %add3A_211 : i32
          %dma_start3A_213 = arith.constant 0 : i32
          %dma_start3A_214 = tpu.memref_slice %arg6[%add3A_212, %dma_start3A_213] : memref<32x80xi32, #tpu.memory_space<vmem>> -> memref<1x80xi32, #tpu.memory_space<vmem>>
          %dma_start3A_215 = tpu.memref_squeeze %dma_start3A_214 : memref<1x80xi32, #tpu.memory_space<vmem>> -> memref<80xi32, #tpu.memory_space<vmem>>
          %dma_start3A_216 = arith.constant 0 : i32
          %dma_start3A_217 = arith.constant 0 : i32
          %dma_start3A_218 = tpu.memref_slice %arg2[%dma_start3A_216, %dma_start3A_217] : memref<10000x128xf32, #tpu.memory_space<hbm>> -> memref<10000x128xf32, #tpu.memory_space<hbm>>
          tpu.enqueue_indirect_dma source(%dma_start3A_218 : memref<10000x128xf32, #tpu.memory_space<hbm>>) target(%arg10 : memref<80x128xf32, #tpu.memory_space<vmem>>) offsets(%dma_start3A_215 : memref<80xi32, #tpu.memory_space<vmem>>) semaphore(%arg15 : memref<!tpu.dma_semaphore, #tpu.memory_space<semaphore_mem>>)
        } else {
        }
      }
      %scan3A_93 = arith.constant 8 : i32
      %dma_wait3A = arith.constant 31 : i32
      %dma_wait3A_94 = arith.constant 0 : i32
      %dma_wait3A_95 = tpu.memref_slice %arg7[%dma_wait3A, %dma_wait3A_94] : memref<32x80xi32, #tpu.memory_space<vmem>> -> memref<1x80xi32, #tpu.memory_space<vmem>>
      %dma_wait3A_96 = tpu.memref_squeeze %dma_wait3A_95 : memref<1x80xi32, #tpu.memory_space<vmem>> -> memref<80xi32, #tpu.memory_space<vmem>>
      %dma_wait3A_97 = arith.constant 0 : i32
      %dma_wait3A_98 = arith.constant 0 : i32
      %dma_wait3A_99 = tpu.memref_slice %arg12[%dma_wait3A_97, %dma_wait3A_98] : memref<10112x128xf32, #tpu.memory_space<vmem_shared>> -> memref<10112x128xf32, #tpu.memory_space<vmem_shared>>
      tpu.wait_indirect_dma semaphore(%arg20 : memref<!tpu.dma_semaphore, #tpu.memory_space<semaphore_mem>>) src(%arg11 : memref<80x128xf32, #tpu.memory_space<vmem>>) dst(%dma_wait3A_99 : memref<10112x128xf32, #tpu.memory_space<vmem_shared>>)
    } else {
    }
    "tpu.trace_stop"() : () -> ()
    "tpu.trace_start"() <{level = 10 : i32, message = "edges_1"}> : () -> ()
    %mul3A_51 = arith.constant 4 : i32
    %mul3A_52 = arith.muli %add3A, %mul3A_51 : i32
    %add3A_53 = arith.constant 1 : i32
    %add3A_54 = arith.addi %mul3A_52, %add3A_53 : i32
    %lt3A_55 = arith.constant 125 : i32
    %lt3A_56 = arith.cmpi slt, %add3A_54, %lt3A_55 : i32
    %convert_element_type3A_57 = arith.extui %lt3A_56 : i1 to i32
    %cond3A_58 = arith.constant 0 : i32
    %cond3A_59 = arith.cmpi ne, %convert_element_type3A_57, %cond3A_58 : i32
    scf.if %cond3A_59 {
      %mul3A_88 = arith.constant 32 : i32
      %mul3A_89 = arith.muli %add3A_54, %mul3A_88 : i32
      %run_scoped3A = arith.constant 0 : i32
      "tpu.region"() ({
        %run_scoped3A_125 = tpu.sem_alloc : memref<!tpu.dma_semaphore, #tpu.memory_space<semaphore_mem>>
        %dma_start3A_126 = arith.constant 0 : i32
        %dma_start3A_127 = tpu.memref_slice %arg3[%run_scoped3A, %mul3A_89, %dma_start3A_126] : memref<2x4000x80xi32, #tpu.memory_space<hbm>> -> memref<1x32x80xi32, #tpu.memory_space<hbm>>
        %dma_start3A_128 = tpu.memref_squeeze %dma_start3A_127 : memref<1x32x80xi32, #tpu.memory_space<hbm>> -> memref<32x80xi32, #tpu.memory_space<hbm>>
        %dma_start3A_129 = arith.constant 0 : i32
        %dma_start3A_130 = tpu.memref_slice %arg3[%run_scoped3A, %mul3A_89, %dma_start3A_129] : memref<2x4000x80xi32, #tpu.memory_space<hbm>> -> memref<1x32x80xi32, #tpu.memory_space<hbm>>
        %dma_start3A_131 = tpu.memref_squeeze %dma_start3A_130 : memref<1x32x80xi32, #tpu.memory_space<hbm>> -> memref<32x80xi32, #tpu.memory_space<hbm>>
        tpu.enqueue_dma source(%dma_start3A_131 : memref<32x80xi32, #tpu.memory_space<hbm>>) target(%arg6 : memref<32x80xi32, #tpu.memory_space<vmem>>) target_semaphore(%run_scoped3A_125 : memref<!tpu.dma_semaphore, #tpu.memory_space<semaphore_mem>>)
        %dma_wait3A_132 = arith.constant 0 : i32
        %dma_wait3A_133 = tpu.memref_slice %arg3[%run_scoped3A, %mul3A_89, %dma_wait3A_132] : memref<2x4000x80xi32, #tpu.memory_space<hbm>> -> memref<1x32x80xi32, #tpu.memory_space<hbm>>
        %dma_wait3A_134 = tpu.memref_squeeze %dma_wait3A_133 : memref<1x32x80xi32, #tpu.memory_space<hbm>> -> memref<32x80xi32, #tpu.memory_space<hbm>>
        %dma_wait3A_135 = arith.constant 0 : i32
        %dma_wait3A_136 = tpu.memref_slice %arg3[%run_scoped3A, %mul3A_89, %dma_wait3A_135] : memref<2x4000x80xi32, #tpu.memory_space<hbm>> -> memref<1x32x80xi32, #tpu.memory_space<hbm>>
        %dma_wait3A_137 = tpu.memref_squeeze %dma_wait3A_136 : memref<1x32x80xi32, #tpu.memory_space<hbm>> -> memref<32x80xi32, #tpu.memory_space<hbm>>
        tpu.wait_dma2 semaphore(%run_scoped3A_125 : memref<!tpu.dma_semaphore, #tpu.memory_space<semaphore_mem>>) src(%dma_wait3A_137 : memref<32x80xi32, #tpu.memory_space<hbm>>) dst(%arg6 : memref<32x80xi32, #tpu.memory_space<vmem>>)
        tpu.yield
      }) : () -> ()
      %mul3A_90 = arith.constant 32 : i32
      %mul3A_91 = arith.muli %add3A_54, %mul3A_90 : i32
      %run_scoped3A_92 = arith.constant 1 : i32
      "tpu.region"() ({
        %run_scoped3A_125 = tpu.sem_alloc : memref<!tpu.dma_semaphore, #tpu.memory_space<semaphore_mem>>
        %dma_start3A_126 = arith.constant 0 : i32
        %dma_start3A_127 = tpu.memref_slice %arg3[%run_scoped3A_92, %mul3A_91, %dma_start3A_126] : memref<2x4000x80xi32, #tpu.memory_space<hbm>> -> memref<1x32x80xi32, #tpu.memory_space<hbm>>
        %dma_start3A_128 = tpu.memref_squeeze %dma_start3A_127 : memref<1x32x80xi32, #tpu.memory_space<hbm>> -> memref<32x80xi32, #tpu.memory_space<hbm>>
        %dma_start3A_129 = arith.constant 0 : i32
        %dma_start3A_130 = tpu.memref_slice %arg3[%run_scoped3A_92, %mul3A_91, %dma_start3A_129] : memref<2x4000x80xi32, #tpu.memory_space<hbm>> -> memref<1x32x80xi32, #tpu.memory_space<hbm>>
        %dma_start3A_131 = tpu.memref_squeeze %dma_start3A_130 : memref<1x32x80xi32, #tpu.memory_space<hbm>> -> memref<32x80xi32, #tpu.memory_space<hbm>>
        tpu.enqueue_dma source(%dma_start3A_131 : memref<32x80xi32, #tpu.memory_space<hbm>>) target(%arg7 : memref<32x80xi32, #tpu.memory_space<vmem>>) target_semaphore(%run_scoped3A_125 : memref<!tpu.dma_semaphore, #tpu.memory_space<semaphore_mem>>)
        %dma_wait3A_132 = arith.constant 0 : i32
        %dma_wait3A_133 = tpu.memref_slice %arg3[%run_scoped3A_92, %mul3A_91, %dma_wait3A_132] : memref<2x4000x80xi32, #tpu.memory_space<hbm>> -> memref<1x32x80xi32, #tpu.memory_space<hbm>>
        %dma_wait3A_134 = tpu.memref_squeeze %dma_wait3A_133 : memref<1x32x80xi32, #tpu.memory_space<hbm>> -> memref<32x80xi32, #tpu.memory_space<hbm>>
        %dma_wait3A_135 = arith.constant 0 : i32
        %dma_wait3A_136 = tpu.memref_slice %arg3[%run_scoped3A_92, %mul3A_91, %dma_wait3A_135] : memref<2x4000x80xi32, #tpu.memory_space<hbm>> -> memref<1x32x80xi32, #tpu.memory_space<hbm>>
        %dma_wait3A_137 = tpu.memref_squeeze %dma_wait3A_136 : memref<1x32x80xi32, #tpu.memory_space<hbm>> -> memref<32x80xi32, #tpu.memory_space<hbm>>
        tpu.wait_dma2 semaphore(%run_scoped3A_125 : memref<!tpu.dma_semaphore, #tpu.memory_space<semaphore_mem>>) src(%dma_wait3A_137 : memref<32x80xi32, #tpu.memory_space<hbm>>) dst(%arg7 : memref<32x80xi32, #tpu.memory_space<vmem>>)
        tpu.yield
      }) : () -> ()
      %dma_start3A = arith.constant 0 : i32
      %dma_start3A_93 = arith.constant 0 : i32
      %dma_start3A_94 = tpu.memref_slice %arg6[%dma_start3A, %dma_start3A_93] : memref<32x80xi32, #tpu.memory_space<vmem>> -> memref<1x80xi32, #tpu.memory_space<vmem>>
      %dma_start3A_95 = tpu.memref_squeeze %dma_start3A_94 : memref<1x80xi32, #tpu.memory_space<vmem>> -> memref<80xi32, #tpu.memory_space<vmem>>
      %dma_start3A_96 = arith.constant 0 : i32
      %dma_start3A_97 = arith.constant 0 : i32
      %dma_start3A_98 = tpu.memref_slice %arg2[%dma_start3A_96, %dma_start3A_97] : memref<10000x128xf32, #tpu.memory_space<hbm>> -> memref<10000x128xf32, #tpu.memory_space<hbm>>
      tpu.enqueue_indirect_dma source(%dma_start3A_98 : memref<10000x128xf32, #tpu.memory_space<hbm>>) target(%arg8 : memref<80x128xf32, #tpu.memory_space<vmem>>) offsets(%dma_start3A_95 : memref<80xi32, #tpu.memory_space<vmem>>) semaphore(%arg13 : memref<!tpu.dma_semaphore, #tpu.memory_space<semaphore_mem>>)
      %dma_start3A_99 = arith.constant 1 : i32
      %dma_start3A_100 = arith.constant 0 : i32
      %dma_start3A_101 = tpu.memref_slice %arg6[%dma_start3A_99, %dma_start3A_100] : memref<32x80xi32, #tpu.memory_space<vmem>> -> memref<1x80xi32, #tpu.memory_space<vmem>>
      %dma_start3A_102 = tpu.memref_squeeze %dma_start3A_101 : memref<1x80xi32, #tpu.memory_space<vmem>> -> memref<80xi32, #tpu.memory_space<vmem>>
      %dma_start3A_103 = arith.constant 0 : i32
      %dma_start3A_104 = arith.constant 0 : i32
      %dma_start3A_105 = tpu.memref_slice %arg2[%dma_start3A_103, %dma_start3A_104] : memref<10000x128xf32, #tpu.memory_space<hbm>> -> memref<10000x128xf32, #tpu.memory_space<hbm>>
      tpu.enqueue_indirect_dma source(%dma_start3A_105 : memref<10000x128xf32, #tpu.memory_space<hbm>>) target(%arg9 : memref<80x128xf32, #tpu.memory_space<vmem>>) offsets(%dma_start3A_102 : memref<80xi32, #tpu.memory_space<vmem>>) semaphore(%arg14 : memref<!tpu.dma_semaphore, #tpu.memory_space<semaphore_mem>>)
      %dma_start3A_106 = arith.constant 2 : i32
      %dma_start3A_107 = arith.constant 0 : i32
      %dma_start3A_108 = tpu.memref_slice %arg6[%dma_start3A_106, %dma_start3A_107] : memref<32x80xi32, #tpu.memory_space<vmem>> -> memref<1x80xi32, #tpu.memory_space<vmem>>
      %dma_start3A_109 = tpu.memref_squeeze %dma_start3A_108 : memref<1x80xi32, #tpu.memory_space<vmem>> -> memref<80xi32, #tpu.memory_space<vmem>>
      %dma_start3A_110 = arith.constant 0 : i32
      %dma_start3A_111 = arith.constant 0 : i32
      %dma_start3A_112 = tpu.memref_slice %arg2[%dma_start3A_110, %dma_start3A_111] : memref<10000x128xf32, #tpu.memory_space<hbm>> -> memref<10000x128xf32, #tpu.memory_space<hbm>>
      tpu.enqueue_indirect_dma source(%dma_start3A_112 : memref<10000x128xf32, #tpu.memory_space<hbm>>) target(%arg10 : memref<80x128xf32, #tpu.memory_space<vmem>>) offsets(%dma_start3A_109 : memref<80xi32, #tpu.memory_space<vmem>>) semaphore(%arg15 : memref<!tpu.dma_semaphore, #tpu.memory_space<semaphore_mem>>)
      %scan3A_113 = arith.constant 0 : i32
      %scan3A_114 = arith.constant 0 : i32
      %scan3A_115 = arith.constant 8 : i32
      %scan3A_116 = arith.addi %scan3A_114, %scan3A_115 : i32
      %scan3A_117 = arith.constant 1 : i32
      scf.for %scan3A_125 = %scan3A_114 to %scan3A_116 step %scan3A_117  : i32 {
        %mul3A_126 = arith.constant 4 : i32
        %mul3A_127 = arith.muli %mul3A_126, %scan3A_125 : i32
        %add3A_128 = arith.constant 0 : i32
        %add3A_129 = arith.addi %mul3A_127, %add3A_128 : i32
        %ge3A = arith.constant 1 : i32
        %ge3A_130 = arith.cmpi sge, %add3A_129, %ge3A : i32
        %convert_element_type3A_131 = arith.extui %ge3A_130 : i1 to i32
        %cond3A_132 = arith.constant 0 : i32
        %cond3A_133 = arith.cmpi ne, %convert_element_type3A_131, %cond3A_132 : i32
        scf.if %cond3A_133 {
          %sub3A = arith.constant 1 : i32
          %sub3A_237 = arith.subi %add3A_129, %sub3A : i32
          %dma_wait3A_238 = arith.constant 0 : i32
          %dma_wait3A_239 = tpu.memref_slice %arg7[%sub3A_237, %dma_wait3A_238] : memref<32x80xi32, #tpu.memory_space<vmem>> -> memref<1x80xi32, #tpu.memory_space<vmem>>
          %dma_wait3A_240 = tpu.memref_squeeze %dma_wait3A_239 : memref<1x80xi32, #tpu.memory_space<vmem>> -> memref<80xi32, #tpu.memory_space<vmem>>
          %dma_wait3A_241 = arith.constant 0 : i32
          %dma_wait3A_242 = arith.constant 0 : i32
          %dma_wait3A_243 = tpu.memref_slice %arg12[%dma_wait3A_241, %dma_wait3A_242] : memref<10112x128xf32, #tpu.memory_space<vmem_shared>> -> memref<10112x128xf32, #tpu.memory_space<vmem_shared>>
          tpu.wait_indirect_dma semaphore(%arg20 : memref<!tpu.dma_semaphore, #tpu.memory_space<semaphore_mem>>) src(%arg11 : memref<80x128xf32, #tpu.memory_space<vmem>>) dst(%dma_wait3A_243 : memref<10112x128xf32, #tpu.memory_space<vmem_shared>>)
        } else {
        }
        %dma_wait3A_134 = arith.constant 0 : i32
        %dma_wait3A_135 = tpu.memref_slice %arg6[%add3A_129, %dma_wait3A_134] : memref<32x80xi32, #tpu.memory_space<vmem>> -> memref<1x80xi32, #tpu.memory_space<vmem>>
        %dma_wait3A_136 = tpu.memref_squeeze %dma_wait3A_135 : memref<1x80xi32, #tpu.memory_space<vmem>> -> memref<80xi32, #tpu.memory_space<vmem>>
        %dma_wait3A_137 = arith.constant 0 : i32
        %dma_wait3A_138 = arith.constant 0 : i32
        %dma_wait3A_139 = tpu.memref_slice %arg2[%dma_wait3A_137, %dma_wait3A_138] : memref<10000x128xf32, #tpu.memory_space<hbm>> -> memref<10000x128xf32, #tpu.memory_space<hbm>>
        tpu.wait_indirect_dma semaphore(%arg13 : memref<!tpu.dma_semaphore, #tpu.memory_space<semaphore_mem>>) src(%dma_wait3A_139 : memref<10000x128xf32, #tpu.memory_space<hbm>>) dst(%arg8 : memref<80x128xf32, #tpu.memory_space<vmem>>)
        %dma_start3A_140 = arith.constant 0 : i32
        %dma_start3A_141 = tpu.memref_slice %arg7[%add3A_129, %dma_start3A_140] : memref<32x80xi32, #tpu.memory_space<vmem>> -> memref<1x80xi32, #tpu.memory_space<vmem>>
        %dma_start3A_142 = tpu.memref_squeeze %dma_start3A_141 : memref<1x80xi32, #tpu.memory_space<vmem>> -> memref<80xi32, #tpu.memory_space<vmem>>
        %dma_start3A_143 = arith.constant 0 : i32
        %dma_start3A_144 = arith.constant 0 : i32
        %dma_start3A_145 = tpu.memref_slice %arg12[%dma_start3A_143, %dma_start3A_144] : memref<10112x128xf32, #tpu.memory_space<vmem_shared>> -> memref<10112x128xf32, #tpu.memory_space<vmem_shared>>
        tpu.enqueue_indirect_dma source(%arg8 : memref<80x128xf32, #tpu.memory_space<vmem>>) target(%dma_start3A_145 : memref<10112x128xf32, #tpu.memory_space<vmem_shared>>) offsets(%dma_start3A_142 : memref<80xi32, #tpu.memory_space<vmem>>) semaphore(%arg17 : memref<!tpu.dma_semaphore, #tpu.memory_space<semaphore_mem>>) {add = true}
        %add3A_146 = arith.constant 3 : i32
        %add3A_147 = arith.addi %add3A_129, %add3A_146 : i32
        %lt3A_148 = arith.constant 32 : i32
        %lt3A_149 = arith.cmpi slt, %add3A_147, %lt3A_148 : i32
        %convert_element_type3A_150 = arith.extui %lt3A_149 : i1 to i32
        %cond3A_151 = arith.constant 0 : i32
        %cond3A_152 = arith.cmpi ne, %convert_element_type3A_150, %cond3A_151 : i32
        scf.if %cond3A_152 {
          %add3A_237 = arith.constant 3 : i32
          %add3A_238 = arith.addi %add3A_129, %add3A_237 : i32
          %dma_start3A_239 = arith.constant 0 : i32
          %dma_start3A_240 = tpu.memref_slice %arg6[%add3A_238, %dma_start3A_239] : memref<32x80xi32, #tpu.memory_space<vmem>> -> memref<1x80xi32, #tpu.memory_space<vmem>>
          %dma_start3A_241 = tpu.memref_squeeze %dma_start3A_240 : memref<1x80xi32, #tpu.memory_space<vmem>> -> memref<80xi32, #tpu.memory_space<vmem>>
          %dma_start3A_242 = arith.constant 0 : i32
          %dma_start3A_243 = arith.constant 0 : i32
          %dma_start3A_244 = tpu.memref_slice %arg2[%dma_start3A_242, %dma_start3A_243] : memref<10000x128xf32, #tpu.memory_space<hbm>> -> memref<10000x128xf32, #tpu.memory_space<hbm>>
          tpu.enqueue_indirect_dma source(%dma_start3A_244 : memref<10000x128xf32, #tpu.memory_space<hbm>>) target(%arg11 : memref<80x128xf32, #tpu.memory_space<vmem>>) offsets(%dma_start3A_241 : memref<80xi32, #tpu.memory_space<vmem>>) semaphore(%arg16 : memref<!tpu.dma_semaphore, #tpu.memory_space<semaphore_mem>>)
        } else {
        }
        %mul3A_153 = arith.constant 4 : i32
        %mul3A_154 = arith.muli %mul3A_153, %scan3A_125 : i32
        %add3A_155 = arith.constant 1 : i32
        %add3A_156 = arith.addi %mul3A_154, %add3A_155 : i32
        %ge3A_157 = arith.constant 1 : i32
        %ge3A_158 = arith.cmpi sge, %add3A_156, %ge3A_157 : i32
        %convert_element_type3A_159 = arith.extui %ge3A_158 : i1 to i32
        %cond3A_160 = arith.constant 0 : i32
        %cond3A_161 = arith.cmpi ne, %convert_element_type3A_159, %cond3A_160 : i32
        scf.if %cond3A_161 {
          %sub3A = arith.constant 1 : i32
          %sub3A_237 = arith.subi %add3A_156, %sub3A : i32
          %dma_wait3A_238 = arith.constant 0 : i32
          %dma_wait3A_239 = tpu.memref_slice %arg7[%sub3A_237, %dma_wait3A_238] : memref<32x80xi32, #tpu.memory_space<vmem>> -> memref<1x80xi32, #tpu.memory_space<vmem>>
          %dma_wait3A_240 = tpu.memref_squeeze %dma_wait3A_239 : memref<1x80xi32, #tpu.memory_space<vmem>> -> memref<80xi32, #tpu.memory_space<vmem>>
          %dma_wait3A_241 = arith.constant 0 : i32
          %dma_wait3A_242 = arith.constant 0 : i32
          %dma_wait3A_243 = tpu.memref_slice %arg12[%dma_wait3A_241, %dma_wait3A_242] : memref<10112x128xf32, #tpu.memory_space<vmem_shared>> -> memref<10112x128xf32, #tpu.memory_space<vmem_shared>>
          tpu.wait_indirect_dma semaphore(%arg17 : memref<!tpu.dma_semaphore, #tpu.memory_space<semaphore_mem>>) src(%arg8 : memref<80x128xf32, #tpu.memory_space<vmem>>) dst(%dma_wait3A_243 : memref<10112x128xf32, #tpu.memory_space<vmem_shared>>)
        } else {
        }
        %dma_wait3A_162 = arith.constant 0 : i32
        %dma_wait3A_163 = tpu.memref_slice %arg6[%add3A_156, %dma_wait3A_162] : memref<32x80xi32, #tpu.memory_space<vmem>> -> memref<1x80xi32, #tpu.memory_space<vmem>>
        %dma_wait3A_164 = tpu.memref_squeeze %dma_wait3A_163 : memref<1x80xi32, #tpu.memory_space<vmem>> -> memref<80xi32, #tpu.memory_space<vmem>>
        %dma_wait3A_165 = arith.constant 0 : i32
        %dma_wait3A_166 = arith.constant 0 : i32
        %dma_wait3A_167 = tpu.memref_slice %arg2[%dma_wait3A_165, %dma_wait3A_166] : memref<10000x128xf32, #tpu.memory_space<hbm>> -> memref<10000x128xf32, #tpu.memory_space<hbm>>
        tpu.wait_indirect_dma semaphore(%arg14 : memref<!tpu.dma_semaphore, #tpu.memory_space<semaphore_mem>>) src(%dma_wait3A_167 : memref<10000x128xf32, #tpu.memory_space<hbm>>) dst(%arg9 : memref<80x128xf32, #tpu.memory_space<vmem>>)
        %dma_start3A_168 = arith.constant 0 : i32
        %dma_start3A_169 = tpu.memref_slice %arg7[%add3A_156, %dma_start3A_168] : memref<32x80xi32, #tpu.memory_space<vmem>> -> memref<1x80xi32, #tpu.memory_space<vmem>>
        %dma_start3A_170 = tpu.memref_squeeze %dma_start3A_169 : memref<1x80xi32, #tpu.memory_space<vmem>> -> memref<80xi32, #tpu.memory_space<vmem>>
        %dma_start3A_171 = arith.constant 0 : i32
        %dma_start3A_172 = arith.constant 0 : i32
        %dma_start3A_173 = tpu.memref_slice %arg12[%dma_start3A_171, %dma_start3A_172] : memref<10112x128xf32, #tpu.memory_space<vmem_shared>> -> memref<10112x128xf32, #tpu.memory_space<vmem_shared>>
        tpu.enqueue_indirect_dma source(%arg9 : memref<80x128xf32, #tpu.memory_space<vmem>>) target(%dma_start3A_173 : memref<10112x128xf32, #tpu.memory_space<vmem_shared>>) offsets(%dma_start3A_170 : memref<80xi32, #tpu.memory_space<vmem>>) semaphore(%arg18 : memref<!tpu.dma_semaphore, #tpu.memory_space<semaphore_mem>>) {add = true}
        %add3A_174 = arith.constant 3 : i32
        %add3A_175 = arith.addi %add3A_156, %add3A_174 : i32
        %lt3A_176 = arith.constant 32 : i32
        %lt3A_177 = arith.cmpi slt, %add3A_175, %lt3A_176 : i32
        %convert_element_type3A_178 = arith.extui %lt3A_177 : i1 to i32
        %cond3A_179 = arith.constant 0 : i32
        %cond3A_180 = arith.cmpi ne, %convert_element_type3A_178, %cond3A_179 : i32
        scf.if %cond3A_180 {
          %add3A_237 = arith.constant 3 : i32
          %add3A_238 = arith.addi %add3A_156, %add3A_237 : i32
          %dma_start3A_239 = arith.constant 0 : i32
          %dma_start3A_240 = tpu.memref_slice %arg6[%add3A_238, %dma_start3A_239] : memref<32x80xi32, #tpu.memory_space<vmem>> -> memref<1x80xi32, #tpu.memory_space<vmem>>
          %dma_start3A_241 = tpu.memref_squeeze %dma_start3A_240 : memref<1x80xi32, #tpu.memory_space<vmem>> -> memref<80xi32, #tpu.memory_space<vmem>>
          %dma_start3A_242 = arith.constant 0 : i32
          %dma_start3A_243 = arith.constant 0 : i32
          %dma_start3A_244 = tpu.memref_slice %arg2[%dma_start3A_242, %dma_start3A_243] : memref<10000x128xf32, #tpu.memory_space<hbm>> -> memref<10000x128xf32, #tpu.memory_space<hbm>>
          tpu.enqueue_indirect_dma source(%dma_start3A_244 : memref<10000x128xf32, #tpu.memory_space<hbm>>) target(%arg8 : memref<80x128xf32, #tpu.memory_space<vmem>>) offsets(%dma_start3A_241 : memref<80xi32, #tpu.memory_space<vmem>>) semaphore(%arg13 : memref<!tpu.dma_semaphore, #tpu.memory_space<semaphore_mem>>)
        } else {
        }
        %mul3A_181 = arith.constant 4 : i32
        %mul3A_182 = arith.muli %mul3A_181, %scan3A_125 : i32
        %add3A_183 = arith.constant 2 : i32
        %add3A_184 = arith.addi %mul3A_182, %add3A_183 : i32
        %ge3A_185 = arith.constant 1 : i32
        %ge3A_186 = arith.cmpi sge, %add3A_184, %ge3A_185 : i32
        %convert_element_type3A_187 = arith.extui %ge3A_186 : i1 to i32
        %cond3A_188 = arith.constant 0 : i32
        %cond3A_189 = arith.cmpi ne, %convert_element_type3A_187, %cond3A_188 : i32
        scf.if %cond3A_189 {
          %sub3A = arith.constant 1 : i32
          %sub3A_237 = arith.subi %add3A_184, %sub3A : i32
          %dma_wait3A_238 = arith.constant 0 : i32
          %dma_wait3A_239 = tpu.memref_slice %arg7[%sub3A_237, %dma_wait3A_238] : memref<32x80xi32, #tpu.memory_space<vmem>> -> memref<1x80xi32, #tpu.memory_space<vmem>>
          %dma_wait3A_240 = tpu.memref_squeeze %dma_wait3A_239 : memref<1x80xi32, #tpu.memory_space<vmem>> -> memref<80xi32, #tpu.memory_space<vmem>>
          %dma_wait3A_241 = arith.constant 0 : i32
          %dma_wait3A_242 = arith.constant 0 : i32
          %dma_wait3A_243 = tpu.memref_slice %arg12[%dma_wait3A_241, %dma_wait3A_242] : memref<10112x128xf32, #tpu.memory_space<vmem_shared>> -> memref<10112x128xf32, #tpu.memory_space<vmem_shared>>
          tpu.wait_indirect_dma semaphore(%arg18 : memref<!tpu.dma_semaphore, #tpu.memory_space<semaphore_mem>>) src(%arg9 : memref<80x128xf32, #tpu.memory_space<vmem>>) dst(%dma_wait3A_243 : memref<10112x128xf32, #tpu.memory_space<vmem_shared>>)
        } else {
        }
        %dma_wait3A_190 = arith.constant 0 : i32
        %dma_wait3A_191 = tpu.memref_slice %arg6[%add3A_184, %dma_wait3A_190] : memref<32x80xi32, #tpu.memory_space<vmem>> -> memref<1x80xi32, #tpu.memory_space<vmem>>
        %dma_wait3A_192 = tpu.memref_squeeze %dma_wait3A_191 : memref<1x80xi32, #tpu.memory_space<vmem>> -> memref<80xi32, #tpu.memory_space<vmem>>
        %dma_wait3A_193 = arith.constant 0 : i32
        %dma_wait3A_194 = arith.constant 0 : i32
        %dma_wait3A_195 = tpu.memref_slice %arg2[%dma_wait3A_193, %dma_wait3A_194] : memref<10000x128xf32, #tpu.memory_space<hbm>> -> memref<10000x128xf32, #tpu.memory_space<hbm>>
        tpu.wait_indirect_dma semaphore(%arg15 : memref<!tpu.dma_semaphore, #tpu.memory_space<semaphore_mem>>) src(%dma_wait3A_195 : memref<10000x128xf32, #tpu.memory_space<hbm>>) dst(%arg10 : memref<80x128xf32, #tpu.memory_space<vmem>>)
        %dma_start3A_196 = arith.constant 0 : i32
        %dma_start3A_197 = tpu.memref_slice %arg7[%add3A_184, %dma_start3A_196] : memref<32x80xi32, #tpu.memory_space<vmem>> -> memref<1x80xi32, #tpu.memory_space<vmem>>
        %dma_start3A_198 = tpu.memref_squeeze %dma_start3A_197 : memref<1x80xi32, #tpu.memory_space<vmem>> -> memref<80xi32, #tpu.memory_space<vmem>>
        %dma_start3A_199 = arith.constant 0 : i32
        %dma_start3A_200 = arith.constant 0 : i32
        %dma_start3A_201 = tpu.memref_slice %arg12[%dma_start3A_199, %dma_start3A_200] : memref<10112x128xf32, #tpu.memory_space<vmem_shared>> -> memref<10112x128xf32, #tpu.memory_space<vmem_shared>>
        tpu.enqueue_indirect_dma source(%arg10 : memref<80x128xf32, #tpu.memory_space<vmem>>) target(%dma_start3A_201 : memref<10112x128xf32, #tpu.memory_space<vmem_shared>>) offsets(%dma_start3A_198 : memref<80xi32, #tpu.memory_space<vmem>>) semaphore(%arg19 : memref<!tpu.dma_semaphore, #tpu.memory_space<semaphore_mem>>) {add = true}
        %add3A_202 = arith.constant 3 : i32
        %add3A_203 = arith.addi %add3A_184, %add3A_202 : i32
        %lt3A_204 = arith.constant 32 : i32
        %lt3A_205 = arith.cmpi slt, %add3A_203, %lt3A_204 : i32
        %convert_element_type3A_206 = arith.extui %lt3A_205 : i1 to i32
        %cond3A_207 = arith.constant 0 : i32
        %cond3A_208 = arith.cmpi ne, %convert_element_type3A_206, %cond3A_207 : i32
        scf.if %cond3A_208 {
          %add3A_237 = arith.constant 3 : i32
          %add3A_238 = arith.addi %add3A_184, %add3A_237 : i32
          %dma_start3A_239 = arith.constant 0 : i32
          %dma_start3A_240 = tpu.memref_slice %arg6[%add3A_238, %dma_start3A_239] : memref<32x80xi32, #tpu.memory_space<vmem>> -> memref<1x80xi32, #tpu.memory_space<vmem>>
          %dma_start3A_241 = tpu.memref_squeeze %dma_start3A_240 : memref<1x80xi32, #tpu.memory_space<vmem>> -> memref<80xi32, #tpu.memory_space<vmem>>
          %dma_start3A_242 = arith.constant 0 : i32
          %dma_start3A_243 = arith.constant 0 : i32
          %dma_start3A_244 = tpu.memref_slice %arg2[%dma_start3A_242, %dma_start3A_243] : memref<10000x128xf32, #tpu.memory_space<hbm>> -> memref<10000x128xf32, #tpu.memory_space<hbm>>
          tpu.enqueue_indirect_dma source(%dma_start3A_244 : memref<10000x128xf32, #tpu.memory_space<hbm>>) target(%arg9 : memref<80x128xf32, #tpu.memory_space<vmem>>) offsets(%dma_start3A_241 : memref<80xi32, #tpu.memory_space<vmem>>) semaphore(%arg14 : memref<!tpu.dma_semaphore, #tpu.memory_space<semaphore_mem>>)
        } else {
        }
        %mul3A_209 = arith.constant 4 : i32
        %mul3A_210 = arith.muli %mul3A_209, %scan3A_125 : i32
        %add3A_211 = arith.constant 3 : i32
        %add3A_212 = arith.addi %mul3A_210, %add3A_211 : i32
        %ge3A_213 = arith.constant 1 : i32
        %ge3A_214 = arith.cmpi sge, %add3A_212, %ge3A_213 : i32
        %convert_element_type3A_215 = arith.extui %ge3A_214 : i1 to i32
        %cond3A_216 = arith.constant 0 : i32
        %cond3A_217 = arith.cmpi ne, %convert_element_type3A_215, %cond3A_216 : i32
        scf.if %cond3A_217 {
          %sub3A = arith.constant 1 : i32
          %sub3A_237 = arith.subi %add3A_212, %sub3A : i32
          %dma_wait3A_238 = arith.constant 0 : i32
          %dma_wait3A_239 = tpu.memref_slice %arg7[%sub3A_237, %dma_wait3A_238] : memref<32x80xi32, #tpu.memory_space<vmem>> -> memref<1x80xi32, #tpu.memory_space<vmem>>
          %dma_wait3A_240 = tpu.memref_squeeze %dma_wait3A_239 : memref<1x80xi32, #tpu.memory_space<vmem>> -> memref<80xi32, #tpu.memory_space<vmem>>
          %dma_wait3A_241 = arith.constant 0 : i32
          %dma_wait3A_242 = arith.constant 0 : i32
          %dma_wait3A_243 = tpu.memref_slice %arg12[%dma_wait3A_241, %dma_wait3A_242] : memref<10112x128xf32, #tpu.memory_space<vmem_shared>> -> memref<10112x128xf32, #tpu.memory_space<vmem_shared>>
          tpu.wait_indirect_dma semaphore(%arg19 : memref<!tpu.dma_semaphore, #tpu.memory_space<semaphore_mem>>) src(%arg10 : memref<80x128xf32, #tpu.memory_space<vmem>>) dst(%dma_wait3A_243 : memref<10112x128xf32, #tpu.memory_space<vmem_shared>>)
        } else {
        }
        %dma_wait3A_218 = arith.constant 0 : i32
        %dma_wait3A_219 = tpu.memref_slice %arg6[%add3A_212, %dma_wait3A_218] : memref<32x80xi32, #tpu.memory_space<vmem>> -> memref<1x80xi32, #tpu.memory_space<vmem>>
        %dma_wait3A_220 = tpu.memref_squeeze %dma_wait3A_219 : memref<1x80xi32, #tpu.memory_space<vmem>> -> memref<80xi32, #tpu.memory_space<vmem>>
        %dma_wait3A_221 = arith.constant 0 : i32
        %dma_wait3A_222 = arith.constant 0 : i32
        %dma_wait3A_223 = tpu.memref_slice %arg2[%dma_wait3A_221, %dma_wait3A_222] : memref<10000x128xf32, #tpu.memory_space<hbm>> -> memref<10000x128xf32, #tpu.memory_space<hbm>>
        tpu.wait_indirect_dma semaphore(%arg16 : memref<!tpu.dma_semaphore, #tpu.memory_space<semaphore_mem>>) src(%dma_wait3A_223 : memref<10000x128xf32, #tpu.memory_space<hbm>>) dst(%arg11 : memref<80x128xf32, #tpu.memory_space<vmem>>)
        %dma_start3A_224 = arith.constant 0 : i32
        %dma_start3A_225 = tpu.memref_slice %arg7[%add3A_212, %dma_start3A_224] : memref<32x80xi32, #tpu.memory_space<vmem>> -> memref<1x80xi32, #tpu.memory_space<vmem>>
        %dma_start3A_226 = tpu.memref_squeeze %dma_start3A_225 : memref<1x80xi32, #tpu.memory_space<vmem>> -> memref<80xi32, #tpu.memory_space<vmem>>
        %dma_start3A_227 = arith.constant 0 : i32
        %dma_start3A_228 = arith.constant 0 : i32
        %dma_start3A_229 = tpu.memref_slice %arg12[%dma_start3A_227, %dma_start3A_228] : memref<10112x128xf32, #tpu.memory_space<vmem_shared>> -> memref<10112x128xf32, #tpu.memory_space<vmem_shared>>
        tpu.enqueue_indirect_dma source(%arg11 : memref<80x128xf32, #tpu.memory_space<vmem>>) target(%dma_start3A_229 : memref<10112x128xf32, #tpu.memory_space<vmem_shared>>) offsets(%dma_start3A_226 : memref<80xi32, #tpu.memory_space<vmem>>) semaphore(%arg20 : memref<!tpu.dma_semaphore, #tpu.memory_space<semaphore_mem>>) {add = true}
        %add3A_230 = arith.constant 3 : i32
        %add3A_231 = arith.addi %add3A_212, %add3A_230 : i32
        %lt3A_232 = arith.constant 32 : i32
        %lt3A_233 = arith.cmpi slt, %add3A_231, %lt3A_232 : i32
        %convert_element_type3A_234 = arith.extui %lt3A_233 : i1 to i32
        %cond3A_235 = arith.constant 0 : i32
        %cond3A_236 = arith.cmpi ne, %convert_element_type3A_234, %cond3A_235 : i32
        scf.if %cond3A_236 {
          %add3A_237 = arith.constant 3 : i32
          %add3A_238 = arith.addi %add3A_212, %add3A_237 : i32
          %dma_start3A_239 = arith.constant 0 : i32
          %dma_start3A_240 = tpu.memref_slice %arg6[%add3A_238, %dma_start3A_239] : memref<32x80xi32, #tpu.memory_space<vmem>> -> memref<1x80xi32, #tpu.memory_space<vmem>>
          %dma_start3A_241 = tpu.memref_squeeze %dma_start3A_240 : memref<1x80xi32, #tpu.memory_space<vmem>> -> memref<80xi32, #tpu.memory_space<vmem>>
          %dma_start3A_242 = arith.constant 0 : i32
          %dma_start3A_243 = arith.constant 0 : i32
          %dma_start3A_244 = tpu.memref_slice %arg2[%dma_start3A_242, %dma_start3A_243] : memref<10000x128xf32, #tpu.memory_space<hbm>> -> memref<10000x128xf32, #tpu.memory_space<hbm>>
          tpu.enqueue_indirect_dma source(%dma_start3A_244 : memref<10000x128xf32, #tpu.memory_space<hbm>>) target(%arg10 : memref<80x128xf32, #tpu.memory_space<vmem>>) offsets(%dma_start3A_241 : memref<80xi32, #tpu.memory_space<vmem>>) semaphore(%arg15 : memref<!tpu.dma_semaphore, #tpu.memory_space<semaphore_mem>>)
        } else {
        }
      }
      %scan3A_118 = arith.constant 8 : i32
      %dma_wait3A = arith.constant 31 : i32
      %dma_wait3A_119 = arith.constant 0 : i32
      %dma_wait3A_120 = tpu.memref_slice %arg7[%dma_wait3A, %dma_wait3A_119] : memref<32x80xi32, #tpu.memory_space<vmem>> -> memref<1x80xi32, #tpu.memory_space<vmem>>
      %dma_wait3A_121 = tpu.memref_squeeze %dma_wait3A_120 : memref<1x80xi32, #tpu.memory_space<vmem>> -> memref<80xi32, #tpu.memory_space<vmem>>
      %dma_wait3A_122 = arith.constant 0 : i32
      %dma_wait3A_123 = arith.constant 0 : i32
      %dma_wait3A_124 = tpu.memref_slice %arg12[%dma_wait3A_122, %dma_wait3A_123] : memref<10112x128xf32, #tpu.memory_space<vmem_shared>> -> memref<10112x128xf32, #tpu.memory_space<vmem_shared>>
      tpu.wait_indirect_dma semaphore(%arg20 : memref<!tpu.dma_semaphore, #tpu.memory_space<semaphore_mem>>) src(%arg11 : memref<80x128xf32, #tpu.memory_space<vmem>>) dst(%dma_wait3A_124 : memref<10112x128xf32, #tpu.memory_space<vmem_shared>>)
    } else {
    }
    "tpu.trace_stop"() : () -> ()
    "tpu.trace_start"() <{level = 10 : i32, message = "edges_2"}> : () -> ()
    %mul3A_60 = arith.constant 4 : i32
    %mul3A_61 = arith.muli %add3A, %mul3A_60 : i32
    %add3A_62 = arith.constant 2 : i32
    %add3A_63 = arith.addi %mul3A_61, %add3A_62 : i32
    %lt3A_64 = arith.constant 125 : i32
    %lt3A_65 = arith.cmpi slt, %add3A_63, %lt3A_64 : i32
    %convert_element_type3A_66 = arith.extui %lt3A_65 : i1 to i32
    %cond3A_67 = arith.constant 0 : i32
    %cond3A_68 = arith.cmpi ne, %convert_element_type3A_66, %cond3A_67 : i32
    scf.if %cond3A_68 {
      %mul3A_88 = arith.constant 32 : i32
      %mul3A_89 = arith.muli %add3A_63, %mul3A_88 : i32
      %run_scoped3A = arith.constant 0 : i32
      "tpu.region"() ({
        %run_scoped3A_125 = tpu.sem_alloc : memref<!tpu.dma_semaphore, #tpu.memory_space<semaphore_mem>>
        %dma_start3A_126 = arith.constant 0 : i32
        %dma_start3A_127 = tpu.memref_slice %arg3[%run_scoped3A, %mul3A_89, %dma_start3A_126] : memref<2x4000x80xi32, #tpu.memory_space<hbm>> -> memref<1x32x80xi32, #tpu.memory_space<hbm>>
        %dma_start3A_128 = tpu.memref_squeeze %dma_start3A_127 : memref<1x32x80xi32, #tpu.memory_space<hbm>> -> memref<32x80xi32, #tpu.memory_space<hbm>>
        %dma_start3A_129 = arith.constant 0 : i32
        %dma_start3A_130 = tpu.memref_slice %arg3[%run_scoped3A, %mul3A_89, %dma_start3A_129] : memref<2x4000x80xi32, #tpu.memory_space<hbm>> -> memref<1x32x80xi32, #tpu.memory_space<hbm>>
        %dma_start3A_131 = tpu.memref_squeeze %dma_start3A_130 : memref<1x32x80xi32, #tpu.memory_space<hbm>> -> memref<32x80xi32, #tpu.memory_space<hbm>>
        tpu.enqueue_dma source(%dma_start3A_131 : memref<32x80xi32, #tpu.memory_space<hbm>>) target(%arg6 : memref<32x80xi32, #tpu.memory_space<vmem>>) target_semaphore(%run_scoped3A_125 : memref<!tpu.dma_semaphore, #tpu.memory_space<semaphore_mem>>)
        %dma_wait3A_132 = arith.constant 0 : i32
        %dma_wait3A_133 = tpu.memref_slice %arg3[%run_scoped3A, %mul3A_89, %dma_wait3A_132] : memref<2x4000x80xi32, #tpu.memory_space<hbm>> -> memref<1x32x80xi32, #tpu.memory_space<hbm>>
        %dma_wait3A_134 = tpu.memref_squeeze %dma_wait3A_133 : memref<1x32x80xi32, #tpu.memory_space<hbm>> -> memref<32x80xi32, #tpu.memory_space<hbm>>
        %dma_wait3A_135 = arith.constant 0 : i32
        %dma_wait3A_136 = tpu.memref_slice %arg3[%run_scoped3A, %mul3A_89, %dma_wait3A_135] : memref<2x4000x80xi32, #tpu.memory_space<hbm>> -> memref<1x32x80xi32, #tpu.memory_space<hbm>>
        %dma_wait3A_137 = tpu.memref_squeeze %dma_wait3A_136 : memref<1x32x80xi32, #tpu.memory_space<hbm>> -> memref<32x80xi32, #tpu.memory_space<hbm>>
        tpu.wait_dma2 semaphore(%run_scoped3A_125 : memref<!tpu.dma_semaphore, #tpu.memory_space<semaphore_mem>>) src(%dma_wait3A_137 : memref<32x80xi32, #tpu.memory_space<hbm>>) dst(%arg6 : memref<32x80xi32, #tpu.memory_space<vmem>>)
        tpu.yield
      }) : () -> ()
      %mul3A_90 = arith.constant 32 : i32
      %mul3A_91 = arith.muli %add3A_63, %mul3A_90 : i32
      %run_scoped3A_92 = arith.constant 1 : i32
      "tpu.region"() ({
        %run_scoped3A_125 = tpu.sem_alloc : memref<!tpu.dma_semaphore, #tpu.memory_space<semaphore_mem>>
        %dma_start3A_126 = arith.constant 0 : i32
        %dma_start3A_127 = tpu.memref_slice %arg3[%run_scoped3A_92, %mul3A_91, %dma_start3A_126] : memref<2x4000x80xi32, #tpu.memory_space<hbm>> -> memref<1x32x80xi32, #tpu.memory_space<hbm>>
        %dma_start3A_128 = tpu.memref_squeeze %dma_start3A_127 : memref<1x32x80xi32, #tpu.memory_space<hbm>> -> memref<32x80xi32, #tpu.memory_space<hbm>>
        %dma_start3A_129 = arith.constant 0 : i32
        %dma_start3A_130 = tpu.memref_slice %arg3[%run_scoped3A_92, %mul3A_91, %dma_start3A_129] : memref<2x4000x80xi32, #tpu.memory_space<hbm>> -> memref<1x32x80xi32, #tpu.memory_space<hbm>>
        %dma_start3A_131 = tpu.memref_squeeze %dma_start3A_130 : memref<1x32x80xi32, #tpu.memory_space<hbm>> -> memref<32x80xi32, #tpu.memory_space<hbm>>
        tpu.enqueue_dma source(%dma_start3A_131 : memref<32x80xi32, #tpu.memory_space<hbm>>) target(%arg7 : memref<32x80xi32, #tpu.memory_space<vmem>>) target_semaphore(%run_scoped3A_125 : memref<!tpu.dma_semaphore, #tpu.memory_space<semaphore_mem>>)
        %dma_wait3A_132 = arith.constant 0 : i32
        %dma_wait3A_133 = tpu.memref_slice %arg3[%run_scoped3A_92, %mul3A_91, %dma_wait3A_132] : memref<2x4000x80xi32, #tpu.memory_space<hbm>> -> memref<1x32x80xi32, #tpu.memory_space<hbm>>
        %dma_wait3A_134 = tpu.memref_squeeze %dma_wait3A_133 : memref<1x32x80xi32, #tpu.memory_space<hbm>> -> memref<32x80xi32, #tpu.memory_space<hbm>>
        %dma_wait3A_135 = arith.constant 0 : i32
        %dma_wait3A_136 = tpu.memref_slice %arg3[%run_scoped3A_92, %mul3A_91, %dma_wait3A_135] : memref<2x4000x80xi32, #tpu.memory_space<hbm>> -> memref<1x32x80xi32, #tpu.memory_space<hbm>>
        %dma_wait3A_137 = tpu.memref_squeeze %dma_wait3A_136 : memref<1x32x80xi32, #tpu.memory_space<hbm>> -> memref<32x80xi32, #tpu.memory_space<hbm>>
        tpu.wait_dma2 semaphore(%run_scoped3A_125 : memref<!tpu.dma_semaphore, #tpu.memory_space<semaphore_mem>>) src(%dma_wait3A_137 : memref<32x80xi32, #tpu.memory_space<hbm>>) dst(%arg7 : memref<32x80xi32, #tpu.memory_space<vmem>>)
        tpu.yield
      }) : () -> ()
      %dma_start3A = arith.constant 0 : i32
      %dma_start3A_93 = arith.constant 0 : i32
      %dma_start3A_94 = tpu.memref_slice %arg6[%dma_start3A, %dma_start3A_93] : memref<32x80xi32, #tpu.memory_space<vmem>> -> memref<1x80xi32, #tpu.memory_space<vmem>>
      %dma_start3A_95 = tpu.memref_squeeze %dma_start3A_94 : memref<1x80xi32, #tpu.memory_space<vmem>> -> memref<80xi32, #tpu.memory_space<vmem>>
      %dma_start3A_96 = arith.constant 0 : i32
      %dma_start3A_97 = arith.constant 0 : i32
      %dma_start3A_98 = tpu.memref_slice %arg2[%dma_start3A_96, %dma_start3A_97] : memref<10000x128xf32, #tpu.memory_space<hbm>> -> memref<10000x128xf32, #tpu.memory_space<hbm>>
      tpu.enqueue_indirect_dma source(%dma_start3A_98 : memref<10000x128xf32, #tpu.memory_space<hbm>>) target(%arg8 : memref<80x128xf32, #tpu.memory_space<vmem>>) offsets(%dma_start3A_95 : memref<80xi32, #tpu.memory_space<vmem>>) semaphore(%arg13 : memref<!tpu.dma_semaphore, #tpu.memory_space<semaphore_mem>>)
      %dma_start3A_99 = arith.constant 1 : i32
      %dma_start3A_100 = arith.constant 0 : i32
      %dma_start3A_101 = tpu.memref_slice %arg6[%dma_start3A_99, %dma_start3A_100] : memref<32x80xi32, #tpu.memory_space<vmem>> -> memref<1x80xi32, #tpu.memory_space<vmem>>
      %dma_start3A_102 = tpu.memref_squeeze %dma_start3A_101 : memref<1x80xi32, #tpu.memory_space<vmem>> -> memref<80xi32, #tpu.memory_space<vmem>>
      %dma_start3A_103 = arith.constant 0 : i32
      %dma_start3A_104 = arith.constant 0 : i32
      %dma_start3A_105 = tpu.memref_slice %arg2[%dma_start3A_103, %dma_start3A_104] : memref<10000x128xf32, #tpu.memory_space<hbm>> -> memref<10000x128xf32, #tpu.memory_space<hbm>>
      tpu.enqueue_indirect_dma source(%dma_start3A_105 : memref<10000x128xf32, #tpu.memory_space<hbm>>) target(%arg9 : memref<80x128xf32, #tpu.memory_space<vmem>>) offsets(%dma_start3A_102 : memref<80xi32, #tpu.memory_space<vmem>>) semaphore(%arg14 : memref<!tpu.dma_semaphore, #tpu.memory_space<semaphore_mem>>)
      %dma_start3A_106 = arith.constant 2 : i32
      %dma_start3A_107 = arith.constant 0 : i32
      %dma_start3A_108 = tpu.memref_slice %arg6[%dma_start3A_106, %dma_start3A_107] : memref<32x80xi32, #tpu.memory_space<vmem>> -> memref<1x80xi32, #tpu.memory_space<vmem>>
      %dma_start3A_109 = tpu.memref_squeeze %dma_start3A_108 : memref<1x80xi32, #tpu.memory_space<vmem>> -> memref<80xi32, #tpu.memory_space<vmem>>
      %dma_start3A_110 = arith.constant 0 : i32
      %dma_start3A_111 = arith.constant 0 : i32
      %dma_start3A_112 = tpu.memref_slice %arg2[%dma_start3A_110, %dma_start3A_111] : memref<10000x128xf32, #tpu.memory_space<hbm>> -> memref<10000x128xf32, #tpu.memory_space<hbm>>
      tpu.enqueue_indirect_dma source(%dma_start3A_112 : memref<10000x128xf32, #tpu.memory_space<hbm>>) target(%arg10 : memref<80x128xf32, #tpu.memory_space<vmem>>) offsets(%dma_start3A_109 : memref<80xi32, #tpu.memory_space<vmem>>) semaphore(%arg15 : memref<!tpu.dma_semaphore, #tpu.memory_space<semaphore_mem>>)
      %scan3A_113 = arith.constant 0 : i32
      %scan3A_114 = arith.constant 0 : i32
      %scan3A_115 = arith.constant 8 : i32
      %scan3A_116 = arith.addi %scan3A_114, %scan3A_115 : i32
      %scan3A_117 = arith.constant 1 : i32
      scf.for %scan3A_125 = %scan3A_114 to %scan3A_116 step %scan3A_117  : i32 {
        %mul3A_126 = arith.constant 4 : i32
        %mul3A_127 = arith.muli %mul3A_126, %scan3A_125 : i32
        %add3A_128 = arith.constant 0 : i32
        %add3A_129 = arith.addi %mul3A_127, %add3A_128 : i32
        %ge3A = arith.constant 1 : i32
        %ge3A_130 = arith.cmpi sge, %add3A_129, %ge3A : i32
        %convert_element_type3A_131 = arith.extui %ge3A_130 : i1 to i32
        %cond3A_132 = arith.constant 0 : i32
        %cond3A_133 = arith.cmpi ne, %convert_element_type3A_131, %cond3A_132 : i32
        scf.if %cond3A_133 {
          %sub3A = arith.constant 1 : i32
          %sub3A_237 = arith.subi %add3A_129, %sub3A : i32
          %dma_wait3A_238 = arith.constant 0 : i32
          %dma_wait3A_239 = tpu.memref_slice %arg7[%sub3A_237, %dma_wait3A_238] : memref<32x80xi32, #tpu.memory_space<vmem>> -> memref<1x80xi32, #tpu.memory_space<vmem>>
          %dma_wait3A_240 = tpu.memref_squeeze %dma_wait3A_239 : memref<1x80xi32, #tpu.memory_space<vmem>> -> memref<80xi32, #tpu.memory_space<vmem>>
          %dma_wait3A_241 = arith.constant 0 : i32
          %dma_wait3A_242 = arith.constant 0 : i32
          %dma_wait3A_243 = tpu.memref_slice %arg12[%dma_wait3A_241, %dma_wait3A_242] : memref<10112x128xf32, #tpu.memory_space<vmem_shared>> -> memref<10112x128xf32, #tpu.memory_space<vmem_shared>>
          tpu.wait_indirect_dma semaphore(%arg20 : memref<!tpu.dma_semaphore, #tpu.memory_space<semaphore_mem>>) src(%arg11 : memref<80x128xf32, #tpu.memory_space<vmem>>) dst(%dma_wait3A_243 : memref<10112x128xf32, #tpu.memory_space<vmem_shared>>)
        } else {
        }
        %dma_wait3A_134 = arith.constant 0 : i32
        %dma_wait3A_135 = tpu.memref_slice %arg6[%add3A_129, %dma_wait3A_134] : memref<32x80xi32, #tpu.memory_space<vmem>> -> memref<1x80xi32, #tpu.memory_space<vmem>>
        %dma_wait3A_136 = tpu.memref_squeeze %dma_wait3A_135 : memref<1x80xi32, #tpu.memory_space<vmem>> -> memref<80xi32, #tpu.memory_space<vmem>>
        %dma_wait3A_137 = arith.constant 0 : i32
        %dma_wait3A_138 = arith.constant 0 : i32
        %dma_wait3A_139 = tpu.memref_slice %arg2[%dma_wait3A_137, %dma_wait3A_138] : memref<10000x128xf32, #tpu.memory_space<hbm>> -> memref<10000x128xf32, #tpu.memory_space<hbm>>
        tpu.wait_indirect_dma semaphore(%arg13 : memref<!tpu.dma_semaphore, #tpu.memory_space<semaphore_mem>>) src(%dma_wait3A_139 : memref<10000x128xf32, #tpu.memory_space<hbm>>) dst(%arg8 : memref<80x128xf32, #tpu.memory_space<vmem>>)
        %dma_start3A_140 = arith.constant 0 : i32
        %dma_start3A_141 = tpu.memref_slice %arg7[%add3A_129, %dma_start3A_140] : memref<32x80xi32, #tpu.memory_space<vmem>> -> memref<1x80xi32, #tpu.memory_space<vmem>>
        %dma_start3A_142 = tpu.memref_squeeze %dma_start3A_141 : memref<1x80xi32, #tpu.memory_space<vmem>> -> memref<80xi32, #tpu.memory_space<vmem>>
        %dma_start3A_143 = arith.constant 0 : i32
        %dma_start3A_144 = arith.constant 0 : i32
        %dma_start3A_145 = tpu.memref_slice %arg12[%dma_start3A_143, %dma_start3A_144] : memref<10112x128xf32, #tpu.memory_space<vmem_shared>> -> memref<10112x128xf32, #tpu.memory_space<vmem_shared>>
        tpu.enqueue_indirect_dma source(%arg8 : memref<80x128xf32, #tpu.memory_space<vmem>>) target(%dma_start3A_145 : memref<10112x128xf32, #tpu.memory_space<vmem_shared>>) offsets(%dma_start3A_142 : memref<80xi32, #tpu.memory_space<vmem>>) semaphore(%arg17 : memref<!tpu.dma_semaphore, #tpu.memory_space<semaphore_mem>>) {add = true}
        %add3A_146 = arith.constant 3 : i32
        %add3A_147 = arith.addi %add3A_129, %add3A_146 : i32
        %lt3A_148 = arith.constant 32 : i32
        %lt3A_149 = arith.cmpi slt, %add3A_147, %lt3A_148 : i32
        %convert_element_type3A_150 = arith.extui %lt3A_149 : i1 to i32
        %cond3A_151 = arith.constant 0 : i32
        %cond3A_152 = arith.cmpi ne, %convert_element_type3A_150, %cond3A_151 : i32
        scf.if %cond3A_152 {
          %add3A_237 = arith.constant 3 : i32
          %add3A_238 = arith.addi %add3A_129, %add3A_237 : i32
          %dma_start3A_239 = arith.constant 0 : i32
          %dma_start3A_240 = tpu.memref_slice %arg6[%add3A_238, %dma_start3A_239] : memref<32x80xi32, #tpu.memory_space<vmem>> -> memref<1x80xi32, #tpu.memory_space<vmem>>
          %dma_start3A_241 = tpu.memref_squeeze %dma_start3A_240 : memref<1x80xi32, #tpu.memory_space<vmem>> -> memref<80xi32, #tpu.memory_space<vmem>>
          %dma_start3A_242 = arith.constant 0 : i32
          %dma_start3A_243 = arith.constant 0 : i32
          %dma_start3A_244 = tpu.memref_slice %arg2[%dma_start3A_242, %dma_start3A_243] : memref<10000x128xf32, #tpu.memory_space<hbm>> -> memref<10000x128xf32, #tpu.memory_space<hbm>>
          tpu.enqueue_indirect_dma source(%dma_start3A_244 : memref<10000x128xf32, #tpu.memory_space<hbm>>) target(%arg11 : memref<80x128xf32, #tpu.memory_space<vmem>>) offsets(%dma_start3A_241 : memref<80xi32, #tpu.memory_space<vmem>>) semaphore(%arg16 : memref<!tpu.dma_semaphore, #tpu.memory_space<semaphore_mem>>)
        } else {
        }
        %mul3A_153 = arith.constant 4 : i32
        %mul3A_154 = arith.muli %mul3A_153, %scan3A_125 : i32
        %add3A_155 = arith.constant 1 : i32
        %add3A_156 = arith.addi %mul3A_154, %add3A_155 : i32
        %ge3A_157 = arith.constant 1 : i32
        %ge3A_158 = arith.cmpi sge, %add3A_156, %ge3A_157 : i32
        %convert_element_type3A_159 = arith.extui %ge3A_158 : i1 to i32
        %cond3A_160 = arith.constant 0 : i32
        %cond3A_161 = arith.cmpi ne, %convert_element_type3A_159, %cond3A_160 : i32
        scf.if %cond3A_161 {
          %sub3A = arith.constant 1 : i32
          %sub3A_237 = arith.subi %add3A_156, %sub3A : i32
          %dma_wait3A_238 = arith.constant 0 : i32
          %dma_wait3A_239 = tpu.memref_slice %arg7[%sub3A_237, %dma_wait3A_238] : memref<32x80xi32, #tpu.memory_space<vmem>> -> memref<1x80xi32, #tpu.memory_space<vmem>>
          %dma_wait3A_240 = tpu.memref_squeeze %dma_wait3A_239 : memref<1x80xi32, #tpu.memory_space<vmem>> -> memref<80xi32, #tpu.memory_space<vmem>>
          %dma_wait3A_241 = arith.constant 0 : i32
          %dma_wait3A_242 = arith.constant 0 : i32
          %dma_wait3A_243 = tpu.memref_slice %arg12[%dma_wait3A_241, %dma_wait3A_242] : memref<10112x128xf32, #tpu.memory_space<vmem_shared>> -> memref<10112x128xf32, #tpu.memory_space<vmem_shared>>
          tpu.wait_indirect_dma semaphore(%arg17 : memref<!tpu.dma_semaphore, #tpu.memory_space<semaphore_mem>>) src(%arg8 : memref<80x128xf32, #tpu.memory_space<vmem>>) dst(%dma_wait3A_243 : memref<10112x128xf32, #tpu.memory_space<vmem_shared>>)
        } else {
        }
        %dma_wait3A_162 = arith.constant 0 : i32
        %dma_wait3A_163 = tpu.memref_slice %arg6[%add3A_156, %dma_wait3A_162] : memref<32x80xi32, #tpu.memory_space<vmem>> -> memref<1x80xi32, #tpu.memory_space<vmem>>
        %dma_wait3A_164 = tpu.memref_squeeze %dma_wait3A_163 : memref<1x80xi32, #tpu.memory_space<vmem>> -> memref<80xi32, #tpu.memory_space<vmem>>
        %dma_wait3A_165 = arith.constant 0 : i32
        %dma_wait3A_166 = arith.constant 0 : i32
        %dma_wait3A_167 = tpu.memref_slice %arg2[%dma_wait3A_165, %dma_wait3A_166] : memref<10000x128xf32, #tpu.memory_space<hbm>> -> memref<10000x128xf32, #tpu.memory_space<hbm>>
        tpu.wait_indirect_dma semaphore(%arg14 : memref<!tpu.dma_semaphore, #tpu.memory_space<semaphore_mem>>) src(%dma_wait3A_167 : memref<10000x128xf32, #tpu.memory_space<hbm>>) dst(%arg9 : memref<80x128xf32, #tpu.memory_space<vmem>>)
        %dma_start3A_168 = arith.constant 0 : i32
        %dma_start3A_169 = tpu.memref_slice %arg7[%add3A_156, %dma_start3A_168] : memref<32x80xi32, #tpu.memory_space<vmem>> -> memref<1x80xi32, #tpu.memory_space<vmem>>
        %dma_start3A_170 = tpu.memref_squeeze %dma_start3A_169 : memref<1x80xi32, #tpu.memory_space<vmem>> -> memref<80xi32, #tpu.memory_space<vmem>>
        %dma_start3A_171 = arith.constant 0 : i32
        %dma_start3A_172 = arith.constant 0 : i32
        %dma_start3A_173 = tpu.memref_slice %arg12[%dma_start3A_171, %dma_start3A_172] : memref<10112x128xf32, #tpu.memory_space<vmem_shared>> -> memref<10112x128xf32, #tpu.memory_space<vmem_shared>>
        tpu.enqueue_indirect_dma source(%arg9 : memref<80x128xf32, #tpu.memory_space<vmem>>) target(%dma_start3A_173 : memref<10112x128xf32, #tpu.memory_space<vmem_shared>>) offsets(%dma_start3A_170 : memref<80xi32, #tpu.memory_space<vmem>>) semaphore(%arg18 : memref<!tpu.dma_semaphore, #tpu.memory_space<semaphore_mem>>) {add = true}
        %add3A_174 = arith.constant 3 : i32
        %add3A_175 = arith.addi %add3A_156, %add3A_174 : i32
        %lt3A_176 = arith.constant 32 : i32
        %lt3A_177 = arith.cmpi slt, %add3A_175, %lt3A_176 : i32
        %convert_element_type3A_178 = arith.extui %lt3A_177 : i1 to i32
        %cond3A_179 = arith.constant 0 : i32
        %cond3A_180 = arith.cmpi ne, %convert_element_type3A_178, %cond3A_179 : i32
        scf.if %cond3A_180 {
          %add3A_237 = arith.constant 3 : i32
          %add3A_238 = arith.addi %add3A_156, %add3A_237 : i32
          %dma_start3A_239 = arith.constant 0 : i32
          %dma_start3A_240 = tpu.memref_slice %arg6[%add3A_238, %dma_start3A_239] : memref<32x80xi32, #tpu.memory_space<vmem>> -> memref<1x80xi32, #tpu.memory_space<vmem>>
          %dma_start3A_241 = tpu.memref_squeeze %dma_start3A_240 : memref<1x80xi32, #tpu.memory_space<vmem>> -> memref<80xi32, #tpu.memory_space<vmem>>
          %dma_start3A_242 = arith.constant 0 : i32
          %dma_start3A_243 = arith.constant 0 : i32
          %dma_start3A_244 = tpu.memref_slice %arg2[%dma_start3A_242, %dma_start3A_243] : memref<10000x128xf32, #tpu.memory_space<hbm>> -> memref<10000x128xf32, #tpu.memory_space<hbm>>
          tpu.enqueue_indirect_dma source(%dma_start3A_244 : memref<10000x128xf32, #tpu.memory_space<hbm>>) target(%arg8 : memref<80x128xf32, #tpu.memory_space<vmem>>) offsets(%dma_start3A_241 : memref<80xi32, #tpu.memory_space<vmem>>) semaphore(%arg13 : memref<!tpu.dma_semaphore, #tpu.memory_space<semaphore_mem>>)
        } else {
        }
        %mul3A_181 = arith.constant 4 : i32
        %mul3A_182 = arith.muli %mul3A_181, %scan3A_125 : i32
        %add3A_183 = arith.constant 2 : i32
        %add3A_184 = arith.addi %mul3A_182, %add3A_183 : i32
        %ge3A_185 = arith.constant 1 : i32
        %ge3A_186 = arith.cmpi sge, %add3A_184, %ge3A_185 : i32
        %convert_element_type3A_187 = arith.extui %ge3A_186 : i1 to i32
        %cond3A_188 = arith.constant 0 : i32
        %cond3A_189 = arith.cmpi ne, %convert_element_type3A_187, %cond3A_188 : i32
        scf.if %cond3A_189 {
          %sub3A = arith.constant 1 : i32
          %sub3A_237 = arith.subi %add3A_184, %sub3A : i32
          %dma_wait3A_238 = arith.constant 0 : i32
          %dma_wait3A_239 = tpu.memref_slice %arg7[%sub3A_237, %dma_wait3A_238] : memref<32x80xi32, #tpu.memory_space<vmem>> -> memref<1x80xi32, #tpu.memory_space<vmem>>
          %dma_wait3A_240 = tpu.memref_squeeze %dma_wait3A_239 : memref<1x80xi32, #tpu.memory_space<vmem>> -> memref<80xi32, #tpu.memory_space<vmem>>
          %dma_wait3A_241 = arith.constant 0 : i32
          %dma_wait3A_242 = arith.constant 0 : i32
          %dma_wait3A_243 = tpu.memref_slice %arg12[%dma_wait3A_241, %dma_wait3A_242] : memref<10112x128xf32, #tpu.memory_space<vmem_shared>> -> memref<10112x128xf32, #tpu.memory_space<vmem_shared>>
          tpu.wait_indirect_dma semaphore(%arg18 : memref<!tpu.dma_semaphore, #tpu.memory_space<semaphore_mem>>) src(%arg9 : memref<80x128xf32, #tpu.memory_space<vmem>>) dst(%dma_wait3A_243 : memref<10112x128xf32, #tpu.memory_space<vmem_shared>>)
        } else {
        }
        %dma_wait3A_190 = arith.constant 0 : i32
        %dma_wait3A_191 = tpu.memref_slice %arg6[%add3A_184, %dma_wait3A_190] : memref<32x80xi32, #tpu.memory_space<vmem>> -> memref<1x80xi32, #tpu.memory_space<vmem>>
        %dma_wait3A_192 = tpu.memref_squeeze %dma_wait3A_191 : memref<1x80xi32, #tpu.memory_space<vmem>> -> memref<80xi32, #tpu.memory_space<vmem>>
        %dma_wait3A_193 = arith.constant 0 : i32
        %dma_wait3A_194 = arith.constant 0 : i32
        %dma_wait3A_195 = tpu.memref_slice %arg2[%dma_wait3A_193, %dma_wait3A_194] : memref<10000x128xf32, #tpu.memory_space<hbm>> -> memref<10000x128xf32, #tpu.memory_space<hbm>>
        tpu.wait_indirect_dma semaphore(%arg15 : memref<!tpu.dma_semaphore, #tpu.memory_space<semaphore_mem>>) src(%dma_wait3A_195 : memref<10000x128xf32, #tpu.memory_space<hbm>>) dst(%arg10 : memref<80x128xf32, #tpu.memory_space<vmem>>)
        %dma_start3A_196 = arith.constant 0 : i32
        %dma_start3A_197 = tpu.memref_slice %arg7[%add3A_184, %dma_start3A_196] : memref<32x80xi32, #tpu.memory_space<vmem>> -> memref<1x80xi32, #tpu.memory_space<vmem>>
        %dma_start3A_198 = tpu.memref_squeeze %dma_start3A_197 : memref<1x80xi32, #tpu.memory_space<vmem>> -> memref<80xi32, #tpu.memory_space<vmem>>
        %dma_start3A_199 = arith.constant 0 : i32
        %dma_start3A_200 = arith.constant 0 : i32
        %dma_start3A_201 = tpu.memref_slice %arg12[%dma_start3A_199, %dma_start3A_200] : memref<10112x128xf32, #tpu.memory_space<vmem_shared>> -> memref<10112x128xf32, #tpu.memory_space<vmem_shared>>
        tpu.enqueue_indirect_dma source(%arg10 : memref<80x128xf32, #tpu.memory_space<vmem>>) target(%dma_start3A_201 : memref<10112x128xf32, #tpu.memory_space<vmem_shared>>) offsets(%dma_start3A_198 : memref<80xi32, #tpu.memory_space<vmem>>) semaphore(%arg19 : memref<!tpu.dma_semaphore, #tpu.memory_space<semaphore_mem>>) {add = true}
        %add3A_202 = arith.constant 3 : i32
        %add3A_203 = arith.addi %add3A_184, %add3A_202 : i32
        %lt3A_204 = arith.constant 32 : i32
        %lt3A_205 = arith.cmpi slt, %add3A_203, %lt3A_204 : i32
        %convert_element_type3A_206 = arith.extui %lt3A_205 : i1 to i32
        %cond3A_207 = arith.constant 0 : i32
        %cond3A_208 = arith.cmpi ne, %convert_element_type3A_206, %cond3A_207 : i32
        scf.if %cond3A_208 {
          %add3A_237 = arith.constant 3 : i32
          %add3A_238 = arith.addi %add3A_184, %add3A_237 : i32
          %dma_start3A_239 = arith.constant 0 : i32
          %dma_start3A_240 = tpu.memref_slice %arg6[%add3A_238, %dma_start3A_239] : memref<32x80xi32, #tpu.memory_space<vmem>> -> memref<1x80xi32, #tpu.memory_space<vmem>>
          %dma_start3A_241 = tpu.memref_squeeze %dma_start3A_240 : memref<1x80xi32, #tpu.memory_space<vmem>> -> memref<80xi32, #tpu.memory_space<vmem>>
          %dma_start3A_242 = arith.constant 0 : i32
          %dma_start3A_243 = arith.constant 0 : i32
          %dma_start3A_244 = tpu.memref_slice %arg2[%dma_start3A_242, %dma_start3A_243] : memref<10000x128xf32, #tpu.memory_space<hbm>> -> memref<10000x128xf32, #tpu.memory_space<hbm>>
          tpu.enqueue_indirect_dma source(%dma_start3A_244 : memref<10000x128xf32, #tpu.memory_space<hbm>>) target(%arg9 : memref<80x128xf32, #tpu.memory_space<vmem>>) offsets(%dma_start3A_241 : memref<80xi32, #tpu.memory_space<vmem>>) semaphore(%arg14 : memref<!tpu.dma_semaphore, #tpu.memory_space<semaphore_mem>>)
        } else {
        }
        %mul3A_209 = arith.constant 4 : i32
        %mul3A_210 = arith.muli %mul3A_209, %scan3A_125 : i32
        %add3A_211 = arith.constant 3 : i32
        %add3A_212 = arith.addi %mul3A_210, %add3A_211 : i32
        %ge3A_213 = arith.constant 1 : i32
        %ge3A_214 = arith.cmpi sge, %add3A_212, %ge3A_213 : i32
        %convert_element_type3A_215 = arith.extui %ge3A_214 : i1 to i32
        %cond3A_216 = arith.constant 0 : i32
        %cond3A_217 = arith.cmpi ne, %convert_element_type3A_215, %cond3A_216 : i32
        scf.if %cond3A_217 {
          %sub3A = arith.constant 1 : i32
          %sub3A_237 = arith.subi %add3A_212, %sub3A : i32
          %dma_wait3A_238 = arith.constant 0 : i32
          %dma_wait3A_239 = tpu.memref_slice %arg7[%sub3A_237, %dma_wait3A_238] : memref<32x80xi32, #tpu.memory_space<vmem>> -> memref<1x80xi32, #tpu.memory_space<vmem>>
          %dma_wait3A_240 = tpu.memref_squeeze %dma_wait3A_239 : memref<1x80xi32, #tpu.memory_space<vmem>> -> memref<80xi32, #tpu.memory_space<vmem>>
          %dma_wait3A_241 = arith.constant 0 : i32
          %dma_wait3A_242 = arith.constant 0 : i32
          %dma_wait3A_243 = tpu.memref_slice %arg12[%dma_wait3A_241, %dma_wait3A_242] : memref<10112x128xf32, #tpu.memory_space<vmem_shared>> -> memref<10112x128xf32, #tpu.memory_space<vmem_shared>>
          tpu.wait_indirect_dma semaphore(%arg19 : memref<!tpu.dma_semaphore, #tpu.memory_space<semaphore_mem>>) src(%arg10 : memref<80x128xf32, #tpu.memory_space<vmem>>) dst(%dma_wait3A_243 : memref<10112x128xf32, #tpu.memory_space<vmem_shared>>)
        } else {
        }
        %dma_wait3A_218 = arith.constant 0 : i32
        %dma_wait3A_219 = tpu.memref_slice %arg6[%add3A_212, %dma_wait3A_218] : memref<32x80xi32, #tpu.memory_space<vmem>> -> memref<1x80xi32, #tpu.memory_space<vmem>>
        %dma_wait3A_220 = tpu.memref_squeeze %dma_wait3A_219 : memref<1x80xi32, #tpu.memory_space<vmem>> -> memref<80xi32, #tpu.memory_space<vmem>>
        %dma_wait3A_221 = arith.constant 0 : i32
        %dma_wait3A_222 = arith.constant 0 : i32
        %dma_wait3A_223 = tpu.memref_slice %arg2[%dma_wait3A_221, %dma_wait3A_222] : memref<10000x128xf32, #tpu.memory_space<hbm>> -> memref<10000x128xf32, #tpu.memory_space<hbm>>
        tpu.wait_indirect_dma semaphore(%arg16 : memref<!tpu.dma_semaphore, #tpu.memory_space<semaphore_mem>>) src(%dma_wait3A_223 : memref<10000x128xf32, #tpu.memory_space<hbm>>) dst(%arg11 : memref<80x128xf32, #tpu.memory_space<vmem>>)
        %dma_start3A_224 = arith.constant 0 : i32
        %dma_start3A_225 = tpu.memref_slice %arg7[%add3A_212, %dma_start3A_224] : memref<32x80xi32, #tpu.memory_space<vmem>> -> memref<1x80xi32, #tpu.memory_space<vmem>>
        %dma_start3A_226 = tpu.memref_squeeze %dma_start3A_225 : memref<1x80xi32, #tpu.memory_space<vmem>> -> memref<80xi32, #tpu.memory_space<vmem>>
        %dma_start3A_227 = arith.constant 0 : i32
        %dma_start3A_228 = arith.constant 0 : i32
        %dma_start3A_229 = tpu.memref_slice %arg12[%dma_start3A_227, %dma_start3A_228] : memref<10112x128xf32, #tpu.memory_space<vmem_shared>> -> memref<10112x128xf32, #tpu.memory_space<vmem_shared>>
        tpu.enqueue_indirect_dma source(%arg11 : memref<80x128xf32, #tpu.memory_space<vmem>>) target(%dma_start3A_229 : memref<10112x128xf32, #tpu.memory_space<vmem_shared>>) offsets(%dma_start3A_226 : memref<80xi32, #tpu.memory_space<vmem>>) semaphore(%arg20 : memref<!tpu.dma_semaphore, #tpu.memory_space<semaphore_mem>>) {add = true}
        %add3A_230 = arith.constant 3 : i32
        %add3A_231 = arith.addi %add3A_212, %add3A_230 : i32
        %lt3A_232 = arith.constant 32 : i32
        %lt3A_233 = arith.cmpi slt, %add3A_231, %lt3A_232 : i32
        %convert_element_type3A_234 = arith.extui %lt3A_233 : i1 to i32
        %cond3A_235 = arith.constant 0 : i32
        %cond3A_236 = arith.cmpi ne, %convert_element_type3A_234, %cond3A_235 : i32
        scf.if %cond3A_236 {
          %add3A_237 = arith.constant 3 : i32
          %add3A_238 = arith.addi %add3A_212, %add3A_237 : i32
          %dma_start3A_239 = arith.constant 0 : i32
          %dma_start3A_240 = tpu.memref_slice %arg6[%add3A_238, %dma_start3A_239] : memref<32x80xi32, #tpu.memory_space<vmem>> -> memref<1x80xi32, #tpu.memory_space<vmem>>
          %dma_start3A_241 = tpu.memref_squeeze %dma_start3A_240 : memref<1x80xi32, #tpu.memory_space<vmem>> -> memref<80xi32, #tpu.memory_space<vmem>>
          %dma_start3A_242 = arith.constant 0 : i32
          %dma_start3A_243 = arith.constant 0 : i32
          %dma_start3A_244 = tpu.memref_slice %arg2[%dma_start3A_242, %dma_start3A_243] : memref<10000x128xf32, #tpu.memory_space<hbm>> -> memref<10000x128xf32, #tpu.memory_space<hbm>>
          tpu.enqueue_indirect_dma source(%dma_start3A_244 : memref<10000x128xf32, #tpu.memory_space<hbm>>) target(%arg10 : memref<80x128xf32, #tpu.memory_space<vmem>>) offsets(%dma_start3A_241 : memref<80xi32, #tpu.memory_space<vmem>>) semaphore(%arg15 : memref<!tpu.dma_semaphore, #tpu.memory_space<semaphore_mem>>)
        } else {
        }
      }
      %scan3A_118 = arith.constant 8 : i32
      %dma_wait3A = arith.constant 31 : i32
      %dma_wait3A_119 = arith.constant 0 : i32
      %dma_wait3A_120 = tpu.memref_slice %arg7[%dma_wait3A, %dma_wait3A_119] : memref<32x80xi32, #tpu.memory_space<vmem>> -> memref<1x80xi32, #tpu.memory_space<vmem>>
      %dma_wait3A_121 = tpu.memref_squeeze %dma_wait3A_120 : memref<1x80xi32, #tpu.memory_space<vmem>> -> memref<80xi32, #tpu.memory_space<vmem>>
      %dma_wait3A_122 = arith.constant 0 : i32
      %dma_wait3A_123 = arith.constant 0 : i32
      %dma_wait3A_124 = tpu.memref_slice %arg12[%dma_wait3A_122, %dma_wait3A_123] : memref<10112x128xf32, #tpu.memory_space<vmem_shared>> -> memref<10112x128xf32, #tpu.memory_space<vmem_shared>>
      tpu.wait_indirect_dma semaphore(%arg20 : memref<!tpu.dma_semaphore, #tpu.memory_space<semaphore_mem>>) src(%arg11 : memref<80x128xf32, #tpu.memory_space<vmem>>) dst(%dma_wait3A_124 : memref<10112x128xf32, #tpu.memory_space<vmem_shared>>)
    } else {
    }
    "tpu.trace_stop"() : () -> ()
    "tpu.trace_start"() <{level = 10 : i32, message = "edges_3"}> : () -> ()
    %mul3A_69 = arith.constant 4 : i32
    %mul3A_70 = arith.muli %add3A, %mul3A_69 : i32
    %add3A_71 = arith.constant 3 : i32
    %add3A_72 = arith.addi %mul3A_70, %add3A_71 : i32
    %lt3A_73 = arith.constant 125 : i32
    %lt3A_74 = arith.cmpi slt, %add3A_72, %lt3A_73 : i32
    %convert_element_type3A_75 = arith.extui %lt3A_74 : i1 to i32
    %cond3A_76 = arith.constant 0 : i32
    %cond3A_77 = arith.cmpi ne, %convert_element_type3A_75, %cond3A_76 : i32
    scf.if %cond3A_77 {
      %mul3A_88 = arith.constant 32 : i32
      %mul3A_89 = arith.muli %add3A_72, %mul3A_88 : i32
      %run_scoped3A = arith.constant 0 : i32
      "tpu.region"() ({
        %run_scoped3A_125 = tpu.sem_alloc : memref<!tpu.dma_semaphore, #tpu.memory_space<semaphore_mem>>
        %dma_start3A_126 = arith.constant 0 : i32
        %dma_start3A_127 = tpu.memref_slice %arg3[%run_scoped3A, %mul3A_89, %dma_start3A_126] : memref<2x4000x80xi32, #tpu.memory_space<hbm>> -> memref<1x32x80xi32, #tpu.memory_space<hbm>>
        %dma_start3A_128 = tpu.memref_squeeze %dma_start3A_127 : memref<1x32x80xi32, #tpu.memory_space<hbm>> -> memref<32x80xi32, #tpu.memory_space<hbm>>
        %dma_start3A_129 = arith.constant 0 : i32
        %dma_start3A_130 = tpu.memref_slice %arg3[%run_scoped3A, %mul3A_89, %dma_start3A_129] : memref<2x4000x80xi32, #tpu.memory_space<hbm>> -> memref<1x32x80xi32, #tpu.memory_space<hbm>>
        %dma_start3A_131 = tpu.memref_squeeze %dma_start3A_130 : memref<1x32x80xi32, #tpu.memory_space<hbm>> -> memref<32x80xi32, #tpu.memory_space<hbm>>
        tpu.enqueue_dma source(%dma_start3A_131 : memref<32x80xi32, #tpu.memory_space<hbm>>) target(%arg6 : memref<32x80xi32, #tpu.memory_space<vmem>>) target_semaphore(%run_scoped3A_125 : memref<!tpu.dma_semaphore, #tpu.memory_space<semaphore_mem>>)
        %dma_wait3A_132 = arith.constant 0 : i32
        %dma_wait3A_133 = tpu.memref_slice %arg3[%run_scoped3A, %mul3A_89, %dma_wait3A_132] : memref<2x4000x80xi32, #tpu.memory_space<hbm>> -> memref<1x32x80xi32, #tpu.memory_space<hbm>>
        %dma_wait3A_134 = tpu.memref_squeeze %dma_wait3A_133 : memref<1x32x80xi32, #tpu.memory_space<hbm>> -> memref<32x80xi32, #tpu.memory_space<hbm>>
        %dma_wait3A_135 = arith.constant 0 : i32
        %dma_wait3A_136 = tpu.memref_slice %arg3[%run_scoped3A, %mul3A_89, %dma_wait3A_135] : memref<2x4000x80xi32, #tpu.memory_space<hbm>> -> memref<1x32x80xi32, #tpu.memory_space<hbm>>
        %dma_wait3A_137 = tpu.memref_squeeze %dma_wait3A_136 : memref<1x32x80xi32, #tpu.memory_space<hbm>> -> memref<32x80xi32, #tpu.memory_space<hbm>>
        tpu.wait_dma2 semaphore(%run_scoped3A_125 : memref<!tpu.dma_semaphore, #tpu.memory_space<semaphore_mem>>) src(%dma_wait3A_137 : memref<32x80xi32, #tpu.memory_space<hbm>>) dst(%arg6 : memref<32x80xi32, #tpu.memory_space<vmem>>)
        tpu.yield
      }) : () -> ()
      %mul3A_90 = arith.constant 32 : i32
      %mul3A_91 = arith.muli %add3A_72, %mul3A_90 : i32
      %run_scoped3A_92 = arith.constant 1 : i32
      "tpu.region"() ({
        %run_scoped3A_125 = tpu.sem_alloc : memref<!tpu.dma_semaphore, #tpu.memory_space<semaphore_mem>>
        %dma_start3A_126 = arith.constant 0 : i32
        %dma_start3A_127 = tpu.memref_slice %arg3[%run_scoped3A_92, %mul3A_91, %dma_start3A_126] : memref<2x4000x80xi32, #tpu.memory_space<hbm>> -> memref<1x32x80xi32, #tpu.memory_space<hbm>>
        %dma_start3A_128 = tpu.memref_squeeze %dma_start3A_127 : memref<1x32x80xi32, #tpu.memory_space<hbm>> -> memref<32x80xi32, #tpu.memory_space<hbm>>
        %dma_start3A_129 = arith.constant 0 : i32
        %dma_start3A_130 = tpu.memref_slice %arg3[%run_scoped3A_92, %mul3A_91, %dma_start3A_129] : memref<2x4000x80xi32, #tpu.memory_space<hbm>> -> memref<1x32x80xi32, #tpu.memory_space<hbm>>
        %dma_start3A_131 = tpu.memref_squeeze %dma_start3A_130 : memref<1x32x80xi32, #tpu.memory_space<hbm>> -> memref<32x80xi32, #tpu.memory_space<hbm>>
        tpu.enqueue_dma source(%dma_start3A_131 : memref<32x80xi32, #tpu.memory_space<hbm>>) target(%arg7 : memref<32x80xi32, #tpu.memory_space<vmem>>) target_semaphore(%run_scoped3A_125 : memref<!tpu.dma_semaphore, #tpu.memory_space<semaphore_mem>>)
        %dma_wait3A_132 = arith.constant 0 : i32
        %dma_wait3A_133 = tpu.memref_slice %arg3[%run_scoped3A_92, %mul3A_91, %dma_wait3A_132] : memref<2x4000x80xi32, #tpu.memory_space<hbm>> -> memref<1x32x80xi32, #tpu.memory_space<hbm>>
        %dma_wait3A_134 = tpu.memref_squeeze %dma_wait3A_133 : memref<1x32x80xi32, #tpu.memory_space<hbm>> -> memref<32x80xi32, #tpu.memory_space<hbm>>
        %dma_wait3A_135 = arith.constant 0 : i32
        %dma_wait3A_136 = tpu.memref_slice %arg3[%run_scoped3A_92, %mul3A_91, %dma_wait3A_135] : memref<2x4000x80xi32, #tpu.memory_space<hbm>> -> memref<1x32x80xi32, #tpu.memory_space<hbm>>
        %dma_wait3A_137 = tpu.memref_squeeze %dma_wait3A_136 : memref<1x32x80xi32, #tpu.memory_space<hbm>> -> memref<32x80xi32, #tpu.memory_space<hbm>>
        tpu.wait_dma2 semaphore(%run_scoped3A_125 : memref<!tpu.dma_semaphore, #tpu.memory_space<semaphore_mem>>) src(%dma_wait3A_137 : memref<32x80xi32, #tpu.memory_space<hbm>>) dst(%arg7 : memref<32x80xi32, #tpu.memory_space<vmem>>)
        tpu.yield
      }) : () -> ()
      %dma_start3A = arith.constant 0 : i32
      %dma_start3A_93 = arith.constant 0 : i32
      %dma_start3A_94 = tpu.memref_slice %arg6[%dma_start3A, %dma_start3A_93] : memref<32x80xi32, #tpu.memory_space<vmem>> -> memref<1x80xi32, #tpu.memory_space<vmem>>
      %dma_start3A_95 = tpu.memref_squeeze %dma_start3A_94 : memref<1x80xi32, #tpu.memory_space<vmem>> -> memref<80xi32, #tpu.memory_space<vmem>>
      %dma_start3A_96 = arith.constant 0 : i32
      %dma_start3A_97 = arith.constant 0 : i32
      %dma_start3A_98 = tpu.memref_slice %arg2[%dma_start3A_96, %dma_start3A_97] : memref<10000x128xf32, #tpu.memory_space<hbm>> -> memref<10000x128xf32, #tpu.memory_space<hbm>>
      tpu.enqueue_indirect_dma source(%dma_start3A_98 : memref<10000x128xf32, #tpu.memory_space<hbm>>) target(%arg8 : memref<80x128xf32, #tpu.memory_space<vmem>>) offsets(%dma_start3A_95 : memref<80xi32, #tpu.memory_space<vmem>>) semaphore(%arg13 : memref<!tpu.dma_semaphore, #tpu.memory_space<semaphore_mem>>)
      %dma_start3A_99 = arith.constant 1 : i32
      %dma_start3A_100 = arith.constant 0 : i32
      %dma_start3A_101 = tpu.memref_slice %arg6[%dma_start3A_99, %dma_start3A_100] : memref<32x80xi32, #tpu.memory_space<vmem>> -> memref<1x80xi32, #tpu.memory_space<vmem>>
      %dma_start3A_102 = tpu.memref_squeeze %dma_start3A_101 : memref<1x80xi32, #tpu.memory_space<vmem>> -> memref<80xi32, #tpu.memory_space<vmem>>
      %dma_start3A_103 = arith.constant 0 : i32
      %dma_start3A_104 = arith.constant 0 : i32
      %dma_start3A_105 = tpu.memref_slice %arg2[%dma_start3A_103, %dma_start3A_104] : memref<10000x128xf32, #tpu.memory_space<hbm>> -> memref<10000x128xf32, #tpu.memory_space<hbm>>
      tpu.enqueue_indirect_dma source(%dma_start3A_105 : memref<10000x128xf32, #tpu.memory_space<hbm>>) target(%arg9 : memref<80x128xf32, #tpu.memory_space<vmem>>) offsets(%dma_start3A_102 : memref<80xi32, #tpu.memory_space<vmem>>) semaphore(%arg14 : memref<!tpu.dma_semaphore, #tpu.memory_space<semaphore_mem>>)
      %dma_start3A_106 = arith.constant 2 : i32
      %dma_start3A_107 = arith.constant 0 : i32
      %dma_start3A_108 = tpu.memref_slice %arg6[%dma_start3A_106, %dma_start3A_107] : memref<32x80xi32, #tpu.memory_space<vmem>> -> memref<1x80xi32, #tpu.memory_space<vmem>>
      %dma_start3A_109 = tpu.memref_squeeze %dma_start3A_108 : memref<1x80xi32, #tpu.memory_space<vmem>> -> memref<80xi32, #tpu.memory_space<vmem>>
      %dma_start3A_110 = arith.constant 0 : i32
      %dma_start3A_111 = arith.constant 0 : i32
      %dma_start3A_112 = tpu.memref_slice %arg2[%dma_start3A_110, %dma_start3A_111] : memref<10000x128xf32, #tpu.memory_space<hbm>> -> memref<10000x128xf32, #tpu.memory_space<hbm>>
      tpu.enqueue_indirect_dma source(%dma_start3A_112 : memref<10000x128xf32, #tpu.memory_space<hbm>>) target(%arg10 : memref<80x128xf32, #tpu.memory_space<vmem>>) offsets(%dma_start3A_109 : memref<80xi32, #tpu.memory_space<vmem>>) semaphore(%arg15 : memref<!tpu.dma_semaphore, #tpu.memory_space<semaphore_mem>>)
      %scan3A_113 = arith.constant 0 : i32
      %scan3A_114 = arith.constant 0 : i32
      %scan3A_115 = arith.constant 8 : i32
      %scan3A_116 = arith.addi %scan3A_114, %scan3A_115 : i32
      %scan3A_117 = arith.constant 1 : i32
      scf.for %scan3A_125 = %scan3A_114 to %scan3A_116 step %scan3A_117  : i32 {
        %mul3A_126 = arith.constant 4 : i32
        %mul3A_127 = arith.muli %mul3A_126, %scan3A_125 : i32
        %add3A_128 = arith.constant 0 : i32
        %add3A_129 = arith.addi %mul3A_127, %add3A_128 : i32
        %ge3A = arith.constant 1 : i32
        %ge3A_130 = arith.cmpi sge, %add3A_129, %ge3A : i32
        %convert_element_type3A_131 = arith.extui %ge3A_130 : i1 to i32
        %cond3A_132 = arith.constant 0 : i32
        %cond3A_133 = arith.cmpi ne, %convert_element_type3A_131, %cond3A_132 : i32
        scf.if %cond3A_133 {
          %sub3A = arith.constant 1 : i32
          %sub3A_237 = arith.subi %add3A_129, %sub3A : i32
          %dma_wait3A_238 = arith.constant 0 : i32
          %dma_wait3A_239 = tpu.memref_slice %arg7[%sub3A_237, %dma_wait3A_238] : memref<32x80xi32, #tpu.memory_space<vmem>> -> memref<1x80xi32, #tpu.memory_space<vmem>>
          %dma_wait3A_240 = tpu.memref_squeeze %dma_wait3A_239 : memref<1x80xi32, #tpu.memory_space<vmem>> -> memref<80xi32, #tpu.memory_space<vmem>>
          %dma_wait3A_241 = arith.constant 0 : i32
          %dma_wait3A_242 = arith.constant 0 : i32
          %dma_wait3A_243 = tpu.memref_slice %arg12[%dma_wait3A_241, %dma_wait3A_242] : memref<10112x128xf32, #tpu.memory_space<vmem_shared>> -> memref<10112x128xf32, #tpu.memory_space<vmem_shared>>
          tpu.wait_indirect_dma semaphore(%arg20 : memref<!tpu.dma_semaphore, #tpu.memory_space<semaphore_mem>>) src(%arg11 : memref<80x128xf32, #tpu.memory_space<vmem>>) dst(%dma_wait3A_243 : memref<10112x128xf32, #tpu.memory_space<vmem_shared>>)
        } else {
        }
        %dma_wait3A_134 = arith.constant 0 : i32
        %dma_wait3A_135 = tpu.memref_slice %arg6[%add3A_129, %dma_wait3A_134] : memref<32x80xi32, #tpu.memory_space<vmem>> -> memref<1x80xi32, #tpu.memory_space<vmem>>
        %dma_wait3A_136 = tpu.memref_squeeze %dma_wait3A_135 : memref<1x80xi32, #tpu.memory_space<vmem>> -> memref<80xi32, #tpu.memory_space<vmem>>
        %dma_wait3A_137 = arith.constant 0 : i32
        %dma_wait3A_138 = arith.constant 0 : i32
        %dma_wait3A_139 = tpu.memref_slice %arg2[%dma_wait3A_137, %dma_wait3A_138] : memref<10000x128xf32, #tpu.memory_space<hbm>> -> memref<10000x128xf32, #tpu.memory_space<hbm>>
        tpu.wait_indirect_dma semaphore(%arg13 : memref<!tpu.dma_semaphore, #tpu.memory_space<semaphore_mem>>) src(%dma_wait3A_139 : memref<10000x128xf32, #tpu.memory_space<hbm>>) dst(%arg8 : memref<80x128xf32, #tpu.memory_space<vmem>>)
        %dma_start3A_140 = arith.constant 0 : i32
        %dma_start3A_141 = tpu.memref_slice %arg7[%add3A_129, %dma_start3A_140] : memref<32x80xi32, #tpu.memory_space<vmem>> -> memref<1x80xi32, #tpu.memory_space<vmem>>
        %dma_start3A_142 = tpu.memref_squeeze %dma_start3A_141 : memref<1x80xi32, #tpu.memory_space<vmem>> -> memref<80xi32, #tpu.memory_space<vmem>>
        %dma_start3A_143 = arith.constant 0 : i32
        %dma_start3A_144 = arith.constant 0 : i32
        %dma_start3A_145 = tpu.memref_slice %arg12[%dma_start3A_143, %dma_start3A_144] : memref<10112x128xf32, #tpu.memory_space<vmem_shared>> -> memref<10112x128xf32, #tpu.memory_space<vmem_shared>>
        tpu.enqueue_indirect_dma source(%arg8 : memref<80x128xf32, #tpu.memory_space<vmem>>) target(%dma_start3A_145 : memref<10112x128xf32, #tpu.memory_space<vmem_shared>>) offsets(%dma_start3A_142 : memref<80xi32, #tpu.memory_space<vmem>>) semaphore(%arg17 : memref<!tpu.dma_semaphore, #tpu.memory_space<semaphore_mem>>) {add = true}
        %add3A_146 = arith.constant 3 : i32
        %add3A_147 = arith.addi %add3A_129, %add3A_146 : i32
        %lt3A_148 = arith.constant 32 : i32
        %lt3A_149 = arith.cmpi slt, %add3A_147, %lt3A_148 : i32
        %convert_element_type3A_150 = arith.extui %lt3A_149 : i1 to i32
        %cond3A_151 = arith.constant 0 : i32
        %cond3A_152 = arith.cmpi ne, %convert_element_type3A_150, %cond3A_151 : i32
        scf.if %cond3A_152 {
          %add3A_237 = arith.constant 3 : i32
          %add3A_238 = arith.addi %add3A_129, %add3A_237 : i32
          %dma_start3A_239 = arith.constant 0 : i32
          %dma_start3A_240 = tpu.memref_slice %arg6[%add3A_238, %dma_start3A_239] : memref<32x80xi32, #tpu.memory_space<vmem>> -> memref<1x80xi32, #tpu.memory_space<vmem>>
          %dma_start3A_241 = tpu.memref_squeeze %dma_start3A_240 : memref<1x80xi32, #tpu.memory_space<vmem>> -> memref<80xi32, #tpu.memory_space<vmem>>
          %dma_start3A_242 = arith.constant 0 : i32
          %dma_start3A_243 = arith.constant 0 : i32
          %dma_start3A_244 = tpu.memref_slice %arg2[%dma_start3A_242, %dma_start3A_243] : memref<10000x128xf32, #tpu.memory_space<hbm>> -> memref<10000x128xf32, #tpu.memory_space<hbm>>
          tpu.enqueue_indirect_dma source(%dma_start3A_244 : memref<10000x128xf32, #tpu.memory_space<hbm>>) target(%arg11 : memref<80x128xf32, #tpu.memory_space<vmem>>) offsets(%dma_start3A_241 : memref<80xi32, #tpu.memory_space<vmem>>) semaphore(%arg16 : memref<!tpu.dma_semaphore, #tpu.memory_space<semaphore_mem>>)
        } else {
        }
        %mul3A_153 = arith.constant 4 : i32
        %mul3A_154 = arith.muli %mul3A_153, %scan3A_125 : i32
        %add3A_155 = arith.constant 1 : i32
        %add3A_156 = arith.addi %mul3A_154, %add3A_155 : i32
        %ge3A_157 = arith.constant 1 : i32
        %ge3A_158 = arith.cmpi sge, %add3A_156, %ge3A_157 : i32
        %convert_element_type3A_159 = arith.extui %ge3A_158 : i1 to i32
        %cond3A_160 = arith.constant 0 : i32
        %cond3A_161 = arith.cmpi ne, %convert_element_type3A_159, %cond3A_160 : i32
        scf.if %cond3A_161 {
          %sub3A = arith.constant 1 : i32
          %sub3A_237 = arith.subi %add3A_156, %sub3A : i32
          %dma_wait3A_238 = arith.constant 0 : i32
          %dma_wait3A_239 = tpu.memref_slice %arg7[%sub3A_237, %dma_wait3A_238] : memref<32x80xi32, #tpu.memory_space<vmem>> -> memref<1x80xi32, #tpu.memory_space<vmem>>
          %dma_wait3A_240 = tpu.memref_squeeze %dma_wait3A_239 : memref<1x80xi32, #tpu.memory_space<vmem>> -> memref<80xi32, #tpu.memory_space<vmem>>
          %dma_wait3A_241 = arith.constant 0 : i32
          %dma_wait3A_242 = arith.constant 0 : i32
          %dma_wait3A_243 = tpu.memref_slice %arg12[%dma_wait3A_241, %dma_wait3A_242] : memref<10112x128xf32, #tpu.memory_space<vmem_shared>> -> memref<10112x128xf32, #tpu.memory_space<vmem_shared>>
          tpu.wait_indirect_dma semaphore(%arg17 : memref<!tpu.dma_semaphore, #tpu.memory_space<semaphore_mem>>) src(%arg8 : memref<80x128xf32, #tpu.memory_space<vmem>>) dst(%dma_wait3A_243 : memref<10112x128xf32, #tpu.memory_space<vmem_shared>>)
        } else {
        }
        %dma_wait3A_162 = arith.constant 0 : i32
        %dma_wait3A_163 = tpu.memref_slice %arg6[%add3A_156, %dma_wait3A_162] : memref<32x80xi32, #tpu.memory_space<vmem>> -> memref<1x80xi32, #tpu.memory_space<vmem>>
        %dma_wait3A_164 = tpu.memref_squeeze %dma_wait3A_163 : memref<1x80xi32, #tpu.memory_space<vmem>> -> memref<80xi32, #tpu.memory_space<vmem>>
        %dma_wait3A_165 = arith.constant 0 : i32
        %dma_wait3A_166 = arith.constant 0 : i32
        %dma_wait3A_167 = tpu.memref_slice %arg2[%dma_wait3A_165, %dma_wait3A_166] : memref<10000x128xf32, #tpu.memory_space<hbm>> -> memref<10000x128xf32, #tpu.memory_space<hbm>>
        tpu.wait_indirect_dma semaphore(%arg14 : memref<!tpu.dma_semaphore, #tpu.memory_space<semaphore_mem>>) src(%dma_wait3A_167 : memref<10000x128xf32, #tpu.memory_space<hbm>>) dst(%arg9 : memref<80x128xf32, #tpu.memory_space<vmem>>)
        %dma_start3A_168 = arith.constant 0 : i32
        %dma_start3A_169 = tpu.memref_slice %arg7[%add3A_156, %dma_start3A_168] : memref<32x80xi32, #tpu.memory_space<vmem>> -> memref<1x80xi32, #tpu.memory_space<vmem>>
        %dma_start3A_170 = tpu.memref_squeeze %dma_start3A_169 : memref<1x80xi32, #tpu.memory_space<vmem>> -> memref<80xi32, #tpu.memory_space<vmem>>
        %dma_start3A_171 = arith.constant 0 : i32
        %dma_start3A_172 = arith.constant 0 : i32
        %dma_start3A_173 = tpu.memref_slice %arg12[%dma_start3A_171, %dma_start3A_172] : memref<10112x128xf32, #tpu.memory_space<vmem_shared>> -> memref<10112x128xf32, #tpu.memory_space<vmem_shared>>
        tpu.enqueue_indirect_dma source(%arg9 : memref<80x128xf32, #tpu.memory_space<vmem>>) target(%dma_start3A_173 : memref<10112x128xf32, #tpu.memory_space<vmem_shared>>) offsets(%dma_start3A_170 : memref<80xi32, #tpu.memory_space<vmem>>) semaphore(%arg18 : memref<!tpu.dma_semaphore, #tpu.memory_space<semaphore_mem>>) {add = true}
        %add3A_174 = arith.constant 3 : i32
        %add3A_175 = arith.addi %add3A_156, %add3A_174 : i32
        %lt3A_176 = arith.constant 32 : i32
        %lt3A_177 = arith.cmpi slt, %add3A_175, %lt3A_176 : i32
        %convert_element_type3A_178 = arith.extui %lt3A_177 : i1 to i32
        %cond3A_179 = arith.constant 0 : i32
        %cond3A_180 = arith.cmpi ne, %convert_element_type3A_178, %cond3A_179 : i32
        scf.if %cond3A_180 {
          %add3A_237 = arith.constant 3 : i32
          %add3A_238 = arith.addi %add3A_156, %add3A_237 : i32
          %dma_start3A_239 = arith.constant 0 : i32
          %dma_start3A_240 = tpu.memref_slice %arg6[%add3A_238, %dma_start3A_239] : memref<32x80xi32, #tpu.memory_space<vmem>> -> memref<1x80xi32, #tpu.memory_space<vmem>>
          %dma_start3A_241 = tpu.memref_squeeze %dma_start3A_240 : memref<1x80xi32, #tpu.memory_space<vmem>> -> memref<80xi32, #tpu.memory_space<vmem>>
          %dma_start3A_242 = arith.constant 0 : i32
          %dma_start3A_243 = arith.constant 0 : i32
          %dma_start3A_244 = tpu.memref_slice %arg2[%dma_start3A_242, %dma_start3A_243] : memref<10000x128xf32, #tpu.memory_space<hbm>> -> memref<10000x128xf32, #tpu.memory_space<hbm>>
          tpu.enqueue_indirect_dma source(%dma_start3A_244 : memref<10000x128xf32, #tpu.memory_space<hbm>>) target(%arg8 : memref<80x128xf32, #tpu.memory_space<vmem>>) offsets(%dma_start3A_241 : memref<80xi32, #tpu.memory_space<vmem>>) semaphore(%arg13 : memref<!tpu.dma_semaphore, #tpu.memory_space<semaphore_mem>>)
        } else {
        }
        %mul3A_181 = arith.constant 4 : i32
        %mul3A_182 = arith.muli %mul3A_181, %scan3A_125 : i32
        %add3A_183 = arith.constant 2 : i32
        %add3A_184 = arith.addi %mul3A_182, %add3A_183 : i32
        %ge3A_185 = arith.constant 1 : i32
        %ge3A_186 = arith.cmpi sge, %add3A_184, %ge3A_185 : i32
        %convert_element_type3A_187 = arith.extui %ge3A_186 : i1 to i32
        %cond3A_188 = arith.constant 0 : i32
        %cond3A_189 = arith.cmpi ne, %convert_element_type3A_187, %cond3A_188 : i32
        scf.if %cond3A_189 {
          %sub3A = arith.constant 1 : i32
          %sub3A_237 = arith.subi %add3A_184, %sub3A : i32
          %dma_wait3A_238 = arith.constant 0 : i32
          %dma_wait3A_239 = tpu.memref_slice %arg7[%sub3A_237, %dma_wait3A_238] : memref<32x80xi32, #tpu.memory_space<vmem>> -> memref<1x80xi32, #tpu.memory_space<vmem>>
          %dma_wait3A_240 = tpu.memref_squeeze %dma_wait3A_239 : memref<1x80xi32, #tpu.memory_space<vmem>> -> memref<80xi32, #tpu.memory_space<vmem>>
          %dma_wait3A_241 = arith.constant 0 : i32
          %dma_wait3A_242 = arith.constant 0 : i32
          %dma_wait3A_243 = tpu.memref_slice %arg12[%dma_wait3A_241, %dma_wait3A_242] : memref<10112x128xf32, #tpu.memory_space<vmem_shared>> -> memref<10112x128xf32, #tpu.memory_space<vmem_shared>>
          tpu.wait_indirect_dma semaphore(%arg18 : memref<!tpu.dma_semaphore, #tpu.memory_space<semaphore_mem>>) src(%arg9 : memref<80x128xf32, #tpu.memory_space<vmem>>) dst(%dma_wait3A_243 : memref<10112x128xf32, #tpu.memory_space<vmem_shared>>)
        } else {
        }
        %dma_wait3A_190 = arith.constant 0 : i32
        %dma_wait3A_191 = tpu.memref_slice %arg6[%add3A_184, %dma_wait3A_190] : memref<32x80xi32, #tpu.memory_space<vmem>> -> memref<1x80xi32, #tpu.memory_space<vmem>>
        %dma_wait3A_192 = tpu.memref_squeeze %dma_wait3A_191 : memref<1x80xi32, #tpu.memory_space<vmem>> -> memref<80xi32, #tpu.memory_space<vmem>>
        %dma_wait3A_193 = arith.constant 0 : i32
        %dma_wait3A_194 = arith.constant 0 : i32
        %dma_wait3A_195 = tpu.memref_slice %arg2[%dma_wait3A_193, %dma_wait3A_194] : memref<10000x128xf32, #tpu.memory_space<hbm>> -> memref<10000x128xf32, #tpu.memory_space<hbm>>
        tpu.wait_indirect_dma semaphore(%arg15 : memref<!tpu.dma_semaphore, #tpu.memory_space<semaphore_mem>>) src(%dma_wait3A_195 : memref<10000x128xf32, #tpu.memory_space<hbm>>) dst(%arg10 : memref<80x128xf32, #tpu.memory_space<vmem>>)
        %dma_start3A_196 = arith.constant 0 : i32
        %dma_start3A_197 = tpu.memref_slice %arg7[%add3A_184, %dma_start3A_196] : memref<32x80xi32, #tpu.memory_space<vmem>> -> memref<1x80xi32, #tpu.memory_space<vmem>>
        %dma_start3A_198 = tpu.memref_squeeze %dma_start3A_197 : memref<1x80xi32, #tpu.memory_space<vmem>> -> memref<80xi32, #tpu.memory_space<vmem>>
        %dma_start3A_199 = arith.constant 0 : i32
        %dma_start3A_200 = arith.constant 0 : i32
        %dma_start3A_201 = tpu.memref_slice %arg12[%dma_start3A_199, %dma_start3A_200] : memref<10112x128xf32, #tpu.memory_space<vmem_shared>> -> memref<10112x128xf32, #tpu.memory_space<vmem_shared>>
        tpu.enqueue_indirect_dma source(%arg10 : memref<80x128xf32, #tpu.memory_space<vmem>>) target(%dma_start3A_201 : memref<10112x128xf32, #tpu.memory_space<vmem_shared>>) offsets(%dma_start3A_198 : memref<80xi32, #tpu.memory_space<vmem>>) semaphore(%arg19 : memref<!tpu.dma_semaphore, #tpu.memory_space<semaphore_mem>>) {add = true}
        %add3A_202 = arith.constant 3 : i32
        %add3A_203 = arith.addi %add3A_184, %add3A_202 : i32
        %lt3A_204 = arith.constant 32 : i32
        %lt3A_205 = arith.cmpi slt, %add3A_203, %lt3A_204 : i32
        %convert_element_type3A_206 = arith.extui %lt3A_205 : i1 to i32
        %cond3A_207 = arith.constant 0 : i32
        %cond3A_208 = arith.cmpi ne, %convert_element_type3A_206, %cond3A_207 : i32
        scf.if %cond3A_208 {
          %add3A_237 = arith.constant 3 : i32
          %add3A_238 = arith.addi %add3A_184, %add3A_237 : i32
          %dma_start3A_239 = arith.constant 0 : i32
          %dma_start3A_240 = tpu.memref_slice %arg6[%add3A_238, %dma_start3A_239] : memref<32x80xi32, #tpu.memory_space<vmem>> -> memref<1x80xi32, #tpu.memory_space<vmem>>
          %dma_start3A_241 = tpu.memref_squeeze %dma_start3A_240 : memref<1x80xi32, #tpu.memory_space<vmem>> -> memref<80xi32, #tpu.memory_space<vmem>>
          %dma_start3A_242 = arith.constant 0 : i32
          %dma_start3A_243 = arith.constant 0 : i32
          %dma_start3A_244 = tpu.memref_slice %arg2[%dma_start3A_242, %dma_start3A_243] : memref<10000x128xf32, #tpu.memory_space<hbm>> -> memref<10000x128xf32, #tpu.memory_space<hbm>>
          tpu.enqueue_indirect_dma source(%dma_start3A_244 : memref<10000x128xf32, #tpu.memory_space<hbm>>) target(%arg9 : memref<80x128xf32, #tpu.memory_space<vmem>>) offsets(%dma_start3A_241 : memref<80xi32, #tpu.memory_space<vmem>>) semaphore(%arg14 : memref<!tpu.dma_semaphore, #tpu.memory_space<semaphore_mem>>)
        } else {
        }
        %mul3A_209 = arith.constant 4 : i32
        %mul3A_210 = arith.muli %mul3A_209, %scan3A_125 : i32
        %add3A_211 = arith.constant 3 : i32
        %add3A_212 = arith.addi %mul3A_210, %add3A_211 : i32
        %ge3A_213 = arith.constant 1 : i32
        %ge3A_214 = arith.cmpi sge, %add3A_212, %ge3A_213 : i32
        %convert_element_type3A_215 = arith.extui %ge3A_214 : i1 to i32
        %cond3A_216 = arith.constant 0 : i32
        %cond3A_217 = arith.cmpi ne, %convert_element_type3A_215, %cond3A_216 : i32
        scf.if %cond3A_217 {
          %sub3A = arith.constant 1 : i32
          %sub3A_237 = arith.subi %add3A_212, %sub3A : i32
          %dma_wait3A_238 = arith.constant 0 : i32
          %dma_wait3A_239 = tpu.memref_slice %arg7[%sub3A_237, %dma_wait3A_238] : memref<32x80xi32, #tpu.memory_space<vmem>> -> memref<1x80xi32, #tpu.memory_space<vmem>>
          %dma_wait3A_240 = tpu.memref_squeeze %dma_wait3A_239 : memref<1x80xi32, #tpu.memory_space<vmem>> -> memref<80xi32, #tpu.memory_space<vmem>>
          %dma_wait3A_241 = arith.constant 0 : i32
          %dma_wait3A_242 = arith.constant 0 : i32
          %dma_wait3A_243 = tpu.memref_slice %arg12[%dma_wait3A_241, %dma_wait3A_242] : memref<10112x128xf32, #tpu.memory_space<vmem_shared>> -> memref<10112x128xf32, #tpu.memory_space<vmem_shared>>
          tpu.wait_indirect_dma semaphore(%arg19 : memref<!tpu.dma_semaphore, #tpu.memory_space<semaphore_mem>>) src(%arg10 : memref<80x128xf32, #tpu.memory_space<vmem>>) dst(%dma_wait3A_243 : memref<10112x128xf32, #tpu.memory_space<vmem_shared>>)
        } else {
        }
        %dma_wait3A_218 = arith.constant 0 : i32
        %dma_wait3A_219 = tpu.memref_slice %arg6[%add3A_212, %dma_wait3A_218] : memref<32x80xi32, #tpu.memory_space<vmem>> -> memref<1x80xi32, #tpu.memory_space<vmem>>
        %dma_wait3A_220 = tpu.memref_squeeze %dma_wait3A_219 : memref<1x80xi32, #tpu.memory_space<vmem>> -> memref<80xi32, #tpu.memory_space<vmem>>
        %dma_wait3A_221 = arith.constant 0 : i32
        %dma_wait3A_222 = arith.constant 0 : i32
        %dma_wait3A_223 = tpu.memref_slice %arg2[%dma_wait3A_221, %dma_wait3A_222] : memref<10000x128xf32, #tpu.memory_space<hbm>> -> memref<10000x128xf32, #tpu.memory_space<hbm>>
        tpu.wait_indirect_dma semaphore(%arg16 : memref<!tpu.dma_semaphore, #tpu.memory_space<semaphore_mem>>) src(%dma_wait3A_223 : memref<10000x128xf32, #tpu.memory_space<hbm>>) dst(%arg11 : memref<80x128xf32, #tpu.memory_space<vmem>>)
        %dma_start3A_224 = arith.constant 0 : i32
        %dma_start3A_225 = tpu.memref_slice %arg7[%add3A_212, %dma_start3A_224] : memref<32x80xi32, #tpu.memory_space<vmem>> -> memref<1x80xi32, #tpu.memory_space<vmem>>
        %dma_start3A_226 = tpu.memref_squeeze %dma_start3A_225 : memref<1x80xi32, #tpu.memory_space<vmem>> -> memref<80xi32, #tpu.memory_space<vmem>>
        %dma_start3A_227 = arith.constant 0 : i32
        %dma_start3A_228 = arith.constant 0 : i32
        %dma_start3A_229 = tpu.memref_slice %arg12[%dma_start3A_227, %dma_start3A_228] : memref<10112x128xf32, #tpu.memory_space<vmem_shared>> -> memref<10112x128xf32, #tpu.memory_space<vmem_shared>>
        tpu.enqueue_indirect_dma source(%arg11 : memref<80x128xf32, #tpu.memory_space<vmem>>) target(%dma_start3A_229 : memref<10112x128xf32, #tpu.memory_space<vmem_shared>>) offsets(%dma_start3A_226 : memref<80xi32, #tpu.memory_space<vmem>>) semaphore(%arg20 : memref<!tpu.dma_semaphore, #tpu.memory_space<semaphore_mem>>) {add = true}
        %add3A_230 = arith.constant 3 : i32
        %add3A_231 = arith.addi %add3A_212, %add3A_230 : i32
        %lt3A_232 = arith.constant 32 : i32
        %lt3A_233 = arith.cmpi slt, %add3A_231, %lt3A_232 : i32
        %convert_element_type3A_234 = arith.extui %lt3A_233 : i1 to i32
        %cond3A_235 = arith.constant 0 : i32
        %cond3A_236 = arith.cmpi ne, %convert_element_type3A_234, %cond3A_235 : i32
        scf.if %cond3A_236 {
          %add3A_237 = arith.constant 3 : i32
          %add3A_238 = arith.addi %add3A_212, %add3A_237 : i32
          %dma_start3A_239 = arith.constant 0 : i32
          %dma_start3A_240 = tpu.memref_slice %arg6[%add3A_238, %dma_start3A_239] : memref<32x80xi32, #tpu.memory_space<vmem>> -> memref<1x80xi32, #tpu.memory_space<vmem>>
          %dma_start3A_241 = tpu.memref_squeeze %dma_start3A_240 : memref<1x80xi32, #tpu.memory_space<vmem>> -> memref<80xi32, #tpu.memory_space<vmem>>
          %dma_start3A_242 = arith.constant 0 : i32
          %dma_start3A_243 = arith.constant 0 : i32
          %dma_start3A_244 = tpu.memref_slice %arg2[%dma_start3A_242, %dma_start3A_243] : memref<10000x128xf32, #tpu.memory_space<hbm>> -> memref<10000x128xf32, #tpu.memory_space<hbm>>
          tpu.enqueue_indirect_dma source(%dma_start3A_244 : memref<10000x128xf32, #tpu.memory_space<hbm>>) target(%arg10 : memref<80x128xf32, #tpu.memory_space<vmem>>) offsets(%dma_start3A_241 : memref<80xi32, #tpu.memory_space<vmem>>) semaphore(%arg15 : memref<!tpu.dma_semaphore, #tpu.memory_space<semaphore_mem>>)
        } else {
        }
      }
      %scan3A_118 = arith.constant 8 : i32
      %dma_wait3A = arith.constant 31 : i32
      %dma_wait3A_119 = arith.constant 0 : i32
      %dma_wait3A_120 = tpu.memref_slice %arg7[%dma_wait3A, %dma_wait3A_119] : memref<32x80xi32, #tpu.memory_space<vmem>> -> memref<1x80xi32, #tpu.memory_space<vmem>>
      %dma_wait3A_121 = tpu.memref_squeeze %dma_wait3A_120 : memref<1x80xi32, #tpu.memory_space<vmem>> -> memref<80xi32, #tpu.memory_space<vmem>>
      %dma_wait3A_122 = arith.constant 0 : i32
      %dma_wait3A_123 = arith.constant 0 : i32
      %dma_wait3A_124 = tpu.memref_slice %arg12[%dma_wait3A_122, %dma_wait3A_123] : memref<10112x128xf32, #tpu.memory_space<vmem_shared>> -> memref<10112x128xf32, #tpu.memory_space<vmem_shared>>
      tpu.wait_indirect_dma semaphore(%arg20 : memref<!tpu.dma_semaphore, #tpu.memory_space<semaphore_mem>>) src(%arg11 : memref<80x128xf32, #tpu.memory_space<vmem>>) dst(%dma_wait3A_124 : memref<10112x128xf32, #tpu.memory_space<vmem_shared>>)
    } else {
    }
    "tpu.trace_stop"() : () -> ()
    %barrier3A_78 = arith.constant 0 : index
    tpu.barrier barrier_id(%barrier3A_78)
    %eq3A = arith.constant 0 : i32
    "tpu.trace_start"() <{level = 10 : i32, message = "dump"}> : () -> ()
    %eq3A_79 = arith.cmpi eq, %arg0, %eq3A : i32
    %convert_element_type3A_80 = arith.extui %eq3A_79 : i1 to i32
    %cond3A_81 = arith.constant 0 : i32
    %cond3A_82 = arith.cmpi ne, %convert_element_type3A_80, %cond3A_81 : i32
    scf.if %cond3A_82 {
      %mul3A_88 = arith.constant 632 : i32
      %mul3A_89 = arith.muli %arg1, %mul3A_88 : i32
      %mul3A_90 = arith.constant 632 : i32
      %mul3A_91 = arith.muli %arg1, %mul3A_90 : i32
      "tpu.region"() ({
        %run_scoped3A = tpu.sem_alloc : memref<!tpu.dma_semaphore, #tpu.memory_space<semaphore_mem>>
        %dma_start3A = arith.constant 0 : i32
        %dma_start3A_92 = tpu.memref_slice %arg4[%mul3A_91, %dma_start3A] : memref<10112x128xf32, #tpu.memory_space<hbm>> -> memref<632x128xf32, #tpu.memory_space<hbm>>
        %dma_start3A_93 = arith.constant 0 : i32
        %dma_start3A_94 = tpu.memref_slice %arg12[%mul3A_89, %dma_start3A_93] : memref<10112x128xf32, #tpu.memory_space<vmem_shared>> -> memref<632x128xf32, #tpu.memory_space<vmem_shared>>
        tpu.enqueue_dma source(%dma_start3A_94 : memref<632x128xf32, #tpu.memory_space<vmem_shared>>) target(%dma_start3A_92 : memref<632x128xf32, #tpu.memory_space<hbm>>) target_semaphore(%run_scoped3A : memref<!tpu.dma_semaphore, #tpu.memory_space<semaphore_mem>>)
        %dma_wait3A = arith.constant 0 : i32
        %dma_wait3A_95 = tpu.memref_slice %arg4[%mul3A_91, %dma_wait3A] : memref<10112x128xf32, #tpu.memory_space<hbm>> -> memref<632x128xf32, #tpu.memory_space<hbm>>
        %dma_wait3A_96 = arith.constant 0 : i32
        %dma_wait3A_97 = tpu.memref_slice %arg12[%mul3A_89, %dma_wait3A_96] : memref<10112x128xf32, #tpu.memory_space<vmem_shared>> -> memref<632x128xf32, #tpu.memory_space<vmem_shared>>
        tpu.wait_dma2 semaphore(%run_scoped3A : memref<!tpu.dma_semaphore, #tpu.memory_space<semaphore_mem>>) src(%dma_wait3A_97 : memref<632x128xf32, #tpu.memory_space<vmem_shared>>) dst(%dma_wait3A_95 : memref<632x128xf32, #tpu.memory_space<hbm>>)
        tpu.yield
      }) : () -> ()
    } else {
    }
    %eq3A_83 = arith.constant 1 : i32
    %eq3A_84 = arith.cmpi eq, %arg0, %eq3A_83 : i32
    %convert_element_type3A_85 = arith.extui %eq3A_84 : i1 to i32
    %cond3A_86 = arith.constant 0 : i32
    %cond3A_87 = arith.cmpi ne, %convert_element_type3A_85, %cond3A_86 : i32
    scf.if %cond3A_87 {
      %mul3A_88 = arith.constant 632 : i32
      %mul3A_89 = arith.muli %arg1, %mul3A_88 : i32
      %mul3A_90 = arith.constant 632 : i32
      %mul3A_91 = arith.muli %arg1, %mul3A_90 : i32
      "tpu.region"() ({
        %run_scoped3A = tpu.sem_alloc : memref<!tpu.dma_semaphore, #tpu.memory_space<semaphore_mem>>
        %dma_start3A = arith.constant 0 : i32
        %dma_start3A_92 = tpu.memref_slice %arg5[%mul3A_91, %dma_start3A] : memref<10112x128xf32, #tpu.memory_space<hbm>> -> memref<632x128xf32, #tpu.memory_space<hbm>>
        %dma_start3A_93 = arith.constant 0 : i32
        %dma_start3A_94 = tpu.memref_slice %arg12[%mul3A_89, %dma_start3A_93] : memref<10112x128xf32, #tpu.memory_space<vmem_shared>> -> memref<632x128xf32, #tpu.memory_space<vmem_shared>>
        tpu.enqueue_dma source(%dma_start3A_94 : memref<632x128xf32, #tpu.memory_space<vmem_shared>>) target(%dma_start3A_92 : memref<632x128xf32, #tpu.memory_space<hbm>>) target_semaphore(%run_scoped3A : memref<!tpu.dma_semaphore, #tpu.memory_space<semaphore_mem>>)
        %dma_wait3A = arith.constant 0 : i32
        %dma_wait3A_95 = tpu.memref_slice %arg5[%mul3A_91, %dma_wait3A] : memref<10112x128xf32, #tpu.memory_space<hbm>> -> memref<632x128xf32, #tpu.memory_space<hbm>>
        %dma_wait3A_96 = arith.constant 0 : i32
        %dma_wait3A_97 = tpu.memref_slice %arg12[%mul3A_89, %dma_wait3A_96] : memref<10112x128xf32, #tpu.memory_space<vmem_shared>> -> memref<632x128xf32, #tpu.memory_space<vmem_shared>>
        tpu.wait_dma2 semaphore(%run_scoped3A : memref<!tpu.dma_semaphore, #tpu.memory_space<semaphore_mem>>) src(%dma_wait3A_97 : memref<632x128xf32, #tpu.memory_space<vmem_shared>>) dst(%dma_wait3A_95 : memref<632x128xf32, #tpu.memory_space<hbm>>)
        tpu.yield
      }) : () -> ()
    } else {
    }
    "tpu.trace_stop"() : () -> ()
    return
  }
}

#map = affine_map<(d0, d1) -> (0, 0)>
#map1 = affine_map<(d0, d1) -> (0, 0, 0)>
module attributes {stable_mosaic.version = 14 : i64} {
  func.func @_segsum(%arg0: i32, %arg1: i32, %arg2: memref<10000x128xf32, #tpu.memory_space<hbm>>, %arg3: memref<2x4000x80xi32, #tpu.memory_space<hbm>>, %arg4: memref<10112x128xf32, #tpu.memory_space<hbm>>, %arg5: memref<10112x128xf32, #tpu.memory_space<hbm>>, %arg6: memref<32x80xi32, #tpu.memory_space<vmem>>, %arg7: memref<32x80xi32, #tpu.memory_space<vmem>>, %arg8: memref<80x128xf32, #tpu.memory_space<vmem>>, %arg9: memref<80x128xf32, #tpu.memory_space<vmem>>, %arg10: memref<80x128xf32, #tpu.memory_space<vmem>>, %arg11: memref<80x128xf32, #tpu.memory_space<vmem>>, %arg12: memref<10112x128xf32, #tpu.memory_space<vmem_shared>>, %arg13: memref<!tpu.dma_semaphore, #tpu.memory_space<semaphore_mem>>, %arg14: memref<!tpu.dma_semaphore, #tpu.memory_space<semaphore_mem>>, %arg15: memref<!tpu.dma_semaphore, #tpu.memory_space<semaphore_mem>>, %arg16: memref<!tpu.dma_semaphore, #tpu.memory_space<semaphore_mem>>, %arg17: memref<!tpu.dma_semaphore, #tpu.memory_space<semaphore_mem>>, %arg18: memref<!tpu.dma_semaphore, #tpu.memory_space<semaphore_mem>>, %arg19: memref<!tpu.dma_semaphore, #tpu.memory_space<semaphore_mem>>, %arg20: memref<!tpu.dma_semaphore, #tpu.memory_space<semaphore_mem>>) attributes {dimension_semantics = [#tpu.dimension_semantics<core_parallel>, #tpu.dimension_semantics<subcore_parallel>], iteration_bounds = array<i64: 2, 16>, scalar_prefetch = 0 : i64, scratch_operands = 15 : i64, tpu.core_type = #tpu.core_type<sc_vector_subcore>, window_params = [{transform_indices = #map}, {transform_indices = #map1}, {transform_indices = #map}, {transform_indices = #map}]} {
    %mul3A = arith.constant 16 : i32
    %mul3A_0 = arith.muli %arg0, %mul3A : i32
    %add3A = arith.addi %mul3A_0, %arg1 : i32
    %mul3A_1 = arith.constant 4 : i32
    %mul3A_2 = arith.muli %add3A, %mul3A_1 : i32
    %lt3A = arith.constant 125 : i32
    %lt3A_3 = arith.cmpi slt, %mul3A_2, %lt3A : i32
    %convert_element_type3A = arith.extui %lt3A_3 : i1 to i32
    %cond3A = arith.constant 0 : i32
    %cond3A_4 = arith.cmpi ne, %convert_element_type3A, %cond3A : i32
    scf.if %cond3A_4 {
      %mul3A_88 = arith.constant 4 : i32
      %mul3A_89 = arith.muli %add3A, %mul3A_88 : i32
      %mul3A_90 = arith.constant 32 : i32
      %mul3A_91 = arith.muli %mul3A_89, %mul3A_90 : i32
      %run_scoped3A = arith.constant 0 : i32
      "tpu.region"() ({
        %run_scoped3A_115 = tpu.sem_alloc : memref<!tpu.dma_semaphore, #tpu.memory_space<semaphore_mem>>
        %dma_start3A_116 = arith.constant 0 : i32
        %dma_start3A_117 = tpu.memref_slice %arg3[%run_scoped3A, %mul3A_91, %dma_start3A_116] : memref<2x4000x80xi32, #tpu.memory_space<hbm>> -> memref<1x32x80xi32, #tpu.memory_space<hbm>>
        %dma_start3A_118 = tpu.memref_squeeze %dma_start3A_117 : memref<1x32x80xi32, #tpu.memory_space<hbm>> -> memref<32x80xi32, #tpu.memory_space<hbm>>
        %dma_start3A_119 = arith.constant 0 : i32
        %dma_start3A_120 = tpu.memref_slice %arg3[%run_scoped3A, %mul3A_91, %dma_start3A_119] : memref<2x4000x80xi32, #tpu.memory_space<hbm>> -> memref<1x32x80xi32, #tpu.memory_space<hbm>>
        %dma_start3A_121 = tpu.memref_squeeze %dma_start3A_120 : memref<1x32x80xi32, #tpu.memory_space<hbm>> -> memref<32x80xi32, #tpu.memory_space<hbm>>
        tpu.enqueue_dma source(%dma_start3A_121 : memref<32x80xi32, #tpu.memory_space<hbm>>) target(%arg6 : memref<32x80xi32, #tpu.memory_space<vmem>>) target_semaphore(%run_scoped3A_115 : memref<!tpu.dma_semaphore, #tpu.memory_space<semaphore_mem>>)
        %dma_wait3A = arith.constant 0 : i32
        %dma_wait3A_122 = tpu.memref_slice %arg3[%run_scoped3A, %mul3A_91, %dma_wait3A] : memref<2x4000x80xi32, #tpu.memory_space<hbm>> -> memref<1x32x80xi32, #tpu.memory_space<hbm>>
        %dma_wait3A_123 = tpu.memref_squeeze %dma_wait3A_122 : memref<1x32x80xi32, #tpu.memory_space<hbm>> -> memref<32x80xi32, #tpu.memory_space<hbm>>
        %dma_wait3A_124 = arith.constant 0 : i32
        %dma_wait3A_125 = tpu.memref_slice %arg3[%run_scoped3A, %mul3A_91, %dma_wait3A_124] : memref<2x4000x80xi32, #tpu.memory_space<hbm>> -> memref<1x32x80xi32, #tpu.memory_space<hbm>>
        %dma_wait3A_126 = tpu.memref_squeeze %dma_wait3A_125 : memref<1x32x80xi32, #tpu.memory_space<hbm>> -> memref<32x80xi32, #tpu.memory_space<hbm>>
        tpu.wait_dma2 semaphore(%run_scoped3A_115 : memref<!tpu.dma_semaphore, #tpu.memory_space<semaphore_mem>>) src(%dma_wait3A_126 : memref<32x80xi32, #tpu.memory_space<hbm>>) dst(%arg6 : memref<32x80xi32, #tpu.memory_space<vmem>>)
        tpu.yield
      }) : () -> ()
      %mul3A_92 = arith.constant 32 : i32
      %mul3A_93 = arith.muli %mul3A_89, %mul3A_92 : i32
      %run_scoped3A_94 = arith.constant 1 : i32
      "tpu.region"() ({
        %run_scoped3A_115 = tpu.sem_alloc : memref<!tpu.dma_semaphore, #tpu.memory_space<semaphore_mem>>
        %dma_start3A_116 = arith.constant 0 : i32
        %dma_start3A_117 = tpu.memref_slice %arg3[%run_scoped3A_94, %mul3A_93, %dma_start3A_116] : memref<2x4000x80xi32, #tpu.memory_space<hbm>> -> memref<1x32x80xi32, #tpu.memory_space<hbm>>
        %dma_start3A_118 = tpu.memref_squeeze %dma_start3A_117 : memref<1x32x80xi32, #tpu.memory_space<hbm>> -> memref<32x80xi32, #tpu.memory_space<hbm>>
        %dma_start3A_119 = arith.constant 0 : i32
        %dma_start3A_120 = tpu.memref_slice %arg3[%run_scoped3A_94, %mul3A_93, %dma_start3A_119] : memref<2x4000x80xi32, #tpu.memory_space<hbm>> -> memref<1x32x80xi32, #tpu.memory_space<hbm>>
        %dma_start3A_121 = tpu.memref_squeeze %dma_start3A_120 : memref<1x32x80xi32, #tpu.memory_space<hbm>> -> memref<32x80xi32, #tpu.memory_space<hbm>>
        tpu.enqueue_dma source(%dma_start3A_121 : memref<32x80xi32, #tpu.memory_space<hbm>>) target(%arg7 : memref<32x80xi32, #tpu.memory_space<vmem>>) target_semaphore(%run_scoped3A_115 : memref<!tpu.dma_semaphore, #tpu.memory_space<semaphore_mem>>)
        %dma_wait3A = arith.constant 0 : i32
        %dma_wait3A_122 = tpu.memref_slice %arg3[%run_scoped3A_94, %mul3A_93, %dma_wait3A] : memref<2x4000x80xi32, #tpu.memory_space<hbm>> -> memref<1x32x80xi32, #tpu.memory_space<hbm>>
        %dma_wait3A_123 = tpu.memref_squeeze %dma_wait3A_122 : memref<1x32x80xi32, #tpu.memory_space<hbm>> -> memref<32x80xi32, #tpu.memory_space<hbm>>
        %dma_wait3A_124 = arith.constant 0 : i32
        %dma_wait3A_125 = tpu.memref_slice %arg3[%run_scoped3A_94, %mul3A_93, %dma_wait3A_124] : memref<2x4000x80xi32, #tpu.memory_space<hbm>> -> memref<1x32x80xi32, #tpu.memory_space<hbm>>
        %dma_wait3A_126 = tpu.memref_squeeze %dma_wait3A_125 : memref<1x32x80xi32, #tpu.memory_space<hbm>> -> memref<32x80xi32, #tpu.memory_space<hbm>>
        tpu.wait_dma2 semaphore(%run_scoped3A_115 : memref<!tpu.dma_semaphore, #tpu.memory_space<semaphore_mem>>) src(%dma_wait3A_126 : memref<32x80xi32, #tpu.memory_space<hbm>>) dst(%arg7 : memref<32x80xi32, #tpu.memory_space<vmem>>)
        tpu.yield
      }) : () -> ()
      %dma_start3A = arith.constant 0 : i32
      %dma_start3A_95 = arith.constant 0 : i32
      %dma_start3A_96 = tpu.memref_slice %arg6[%dma_start3A, %dma_start3A_95] : memref<32x80xi32, #tpu.memory_space<vmem>> -> memref<1x80xi32, #tpu.memory_space<vmem>>
      %dma_start3A_97 = tpu.memref_squeeze %dma_start3A_96 : memref<1x80xi32, #tpu.memory_space<vmem>> -> memref<80xi32, #tpu.memory_space<vmem>>
      %dma_start3A_98 = arith.constant 0 : i32
      %dma_start3A_99 = arith.constant 0 : i32
      %dma_start3A_100 = tpu.memref_slice %arg2[%dma_start3A_98, %dma_start3A_99] : memref<10000x128xf32, #tpu.memory_space<hbm>> -> memref<10000x128xf32, #tpu.memory_space<hbm>>
      tpu.enqueue_indirect_dma source(%dma_start3A_100 : memref<10000x128xf32, #tpu.memory_space<hbm>>) target(%arg8 : memref<80x128xf32, #tpu.memory_space<vmem>>) offsets(%dma_start3A_97 : memref<80xi32, #tpu.memory_space<vmem>>) semaphore(%arg13 : memref<!tpu.dma_semaphore, #tpu.memory_space<semaphore_mem>>)
      %dma_start3A_101 = arith.constant 1 : i32
      %dma_start3A_102 = arith.constant 0 : i32
      %dma_start3A_103 = tpu.memref_slice %arg6[%dma_start3A_101, %dma_start3A_102] : memref<32x80xi32, #tpu.memory_space<vmem>> -> memref<1x80xi32, #tpu.memory_space<vmem>>
      %dma_start3A_104 = tpu.memref_squeeze %dma_start3A_103 : memref<1x80xi32, #tpu.memory_space<vmem>> -> memref<80xi32, #tpu.memory_space<vmem>>
      %dma_start3A_105 = arith.constant 0 : i32
      %dma_start3A_106 = arith.constant 0 : i32
      %dma_start3A_107 = tpu.memref_slice %arg2[%dma_start3A_105, %dma_start3A_106] : memref<10000x128xf32, #tpu.memory_space<hbm>> -> memref<10000x128xf32, #tpu.memory_space<hbm>>
      tpu.enqueue_indirect_dma source(%dma_start3A_107 : memref<10000x128xf32, #tpu.memory_space<hbm>>) target(%arg9 : memref<80x128xf32, #tpu.memory_space<vmem>>) offsets(%dma_start3A_104 : memref<80xi32, #tpu.memory_space<vmem>>) semaphore(%arg14 : memref<!tpu.dma_semaphore, #tpu.memory_space<semaphore_mem>>)
      %dma_start3A_108 = arith.constant 2 : i32
      %dma_start3A_109 = arith.constant 0 : i32
      %dma_start3A_110 = tpu.memref_slice %arg6[%dma_start3A_108, %dma_start3A_109] : memref<32x80xi32, #tpu.memory_space<vmem>> -> memref<1x80xi32, #tpu.memory_space<vmem>>
      %dma_start3A_111 = tpu.memref_squeeze %dma_start3A_110 : memref<1x80xi32, #tpu.memory_space<vmem>> -> memref<80xi32, #tpu.memory_space<vmem>>
      %dma_start3A_112 = arith.constant 0 : i32
      %dma_start3A_113 = arith.constant 0 : i32
      %dma_start3A_114 = tpu.memref_slice %arg2[%dma_start3A_112, %dma_start3A_113] : memref<10000x128xf32, #tpu.memory_space<hbm>> -> memref<10000x128xf32, #tpu.memory_space<hbm>>
      tpu.enqueue_indirect_dma source(%dma_start3A_114 : memref<10000x128xf32, #tpu.memory_space<hbm>>) target(%arg10 : memref<80x128xf32, #tpu.memory_space<vmem>>) offsets(%dma_start3A_111 : memref<80xi32, #tpu.memory_space<vmem>>) semaphore(%arg15 : memref<!tpu.dma_semaphore, #tpu.memory_space<semaphore_mem>>)
    } else {
    }
    "tpu.trace_start"() <{level = 10 : i32, message = "zero_acc"}> : () -> ()
    %scan3A = arith.constant 0 : i32
    %scan3A_5 = arith.constant 0 : i32
    %scan3A_6 = arith.constant 80 : i32
    %scan3A_7 = arith.addi %scan3A_5, %scan3A_6 : i32
    %scan3A_8 = arith.constant 1 : i32
    scf.for %scan3A_88 = %scan3A_5 to %scan3A_7 step %scan3A_8  : i32 {
      %broadcast_in_dim3A = arith.constant 0.000000e+00 : f32
      %broadcast_in_dim3A_89 = vector.broadcast %broadcast_in_dim3A : f32 to vector<16xf32>
      %swap3A = arith.index_cast %scan3A_88 : i32 to index
      %swap3A_90 = arith.constant 0 : index
      %swap3A_91 = tpu.vector_load %arg11[%swap3A, %swap3A_90] {strides = array<i32>} : memref<80x128xf32, #tpu.memory_space<vmem>>, vector<1x16xf32>,
      %swap3A_92 = vector.shape_cast %swap3A_91 : vector<1x16xf32> to vector<16xf32>
      %swap3A_93 = vector.shape_cast %broadcast_in_dim3A_89 : vector<16xf32> to vector<1x16xf32>
      tpu.vector_store %arg11[%swap3A, %swap3A_90], %swap3A_93 {strides = array<i32>} : memref<80x128xf32, #tpu.memory_space<vmem>>, vector<1x16xf32>,
      %broadcast_in_dim3A_94 = arith.constant 0.000000e+00 : f32
      %broadcast_in_dim3A_95 = vector.broadcast %broadcast_in_dim3A_94 : f32 to vector<16xf32>
      %swap3A_96 = arith.index_cast %scan3A_88 : i32 to index
      %swap3A_97 = arith.constant 16 : index
      %swap3A_98 = tpu.vector_load %arg11[%swap3A_96, %swap3A_97] {strides = array<i32>} : memref<80x128xf32, #tpu.memory_space<vmem>>, vector<1x16xf32>,
      %swap3A_99 = vector.shape_cast %swap3A_98 : vector<1x16xf32> to vector<16xf32>
      %swap3A_100 = vector.shape_cast %broadcast_in_dim3A_95 : vector<16xf32> to vector<1x16xf32>
      tpu.vector_store %arg11[%swap3A_96, %swap3A_97], %swap3A_100 {strides = array<i32>} : memref<80x128xf32, #tpu.memory_space<vmem>>, vector<1x16xf32>,
      %broadcast_in_dim3A_101 = arith.constant 0.000000e+00 : f32
      %broadcast_in_dim3A_102 = vector.broadcast %broadcast_in_dim3A_101 : f32 to vector<16xf32>
      %swap3A_103 = arith.index_cast %scan3A_88 : i32 to index
      %swap3A_104 = arith.constant 32 : index
      %swap3A_105 = tpu.vector_load %arg11[%swap3A_103, %swap3A_104] {strides = array<i32>} : memref<80x128xf32, #tpu.memory_space<vmem>>, vector<1x16xf32>,
      %swap3A_106 = vector.shape_cast %swap3A_105 : vector<1x16xf32> to vector<16xf32>
      %swap3A_107 = vector.shape_cast %broadcast_in_dim3A_102 : vector<16xf32> to vector<1x16xf32>
      tpu.vector_store %arg11[%swap3A_103, %swap3A_104], %swap3A_107 {strides = array<i32>} : memref<80x128xf32, #tpu.memory_space<vmem>>, vector<1x16xf32>,
      %broadcast_in_dim3A_108 = arith.constant 0.000000e+00 : f32
      %broadcast_in_dim3A_109 = vector.broadcast %broadcast_in_dim3A_108 : f32 to vector<16xf32>
      %swap3A_110 = arith.index_cast %scan3A_88 : i32 to index
      %swap3A_111 = arith.constant 48 : index
      %swap3A_112 = tpu.vector_load %arg11[%swap3A_110, %swap3A_111] {strides = array<i32>} : memref<80x128xf32, #tpu.memory_space<vmem>>, vector<1x16xf32>,
      %swap3A_113 = vector.shape_cast %swap3A_112 : vector<1x16xf32> to vector<16xf32>
      %swap3A_114 = vector.shape_cast %broadcast_in_dim3A_109 : vector<16xf32> to vector<1x16xf32>
      tpu.vector_store %arg11[%swap3A_110, %swap3A_111], %swap3A_114 {strides = array<i32>} : memref<80x128xf32, #tpu.memory_space<vmem>>, vector<1x16xf32>,
      %broadcast_in_dim3A_115 = arith.constant 0.000000e+00 : f32
      %broadcast_in_dim3A_116 = vector.broadcast %broadcast_in_dim3A_115 : f32 to vector<16xf32>
      %swap3A_117 = arith.index_cast %scan3A_88 : i32 to index
      %swap3A_118 = arith.constant 64 : index
      %swap3A_119 = tpu.vector_load %arg11[%swap3A_117, %swap3A_118] {strides = array<i32>} : memref<80x128xf32, #tpu.memory_space<vmem>>, vector<1x16xf32>,
      %swap3A_120 = vector.shape_cast %swap3A_119 : vector<1x16xf32> to vector<16xf32>
      %swap3A_121 = vector.shape_cast %broadcast_in_dim3A_116 : vector<16xf32> to vector<1x16xf32>
      tpu.vector_store %arg11[%swap3A_117, %swap3A_118], %swap3A_121 {strides = array<i32>} : memref<80x128xf32, #tpu.memory_space<vmem>>, vector<1x16xf32>,
      %broadcast_in_dim3A_122 = arith.constant 0.000000e+00 : f32
      %broadcast_in_dim3A_123 = vector.broadcast %broadcast_in_dim3A_122 : f32 to vector<16xf32>
      %swap3A_124 = arith.index_cast %scan3A_88 : i32 to index
      %swap3A_125 = arith.constant 80 : index
      %swap3A_126 = tpu.vector_load %arg11[%swap3A_124, %swap3A_125] {strides = array<i32>} : memref<80x128xf32, #tpu.memory_space<vmem>>, vector<1x16xf32>,
      %swap3A_127 = vector.shape_cast %swap3A_126 : vector<1x16xf32> to vector<16xf32>
      %swap3A_128 = vector.shape_cast %broadcast_in_dim3A_123 : vector<16xf32> to vector<1x16xf32>
      tpu.vector_store %arg11[%swap3A_124, %swap3A_125], %swap3A_128 {strides = array<i32>} : memref<80x128xf32, #tpu.memory_space<vmem>>, vector<1x16xf32>,
      %broadcast_in_dim3A_129 = arith.constant 0.000000e+00 : f32
      %broadcast_in_dim3A_130 = vector.broadcast %broadcast_in_dim3A_129 : f32 to vector<16xf32>
      %swap3A_131 = arith.index_cast %scan3A_88 : i32 to index
      %swap3A_132 = arith.constant 96 : index
      %swap3A_133 = tpu.vector_load %arg11[%swap3A_131, %swap3A_132] {strides = array<i32>} : memref<80x128xf32, #tpu.memory_space<vmem>>, vector<1x16xf32>,
      %swap3A_134 = vector.shape_cast %swap3A_133 : vector<1x16xf32> to vector<16xf32>
      %swap3A_135 = vector.shape_cast %broadcast_in_dim3A_130 : vector<16xf32> to vector<1x16xf32>
      tpu.vector_store %arg11[%swap3A_131, %swap3A_132], %swap3A_135 {strides = array<i32>} : memref<80x128xf32, #tpu.memory_space<vmem>>, vector<1x16xf32>,
      %broadcast_in_dim3A_136 = arith.constant 0.000000e+00 : f32
      %broadcast_in_dim3A_137 = vector.broadcast %broadcast_in_dim3A_136 : f32 to vector<16xf32>
      %swap3A_138 = arith.index_cast %scan3A_88 : i32 to index
      %swap3A_139 = arith.constant 112 : index
      %swap3A_140 = tpu.vector_load %arg11[%swap3A_138, %swap3A_139] {strides = array<i32>} : memref<80x128xf32, #tpu.memory_space<vmem>>, vector<1x16xf32>,
      %swap3A_141 = vector.shape_cast %swap3A_140 : vector<1x16xf32> to vector<16xf32>
      %swap3A_142 = vector.shape_cast %broadcast_in_dim3A_137 : vector<16xf32> to vector<1x16xf32>
      tpu.vector_store %arg11[%swap3A_138, %swap3A_139], %swap3A_142 {strides = array<i32>} : memref<80x128xf32, #tpu.memory_space<vmem>>, vector<1x16xf32>,
    }
    %scan3A_9 = arith.constant 80 : i32
    %mul3A_10 = arith.constant 632 : i32
    %mul3A_11 = arith.muli %arg1, %mul3A_10 : i32
    %add3A_12 = arith.constant 0 : i32
    %add3A_13 = arith.addi %mul3A_11, %add3A_12 : i32
    "tpu.region"() ({
      %run_scoped3A = tpu.sem_alloc : memref<!tpu.dma_semaphore, #tpu.memory_space<semaphore_mem>>
      %dma_start3A = arith.constant 0 : i32
      %dma_start3A_88 = tpu.memref_slice %arg12[%add3A_13, %dma_start3A] : memref<10112x128xf32, #tpu.memory_space<vmem_shared>> -> memref<80x128xf32, #tpu.memory_space<vmem_shared>>
      %dma_start3A_89 = arith.constant 0 : i32
      %dma_start3A_90 = tpu.memref_slice %arg12[%add3A_13, %dma_start3A_89] : memref<10112x128xf32, #tpu.memory_space<vmem_shared>> -> memref<80x128xf32, #tpu.memory_space<vmem_shared>>
      tpu.enqueue_dma source(%arg11 : memref<80x128xf32, #tpu.memory_space<vmem>>) target(%dma_start3A_90 : memref<80x128xf32, #tpu.memory_space<vmem_shared>>) target_semaphore(%run_scoped3A : memref<!tpu.dma_semaphore, #tpu.memory_space<semaphore_mem>>)
      %dma_wait3A = arith.constant 0 : i32
      %dma_wait3A_91 = tpu.memref_slice %arg12[%add3A_13, %dma_wait3A] : memref<10112x128xf32, #tpu.memory_space<vmem_shared>> -> memref<80x128xf32, #tpu.memory_space<vmem_shared>>
      %dma_wait3A_92 = arith.constant 0 : i32
      %dma_wait3A_93 = tpu.memref_slice %arg12[%add3A_13, %dma_wait3A_92] : memref<10112x128xf32, #tpu.memory_space<vmem_shared>> -> memref<80x128xf32, #tpu.memory_space<vmem_shared>>
      tpu.wait_dma2 semaphore(%run_scoped3A : memref<!tpu.dma_semaphore, #tpu.memory_space<semaphore_mem>>) src(%arg11 : memref<80x128xf32, #tpu.memory_space<vmem>>) dst(%dma_wait3A_93 : memref<80x128xf32, #tpu.memory_space<vmem_shared>>)
      tpu.yield
    }) : () -> ()
    %mul3A_14 = arith.constant 632 : i32
    %mul3A_15 = arith.muli %arg1, %mul3A_14 : i32
    %add3A_16 = arith.constant 80 : i32
    %add3A_17 = arith.addi %mul3A_15, %add3A_16 : i32
    "tpu.region"() ({
      %run_scoped3A = tpu.sem_alloc : memref<!tpu.dma_semaphore, #tpu.memory_space<semaphore_mem>>
      %dma_start3A = arith.constant 0 : i32
      %dma_start3A_88 = tpu.memref_slice %arg12[%add3A_17, %dma_start3A] : memref<10112x128xf32, #tpu.memory_space<vmem_shared>> -> memref<80x128xf32, #tpu.memory_space<vmem_shared>>
      %dma_start3A_89 = arith.constant 0 : i32
      %dma_start3A_90 = tpu.memref_slice %arg12[%add3A_17, %dma_start3A_89] : memref<10112x128xf32, #tpu.memory_space<vmem_shared>> -> memref<80x128xf32, #tpu.memory_space<vmem_shared>>
      tpu.enqueue_dma source(%arg11 : memref<80x128xf32, #tpu.memory_space<vmem>>) target(%dma_start3A_90 : memref<80x128xf32, #tpu.memory_space<vmem_shared>>) target_semaphore(%run_scoped3A : memref<!tpu.dma_semaphore, #tpu.memory_space<semaphore_mem>>)
      %dma_wait3A = arith.constant 0 : i32
      %dma_wait3A_91 = tpu.memref_slice %arg12[%add3A_17, %dma_wait3A] : memref<10112x128xf32, #tpu.memory_space<vmem_shared>> -> memref<80x128xf32, #tpu.memory_space<vmem_shared>>
      %dma_wait3A_92 = arith.constant 0 : i32
      %dma_wait3A_93 = tpu.memref_slice %arg12[%add3A_17, %dma_wait3A_92] : memref<10112x128xf32, #tpu.memory_space<vmem_shared>> -> memref<80x128xf32, #tpu.memory_space<vmem_shared>>
      tpu.wait_dma2 semaphore(%run_scoped3A : memref<!tpu.dma_semaphore, #tpu.memory_space<semaphore_mem>>) src(%arg11 : memref<80x128xf32, #tpu.memory_space<vmem>>) dst(%dma_wait3A_93 : memref<80x128xf32, #tpu.memory_space<vmem_shared>>)
      tpu.yield
    }) : () -> ()
    %mul3A_18 = arith.constant 632 : i32
    %mul3A_19 = arith.muli %arg1, %mul3A_18 : i32
    %add3A_20 = arith.constant 160 : i32
    %add3A_21 = arith.addi %mul3A_19, %add3A_20 : i32
    "tpu.region"() ({
      %run_scoped3A = tpu.sem_alloc : memref<!tpu.dma_semaphore, #tpu.memory_space<semaphore_mem>>
      %dma_start3A = arith.constant 0 : i32
      %dma_start3A_88 = tpu.memref_slice %arg12[%add3A_21, %dma_start3A] : memref<10112x128xf32, #tpu.memory_space<vmem_shared>> -> memref<80x128xf32, #tpu.memory_space<vmem_shared>>
      %dma_start3A_89 = arith.constant 0 : i32
      %dma_start3A_90 = tpu.memref_slice %arg12[%add3A_21, %dma_start3A_89] : memref<10112x128xf32, #tpu.memory_space<vmem_shared>> -> memref<80x128xf32, #tpu.memory_space<vmem_shared>>
      tpu.enqueue_dma source(%arg11 : memref<80x128xf32, #tpu.memory_space<vmem>>) target(%dma_start3A_90 : memref<80x128xf32, #tpu.memory_space<vmem_shared>>) target_semaphore(%run_scoped3A : memref<!tpu.dma_semaphore, #tpu.memory_space<semaphore_mem>>)
      %dma_wait3A = arith.constant 0 : i32
      %dma_wait3A_91 = tpu.memref_slice %arg12[%add3A_21, %dma_wait3A] : memref<10112x128xf32, #tpu.memory_space<vmem_shared>> -> memref<80x128xf32, #tpu.memory_space<vmem_shared>>
      %dma_wait3A_92 = arith.constant 0 : i32
      %dma_wait3A_93 = tpu.memref_slice %arg12[%add3A_21, %dma_wait3A_92] : memref<10112x128xf32, #tpu.memory_space<vmem_shared>> -> memref<80x128xf32, #tpu.memory_space<vmem_shared>>
      tpu.wait_dma2 semaphore(%run_scoped3A : memref<!tpu.dma_semaphore, #tpu.memory_space<semaphore_mem>>) src(%arg11 : memref<80x128xf32, #tpu.memory_space<vmem>>) dst(%dma_wait3A_93 : memref<80x128xf32, #tpu.memory_space<vmem_shared>>)
      tpu.yield
    }) : () -> ()
    %mul3A_22 = arith.constant 632 : i32
    %mul3A_23 = arith.muli %arg1, %mul3A_22 : i32
    %add3A_24 = arith.constant 240 : i32
    %add3A_25 = arith.addi %mul3A_23, %add3A_24 : i32
    "tpu.region"() ({
      %run_scoped3A = tpu.sem_alloc : memref<!tpu.dma_semaphore, #tpu.memory_space<semaphore_mem>>
      %dma_start3A = arith.constant 0 : i32
      %dma_start3A_88 = tpu.memref_slice %arg12[%add3A_25, %dma_start3A] : memref<10112x128xf32, #tpu.memory_space<vmem_shared>> -> memref<80x128xf32, #tpu.memory_space<vmem_shared>>
      %dma_start3A_89 = arith.constant 0 : i32
      %dma_start3A_90 = tpu.memref_slice %arg12[%add3A_25, %dma_start3A_89] : memref<10112x128xf32, #tpu.memory_space<vmem_shared>> -> memref<80x128xf32, #tpu.memory_space<vmem_shared>>
      tpu.enqueue_dma source(%arg11 : memref<80x128xf32, #tpu.memory_space<vmem>>) target(%dma_start3A_90 : memref<80x128xf32, #tpu.memory_space<vmem_shared>>) target_semaphore(%run_scoped3A : memref<!tpu.dma_semaphore, #tpu.memory_space<semaphore_mem>>)
      %dma_wait3A = arith.constant 0 : i32
      %dma_wait3A_91 = tpu.memref_slice %arg12[%add3A_25, %dma_wait3A] : memref<10112x128xf32, #tpu.memory_space<vmem_shared>> -> memref<80x128xf32, #tpu.memory_space<vmem_shared>>
      %dma_wait3A_92 = arith.constant 0 : i32
      %dma_wait3A_93 = tpu.memref_slice %arg12[%add3A_25, %dma_wait3A_92] : memref<10112x128xf32, #tpu.memory_space<vmem_shared>> -> memref<80x128xf32, #tpu.memory_space<vmem_shared>>
      tpu.wait_dma2 semaphore(%run_scoped3A : memref<!tpu.dma_semaphore, #tpu.memory_space<semaphore_mem>>) src(%arg11 : memref<80x128xf32, #tpu.memory_space<vmem>>) dst(%dma_wait3A_93 : memref<80x128xf32, #tpu.memory_space<vmem_shared>>)
      tpu.yield
    }) : () -> ()
    %mul3A_26 = arith.constant 632 : i32
    %mul3A_27 = arith.muli %arg1, %mul3A_26 : i32
    %add3A_28 = arith.constant 320 : i32
    %add3A_29 = arith.addi %mul3A_27, %add3A_28 : i32
    "tpu.region"() ({
      %run_scoped3A = tpu.sem_alloc : memref<!tpu.dma_semaphore, #tpu.memory_space<semaphore_mem>>
      %dma_start3A = arith.constant 0 : i32
      %dma_start3A_88 = tpu.memref_slice %arg12[%add3A_29, %dma_start3A] : memref<10112x128xf32, #tpu.memory_space<vmem_shared>> -> memref<80x128xf32, #tpu.memory_space<vmem_shared>>
      %dma_start3A_89 = arith.constant 0 : i32
      %dma_start3A_90 = tpu.memref_slice %arg12[%add3A_29, %dma_start3A_89] : memref<10112x128xf32, #tpu.memory_space<vmem_shared>> -> memref<80x128xf32, #tpu.memory_space<vmem_shared>>
      tpu.enqueue_dma source(%arg11 : memref<80x128xf32, #tpu.memory_space<vmem>>) target(%dma_start3A_90 : memref<80x128xf32, #tpu.memory_space<vmem_shared>>) target_semaphore(%run_scoped3A : memref<!tpu.dma_semaphore, #tpu.memory_space<semaphore_mem>>)
      %dma_wait3A = arith.constant 0 : i32
      %dma_wait3A_91 = tpu.memref_slice %arg12[%add3A_29, %dma_wait3A] : memref<10112x128xf32, #tpu.memory_space<vmem_shared>> -> memref<80x128xf32, #tpu.memory_space<vmem_shared>>
      %dma_wait3A_92 = arith.constant 0 : i32
      %dma_wait3A_93 = tpu.memref_slice %arg12[%add3A_29, %dma_wait3A_92] : memref<10112x128xf32, #tpu.memory_space<vmem_shared>> -> memref<80x128xf32, #tpu.memory_space<vmem_shared>>
      tpu.wait_dma2 semaphore(%run_scoped3A : memref<!tpu.dma_semaphore, #tpu.memory_space<semaphore_mem>>) src(%arg11 : memref<80x128xf32, #tpu.memory_space<vmem>>) dst(%dma_wait3A_93 : memref<80x128xf32, #tpu.memory_space<vmem_shared>>)
      tpu.yield
    }) : () -> ()
    %mul3A_30 = arith.constant 632 : i32
    %mul3A_31 = arith.muli %arg1, %mul3A_30 : i32
    %add3A_32 = arith.constant 400 : i32
    %add3A_33 = arith.addi %mul3A_31, %add3A_32 : i32
    "tpu.region"() ({
      %run_scoped3A = tpu.sem_alloc : memref<!tpu.dma_semaphore, #tpu.memory_space<semaphore_mem>>
      %dma_start3A = arith.constant 0 : i32
      %dma_start3A_88 = tpu.memref_slice %arg12[%add3A_33, %dma_start3A] : memref<10112x128xf32, #tpu.memory_space<vmem_shared>> -> memref<80x128xf32, #tpu.memory_space<vmem_shared>>
      %dma_start3A_89 = arith.constant 0 : i32
      %dma_start3A_90 = tpu.memref_slice %arg12[%add3A_33, %dma_start3A_89] : memref<10112x128xf32, #tpu.memory_space<vmem_shared>> -> memref<80x128xf32, #tpu.memory_space<vmem_shared>>
      tpu.enqueue_dma source(%arg11 : memref<80x128xf32, #tpu.memory_space<vmem>>) target(%dma_start3A_90 : memref<80x128xf32, #tpu.memory_space<vmem_shared>>) target_semaphore(%run_scoped3A : memref<!tpu.dma_semaphore, #tpu.memory_space<semaphore_mem>>)
      %dma_wait3A = arith.constant 0 : i32
      %dma_wait3A_91 = tpu.memref_slice %arg12[%add3A_33, %dma_wait3A] : memref<10112x128xf32, #tpu.memory_space<vmem_shared>> -> memref<80x128xf32, #tpu.memory_space<vmem_shared>>
      %dma_wait3A_92 = arith.constant 0 : i32
      %dma_wait3A_93 = tpu.memref_slice %arg12[%add3A_33, %dma_wait3A_92] : memref<10112x128xf32, #tpu.memory_space<vmem_shared>> -> memref<80x128xf32, #tpu.memory_space<vmem_shared>>
      tpu.wait_dma2 semaphore(%run_scoped3A : memref<!tpu.dma_semaphore, #tpu.memory_space<semaphore_mem>>) src(%arg11 : memref<80x128xf32, #tpu.memory_space<vmem>>) dst(%dma_wait3A_93 : memref<80x128xf32, #tpu.memory_space<vmem_shared>>)
      tpu.yield
    }) : () -> ()
    %mul3A_34 = arith.constant 632 : i32
    %mul3A_35 = arith.muli %arg1, %mul3A_34 : i32
    %add3A_36 = arith.constant 480 : i32
    %add3A_37 = arith.addi %mul3A_35, %add3A_36 : i32
    "tpu.region"() ({
      %run_scoped3A = tpu.sem_alloc : memref<!tpu.dma_semaphore, #tpu.memory_space<semaphore_mem>>
      %dma_start3A = arith.constant 0 : i32
      %dma_start3A_88 = tpu.memref_slice %arg12[%add3A_37, %dma_start3A] : memref<10112x128xf32, #tpu.memory_space<vmem_shared>> -> memref<80x128xf32, #tpu.memory_space<vmem_shared>>
      %dma_start3A_89 = arith.constant 0 : i32
      %dma_start3A_90 = tpu.memref_slice %arg12[%add3A_37, %dma_start3A_89] : memref<10112x128xf32, #tpu.memory_space<vmem_shared>> -> memref<80x128xf32, #tpu.memory_space<vmem_shared>>
      tpu.enqueue_dma source(%arg11 : memref<80x128xf32, #tpu.memory_space<vmem>>) target(%dma_start3A_90 : memref<80x128xf32, #tpu.memory_space<vmem_shared>>) target_semaphore(%run_scoped3A : memref<!tpu.dma_semaphore, #tpu.memory_space<semaphore_mem>>)
      %dma_wait3A = arith.constant 0 : i32
      %dma_wait3A_91 = tpu.memref_slice %arg12[%add3A_37, %dma_wait3A] : memref<10112x128xf32, #tpu.memory_space<vmem_shared>> -> memref<80x128xf32, #tpu.memory_space<vmem_shared>>
      %dma_wait3A_92 = arith.constant 0 : i32
      %dma_wait3A_93 = tpu.memref_slice %arg12[%add3A_37, %dma_wait3A_92] : memref<10112x128xf32, #tpu.memory_space<vmem_shared>> -> memref<80x128xf32, #tpu.memory_space<vmem_shared>>
      tpu.wait_dma2 semaphore(%run_scoped3A : memref<!tpu.dma_semaphore, #tpu.memory_space<semaphore_mem>>) src(%arg11 : memref<80x128xf32, #tpu.memory_space<vmem>>) dst(%dma_wait3A_93 : memref<80x128xf32, #tpu.memory_space<vmem_shared>>)
      tpu.yield
    }) : () -> ()
    %mul3A_38 = arith.constant 632 : i32
    %mul3A_39 = arith.muli %arg1, %mul3A_38 : i32
    %add3A_40 = arith.constant 560 : i32
    %add3A_41 = arith.addi %mul3A_39, %add3A_40 : i32
    "tpu.region"() ({
      %run_scoped3A = tpu.sem_alloc : memref<!tpu.dma_semaphore, #tpu.memory_space<semaphore_mem>>
      %dma_start3A = arith.constant 0 : i32
      %dma_start3A_88 = arith.constant 0 : i32
      %dma_start3A_89 = tpu.memref_slice %arg11[%dma_start3A, %dma_start3A_88] : memref<80x128xf32, #tpu.memory_space<vmem>> -> memref<72x128xf32, #tpu.memory_space<vmem>>
      %dma_start3A_90 = arith.constant 0 : i32
      %dma_start3A_91 = tpu.memref_slice %arg12[%add3A_41, %dma_start3A_90] : memref<10112x128xf32, #tpu.memory_space<vmem_shared>> -> memref<72x128xf32, #tpu.memory_space<vmem_shared>>
      %dma_start3A_92 = arith.constant 0 : i32
      %dma_start3A_93 = tpu.memref_slice %arg12[%add3A_41, %dma_start3A_92] : memref<10112x128xf32, #tpu.memory_space<vmem_shared>> -> memref<72x128xf32, #tpu.memory_space<vmem_shared>>
      %dma_start3A_94 = arith.constant 0 : i32
      %dma_start3A_95 = arith.constant 0 : i32
      %dma_start3A_96 = tpu.memref_slice %arg11[%dma_start3A_94, %dma_start3A_95] : memref<80x128xf32, #tpu.memory_space<vmem>> -> memref<72x128xf32, #tpu.memory_space<vmem>>
      tpu.enqueue_dma source(%dma_start3A_96 : memref<72x128xf32, #tpu.memory_space<vmem>>) target(%dma_start3A_93 : memref<72x128xf32, #tpu.memory_space<vmem_shared>>) target_semaphore(%run_scoped3A : memref<!tpu.dma_semaphore, #tpu.memory_space<semaphore_mem>>)
      %dma_wait3A = arith.constant 0 : i32
      %dma_wait3A_97 = arith.constant 0 : i32
      %dma_wait3A_98 = tpu.memref_slice %arg11[%dma_wait3A, %dma_wait3A_97] : memref<80x128xf32, #tpu.memory_space<vmem>> -> memref<72x128xf32, #tpu.memory_space<vmem>>
      %dma_wait3A_99 = arith.constant 0 : i32
      %dma_wait3A_100 = tpu.memref_slice %arg12[%add3A_41, %dma_wait3A_99] : memref<10112x128xf32, #tpu.memory_space<vmem_shared>> -> memref<72x128xf32, #tpu.memory_space<vmem_shared>>
      %dma_wait3A_101 = arith.constant 0 : i32
      %dma_wait3A_102 = tpu.memref_slice %arg12[%add3A_41, %dma_wait3A_101] : memref<10112x128xf32, #tpu.memory_space<vmem_shared>> -> memref<72x128xf32, #tpu.memory_space<vmem_shared>>
      %dma_wait3A_103 = arith.constant 0 : i32
      %dma_wait3A_104 = arith.constant 0 : i32
      %dma_wait3A_105 = tpu.memref_slice %arg11[%dma_wait3A_103, %dma_wait3A_104] : memref<80x128xf32, #tpu.memory_space<vmem>> -> memref<72x128xf32, #tpu.memory_space<vmem>>
      tpu.wait_dma2 semaphore(%run_scoped3A : memref<!tpu.dma_semaphore, #tpu.memory_space<semaphore_mem>>) src(%dma_wait3A_105 : memref<72x128xf32, #tpu.memory_space<vmem>>) dst(%dma_wait3A_102 : memref<72x128xf32, #tpu.memory_space<vmem_shared>>)
      tpu.yield
    }) : () -> ()
    %barrier3A = arith.constant 0 : index
    tpu.barrier barrier_id(%barrier3A)
    "tpu.trace_stop"() : () -> ()
    "tpu.trace_start"() <{level = 10 : i32, message = "edges_0"}> : () -> ()
    %mul3A_42 = arith.constant 4 : i32
    %mul3A_43 = arith.muli %add3A, %mul3A_42 : i32
    %add3A_44 = arith.constant 0 : i32
    %add3A_45 = arith.addi %mul3A_43, %add3A_44 : i32
    %lt3A_46 = arith.constant 125 : i32
    %lt3A_47 = arith.cmpi slt, %add3A_45, %lt3A_46 : i32
    %convert_element_type3A_48 = arith.extui %lt3A_47 : i1 to i32
    %cond3A_49 = arith.constant 0 : i32
    %cond3A_50 = arith.cmpi ne, %convert_element_type3A_48, %cond3A_49 : i32
    scf.if %cond3A_50 {
      %scan3A_88 = arith.constant 0 : i32
      %scan3A_89 = arith.constant 0 : i32
      %scan3A_90 = arith.constant 8 : i32
      %scan3A_91 = arith.addi %scan3A_89, %scan3A_90 : i32
      %scan3A_92 = arith.constant 1 : i32
      scf.for %scan3A_100 = %scan3A_89 to %scan3A_91 step %scan3A_92  : i32 {
        %mul3A_101 = arith.constant 4 : i32
        %mul3A_102 = arith.muli %mul3A_101, %scan3A_100 : i32
        %add3A_103 = arith.constant 0 : i32
        %add3A_104 = arith.addi %mul3A_102, %add3A_103 : i32
        %ge3A = arith.constant 1 : i32
        %ge3A_105 = arith.cmpi sge, %add3A_104, %ge3A : i32
        %convert_element_type3A_106 = arith.extui %ge3A_105 : i1 to i32
        %cond3A_107 = arith.constant 0 : i32
        %cond3A_108 = arith.cmpi ne, %convert_element_type3A_106, %cond3A_107 : i32
        scf.if %cond3A_108 {
          %sub3A = arith.constant 1 : i32
          %sub3A_211 = arith.subi %add3A_104, %sub3A : i32
          %dma_wait3A_212 = arith.constant 0 : i32
          %dma_wait3A_213 = tpu.memref_slice %arg7[%sub3A_211, %dma_wait3A_212] : memref<32x80xi32, #tpu.memory_space<vmem>> -> memref<1x80xi32, #tpu.memory_space<vmem>>
          %dma_wait3A_214 = tpu.memref_squeeze %dma_wait3A_213 : memref<1x80xi32, #tpu.memory_space<vmem>> -> memref<80xi32, #tpu.memory_space<vmem>>
          %dma_wait3A_215 = arith.constant 0 : i32
          %dma_wait3A_216 = arith.constant 0 : i32
          %dma_wait3A_217 = tpu.memref_slice %arg12[%dma_wait3A_215, %dma_wait3A_216] : memref<10112x128xf32, #tpu.memory_space<vmem_shared>> -> memref<10112x128xf32, #tpu.memory_space<vmem_shared>>
          tpu.wait_indirect_dma semaphore(%arg20 : memref<!tpu.dma_semaphore, #tpu.memory_space<semaphore_mem>>) src(%arg11 : memref<80x128xf32, #tpu.memory_space<vmem>>) dst(%dma_wait3A_217 : memref<10112x128xf32, #tpu.memory_space<vmem_shared>>)
        } else {
        }
        %dma_wait3A_109 = arith.constant 0 : i32
        %dma_wait3A_110 = tpu.memref_slice %arg6[%add3A_104, %dma_wait3A_109] : memref<32x80xi32, #tpu.memory_space<vmem>> -> memref<1x80xi32, #tpu.memory_space<vmem>>
        %dma_wait3A_111 = tpu.memref_squeeze %dma_wait3A_110 : memref<1x80xi32, #tpu.memory_space<vmem>> -> memref<80xi32, #tpu.memory_space<vmem>>
        %dma_wait3A_112 = arith.constant 0 : i32
        %dma_wait3A_113 = arith.constant 0 : i32
        %dma_wait3A_114 = tpu.memref_slice %arg2[%dma_wait3A_112, %dma_wait3A_113] : memref<10000x128xf32, #tpu.memory_space<hbm>> -> memref<10000x128xf32, #tpu.memory_space<hbm>>
        tpu.wait_indirect_dma semaphore(%arg13 : memref<!tpu.dma_semaphore, #tpu.memory_space<semaphore_mem>>) src(%dma_wait3A_114 : memref<10000x128xf32, #tpu.memory_space<hbm>>) dst(%arg8 : memref<80x128xf32, #tpu.memory_space<vmem>>)
        %dma_start3A = arith.constant 0 : i32
        %dma_start3A_115 = tpu.memref_slice %arg7[%add3A_104, %dma_start3A] : memref<32x80xi32, #tpu.memory_space<vmem>> -> memref<1x80xi32, #tpu.memory_space<vmem>>
        %dma_start3A_116 = tpu.memref_squeeze %dma_start3A_115 : memref<1x80xi32, #tpu.memory_space<vmem>> -> memref<80xi32, #tpu.memory_space<vmem>>
        %dma_start3A_117 = arith.constant 0 : i32
        %dma_start3A_118 = arith.constant 0 : i32
        %dma_start3A_119 = tpu.memref_slice %arg12[%dma_start3A_117, %dma_start3A_118] : memref<10112x128xf32, #tpu.memory_space<vmem_shared>> -> memref<10112x128xf32, #tpu.memory_space<vmem_shared>>
        tpu.enqueue_indirect_dma source(%arg8 : memref<80x128xf32, #tpu.memory_space<vmem>>) target(%dma_start3A_119 : memref<10112x128xf32, #tpu.memory_space<vmem_shared>>) offsets(%dma_start3A_116 : memref<80xi32, #tpu.memory_space<vmem>>) semaphore(%arg17 : memref<!tpu.dma_semaphore, #tpu.memory_space<semaphore_mem>>) {add = true}
        %add3A_120 = arith.constant 3 : i32
        %add3A_121 = arith.addi %add3A_104, %add3A_120 : i32
        %lt3A_122 = arith.constant 32 : i32
        %lt3A_123 = arith.cmpi slt, %add3A_121, %lt3A_122 : i32
        %convert_element_type3A_124 = arith.extui %lt3A_123 : i1 to i32
        %cond3A_125 = arith.constant 0 : i32
        %cond3A_126 = arith.cmpi ne, %convert_element_type3A_124, %cond3A_125 : i32
        scf.if %cond3A_126 {
          %add3A_211 = arith.constant 3 : i32
          %add3A_212 = arith.addi %add3A_104, %add3A_211 : i32
          %dma_start3A_213 = arith.constant 0 : i32
          %dma_start3A_214 = tpu.memref_slice %arg6[%add3A_212, %dma_start3A_213] : memref<32x80xi32, #tpu.memory_space<vmem>> -> memref<1x80xi32, #tpu.memory_space<vmem>>
          %dma_start3A_215 = tpu.memref_squeeze %dma_start3A_214 : memref<1x80xi32, #tpu.memory_space<vmem>> -> memref<80xi32, #tpu.memory_space<vmem>>
          %dma_start3A_216 = arith.constant 0 : i32
          %dma_start3A_217 = arith.constant 0 : i32
          %dma_start3A_218 = tpu.memref_slice %arg2[%dma_start3A_216, %dma_start3A_217] : memref<10000x128xf32, #tpu.memory_space<hbm>> -> memref<10000x128xf32, #tpu.memory_space<hbm>>
          tpu.enqueue_indirect_dma source(%dma_start3A_218 : memref<10000x128xf32, #tpu.memory_space<hbm>>) target(%arg11 : memref<80x128xf32, #tpu.memory_space<vmem>>) offsets(%dma_start3A_215 : memref<80xi32, #tpu.memory_space<vmem>>) semaphore(%arg16 : memref<!tpu.dma_semaphore, #tpu.memory_space<semaphore_mem>>)
        } else {
        }
        %mul3A_127 = arith.constant 4 : i32
        %mul3A_128 = arith.muli %mul3A_127, %scan3A_100 : i32
        %add3A_129 = arith.constant 1 : i32
        %add3A_130 = arith.addi %mul3A_128, %add3A_129 : i32
        %ge3A_131 = arith.constant 1 : i32
        %ge3A_132 = arith.cmpi sge, %add3A_130, %ge3A_131 : i32
        %convert_element_type3A_133 = arith.extui %ge3A_132 : i1 to i32
        %cond3A_134 = arith.constant 0 : i32
        %cond3A_135 = arith.cmpi ne, %convert_element_type3A_133, %cond3A_134 : i32
        scf.if %cond3A_135 {
          %sub3A = arith.constant 1 : i32
          %sub3A_211 = arith.subi %add3A_130, %sub3A : i32
          %dma_wait3A_212 = arith.constant 0 : i32
          %dma_wait3A_213 = tpu.memref_slice %arg7[%sub3A_211, %dma_wait3A_212] : memref<32x80xi32, #tpu.memory_space<vmem>> -> memref<1x80xi32, #tpu.memory_space<vmem>>
          %dma_wait3A_214 = tpu.memref_squeeze %dma_wait3A_213 : memref<1x80xi32, #tpu.memory_space<vmem>> -> memref<80xi32, #tpu.memory_space<vmem>>
          %dma_wait3A_215 = arith.constant 0 : i32
          %dma_wait3A_216 = arith.constant 0 : i32
          %dma_wait3A_217 = tpu.memref_slice %arg12[%dma_wait3A_215, %dma_wait3A_216] : memref<10112x128xf32, #tpu.memory_space<vmem_shared>> -> memref<10112x128xf32, #tpu.memory_space<vmem_shared>>
          tpu.wait_indirect_dma semaphore(%arg17 : memref<!tpu.dma_semaphore, #tpu.memory_space<semaphore_mem>>) src(%arg8 : memref<80x128xf32, #tpu.memory_space<vmem>>) dst(%dma_wait3A_217 : memref<10112x128xf32, #tpu.memory_space<vmem_shared>>)
        } else {
        }
        %dma_wait3A_136 = arith.constant 0 : i32
        %dma_wait3A_137 = tpu.memref_slice %arg6[%add3A_130, %dma_wait3A_136] : memref<32x80xi32, #tpu.memory_space<vmem>> -> memref<1x80xi32, #tpu.memory_space<vmem>>
        %dma_wait3A_138 = tpu.memref_squeeze %dma_wait3A_137 : memref<1x80xi32, #tpu.memory_space<vmem>> -> memref<80xi32, #tpu.memory_space<vmem>>
        %dma_wait3A_139 = arith.constant 0 : i32
        %dma_wait3A_140 = arith.constant 0 : i32
        %dma_wait3A_141 = tpu.memref_slice %arg2[%dma_wait3A_139, %dma_wait3A_140] : memref<10000x128xf32, #tpu.memory_space<hbm>> -> memref<10000x128xf32, #tpu.memory_space<hbm>>
        tpu.wait_indirect_dma semaphore(%arg14 : memref<!tpu.dma_semaphore, #tpu.memory_space<semaphore_mem>>) src(%dma_wait3A_141 : memref<10000x128xf32, #tpu.memory_space<hbm>>) dst(%arg9 : memref<80x128xf32, #tpu.memory_space<vmem>>)
        %dma_start3A_142 = arith.constant 0 : i32
        %dma_start3A_143 = tpu.memref_slice %arg7[%add3A_130, %dma_start3A_142] : memref<32x80xi32, #tpu.memory_space<vmem>> -> memref<1x80xi32, #tpu.memory_space<vmem>>
        %dma_start3A_144 = tpu.memref_squeeze %dma_start3A_143 : memref<1x80xi32, #tpu.memory_space<vmem>> -> memref<80xi32, #tpu.memory_space<vmem>>
        %dma_start3A_145 = arith.constant 0 : i32
        %dma_start3A_146 = arith.constant 0 : i32
        %dma_start3A_147 = tpu.memref_slice %arg12[%dma_start3A_145, %dma_start3A_146] : memref<10112x128xf32, #tpu.memory_space<vmem_shared>> -> memref<10112x128xf32, #tpu.memory_space<vmem_shared>>
        tpu.enqueue_indirect_dma source(%arg9 : memref<80x128xf32, #tpu.memory_space<vmem>>) target(%dma_start3A_147 : memref<10112x128xf32, #tpu.memory_space<vmem_shared>>) offsets(%dma_start3A_144 : memref<80xi32, #tpu.memory_space<vmem>>) semaphore(%arg18 : memref<!tpu.dma_semaphore, #tpu.memory_space<semaphore_mem>>) {add = true}
        %add3A_148 = arith.constant 3 : i32
        %add3A_149 = arith.addi %add3A_130, %add3A_148 : i32
        %lt3A_150 = arith.constant 32 : i32
        %lt3A_151 = arith.cmpi slt, %add3A_149, %lt3A_150 : i32
        %convert_element_type3A_152 = arith.extui %lt3A_151 : i1 to i32
        %cond3A_153 = arith.constant 0 : i32
        %cond3A_154 = arith.cmpi ne, %convert_element_type3A_152, %cond3A_153 : i32
        scf.if %cond3A_154 {
          %add3A_211 = arith.constant 3 : i32
          %add3A_212 = arith.addi %add3A_130, %add3A_211 : i32
          %dma_start3A_213 = arith.constant 0 : i32
          %dma_start3A_214 = tpu.memref_slice %arg6[%add3A_212, %dma_start3A_213] : memref<32x80xi32, #tpu.memory_space<vmem>> -> memref<1x80xi32, #tpu.memory_space<vmem>>
          %dma_start3A_215 = tpu.memref_squeeze %dma_start3A_214 : memref<1x80xi32, #tpu.memory_space<vmem>> -> memref<80xi32, #tpu.memory_space<vmem>>
          %dma_start3A_216 = arith.constant 0 : i32
          %dma_start3A_217 = arith.constant 0 : i32
          %dma_start3A_218 = tpu.memref_slice %arg2[%dma_start3A_216, %dma_start3A_217] : memref<10000x128xf32, #tpu.memory_space<hbm>> -> memref<10000x128xf32, #tpu.memory_space<hbm>>
          tpu.enqueue_indirect_dma source(%dma_start3A_218 : memref<10000x128xf32, #tpu.memory_space<hbm>>) target(%arg8 : memref<80x128xf32, #tpu.memory_space<vmem>>) offsets(%dma_start3A_215 : memref<80xi32, #tpu.memory_space<vmem>>) semaphore(%arg13 : memref<!tpu.dma_semaphore, #tpu.memory_space<semaphore_mem>>)
        } else {
        }
        %mul3A_155 = arith.constant 4 : i32
        %mul3A_156 = arith.muli %mul3A_155, %scan3A_100 : i32
        %add3A_157 = arith.constant 2 : i32
        %add3A_158 = arith.addi %mul3A_156, %add3A_157 : i32
        %ge3A_159 = arith.constant 1 : i32
        %ge3A_160 = arith.cmpi sge, %add3A_158, %ge3A_159 : i32
        %convert_element_type3A_161 = arith.extui %ge3A_160 : i1 to i32
        %cond3A_162 = arith.constant 0 : i32
        %cond3A_163 = arith.cmpi ne, %convert_element_type3A_161, %cond3A_162 : i32
        scf.if %cond3A_163 {
          %sub3A = arith.constant 1 : i32
          %sub3A_211 = arith.subi %add3A_158, %sub3A : i32
          %dma_wait3A_212 = arith.constant 0 : i32
          %dma_wait3A_213 = tpu.memref_slice %arg7[%sub3A_211, %dma_wait3A_212] : memref<32x80xi32, #tpu.memory_space<vmem>> -> memref<1x80xi32, #tpu.memory_space<vmem>>
          %dma_wait3A_214 = tpu.memref_squeeze %dma_wait3A_213 : memref<1x80xi32, #tpu.memory_space<vmem>> -> memref<80xi32, #tpu.memory_space<vmem>>
          %dma_wait3A_215 = arith.constant 0 : i32
          %dma_wait3A_216 = arith.constant 0 : i32
          %dma_wait3A_217 = tpu.memref_slice %arg12[%dma_wait3A_215, %dma_wait3A_216] : memref<10112x128xf32, #tpu.memory_space<vmem_shared>> -> memref<10112x128xf32, #tpu.memory_space<vmem_shared>>
          tpu.wait_indirect_dma semaphore(%arg18 : memref<!tpu.dma_semaphore, #tpu.memory_space<semaphore_mem>>) src(%arg9 : memref<80x128xf32, #tpu.memory_space<vmem>>) dst(%dma_wait3A_217 : memref<10112x128xf32, #tpu.memory_space<vmem_shared>>)
        } else {
        }
        %dma_wait3A_164 = arith.constant 0 : i32
        %dma_wait3A_165 = tpu.memref_slice %arg6[%add3A_158, %dma_wait3A_164] : memref<32x80xi32, #tpu.memory_space<vmem>> -> memref<1x80xi32, #tpu.memory_space<vmem>>
        %dma_wait3A_166 = tpu.memref_squeeze %dma_wait3A_165 : memref<1x80xi32, #tpu.memory_space<vmem>> -> memref<80xi32, #tpu.memory_space<vmem>>
        %dma_wait3A_167 = arith.constant 0 : i32
        %dma_wait3A_168 = arith.constant 0 : i32
        %dma_wait3A_169 = tpu.memref_slice %arg2[%dma_wait3A_167, %dma_wait3A_168] : memref<10000x128xf32, #tpu.memory_space<hbm>> -> memref<10000x128xf32, #tpu.memory_space<hbm>>
        tpu.wait_indirect_dma semaphore(%arg15 : memref<!tpu.dma_semaphore, #tpu.memory_space<semaphore_mem>>) src(%dma_wait3A_169 : memref<10000x128xf32, #tpu.memory_space<hbm>>) dst(%arg10 : memref<80x128xf32, #tpu.memory_space<vmem>>)
        %dma_start3A_170 = arith.constant 0 : i32
        %dma_start3A_171 = tpu.memref_slice %arg7[%add3A_158, %dma_start3A_170] : memref<32x80xi32, #tpu.memory_space<vmem>> -> memref<1x80xi32, #tpu.memory_space<vmem>>
        %dma_start3A_172 = tpu.memref_squeeze %dma_start3A_171 : memref<1x80xi32, #tpu.memory_space<vmem>> -> memref<80xi32, #tpu.memory_space<vmem>>
        %dma_start3A_173 = arith.constant 0 : i32
        %dma_start3A_174 = arith.constant 0 : i32
        %dma_start3A_175 = tpu.memref_slice %arg12[%dma_start3A_173, %dma_start3A_174] : memref<10112x128xf32, #tpu.memory_space<vmem_shared>> -> memref<10112x128xf32, #tpu.memory_space<vmem_shared>>
        tpu.enqueue_indirect_dma source(%arg10 : memref<80x128xf32, #tpu.memory_space<vmem>>) target(%dma_start3A_175 : memref<10112x128xf32, #tpu.memory_space<vmem_shared>>) offsets(%dma_start3A_172 : memref<80xi32, #tpu.memory_space<vmem>>) semaphore(%arg19 : memref<!tpu.dma_semaphore, #tpu.memory_space<semaphore_mem>>) {add = true}
        %add3A_176 = arith.constant 3 : i32
        %add3A_177 = arith.addi %add3A_158, %add3A_176 : i32
        %lt3A_178 = arith.constant 32 : i32
        %lt3A_179 = arith.cmpi slt, %add3A_177, %lt3A_178 : i32
        %convert_element_type3A_180 = arith.extui %lt3A_179 : i1 to i32
        %cond3A_181 = arith.constant 0 : i32
        %cond3A_182 = arith.cmpi ne, %convert_element_type3A_180, %cond3A_181 : i32
        scf.if %cond3A_182 {
          %add3A_211 = arith.constant 3 : i32
          %add3A_212 = arith.addi %add3A_158, %add3A_211 : i32
          %dma_start3A_213 = arith.constant 0 : i32
          %dma_start3A_214 = tpu.memref_slice %arg6[%add3A_212, %dma_start3A_213] : memref<32x80xi32, #tpu.memory_space<vmem>> -> memref<1x80xi32, #tpu.memory_space<vmem>>
          %dma_start3A_215 = tpu.memref_squeeze %dma_start3A_214 : memref<1x80xi32, #tpu.memory_space<vmem>> -> memref<80xi32, #tpu.memory_space<vmem>>
          %dma_start3A_216 = arith.constant 0 : i32
          %dma_start3A_217 = arith.constant 0 : i32
          %dma_start3A_218 = tpu.memref_slice %arg2[%dma_start3A_216, %dma_start3A_217] : memref<10000x128xf32, #tpu.memory_space<hbm>> -> memref<10000x128xf32, #tpu.memory_space<hbm>>
          tpu.enqueue_indirect_dma source(%dma_start3A_218 : memref<10000x128xf32, #tpu.memory_space<hbm>>) target(%arg9 : memref<80x128xf32, #tpu.memory_space<vmem>>) offsets(%dma_start3A_215 : memref<80xi32, #tpu.memory_space<vmem>>) semaphore(%arg14 : memref<!tpu.dma_semaphore, #tpu.memory_space<semaphore_mem>>)
        } else {
        }
        %mul3A_183 = arith.constant 4 : i32
        %mul3A_184 = arith.muli %mul3A_183, %scan3A_100 : i32
        %add3A_185 = arith.constant 3 : i32
        %add3A_186 = arith.addi %mul3A_184, %add3A_185 : i32
        %ge3A_187 = arith.constant 1 : i32
        %ge3A_188 = arith.cmpi sge, %add3A_186, %ge3A_187 : i32
        %convert_element_type3A_189 = arith.extui %ge3A_188 : i1 to i32
        %cond3A_190 = arith.constant 0 : i32
        %cond3A_191 = arith.cmpi ne, %convert_element_type3A_189, %cond3A_190 : i32
        scf.if %cond3A_191 {
          %sub3A = arith.constant 1 : i32
          %sub3A_211 = arith.subi %add3A_186, %sub3A : i32
          %dma_wait3A_212 = arith.constant 0 : i32
          %dma_wait3A_213 = tpu.memref_slice %arg7[%sub3A_211, %dma_wait3A_212] : memref<32x80xi32, #tpu.memory_space<vmem>> -> memref<1x80xi32, #tpu.memory_space<vmem>>
          %dma_wait3A_214 = tpu.memref_squeeze %dma_wait3A_213 : memref<1x80xi32, #tpu.memory_space<vmem>> -> memref<80xi32, #tpu.memory_space<vmem>>
          %dma_wait3A_215 = arith.constant 0 : i32
          %dma_wait3A_216 = arith.constant 0 : i32
          %dma_wait3A_217 = tpu.memref_slice %arg12[%dma_wait3A_215, %dma_wait3A_216] : memref<10112x128xf32, #tpu.memory_space<vmem_shared>> -> memref<10112x128xf32, #tpu.memory_space<vmem_shared>>
          tpu.wait_indirect_dma semaphore(%arg19 : memref<!tpu.dma_semaphore, #tpu.memory_space<semaphore_mem>>) src(%arg10 : memref<80x128xf32, #tpu.memory_space<vmem>>) dst(%dma_wait3A_217 : memref<10112x128xf32, #tpu.memory_space<vmem_shared>>)
        } else {
        }
        %dma_wait3A_192 = arith.constant 0 : i32
        %dma_wait3A_193 = tpu.memref_slice %arg6[%add3A_186, %dma_wait3A_192] : memref<32x80xi32, #tpu.memory_space<vmem>> -> memref<1x80xi32, #tpu.memory_space<vmem>>
        %dma_wait3A_194 = tpu.memref_squeeze %dma_wait3A_193 : memref<1x80xi32, #tpu.memory_space<vmem>> -> memref<80xi32, #tpu.memory_space<vmem>>
        %dma_wait3A_195 = arith.constant 0 : i32
        %dma_wait3A_196 = arith.constant 0 : i32
        %dma_wait3A_197 = tpu.memref_slice %arg2[%dma_wait3A_195, %dma_wait3A_196] : memref<10000x128xf32, #tpu.memory_space<hbm>> -> memref<10000x128xf32, #tpu.memory_space<hbm>>
        tpu.wait_indirect_dma semaphore(%arg16 : memref<!tpu.dma_semaphore, #tpu.memory_space<semaphore_mem>>) src(%dma_wait3A_197 : memref<10000x128xf32, #tpu.memory_space<hbm>>) dst(%arg11 : memref<80x128xf32, #tpu.memory_space<vmem>>)
        %dma_start3A_198 = arith.constant 0 : i32
        %dma_start3A_199 = tpu.memref_slice %arg7[%add3A_186, %dma_start3A_198] : memref<32x80xi32, #tpu.memory_space<vmem>> -> memref<1x80xi32, #tpu.memory_space<vmem>>
        %dma_start3A_200 = tpu.memref_squeeze %dma_start3A_199 : memref<1x80xi32, #tpu.memory_space<vmem>> -> memref<80xi32, #tpu.memory_space<vmem>>
        %dma_start3A_201 = arith.constant 0 : i32
        %dma_start3A_202 = arith.constant 0 : i32
        %dma_start3A_203 = tpu.memref_slice %arg12[%dma_start3A_201, %dma_start3A_202] : memref<10112x128xf32, #tpu.memory_space<vmem_shared>> -> memref<10112x128xf32, #tpu.memory_space<vmem_shared>>
        tpu.enqueue_indirect_dma source(%arg11 : memref<80x128xf32, #tpu.memory_space<vmem>>) target(%dma_start3A_203 : memref<10112x128xf32, #tpu.memory_space<vmem_shared>>) offsets(%dma_start3A_200 : memref<80xi32, #tpu.memory_space<vmem>>) semaphore(%arg20 : memref<!tpu.dma_semaphore, #tpu.memory_space<semaphore_mem>>) {add = true}
        %add3A_204 = arith.constant 3 : i32
        %add3A_205 = arith.addi %add3A_186, %add3A_204 : i32
        %lt3A_206 = arith.constant 32 : i32
        %lt3A_207 = arith.cmpi slt, %add3A_205, %lt3A_206 : i32
        %convert_element_type3A_208 = arith.extui %lt3A_207 : i1 to i32
        %cond3A_209 = arith.constant 0 : i32
        %cond3A_210 = arith.cmpi ne, %convert_element_type3A_208, %cond3A_209 : i32
        scf.if %cond3A_210 {
          %add3A_211 = arith.constant 3 : i32
          %add3A_212 = arith.addi %add3A_186, %add3A_211 : i32
          %dma_start3A_213 = arith.constant 0 : i32
          %dma_start3A_214 = tpu.memref_slice %arg6[%add3A_212, %dma_start3A_213] : memref<32x80xi32, #tpu.memory_space<vmem>> -> memref<1x80xi32, #tpu.memory_space<vmem>>
          %dma_start3A_215 = tpu.memref_squeeze %dma_start3A_214 : memref<1x80xi32, #tpu.memory_space<vmem>> -> memref<80xi32, #tpu.memory_space<vmem>>
          %dma_start3A_216 = arith.constant 0 : i32
          %dma_start3A_217 = arith.constant 0 : i32
          %dma_start3A_218 = tpu.memref_slice %arg2[%dma_start3A_216, %dma_start3A_217] : memref<10000x128xf32, #tpu.memory_space<hbm>> -> memref<10000x128xf32, #tpu.memory_space<hbm>>
          tpu.enqueue_indirect_dma source(%dma_start3A_218 : memref<10000x128xf32, #tpu.memory_space<hbm>>) target(%arg10 : memref<80x128xf32, #tpu.memory_space<vmem>>) offsets(%dma_start3A_215 : memref<80xi32, #tpu.memory_space<vmem>>) semaphore(%arg15 : memref<!tpu.dma_semaphore, #tpu.memory_space<semaphore_mem>>)
        } else {
        }
      }
      %scan3A_93 = arith.constant 8 : i32
      %dma_wait3A = arith.constant 31 : i32
      %dma_wait3A_94 = arith.constant 0 : i32
      %dma_wait3A_95 = tpu.memref_slice %arg7[%dma_wait3A, %dma_wait3A_94] : memref<32x80xi32, #tpu.memory_space<vmem>> -> memref<1x80xi32, #tpu.memory_space<vmem>>
      %dma_wait3A_96 = tpu.memref_squeeze %dma_wait3A_95 : memref<1x80xi32, #tpu.memory_space<vmem>> -> memref<80xi32, #tpu.memory_space<vmem>>
      %dma_wait3A_97 = arith.constant 0 : i32
      %dma_wait3A_98 = arith.constant 0 : i32
      %dma_wait3A_99 = tpu.memref_slice %arg12[%dma_wait3A_97, %dma_wait3A_98] : memref<10112x128xf32, #tpu.memory_space<vmem_shared>> -> memref<10112x128xf32, #tpu.memory_space<vmem_shared>>
      tpu.wait_indirect_dma semaphore(%arg20 : memref<!tpu.dma_semaphore, #tpu.memory_space<semaphore_mem>>) src(%arg11 : memref<80x128xf32, #tpu.memory_space<vmem>>) dst(%dma_wait3A_99 : memref<10112x128xf32, #tpu.memory_space<vmem_shared>>)
    } else {
    }
    "tpu.trace_stop"() : () -> ()
    "tpu.trace_start"() <{level = 10 : i32, message = "edges_1"}> : () -> ()
    %mul3A_51 = arith.constant 4 : i32
    %mul3A_52 = arith.muli %add3A, %mul3A_51 : i32
    %add3A_53 = arith.constant 1 : i32
    %add3A_54 = arith.addi %mul3A_52, %add3A_53 : i32
    %lt3A_55 = arith.constant 125 : i32
    %lt3A_56 = arith.cmpi slt, %add3A_54, %lt3A_55 : i32
    %convert_element_type3A_57 = arith.extui %lt3A_56 : i1 to i32
    %cond3A_58 = arith.constant 0 : i32
    %cond3A_59 = arith.cmpi ne, %convert_element_type3A_57, %cond3A_58 : i32
    scf.if %cond3A_59 {
      %mul3A_88 = arith.constant 32 : i32
      %mul3A_89 = arith.muli %add3A_54, %mul3A_88 : i32
      %run_scoped3A = arith.constant 0 : i32
      "tpu.region"() ({
        %run_scoped3A_125 = tpu.sem_alloc : memref<!tpu.dma_semaphore, #tpu.memory_space<semaphore_mem>>
        %dma_start3A_126 = arith.constant 0 : i32
        %dma_start3A_127 = tpu.memref_slice %arg3[%run_scoped3A, %mul3A_89, %dma_start3A_126] : memref<2x4000x80xi32, #tpu.memory_space<hbm>> -> memref<1x32x80xi32, #tpu.memory_space<hbm>>
        %dma_start3A_128 = tpu.memref_squeeze %dma_start3A_127 : memref<1x32x80xi32, #tpu.memory_space<hbm>> -> memref<32x80xi32, #tpu.memory_space<hbm>>
        %dma_start3A_129 = arith.constant 0 : i32
        %dma_start3A_130 = tpu.memref_slice %arg3[%run_scoped3A, %mul3A_89, %dma_start3A_129] : memref<2x4000x80xi32, #tpu.memory_space<hbm>> -> memref<1x32x80xi32, #tpu.memory_space<hbm>>
        %dma_start3A_131 = tpu.memref_squeeze %dma_start3A_130 : memref<1x32x80xi32, #tpu.memory_space<hbm>> -> memref<32x80xi32, #tpu.memory_space<hbm>>
        tpu.enqueue_dma source(%dma_start3A_131 : memref<32x80xi32, #tpu.memory_space<hbm>>) target(%arg6 : memref<32x80xi32, #tpu.memory_space<vmem>>) target_semaphore(%run_scoped3A_125 : memref<!tpu.dma_semaphore, #tpu.memory_space<semaphore_mem>>)
        %dma_wait3A_132 = arith.constant 0 : i32
        %dma_wait3A_133 = tpu.memref_slice %arg3[%run_scoped3A, %mul3A_89, %dma_wait3A_132] : memref<2x4000x80xi32, #tpu.memory_space<hbm>> -> memref<1x32x80xi32, #tpu.memory_space<hbm>>
        %dma_wait3A_134 = tpu.memref_squeeze %dma_wait3A_133 : memref<1x32x80xi32, #tpu.memory_space<hbm>> -> memref<32x80xi32, #tpu.memory_space<hbm>>
        %dma_wait3A_135 = arith.constant 0 : i32
        %dma_wait3A_136 = tpu.memref_slice %arg3[%run_scoped3A, %mul3A_89, %dma_wait3A_135] : memref<2x4000x80xi32, #tpu.memory_space<hbm>> -> memref<1x32x80xi32, #tpu.memory_space<hbm>>
        %dma_wait3A_137 = tpu.memref_squeeze %dma_wait3A_136 : memref<1x32x80xi32, #tpu.memory_space<hbm>> -> memref<32x80xi32, #tpu.memory_space<hbm>>
        tpu.wait_dma2 semaphore(%run_scoped3A_125 : memref<!tpu.dma_semaphore, #tpu.memory_space<semaphore_mem>>) src(%dma_wait3A_137 : memref<32x80xi32, #tpu.memory_space<hbm>>) dst(%arg6 : memref<32x80xi32, #tpu.memory_space<vmem>>)
        tpu.yield
      }) : () -> ()
      %mul3A_90 = arith.constant 32 : i32
      %mul3A_91 = arith.muli %add3A_54, %mul3A_90 : i32
      %run_scoped3A_92 = arith.constant 1 : i32
      "tpu.region"() ({
        %run_scoped3A_125 = tpu.sem_alloc : memref<!tpu.dma_semaphore, #tpu.memory_space<semaphore_mem>>
        %dma_start3A_126 = arith.constant 0 : i32
        %dma_start3A_127 = tpu.memref_slice %arg3[%run_scoped3A_92, %mul3A_91, %dma_start3A_126] : memref<2x4000x80xi32, #tpu.memory_space<hbm>> -> memref<1x32x80xi32, #tpu.memory_space<hbm>>
        %dma_start3A_128 = tpu.memref_squeeze %dma_start3A_127 : memref<1x32x80xi32, #tpu.memory_space<hbm>> -> memref<32x80xi32, #tpu.memory_space<hbm>>
        %dma_start3A_129 = arith.constant 0 : i32
        %dma_start3A_130 = tpu.memref_slice %arg3[%run_scoped3A_92, %mul3A_91, %dma_start3A_129] : memref<2x4000x80xi32, #tpu.memory_space<hbm>> -> memref<1x32x80xi32, #tpu.memory_space<hbm>>
        %dma_start3A_131 = tpu.memref_squeeze %dma_start3A_130 : memref<1x32x80xi32, #tpu.memory_space<hbm>> -> memref<32x80xi32, #tpu.memory_space<hbm>>
        tpu.enqueue_dma source(%dma_start3A_131 : memref<32x80xi32, #tpu.memory_space<hbm>>) target(%arg7 : memref<32x80xi32, #tpu.memory_space<vmem>>) target_semaphore(%run_scoped3A_125 : memref<!tpu.dma_semaphore, #tpu.memory_space<semaphore_mem>>)
        %dma_wait3A_132 = arith.constant 0 : i32
        %dma_wait3A_133 = tpu.memref_slice %arg3[%run_scoped3A_92, %mul3A_91, %dma_wait3A_132] : memref<2x4000x80xi32, #tpu.memory_space<hbm>> -> memref<1x32x80xi32, #tpu.memory_space<hbm>>
        %dma_wait3A_134 = tpu.memref_squeeze %dma_wait3A_133 : memref<1x32x80xi32, #tpu.memory_space<hbm>> -> memref<32x80xi32, #tpu.memory_space<hbm>>
        %dma_wait3A_135 = arith.constant 0 : i32
        %dma_wait3A_136 = tpu.memref_slice %arg3[%run_scoped3A_92, %mul3A_91, %dma_wait3A_135] : memref<2x4000x80xi32, #tpu.memory_space<hbm>> -> memref<1x32x80xi32, #tpu.memory_space<hbm>>
        %dma_wait3A_137 = tpu.memref_squeeze %dma_wait3A_136 : memref<1x32x80xi32, #tpu.memory_space<hbm>> -> memref<32x80xi32, #tpu.memory_space<hbm>>
        tpu.wait_dma2 semaphore(%run_scoped3A_125 : memref<!tpu.dma_semaphore, #tpu.memory_space<semaphore_mem>>) src(%dma_wait3A_137 : memref<32x80xi32, #tpu.memory_space<hbm>>) dst(%arg7 : memref<32x80xi32, #tpu.memory_space<vmem>>)
        tpu.yield
      }) : () -> ()
      %dma_start3A = arith.constant 0 : i32
      %dma_start3A_93 = arith.constant 0 : i32
      %dma_start3A_94 = tpu.memref_slice %arg6[%dma_start3A, %dma_start3A_93] : memref<32x80xi32, #tpu.memory_space<vmem>> -> memref<1x80xi32, #tpu.memory_space<vmem>>
      %dma_start3A_95 = tpu.memref_squeeze %dma_start3A_94 : memref<1x80xi32, #tpu.memory_space<vmem>> -> memref<80xi32, #tpu.memory_space<vmem>>
      %dma_start3A_96 = arith.constant 0 : i32
      %dma_start3A_97 = arith.constant 0 : i32
      %dma_start3A_98 = tpu.memref_slice %arg2[%dma_start3A_96, %dma_start3A_97] : memref<10000x128xf32, #tpu.memory_space<hbm>> -> memref<10000x128xf32, #tpu.memory_space<hbm>>
      tpu.enqueue_indirect_dma source(%dma_start3A_98 : memref<10000x128xf32, #tpu.memory_space<hbm>>) target(%arg8 : memref<80x128xf32, #tpu.memory_space<vmem>>) offsets(%dma_start3A_95 : memref<80xi32, #tpu.memory_space<vmem>>) semaphore(%arg13 : memref<!tpu.dma_semaphore, #tpu.memory_space<semaphore_mem>>)
      %dma_start3A_99 = arith.constant 1 : i32
      %dma_start3A_100 = arith.constant 0 : i32
      %dma_start3A_101 = tpu.memref_slice %arg6[%dma_start3A_99, %dma_start3A_100] : memref<32x80xi32, #tpu.memory_space<vmem>> -> memref<1x80xi32, #tpu.memory_space<vmem>>
      %dma_start3A_102 = tpu.memref_squeeze %dma_start3A_101 : memref<1x80xi32, #tpu.memory_space<vmem>> -> memref<80xi32, #tpu.memory_space<vmem>>
      %dma_start3A_103 = arith.constant 0 : i32
      %dma_start3A_104 = arith.constant 0 : i32
      %dma_start3A_105 = tpu.memref_slice %arg2[%dma_start3A_103, %dma_start3A_104] : memref<10000x128xf32, #tpu.memory_space<hbm>> -> memref<10000x128xf32, #tpu.memory_space<hbm>>
      tpu.enqueue_indirect_dma source(%dma_start3A_105 : memref<10000x128xf32, #tpu.memory_space<hbm>>) target(%arg9 : memref<80x128xf32, #tpu.memory_space<vmem>>) offsets(%dma_start3A_102 : memref<80xi32, #tpu.memory_space<vmem>>) semaphore(%arg14 : memref<!tpu.dma_semaphore, #tpu.memory_space<semaphore_mem>>)
      %dma_start3A_106 = arith.constant 2 : i32
      %dma_start3A_107 = arith.constant 0 : i32
      %dma_start3A_108 = tpu.memref_slice %arg6[%dma_start3A_106, %dma_start3A_107] : memref<32x80xi32, #tpu.memory_space<vmem>> -> memref<1x80xi32, #tpu.memory_space<vmem>>
      %dma_start3A_109 = tpu.memref_squeeze %dma_start3A_108 : memref<1x80xi32, #tpu.memory_space<vmem>> -> memref<80xi32, #tpu.memory_space<vmem>>
      %dma_start3A_110 = arith.constant 0 : i32
      %dma_start3A_111 = arith.constant 0 : i32
      %dma_start3A_112 = tpu.memref_slice %arg2[%dma_start3A_110, %dma_start3A_111] : memref<10000x128xf32, #tpu.memory_space<hbm>> -> memref<10000x128xf32, #tpu.memory_space<hbm>>
      tpu.enqueue_indirect_dma source(%dma_start3A_112 : memref<10000x128xf32, #tpu.memory_space<hbm>>) target(%arg10 : memref<80x128xf32, #tpu.memory_space<vmem>>) offsets(%dma_start3A_109 : memref<80xi32, #tpu.memory_space<vmem>>) semaphore(%arg15 : memref<!tpu.dma_semaphore, #tpu.memory_space<semaphore_mem>>)
      %scan3A_113 = arith.constant 0 : i32
      %scan3A_114 = arith.constant 0 : i32
      %scan3A_115 = arith.constant 8 : i32
      %scan3A_116 = arith.addi %scan3A_114, %scan3A_115 : i32
      %scan3A_117 = arith.constant 1 : i32
      scf.for %scan3A_125 = %scan3A_114 to %scan3A_116 step %scan3A_117  : i32 {
        %mul3A_126 = arith.constant 4 : i32
        %mul3A_127 = arith.muli %mul3A_126, %scan3A_125 : i32
        %add3A_128 = arith.constant 0 : i32
        %add3A_129 = arith.addi %mul3A_127, %add3A_128 : i32
        %ge3A = arith.constant 1 : i32
        %ge3A_130 = arith.cmpi sge, %add3A_129, %ge3A : i32
        %convert_element_type3A_131 = arith.extui %ge3A_130 : i1 to i32
        %cond3A_132 = arith.constant 0 : i32
        %cond3A_133 = arith.cmpi ne, %convert_element_type3A_131, %cond3A_132 : i32
        scf.if %cond3A_133 {
          %sub3A = arith.constant 1 : i32
          %sub3A_237 = arith.subi %add3A_129, %sub3A : i32
          %dma_wait3A_238 = arith.constant 0 : i32
          %dma_wait3A_239 = tpu.memref_slice %arg7[%sub3A_237, %dma_wait3A_238] : memref<32x80xi32, #tpu.memory_space<vmem>> -> memref<1x80xi32, #tpu.memory_space<vmem>>
          %dma_wait3A_240 = tpu.memref_squeeze %dma_wait3A_239 : memref<1x80xi32, #tpu.memory_space<vmem>> -> memref<80xi32, #tpu.memory_space<vmem>>
          %dma_wait3A_241 = arith.constant 0 : i32
          %dma_wait3A_242 = arith.constant 0 : i32
          %dma_wait3A_243 = tpu.memref_slice %arg12[%dma_wait3A_241, %dma_wait3A_242] : memref<10112x128xf32, #tpu.memory_space<vmem_shared>> -> memref<10112x128xf32, #tpu.memory_space<vmem_shared>>
          tpu.wait_indirect_dma semaphore(%arg20 : memref<!tpu.dma_semaphore, #tpu.memory_space<semaphore_mem>>) src(%arg11 : memref<80x128xf32, #tpu.memory_space<vmem>>) dst(%dma_wait3A_243 : memref<10112x128xf32, #tpu.memory_space<vmem_shared>>)
        } else {
        }
        %dma_wait3A_134 = arith.constant 0 : i32
        %dma_wait3A_135 = tpu.memref_slice %arg6[%add3A_129, %dma_wait3A_134] : memref<32x80xi32, #tpu.memory_space<vmem>> -> memref<1x80xi32, #tpu.memory_space<vmem>>
        %dma_wait3A_136 = tpu.memref_squeeze %dma_wait3A_135 : memref<1x80xi32, #tpu.memory_space<vmem>> -> memref<80xi32, #tpu.memory_space<vmem>>
        %dma_wait3A_137 = arith.constant 0 : i32
        %dma_wait3A_138 = arith.constant 0 : i32
        %dma_wait3A_139 = tpu.memref_slice %arg2[%dma_wait3A_137, %dma_wait3A_138] : memref<10000x128xf32, #tpu.memory_space<hbm>> -> memref<10000x128xf32, #tpu.memory_space<hbm>>
        tpu.wait_indirect_dma semaphore(%arg13 : memref<!tpu.dma_semaphore, #tpu.memory_space<semaphore_mem>>) src(%dma_wait3A_139 : memref<10000x128xf32, #tpu.memory_space<hbm>>) dst(%arg8 : memref<80x128xf32, #tpu.memory_space<vmem>>)
        %dma_start3A_140 = arith.constant 0 : i32
        %dma_start3A_141 = tpu.memref_slice %arg7[%add3A_129, %dma_start3A_140] : memref<32x80xi32, #tpu.memory_space<vmem>> -> memref<1x80xi32, #tpu.memory_space<vmem>>
        %dma_start3A_142 = tpu.memref_squeeze %dma_start3A_141 : memref<1x80xi32, #tpu.memory_space<vmem>> -> memref<80xi32, #tpu.memory_space<vmem>>
        %dma_start3A_143 = arith.constant 0 : i32
        %dma_start3A_144 = arith.constant 0 : i32
        %dma_start3A_145 = tpu.memref_slice %arg12[%dma_start3A_143, %dma_start3A_144] : memref<10112x128xf32, #tpu.memory_space<vmem_shared>> -> memref<10112x128xf32, #tpu.memory_space<vmem_shared>>
        tpu.enqueue_indirect_dma source(%arg8 : memref<80x128xf32, #tpu.memory_space<vmem>>) target(%dma_start3A_145 : memref<10112x128xf32, #tpu.memory_space<vmem_shared>>) offsets(%dma_start3A_142 : memref<80xi32, #tpu.memory_space<vmem>>) semaphore(%arg17 : memref<!tpu.dma_semaphore, #tpu.memory_space<semaphore_mem>>) {add = true}
        %add3A_146 = arith.constant 3 : i32
        %add3A_147 = arith.addi %add3A_129, %add3A_146 : i32
        %lt3A_148 = arith.constant 32 : i32
        %lt3A_149 = arith.cmpi slt, %add3A_147, %lt3A_148 : i32
        %convert_element_type3A_150 = arith.extui %lt3A_149 : i1 to i32
        %cond3A_151 = arith.constant 0 : i32
        %cond3A_152 = arith.cmpi ne, %convert_element_type3A_150, %cond3A_151 : i32
        scf.if %cond3A_152 {
          %add3A_237 = arith.constant 3 : i32
          %add3A_238 = arith.addi %add3A_129, %add3A_237 : i32
          %dma_start3A_239 = arith.constant 0 : i32
          %dma_start3A_240 = tpu.memref_slice %arg6[%add3A_238, %dma_start3A_239] : memref<32x80xi32, #tpu.memory_space<vmem>> -> memref<1x80xi32, #tpu.memory_space<vmem>>
          %dma_start3A_241 = tpu.memref_squeeze %dma_start3A_240 : memref<1x80xi32, #tpu.memory_space<vmem>> -> memref<80xi32, #tpu.memory_space<vmem>>
          %dma_start3A_242 = arith.constant 0 : i32
          %dma_start3A_243 = arith.constant 0 : i32
          %dma_start3A_244 = tpu.memref_slice %arg2[%dma_start3A_242, %dma_start3A_243] : memref<10000x128xf32, #tpu.memory_space<hbm>> -> memref<10000x128xf32, #tpu.memory_space<hbm>>
          tpu.enqueue_indirect_dma source(%dma_start3A_244 : memref<10000x128xf32, #tpu.memory_space<hbm>>) target(%arg11 : memref<80x128xf32, #tpu.memory_space<vmem>>) offsets(%dma_start3A_241 : memref<80xi32, #tpu.memory_space<vmem>>) semaphore(%arg16 : memref<!tpu.dma_semaphore, #tpu.memory_space<semaphore_mem>>)
        } else {
        }
        %mul3A_153 = arith.constant 4 : i32
        %mul3A_154 = arith.muli %mul3A_153, %scan3A_125 : i32
        %add3A_155 = arith.constant 1 : i32
        %add3A_156 = arith.addi %mul3A_154, %add3A_155 : i32
        %ge3A_157 = arith.constant 1 : i32
        %ge3A_158 = arith.cmpi sge, %add3A_156, %ge3A_157 : i32
        %convert_element_type3A_159 = arith.extui %ge3A_158 : i1 to i32
        %cond3A_160 = arith.constant 0 : i32
        %cond3A_161 = arith.cmpi ne, %convert_element_type3A_159, %cond3A_160 : i32
        scf.if %cond3A_161 {
          %sub3A = arith.constant 1 : i32
          %sub3A_237 = arith.subi %add3A_156, %sub3A : i32
          %dma_wait3A_238 = arith.constant 0 : i32
          %dma_wait3A_239 = tpu.memref_slice %arg7[%sub3A_237, %dma_wait3A_238] : memref<32x80xi32, #tpu.memory_space<vmem>> -> memref<1x80xi32, #tpu.memory_space<vmem>>
          %dma_wait3A_240 = tpu.memref_squeeze %dma_wait3A_239 : memref<1x80xi32, #tpu.memory_space<vmem>> -> memref<80xi32, #tpu.memory_space<vmem>>
          %dma_wait3A_241 = arith.constant 0 : i32
          %dma_wait3A_242 = arith.constant 0 : i32
          %dma_wait3A_243 = tpu.memref_slice %arg12[%dma_wait3A_241, %dma_wait3A_242] : memref<10112x128xf32, #tpu.memory_space<vmem_shared>> -> memref<10112x128xf32, #tpu.memory_space<vmem_shared>>
          tpu.wait_indirect_dma semaphore(%arg17 : memref<!tpu.dma_semaphore, #tpu.memory_space<semaphore_mem>>) src(%arg8 : memref<80x128xf32, #tpu.memory_space<vmem>>) dst(%dma_wait3A_243 : memref<10112x128xf32, #tpu.memory_space<vmem_shared>>)
        } else {
        }
        %dma_wait3A_162 = arith.constant 0 : i32
        %dma_wait3A_163 = tpu.memref_slice %arg6[%add3A_156, %dma_wait3A_162] : memref<32x80xi32, #tpu.memory_space<vmem>> -> memref<1x80xi32, #tpu.memory_space<vmem>>
        %dma_wait3A_164 = tpu.memref_squeeze %dma_wait3A_163 : memref<1x80xi32, #tpu.memory_space<vmem>> -> memref<80xi32, #tpu.memory_space<vmem>>
        %dma_wait3A_165 = arith.constant 0 : i32
        %dma_wait3A_166 = arith.constant 0 : i32
        %dma_wait3A_167 = tpu.memref_slice %arg2[%dma_wait3A_165, %dma_wait3A_166] : memref<10000x128xf32, #tpu.memory_space<hbm>> -> memref<10000x128xf32, #tpu.memory_space<hbm>>
        tpu.wait_indirect_dma semaphore(%arg14 : memref<!tpu.dma_semaphore, #tpu.memory_space<semaphore_mem>>) src(%dma_wait3A_167 : memref<10000x128xf32, #tpu.memory_space<hbm>>) dst(%arg9 : memref<80x128xf32, #tpu.memory_space<vmem>>)
        %dma_start3A_168 = arith.constant 0 : i32
        %dma_start3A_169 = tpu.memref_slice %arg7[%add3A_156, %dma_start3A_168] : memref<32x80xi32, #tpu.memory_space<vmem>> -> memref<1x80xi32, #tpu.memory_space<vmem>>
        %dma_start3A_170 = tpu.memref_squeeze %dma_start3A_169 : memref<1x80xi32, #tpu.memory_space<vmem>> -> memref<80xi32, #tpu.memory_space<vmem>>
        %dma_start3A_171 = arith.constant 0 : i32
        %dma_start3A_172 = arith.constant 0 : i32
        %dma_start3A_173 = tpu.memref_slice %arg12[%dma_start3A_171, %dma_start3A_172] : memref<10112x128xf32, #tpu.memory_space<vmem_shared>> -> memref<10112x128xf32, #tpu.memory_space<vmem_shared>>
        tpu.enqueue_indirect_dma source(%arg9 : memref<80x128xf32, #tpu.memory_space<vmem>>) target(%dma_start3A_173 : memref<10112x128xf32, #tpu.memory_space<vmem_shared>>) offsets(%dma_start3A_170 : memref<80xi32, #tpu.memory_space<vmem>>) semaphore(%arg18 : memref<!tpu.dma_semaphore, #tpu.memory_space<semaphore_mem>>) {add = true}
        %add3A_174 = arith.constant 3 : i32
        %add3A_175 = arith.addi %add3A_156, %add3A_174 : i32
        %lt3A_176 = arith.constant 32 : i32
        %lt3A_177 = arith.cmpi slt, %add3A_175, %lt3A_176 : i32
        %convert_element_type3A_178 = arith.extui %lt3A_177 : i1 to i32
        %cond3A_179 = arith.constant 0 : i32
        %cond3A_180 = arith.cmpi ne, %convert_element_type3A_178, %cond3A_179 : i32
        scf.if %cond3A_180 {
          %add3A_237 = arith.constant 3 : i32
          %add3A_238 = arith.addi %add3A_156, %add3A_237 : i32
          %dma_start3A_239 = arith.constant 0 : i32
          %dma_start3A_240 = tpu.memref_slice %arg6[%add3A_238, %dma_start3A_239] : memref<32x80xi32, #tpu.memory_space<vmem>> -> memref<1x80xi32, #tpu.memory_space<vmem>>
          %dma_start3A_241 = tpu.memref_squeeze %dma_start3A_240 : memref<1x80xi32, #tpu.memory_space<vmem>> -> memref<80xi32, #tpu.memory_space<vmem>>
          %dma_start3A_242 = arith.constant 0 : i32
          %dma_start3A_243 = arith.constant 0 : i32
          %dma_start3A_244 = tpu.memref_slice %arg2[%dma_start3A_242, %dma_start3A_243] : memref<10000x128xf32, #tpu.memory_space<hbm>> -> memref<10000x128xf32, #tpu.memory_space<hbm>>
          tpu.enqueue_indirect_dma source(%dma_start3A_244 : memref<10000x128xf32, #tpu.memory_space<hbm>>) target(%arg8 : memref<80x128xf32, #tpu.memory_space<vmem>>) offsets(%dma_start3A_241 : memref<80xi32, #tpu.memory_space<vmem>>) semaphore(%arg13 : memref<!tpu.dma_semaphore, #tpu.memory_space<semaphore_mem>>)
        } else {
        }
        %mul3A_181 = arith.constant 4 : i32
        %mul3A_182 = arith.muli %mul3A_181, %scan3A_125 : i32
        %add3A_183 = arith.constant 2 : i32
        %add3A_184 = arith.addi %mul3A_182, %add3A_183 : i32
        %ge3A_185 = arith.constant 1 : i32
        %ge3A_186 = arith.cmpi sge, %add3A_184, %ge3A_185 : i32
        %convert_element_type3A_187 = arith.extui %ge3A_186 : i1 to i32
        %cond3A_188 = arith.constant 0 : i32
        %cond3A_189 = arith.cmpi ne, %convert_element_type3A_187, %cond3A_188 : i32
        scf.if %cond3A_189 {
          %sub3A = arith.constant 1 : i32
          %sub3A_237 = arith.subi %add3A_184, %sub3A : i32
          %dma_wait3A_238 = arith.constant 0 : i32
          %dma_wait3A_239 = tpu.memref_slice %arg7[%sub3A_237, %dma_wait3A_238] : memref<32x80xi32, #tpu.memory_space<vmem>> -> memref<1x80xi32, #tpu.memory_space<vmem>>
          %dma_wait3A_240 = tpu.memref_squeeze %dma_wait3A_239 : memref<1x80xi32, #tpu.memory_space<vmem>> -> memref<80xi32, #tpu.memory_space<vmem>>
          %dma_wait3A_241 = arith.constant 0 : i32
          %dma_wait3A_242 = arith.constant 0 : i32
          %dma_wait3A_243 = tpu.memref_slice %arg12[%dma_wait3A_241, %dma_wait3A_242] : memref<10112x128xf32, #tpu.memory_space<vmem_shared>> -> memref<10112x128xf32, #tpu.memory_space<vmem_shared>>
          tpu.wait_indirect_dma semaphore(%arg18 : memref<!tpu.dma_semaphore, #tpu.memory_space<semaphore_mem>>) src(%arg9 : memref<80x128xf32, #tpu.memory_space<vmem>>) dst(%dma_wait3A_243 : memref<10112x128xf32, #tpu.memory_space<vmem_shared>>)
        } else {
        }
        %dma_wait3A_190 = arith.constant 0 : i32
        %dma_wait3A_191 = tpu.memref_slice %arg6[%add3A_184, %dma_wait3A_190] : memref<32x80xi32, #tpu.memory_space<vmem>> -> memref<1x80xi32, #tpu.memory_space<vmem>>
        %dma_wait3A_192 = tpu.memref_squeeze %dma_wait3A_191 : memref<1x80xi32, #tpu.memory_space<vmem>> -> memref<80xi32, #tpu.memory_space<vmem>>
        %dma_wait3A_193 = arith.constant 0 : i32
        %dma_wait3A_194 = arith.constant 0 : i32
        %dma_wait3A_195 = tpu.memref_slice %arg2[%dma_wait3A_193, %dma_wait3A_194] : memref<10000x128xf32, #tpu.memory_space<hbm>> -> memref<10000x128xf32, #tpu.memory_space<hbm>>
        tpu.wait_indirect_dma semaphore(%arg15 : memref<!tpu.dma_semaphore, #tpu.memory_space<semaphore_mem>>) src(%dma_wait3A_195 : memref<10000x128xf32, #tpu.memory_space<hbm>>) dst(%arg10 : memref<80x128xf32, #tpu.memory_space<vmem>>)
        %dma_start3A_196 = arith.constant 0 : i32
        %dma_start3A_197 = tpu.memref_slice %arg7[%add3A_184, %dma_start3A_196] : memref<32x80xi32, #tpu.memory_space<vmem>> -> memref<1x80xi32, #tpu.memory_space<vmem>>
        %dma_start3A_198 = tpu.memref_squeeze %dma_start3A_197 : memref<1x80xi32, #tpu.memory_space<vmem>> -> memref<80xi32, #tpu.memory_space<vmem>>
        %dma_start3A_199 = arith.constant 0 : i32
        %dma_start3A_200 = arith.constant 0 : i32
        %dma_start3A_201 = tpu.memref_slice %arg12[%dma_start3A_199, %dma_start3A_200] : memref<10112x128xf32, #tpu.memory_space<vmem_shared>> -> memref<10112x128xf32, #tpu.memory_space<vmem_shared>>
        tpu.enqueue_indirect_dma source(%arg10 : memref<80x128xf32, #tpu.memory_space<vmem>>) target(%dma_start3A_201 : memref<10112x128xf32, #tpu.memory_space<vmem_shared>>) offsets(%dma_start3A_198 : memref<80xi32, #tpu.memory_space<vmem>>) semaphore(%arg19 : memref<!tpu.dma_semaphore, #tpu.memory_space<semaphore_mem>>) {add = true}
        %add3A_202 = arith.constant 3 : i32
        %add3A_203 = arith.addi %add3A_184, %add3A_202 : i32
        %lt3A_204 = arith.constant 32 : i32
        %lt3A_205 = arith.cmpi slt, %add3A_203, %lt3A_204 : i32
        %convert_element_type3A_206 = arith.extui %lt3A_205 : i1 to i32
        %cond3A_207 = arith.constant 0 : i32
        %cond3A_208 = arith.cmpi ne, %convert_element_type3A_206, %cond3A_207 : i32
        scf.if %cond3A_208 {
          %add3A_237 = arith.constant 3 : i32
          %add3A_238 = arith.addi %add3A_184, %add3A_237 : i32
          %dma_start3A_239 = arith.constant 0 : i32
          %dma_start3A_240 = tpu.memref_slice %arg6[%add3A_238, %dma_start3A_239] : memref<32x80xi32, #tpu.memory_space<vmem>> -> memref<1x80xi32, #tpu.memory_space<vmem>>
          %dma_start3A_241 = tpu.memref_squeeze %dma_start3A_240 : memref<1x80xi32, #tpu.memory_space<vmem>> -> memref<80xi32, #tpu.memory_space<vmem>>
          %dma_start3A_242 = arith.constant 0 : i32
          %dma_start3A_243 = arith.constant 0 : i32
          %dma_start3A_244 = tpu.memref_slice %arg2[%dma_start3A_242, %dma_start3A_243] : memref<10000x128xf32, #tpu.memory_space<hbm>> -> memref<10000x128xf32, #tpu.memory_space<hbm>>
          tpu.enqueue_indirect_dma source(%dma_start3A_244 : memref<10000x128xf32, #tpu.memory_space<hbm>>) target(%arg9 : memref<80x128xf32, #tpu.memory_space<vmem>>) offsets(%dma_start3A_241 : memref<80xi32, #tpu.memory_space<vmem>>) semaphore(%arg14 : memref<!tpu.dma_semaphore, #tpu.memory_space<semaphore_mem>>)
        } else {
        }
        %mul3A_209 = arith.constant 4 : i32
        %mul3A_210 = arith.muli %mul3A_209, %scan3A_125 : i32
        %add3A_211 = arith.constant 3 : i32
        %add3A_212 = arith.addi %mul3A_210, %add3A_211 : i32
        %ge3A_213 = arith.constant 1 : i32
        %ge3A_214 = arith.cmpi sge, %add3A_212, %ge3A_213 : i32
        %convert_element_type3A_215 = arith.extui %ge3A_214 : i1 to i32
        %cond3A_216 = arith.constant 0 : i32
        %cond3A_217 = arith.cmpi ne, %convert_element_type3A_215, %cond3A_216 : i32
        scf.if %cond3A_217 {
          %sub3A = arith.constant 1 : i32
          %sub3A_237 = arith.subi %add3A_212, %sub3A : i32
          %dma_wait3A_238 = arith.constant 0 : i32
          %dma_wait3A_239 = tpu.memref_slice %arg7[%sub3A_237, %dma_wait3A_238] : memref<32x80xi32, #tpu.memory_space<vmem>> -> memref<1x80xi32, #tpu.memory_space<vmem>>
          %dma_wait3A_240 = tpu.memref_squeeze %dma_wait3A_239 : memref<1x80xi32, #tpu.memory_space<vmem>> -> memref<80xi32, #tpu.memory_space<vmem>>
          %dma_wait3A_241 = arith.constant 0 : i32
          %dma_wait3A_242 = arith.constant 0 : i32
          %dma_wait3A_243 = tpu.memref_slice %arg12[%dma_wait3A_241, %dma_wait3A_242] : memref<10112x128xf32, #tpu.memory_space<vmem_shared>> -> memref<10112x128xf32, #tpu.memory_space<vmem_shared>>
          tpu.wait_indirect_dma semaphore(%arg19 : memref<!tpu.dma_semaphore, #tpu.memory_space<semaphore_mem>>) src(%arg10 : memref<80x128xf32, #tpu.memory_space<vmem>>) dst(%dma_wait3A_243 : memref<10112x128xf32, #tpu.memory_space<vmem_shared>>)
        } else {
        }
        %dma_wait3A_218 = arith.constant 0 : i32
        %dma_wait3A_219 = tpu.memref_slice %arg6[%add3A_212, %dma_wait3A_218] : memref<32x80xi32, #tpu.memory_space<vmem>> -> memref<1x80xi32, #tpu.memory_space<vmem>>
        %dma_wait3A_220 = tpu.memref_squeeze %dma_wait3A_219 : memref<1x80xi32, #tpu.memory_space<vmem>> -> memref<80xi32, #tpu.memory_space<vmem>>
        %dma_wait3A_221 = arith.constant 0 : i32
        %dma_wait3A_222 = arith.constant 0 : i32
        %dma_wait3A_223 = tpu.memref_slice %arg2[%dma_wait3A_221, %dma_wait3A_222] : memref<10000x128xf32, #tpu.memory_space<hbm>> -> memref<10000x128xf32, #tpu.memory_space<hbm>>
        tpu.wait_indirect_dma semaphore(%arg16 : memref<!tpu.dma_semaphore, #tpu.memory_space<semaphore_mem>>) src(%dma_wait3A_223 : memref<10000x128xf32, #tpu.memory_space<hbm>>) dst(%arg11 : memref<80x128xf32, #tpu.memory_space<vmem>>)
        %dma_start3A_224 = arith.constant 0 : i32
        %dma_start3A_225 = tpu.memref_slice %arg7[%add3A_212, %dma_start3A_224] : memref<32x80xi32, #tpu.memory_space<vmem>> -> memref<1x80xi32, #tpu.memory_space<vmem>>
        %dma_start3A_226 = tpu.memref_squeeze %dma_start3A_225 : memref<1x80xi32, #tpu.memory_space<vmem>> -> memref<80xi32, #tpu.memory_space<vmem>>
        %dma_start3A_227 = arith.constant 0 : i32
        %dma_start3A_228 = arith.constant 0 : i32
        %dma_start3A_229 = tpu.memref_slice %arg12[%dma_start3A_227, %dma_start3A_228] : memref<10112x128xf32, #tpu.memory_space<vmem_shared>> -> memref<10112x128xf32, #tpu.memory_space<vmem_shared>>
        tpu.enqueue_indirect_dma source(%arg11 : memref<80x128xf32, #tpu.memory_space<vmem>>) target(%dma_start3A_229 : memref<10112x128xf32, #tpu.memory_space<vmem_shared>>) offsets(%dma_start3A_226 : memref<80xi32, #tpu.memory_space<vmem>>) semaphore(%arg20 : memref<!tpu.dma_semaphore, #tpu.memory_space<semaphore_mem>>) {add = true}
        %add3A_230 = arith.constant 3 : i32
        %add3A_231 = arith.addi %add3A_212, %add3A_230 : i32
        %lt3A_232 = arith.constant 32 : i32
        %lt3A_233 = arith.cmpi slt, %add3A_231, %lt3A_232 : i32
        %convert_element_type3A_234 = arith.extui %lt3A_233 : i1 to i32
        %cond3A_235 = arith.constant 0 : i32
        %cond3A_236 = arith.cmpi ne, %convert_element_type3A_234, %cond3A_235 : i32
        scf.if %cond3A_236 {
          %add3A_237 = arith.constant 3 : i32
          %add3A_238 = arith.addi %add3A_212, %add3A_237 : i32
          %dma_start3A_239 = arith.constant 0 : i32
          %dma_start3A_240 = tpu.memref_slice %arg6[%add3A_238, %dma_start3A_239] : memref<32x80xi32, #tpu.memory_space<vmem>> -> memref<1x80xi32, #tpu.memory_space<vmem>>
          %dma_start3A_241 = tpu.memref_squeeze %dma_start3A_240 : memref<1x80xi32, #tpu.memory_space<vmem>> -> memref<80xi32, #tpu.memory_space<vmem>>
          %dma_start3A_242 = arith.constant 0 : i32
          %dma_start3A_243 = arith.constant 0 : i32
          %dma_start3A_244 = tpu.memref_slice %arg2[%dma_start3A_242, %dma_start3A_243] : memref<10000x128xf32, #tpu.memory_space<hbm>> -> memref<10000x128xf32, #tpu.memory_space<hbm>>
          tpu.enqueue_indirect_dma source(%dma_start3A_244 : memref<10000x128xf32, #tpu.memory_space<hbm>>) target(%arg10 : memref<80x128xf32, #tpu.memory_space<vmem>>) offsets(%dma_start3A_241 : memref<80xi32, #tpu.memory_space<vmem>>) semaphore(%arg15 : memref<!tpu.dma_semaphore, #tpu.memory_space<semaphore_mem>>)
        } else {
        }
      }
      %scan3A_118 = arith.constant 8 : i32
      %dma_wait3A = arith.constant 31 : i32
      %dma_wait3A_119 = arith.constant 0 : i32
      %dma_wait3A_120 = tpu.memref_slice %arg7[%dma_wait3A, %dma_wait3A_119] : memref<32x80xi32, #tpu.memory_space<vmem>> -> memref<1x80xi32, #tpu.memory_space<vmem>>
      %dma_wait3A_121 = tpu.memref_squeeze %dma_wait3A_120 : memref<1x80xi32, #tpu.memory_space<vmem>> -> memref<80xi32, #tpu.memory_space<vmem>>
      %dma_wait3A_122 = arith.constant 0 : i32
      %dma_wait3A_123 = arith.constant 0 : i32
      %dma_wait3A_124 = tpu.memref_slice %arg12[%dma_wait3A_122, %dma_wait3A_123] : memref<10112x128xf32, #tpu.memory_space<vmem_shared>> -> memref<10112x128xf32, #tpu.memory_space<vmem_shared>>
      tpu.wait_indirect_dma semaphore(%arg20 : memref<!tpu.dma_semaphore, #tpu.memory_space<semaphore_mem>>) src(%arg11 : memref<80x128xf32, #tpu.memory_space<vmem>>) dst(%dma_wait3A_124 : memref<10112x128xf32, #tpu.memory_space<vmem_shared>>)
    } else {
    }
    "tpu.trace_stop"() : () -> ()
    "tpu.trace_start"() <{level = 10 : i32, message = "edges_2"}> : () -> ()
    %mul3A_60 = arith.constant 4 : i32
    %mul3A_61 = arith.muli %add3A, %mul3A_60 : i32
    %add3A_62 = arith.constant 2 : i32
    %add3A_63 = arith.addi %mul3A_61, %add3A_62 : i32
    %lt3A_64 = arith.constant 125 : i32
    %lt3A_65 = arith.cmpi slt, %add3A_63, %lt3A_64 : i32
    %convert_element_type3A_66 = arith.extui %lt3A_65 : i1 to i32
    %cond3A_67 = arith.constant 0 : i32
    %cond3A_68 = arith.cmpi ne, %convert_element_type3A_66, %cond3A_67 : i32
    scf.if %cond3A_68 {
      %mul3A_88 = arith.constant 32 : i32
      %mul3A_89 = arith.muli %add3A_63, %mul3A_88 : i32
      %run_scoped3A = arith.constant 0 : i32
      "tpu.region"() ({
        %run_scoped3A_125 = tpu.sem_alloc : memref<!tpu.dma_semaphore, #tpu.memory_space<semaphore_mem>>
        %dma_start3A_126 = arith.constant 0 : i32
        %dma_start3A_127 = tpu.memref_slice %arg3[%run_scoped3A, %mul3A_89, %dma_start3A_126] : memref<2x4000x80xi32, #tpu.memory_space<hbm>> -> memref<1x32x80xi32, #tpu.memory_space<hbm>>
        %dma_start3A_128 = tpu.memref_squeeze %dma_start3A_127 : memref<1x32x80xi32, #tpu.memory_space<hbm>> -> memref<32x80xi32, #tpu.memory_space<hbm>>
        %dma_start3A_129 = arith.constant 0 : i32
        %dma_start3A_130 = tpu.memref_slice %arg3[%run_scoped3A, %mul3A_89, %dma_start3A_129] : memref<2x4000x80xi32, #tpu.memory_space<hbm>> -> memref<1x32x80xi32, #tpu.memory_space<hbm>>
        %dma_start3A_131 = tpu.memref_squeeze %dma_start3A_130 : memref<1x32x80xi32, #tpu.memory_space<hbm>> -> memref<32x80xi32, #tpu.memory_space<hbm>>
        tpu.enqueue_dma source(%dma_start3A_131 : memref<32x80xi32, #tpu.memory_space<hbm>>) target(%arg6 : memref<32x80xi32, #tpu.memory_space<vmem>>) target_semaphore(%run_scoped3A_125 : memref<!tpu.dma_semaphore, #tpu.memory_space<semaphore_mem>>)
        %dma_wait3A_132 = arith.constant 0 : i32
        %dma_wait3A_133 = tpu.memref_slice %arg3[%run_scoped3A, %mul3A_89, %dma_wait3A_132] : memref<2x4000x80xi32, #tpu.memory_space<hbm>> -> memref<1x32x80xi32, #tpu.memory_space<hbm>>
        %dma_wait3A_134 = tpu.memref_squeeze %dma_wait3A_133 : memref<1x32x80xi32, #tpu.memory_space<hbm>> -> memref<32x80xi32, #tpu.memory_space<hbm>>
        %dma_wait3A_135 = arith.constant 0 : i32
        %dma_wait3A_136 = tpu.memref_slice %arg3[%run_scoped3A, %mul3A_89, %dma_wait3A_135] : memref<2x4000x80xi32, #tpu.memory_space<hbm>> -> memref<1x32x80xi32, #tpu.memory_space<hbm>>
        %dma_wait3A_137 = tpu.memref_squeeze %dma_wait3A_136 : memref<1x32x80xi32, #tpu.memory_space<hbm>> -> memref<32x80xi32, #tpu.memory_space<hbm>>
        tpu.wait_dma2 semaphore(%run_scoped3A_125 : memref<!tpu.dma_semaphore, #tpu.memory_space<semaphore_mem>>) src(%dma_wait3A_137 : memref<32x80xi32, #tpu.memory_space<hbm>>) dst(%arg6 : memref<32x80xi32, #tpu.memory_space<vmem>>)
        tpu.yield
      }) : () -> ()
      %mul3A_90 = arith.constant 32 : i32
      %mul3A_91 = arith.muli %add3A_63, %mul3A_90 : i32
      %run_scoped3A_92 = arith.constant 1 : i32
      "tpu.region"() ({
        %run_scoped3A_125 = tpu.sem_alloc : memref<!tpu.dma_semaphore, #tpu.memory_space<semaphore_mem>>
        %dma_start3A_126 = arith.constant 0 : i32
        %dma_start3A_127 = tpu.memref_slice %arg3[%run_scoped3A_92, %mul3A_91, %dma_start3A_126] : memref<2x4000x80xi32, #tpu.memory_space<hbm>> -> memref<1x32x80xi32, #tpu.memory_space<hbm>>
        %dma_start3A_128 = tpu.memref_squeeze %dma_start3A_127 : memref<1x32x80xi32, #tpu.memory_space<hbm>> -> memref<32x80xi32, #tpu.memory_space<hbm>>
        %dma_start3A_129 = arith.constant 0 : i32
        %dma_start3A_130 = tpu.memref_slice %arg3[%run_scoped3A_92, %mul3A_91, %dma_start3A_129] : memref<2x4000x80xi32, #tpu.memory_space<hbm>> -> memref<1x32x80xi32, #tpu.memory_space<hbm>>
        %dma_start3A_131 = tpu.memref_squeeze %dma_start3A_130 : memref<1x32x80xi32, #tpu.memory_space<hbm>> -> memref<32x80xi32, #tpu.memory_space<hbm>>
        tpu.enqueue_dma source(%dma_start3A_131 : memref<32x80xi32, #tpu.memory_space<hbm>>) target(%arg7 : memref<32x80xi32, #tpu.memory_space<vmem>>) target_semaphore(%run_scoped3A_125 : memref<!tpu.dma_semaphore, #tpu.memory_space<semaphore_mem>>)
        %dma_wait3A_132 = arith.constant 0 : i32
        %dma_wait3A_133 = tpu.memref_slice %arg3[%run_scoped3A_92, %mul3A_91, %dma_wait3A_132] : memref<2x4000x80xi32, #tpu.memory_space<hbm>> -> memref<1x32x80xi32, #tpu.memory_space<hbm>>
        %dma_wait3A_134 = tpu.memref_squeeze %dma_wait3A_133 : memref<1x32x80xi32, #tpu.memory_space<hbm>> -> memref<32x80xi32, #tpu.memory_space<hbm>>
        %dma_wait3A_135 = arith.constant 0 : i32
        %dma_wait3A_136 = tpu.memref_slice %arg3[%run_scoped3A_92, %mul3A_91, %dma_wait3A_135] : memref<2x4000x80xi32, #tpu.memory_space<hbm>> -> memref<1x32x80xi32, #tpu.memory_space<hbm>>
        %dma_wait3A_137 = tpu.memref_squeeze %dma_wait3A_136 : memref<1x32x80xi32, #tpu.memory_space<hbm>> -> memref<32x80xi32, #tpu.memory_space<hbm>>
        tpu.wait_dma2 semaphore(%run_scoped3A_125 : memref<!tpu.dma_semaphore, #tpu.memory_space<semaphore_mem>>) src(%dma_wait3A_137 : memref<32x80xi32, #tpu.memory_space<hbm>>) dst(%arg7 : memref<32x80xi32, #tpu.memory_space<vmem>>)
        tpu.yield
      }) : () -> ()
      %dma_start3A = arith.constant 0 : i32
      %dma_start3A_93 = arith.constant 0 : i32
      %dma_start3A_94 = tpu.memref_slice %arg6[%dma_start3A, %dma_start3A_93] : memref<32x80xi32, #tpu.memory_space<vmem>> -> memref<1x80xi32, #tpu.memory_space<vmem>>
      %dma_start3A_95 = tpu.memref_squeeze %dma_start3A_94 : memref<1x80xi32, #tpu.memory_space<vmem>> -> memref<80xi32, #tpu.memory_space<vmem>>
      %dma_start3A_96 = arith.constant 0 : i32
      %dma_start3A_97 = arith.constant 0 : i32
      %dma_start3A_98 = tpu.memref_slice %arg2[%dma_start3A_96, %dma_start3A_97] : memref<10000x128xf32, #tpu.memory_space<hbm>> -> memref<10000x128xf32, #tpu.memory_space<hbm>>
      tpu.enqueue_indirect_dma source(%dma_start3A_98 : memref<10000x128xf32, #tpu.memory_space<hbm>>) target(%arg8 : memref<80x128xf32, #tpu.memory_space<vmem>>) offsets(%dma_start3A_95 : memref<80xi32, #tpu.memory_space<vmem>>) semaphore(%arg13 : memref<!tpu.dma_semaphore, #tpu.memory_space<semaphore_mem>>)
      %dma_start3A_99 = arith.constant 1 : i32
      %dma_start3A_100 = arith.constant 0 : i32
      %dma_start3A_101 = tpu.memref_slice %arg6[%dma_start3A_99, %dma_start3A_100] : memref<32x80xi32, #tpu.memory_space<vmem>> -> memref<1x80xi32, #tpu.memory_space<vmem>>
      %dma_start3A_102 = tpu.memref_squeeze %dma_start3A_101 : memref<1x80xi32, #tpu.memory_space<vmem>> -> memref<80xi32, #tpu.memory_space<vmem>>
      %dma_start3A_103 = arith.constant 0 : i32
      %dma_start3A_104 = arith.constant 0 : i32
      %dma_start3A_105 = tpu.memref_slice %arg2[%dma_start3A_103, %dma_start3A_104] : memref<10000x128xf32, #tpu.memory_space<hbm>> -> memref<10000x128xf32, #tpu.memory_space<hbm>>
      tpu.enqueue_indirect_dma source(%dma_start3A_105 : memref<10000x128xf32, #tpu.memory_space<hbm>>) target(%arg9 : memref<80x128xf32, #tpu.memory_space<vmem>>) offsets(%dma_start3A_102 : memref<80xi32, #tpu.memory_space<vmem>>) semaphore(%arg14 : memref<!tpu.dma_semaphore, #tpu.memory_space<semaphore_mem>>)
      %dma_start3A_106 = arith.constant 2 : i32
      %dma_start3A_107 = arith.constant 0 : i32
      %dma_start3A_108 = tpu.memref_slice %arg6[%dma_start3A_106, %dma_start3A_107] : memref<32x80xi32, #tpu.memory_space<vmem>> -> memref<1x80xi32, #tpu.memory_space<vmem>>
      %dma_start3A_109 = tpu.memref_squeeze %dma_start3A_108 : memref<1x80xi32, #tpu.memory_space<vmem>> -> memref<80xi32, #tpu.memory_space<vmem>>
      %dma_start3A_110 = arith.constant 0 : i32
      %dma_start3A_111 = arith.constant 0 : i32
      %dma_start3A_112 = tpu.memref_slice %arg2[%dma_start3A_110, %dma_start3A_111] : memref<10000x128xf32, #tpu.memory_space<hbm>> -> memref<10000x128xf32, #tpu.memory_space<hbm>>
      tpu.enqueue_indirect_dma source(%dma_start3A_112 : memref<10000x128xf32, #tpu.memory_space<hbm>>) target(%arg10 : memref<80x128xf32, #tpu.memory_space<vmem>>) offsets(%dma_start3A_109 : memref<80xi32, #tpu.memory_space<vmem>>) semaphore(%arg15 : memref<!tpu.dma_semaphore, #tpu.memory_space<semaphore_mem>>)
      %scan3A_113 = arith.constant 0 : i32
      %scan3A_114 = arith.constant 0 : i32
      %scan3A_115 = arith.constant 8 : i32
      %scan3A_116 = arith.addi %scan3A_114, %scan3A_115 : i32
      %scan3A_117 = arith.constant 1 : i32
      scf.for %scan3A_125 = %scan3A_114 to %scan3A_116 step %scan3A_117  : i32 {
        %mul3A_126 = arith.constant 4 : i32
        %mul3A_127 = arith.muli %mul3A_126, %scan3A_125 : i32
        %add3A_128 = arith.constant 0 : i32
        %add3A_129 = arith.addi %mul3A_127, %add3A_128 : i32
        %ge3A = arith.constant 1 : i32
        %ge3A_130 = arith.cmpi sge, %add3A_129, %ge3A : i32
        %convert_element_type3A_131 = arith.extui %ge3A_130 : i1 to i32
        %cond3A_132 = arith.constant 0 : i32
        %cond3A_133 = arith.cmpi ne, %convert_element_type3A_131, %cond3A_132 : i32
        scf.if %cond3A_133 {
          %sub3A = arith.constant 1 : i32
          %sub3A_237 = arith.subi %add3A_129, %sub3A : i32
          %dma_wait3A_238 = arith.constant 0 : i32
          %dma_wait3A_239 = tpu.memref_slice %arg7[%sub3A_237, %dma_wait3A_238] : memref<32x80xi32, #tpu.memory_space<vmem>> -> memref<1x80xi32, #tpu.memory_space<vmem>>
          %dma_wait3A_240 = tpu.memref_squeeze %dma_wait3A_239 : memref<1x80xi32, #tpu.memory_space<vmem>> -> memref<80xi32, #tpu.memory_space<vmem>>
          %dma_wait3A_241 = arith.constant 0 : i32
          %dma_wait3A_242 = arith.constant 0 : i32
          %dma_wait3A_243 = tpu.memref_slice %arg12[%dma_wait3A_241, %dma_wait3A_242] : memref<10112x128xf32, #tpu.memory_space<vmem_shared>> -> memref<10112x128xf32, #tpu.memory_space<vmem_shared>>
          tpu.wait_indirect_dma semaphore(%arg20 : memref<!tpu.dma_semaphore, #tpu.memory_space<semaphore_mem>>) src(%arg11 : memref<80x128xf32, #tpu.memory_space<vmem>>) dst(%dma_wait3A_243 : memref<10112x128xf32, #tpu.memory_space<vmem_shared>>)
        } else {
        }
        %dma_wait3A_134 = arith.constant 0 : i32
        %dma_wait3A_135 = tpu.memref_slice %arg6[%add3A_129, %dma_wait3A_134] : memref<32x80xi32, #tpu.memory_space<vmem>> -> memref<1x80xi32, #tpu.memory_space<vmem>>
        %dma_wait3A_136 = tpu.memref_squeeze %dma_wait3A_135 : memref<1x80xi32, #tpu.memory_space<vmem>> -> memref<80xi32, #tpu.memory_space<vmem>>
        %dma_wait3A_137 = arith.constant 0 : i32
        %dma_wait3A_138 = arith.constant 0 : i32
        %dma_wait3A_139 = tpu.memref_slice %arg2[%dma_wait3A_137, %dma_wait3A_138] : memref<10000x128xf32, #tpu.memory_space<hbm>> -> memref<10000x128xf32, #tpu.memory_space<hbm>>
        tpu.wait_indirect_dma semaphore(%arg13 : memref<!tpu.dma_semaphore, #tpu.memory_space<semaphore_mem>>) src(%dma_wait3A_139 : memref<10000x128xf32, #tpu.memory_space<hbm>>) dst(%arg8 : memref<80x128xf32, #tpu.memory_space<vmem>>)
        %dma_start3A_140 = arith.constant 0 : i32
        %dma_start3A_141 = tpu.memref_slice %arg7[%add3A_129, %dma_start3A_140] : memref<32x80xi32, #tpu.memory_space<vmem>> -> memref<1x80xi32, #tpu.memory_space<vmem>>
        %dma_start3A_142 = tpu.memref_squeeze %dma_start3A_141 : memref<1x80xi32, #tpu.memory_space<vmem>> -> memref<80xi32, #tpu.memory_space<vmem>>
        %dma_start3A_143 = arith.constant 0 : i32
        %dma_start3A_144 = arith.constant 0 : i32
        %dma_start3A_145 = tpu.memref_slice %arg12[%dma_start3A_143, %dma_start3A_144] : memref<10112x128xf32, #tpu.memory_space<vmem_shared>> -> memref<10112x128xf32, #tpu.memory_space<vmem_shared>>
        tpu.enqueue_indirect_dma source(%arg8 : memref<80x128xf32, #tpu.memory_space<vmem>>) target(%dma_start3A_145 : memref<10112x128xf32, #tpu.memory_space<vmem_shared>>) offsets(%dma_start3A_142 : memref<80xi32, #tpu.memory_space<vmem>>) semaphore(%arg17 : memref<!tpu.dma_semaphore, #tpu.memory_space<semaphore_mem>>) {add = true}
        %add3A_146 = arith.constant 3 : i32
        %add3A_147 = arith.addi %add3A_129, %add3A_146 : i32
        %lt3A_148 = arith.constant 32 : i32
        %lt3A_149 = arith.cmpi slt, %add3A_147, %lt3A_148 : i32
        %convert_element_type3A_150 = arith.extui %lt3A_149 : i1 to i32
        %cond3A_151 = arith.constant 0 : i32
        %cond3A_152 = arith.cmpi ne, %convert_element_type3A_150, %cond3A_151 : i32
        scf.if %cond3A_152 {
          %add3A_237 = arith.constant 3 : i32
          %add3A_238 = arith.addi %add3A_129, %add3A_237 : i32
          %dma_start3A_239 = arith.constant 0 : i32
          %dma_start3A_240 = tpu.memref_slice %arg6[%add3A_238, %dma_start3A_239] : memref<32x80xi32, #tpu.memory_space<vmem>> -> memref<1x80xi32, #tpu.memory_space<vmem>>
          %dma_start3A_241 = tpu.memref_squeeze %dma_start3A_240 : memref<1x80xi32, #tpu.memory_space<vmem>> -> memref<80xi32, #tpu.memory_space<vmem>>
          %dma_start3A_242 = arith.constant 0 : i32
          %dma_start3A_243 = arith.constant 0 : i32
          %dma_start3A_244 = tpu.memref_slice %arg2[%dma_start3A_242, %dma_start3A_243] : memref<10000x128xf32, #tpu.memory_space<hbm>> -> memref<10000x128xf32, #tpu.memory_space<hbm>>
          tpu.enqueue_indirect_dma source(%dma_start3A_244 : memref<10000x128xf32, #tpu.memory_space<hbm>>) target(%arg11 : memref<80x128xf32, #tpu.memory_space<vmem>>) offsets(%dma_start3A_241 : memref<80xi32, #tpu.memory_space<vmem>>) semaphore(%arg16 : memref<!tpu.dma_semaphore, #tpu.memory_space<semaphore_mem>>)
        } else {
        }
        %mul3A_153 = arith.constant 4 : i32
        %mul3A_154 = arith.muli %mul3A_153, %scan3A_125 : i32
        %add3A_155 = arith.constant 1 : i32
        %add3A_156 = arith.addi %mul3A_154, %add3A_155 : i32
        %ge3A_157 = arith.constant 1 : i32
        %ge3A_158 = arith.cmpi sge, %add3A_156, %ge3A_157 : i32
        %convert_element_type3A_159 = arith.extui %ge3A_158 : i1 to i32
        %cond3A_160 = arith.constant 0 : i32
        %cond3A_161 = arith.cmpi ne, %convert_element_type3A_159, %cond3A_160 : i32
        scf.if %cond3A_161 {
          %sub3A = arith.constant 1 : i32
          %sub3A_237 = arith.subi %add3A_156, %sub3A : i32
          %dma_wait3A_238 = arith.constant 0 : i32
          %dma_wait3A_239 = tpu.memref_slice %arg7[%sub3A_237, %dma_wait3A_238] : memref<32x80xi32, #tpu.memory_space<vmem>> -> memref<1x80xi32, #tpu.memory_space<vmem>>
          %dma_wait3A_240 = tpu.memref_squeeze %dma_wait3A_239 : memref<1x80xi32, #tpu.memory_space<vmem>> -> memref<80xi32, #tpu.memory_space<vmem>>
          %dma_wait3A_241 = arith.constant 0 : i32
          %dma_wait3A_242 = arith.constant 0 : i32
          %dma_wait3A_243 = tpu.memref_slice %arg12[%dma_wait3A_241, %dma_wait3A_242] : memref<10112x128xf32, #tpu.memory_space<vmem_shared>> -> memref<10112x128xf32, #tpu.memory_space<vmem_shared>>
          tpu.wait_indirect_dma semaphore(%arg17 : memref<!tpu.dma_semaphore, #tpu.memory_space<semaphore_mem>>) src(%arg8 : memref<80x128xf32, #tpu.memory_space<vmem>>) dst(%dma_wait3A_243 : memref<10112x128xf32, #tpu.memory_space<vmem_shared>>)
        } else {
        }
        %dma_wait3A_162 = arith.constant 0 : i32
        %dma_wait3A_163 = tpu.memref_slice %arg6[%add3A_156, %dma_wait3A_162] : memref<32x80xi32, #tpu.memory_space<vmem>> -> memref<1x80xi32, #tpu.memory_space<vmem>>
        %dma_wait3A_164 = tpu.memref_squeeze %dma_wait3A_163 : memref<1x80xi32, #tpu.memory_space<vmem>> -> memref<80xi32, #tpu.memory_space<vmem>>
        %dma_wait3A_165 = arith.constant 0 : i32
        %dma_wait3A_166 = arith.constant 0 : i32
        %dma_wait3A_167 = tpu.memref_slice %arg2[%dma_wait3A_165, %dma_wait3A_166] : memref<10000x128xf32, #tpu.memory_space<hbm>> -> memref<10000x128xf32, #tpu.memory_space<hbm>>
        tpu.wait_indirect_dma semaphore(%arg14 : memref<!tpu.dma_semaphore, #tpu.memory_space<semaphore_mem>>) src(%dma_wait3A_167 : memref<10000x128xf32, #tpu.memory_space<hbm>>) dst(%arg9 : memref<80x128xf32, #tpu.memory_space<vmem>>)
        %dma_start3A_168 = arith.constant 0 : i32
        %dma_start3A_169 = tpu.memref_slice %arg7[%add3A_156, %dma_start3A_168] : memref<32x80xi32, #tpu.memory_space<vmem>> -> memref<1x80xi32, #tpu.memory_space<vmem>>
        %dma_start3A_170 = tpu.memref_squeeze %dma_start3A_169 : memref<1x80xi32, #tpu.memory_space<vmem>> -> memref<80xi32, #tpu.memory_space<vmem>>
        %dma_start3A_171 = arith.constant 0 : i32
        %dma_start3A_172 = arith.constant 0 : i32
        %dma_start3A_173 = tpu.memref_slice %arg12[%dma_start3A_171, %dma_start3A_172] : memref<10112x128xf32, #tpu.memory_space<vmem_shared>> -> memref<10112x128xf32, #tpu.memory_space<vmem_shared>>
        tpu.enqueue_indirect_dma source(%arg9 : memref<80x128xf32, #tpu.memory_space<vmem>>) target(%dma_start3A_173 : memref<10112x128xf32, #tpu.memory_space<vmem_shared>>) offsets(%dma_start3A_170 : memref<80xi32, #tpu.memory_space<vmem>>) semaphore(%arg18 : memref<!tpu.dma_semaphore, #tpu.memory_space<semaphore_mem>>) {add = true}
        %add3A_174 = arith.constant 3 : i32
        %add3A_175 = arith.addi %add3A_156, %add3A_174 : i32
        %lt3A_176 = arith.constant 32 : i32
        %lt3A_177 = arith.cmpi slt, %add3A_175, %lt3A_176 : i32
        %convert_element_type3A_178 = arith.extui %lt3A_177 : i1 to i32
        %cond3A_179 = arith.constant 0 : i32
        %cond3A_180 = arith.cmpi ne, %convert_element_type3A_178, %cond3A_179 : i32
        scf.if %cond3A_180 {
          %add3A_237 = arith.constant 3 : i32
          %add3A_238 = arith.addi %add3A_156, %add3A_237 : i32
          %dma_start3A_239 = arith.constant 0 : i32
          %dma_start3A_240 = tpu.memref_slice %arg6[%add3A_238, %dma_start3A_239] : memref<32x80xi32, #tpu.memory_space<vmem>> -> memref<1x80xi32, #tpu.memory_space<vmem>>
          %dma_start3A_241 = tpu.memref_squeeze %dma_start3A_240 : memref<1x80xi32, #tpu.memory_space<vmem>> -> memref<80xi32, #tpu.memory_space<vmem>>
          %dma_start3A_242 = arith.constant 0 : i32
          %dma_start3A_243 = arith.constant 0 : i32
          %dma_start3A_244 = tpu.memref_slice %arg2[%dma_start3A_242, %dma_start3A_243] : memref<10000x128xf32, #tpu.memory_space<hbm>> -> memref<10000x128xf32, #tpu.memory_space<hbm>>
          tpu.enqueue_indirect_dma source(%dma_start3A_244 : memref<10000x128xf32, #tpu.memory_space<hbm>>) target(%arg8 : memref<80x128xf32, #tpu.memory_space<vmem>>) offsets(%dma_start3A_241 : memref<80xi32, #tpu.memory_space<vmem>>) semaphore(%arg13 : memref<!tpu.dma_semaphore, #tpu.memory_space<semaphore_mem>>)
        } else {
        }
        %mul3A_181 = arith.constant 4 : i32
        %mul3A_182 = arith.muli %mul3A_181, %scan3A_125 : i32
        %add3A_183 = arith.constant 2 : i32
        %add3A_184 = arith.addi %mul3A_182, %add3A_183 : i32
        %ge3A_185 = arith.constant 1 : i32
        %ge3A_186 = arith.cmpi sge, %add3A_184, %ge3A_185 : i32
        %convert_element_type3A_187 = arith.extui %ge3A_186 : i1 to i32
        %cond3A_188 = arith.constant 0 : i32
        %cond3A_189 = arith.cmpi ne, %convert_element_type3A_187, %cond3A_188 : i32
        scf.if %cond3A_189 {
          %sub3A = arith.constant 1 : i32
          %sub3A_237 = arith.subi %add3A_184, %sub3A : i32
          %dma_wait3A_238 = arith.constant 0 : i32
          %dma_wait3A_239 = tpu.memref_slice %arg7[%sub3A_237, %dma_wait3A_238] : memref<32x80xi32, #tpu.memory_space<vmem>> -> memref<1x80xi32, #tpu.memory_space<vmem>>
          %dma_wait3A_240 = tpu.memref_squeeze %dma_wait3A_239 : memref<1x80xi32, #tpu.memory_space<vmem>> -> memref<80xi32, #tpu.memory_space<vmem>>
          %dma_wait3A_241 = arith.constant 0 : i32
          %dma_wait3A_242 = arith.constant 0 : i32
          %dma_wait3A_243 = tpu.memref_slice %arg12[%dma_wait3A_241, %dma_wait3A_242] : memref<10112x128xf32, #tpu.memory_space<vmem_shared>> -> memref<10112x128xf32, #tpu.memory_space<vmem_shared>>
          tpu.wait_indirect_dma semaphore(%arg18 : memref<!tpu.dma_semaphore, #tpu.memory_space<semaphore_mem>>) src(%arg9 : memref<80x128xf32, #tpu.memory_space<vmem>>) dst(%dma_wait3A_243 : memref<10112x128xf32, #tpu.memory_space<vmem_shared>>)
        } else {
        }
        %dma_wait3A_190 = arith.constant 0 : i32
        %dma_wait3A_191 = tpu.memref_slice %arg6[%add3A_184, %dma_wait3A_190] : memref<32x80xi32, #tpu.memory_space<vmem>> -> memref<1x80xi32, #tpu.memory_space<vmem>>
        %dma_wait3A_192 = tpu.memref_squeeze %dma_wait3A_191 : memref<1x80xi32, #tpu.memory_space<vmem>> -> memref<80xi32, #tpu.memory_space<vmem>>
        %dma_wait3A_193 = arith.constant 0 : i32
        %dma_wait3A_194 = arith.constant 0 : i32
        %dma_wait3A_195 = tpu.memref_slice %arg2[%dma_wait3A_193, %dma_wait3A_194] : memref<10000x128xf32, #tpu.memory_space<hbm>> -> memref<10000x128xf32, #tpu.memory_space<hbm>>
        tpu.wait_indirect_dma semaphore(%arg15 : memref<!tpu.dma_semaphore, #tpu.memory_space<semaphore_mem>>) src(%dma_wait3A_195 : memref<10000x128xf32, #tpu.memory_space<hbm>>) dst(%arg10 : memref<80x128xf32, #tpu.memory_space<vmem>>)
        %dma_start3A_196 = arith.constant 0 : i32
        %dma_start3A_197 = tpu.memref_slice %arg7[%add3A_184, %dma_start3A_196] : memref<32x80xi32, #tpu.memory_space<vmem>> -> memref<1x80xi32, #tpu.memory_space<vmem>>
        %dma_start3A_198 = tpu.memref_squeeze %dma_start3A_197 : memref<1x80xi32, #tpu.memory_space<vmem>> -> memref<80xi32, #tpu.memory_space<vmem>>
        %dma_start3A_199 = arith.constant 0 : i32
        %dma_start3A_200 = arith.constant 0 : i32
        %dma_start3A_201 = tpu.memref_slice %arg12[%dma_start3A_199, %dma_start3A_200] : memref<10112x128xf32, #tpu.memory_space<vmem_shared>> -> memref<10112x128xf32, #tpu.memory_space<vmem_shared>>
        tpu.enqueue_indirect_dma source(%arg10 : memref<80x128xf32, #tpu.memory_space<vmem>>) target(%dma_start3A_201 : memref<10112x128xf32, #tpu.memory_space<vmem_shared>>) offsets(%dma_start3A_198 : memref<80xi32, #tpu.memory_space<vmem>>) semaphore(%arg19 : memref<!tpu.dma_semaphore, #tpu.memory_space<semaphore_mem>>) {add = true}
        %add3A_202 = arith.constant 3 : i32
        %add3A_203 = arith.addi %add3A_184, %add3A_202 : i32
        %lt3A_204 = arith.constant 32 : i32
        %lt3A_205 = arith.cmpi slt, %add3A_203, %lt3A_204 : i32
        %convert_element_type3A_206 = arith.extui %lt3A_205 : i1 to i32
        %cond3A_207 = arith.constant 0 : i32
        %cond3A_208 = arith.cmpi ne, %convert_element_type3A_206, %cond3A_207 : i32
        scf.if %cond3A_208 {
          %add3A_237 = arith.constant 3 : i32
          %add3A_238 = arith.addi %add3A_184, %add3A_237 : i32
          %dma_start3A_239 = arith.constant 0 : i32
          %dma_start3A_240 = tpu.memref_slice %arg6[%add3A_238, %dma_start3A_239] : memref<32x80xi32, #tpu.memory_space<vmem>> -> memref<1x80xi32, #tpu.memory_space<vmem>>
          %dma_start3A_241 = tpu.memref_squeeze %dma_start3A_240 : memref<1x80xi32, #tpu.memory_space<vmem>> -> memref<80xi32, #tpu.memory_space<vmem>>
          %dma_start3A_242 = arith.constant 0 : i32
          %dma_start3A_243 = arith.constant 0 : i32
          %dma_start3A_244 = tpu.memref_slice %arg2[%dma_start3A_242, %dma_start3A_243] : memref<10000x128xf32, #tpu.memory_space<hbm>> -> memref<10000x128xf32, #tpu.memory_space<hbm>>
          tpu.enqueue_indirect_dma source(%dma_start3A_244 : memref<10000x128xf32, #tpu.memory_space<hbm>>) target(%arg9 : memref<80x128xf32, #tpu.memory_space<vmem>>) offsets(%dma_start3A_241 : memref<80xi32, #tpu.memory_space<vmem>>) semaphore(%arg14 : memref<!tpu.dma_semaphore, #tpu.memory_space<semaphore_mem>>)
        } else {
        }
        %mul3A_209 = arith.constant 4 : i32
        %mul3A_210 = arith.muli %mul3A_209, %scan3A_125 : i32
        %add3A_211 = arith.constant 3 : i32
        %add3A_212 = arith.addi %mul3A_210, %add3A_211 : i32
        %ge3A_213 = arith.constant 1 : i32
        %ge3A_214 = arith.cmpi sge, %add3A_212, %ge3A_213 : i32
        %convert_element_type3A_215 = arith.extui %ge3A_214 : i1 to i32
        %cond3A_216 = arith.constant 0 : i32
        %cond3A_217 = arith.cmpi ne, %convert_element_type3A_215, %cond3A_216 : i32
        scf.if %cond3A_217 {
          %sub3A = arith.constant 1 : i32
          %sub3A_237 = arith.subi %add3A_212, %sub3A : i32
          %dma_wait3A_238 = arith.constant 0 : i32
          %dma_wait3A_239 = tpu.memref_slice %arg7[%sub3A_237, %dma_wait3A_238] : memref<32x80xi32, #tpu.memory_space<vmem>> -> memref<1x80xi32, #tpu.memory_space<vmem>>
          %dma_wait3A_240 = tpu.memref_squeeze %dma_wait3A_239 : memref<1x80xi32, #tpu.memory_space<vmem>> -> memref<80xi32, #tpu.memory_space<vmem>>
          %dma_wait3A_241 = arith.constant 0 : i32
          %dma_wait3A_242 = arith.constant 0 : i32
          %dma_wait3A_243 = tpu.memref_slice %arg12[%dma_wait3A_241, %dma_wait3A_242] : memref<10112x128xf32, #tpu.memory_space<vmem_shared>> -> memref<10112x128xf32, #tpu.memory_space<vmem_shared>>
          tpu.wait_indirect_dma semaphore(%arg19 : memref<!tpu.dma_semaphore, #tpu.memory_space<semaphore_mem>>) src(%arg10 : memref<80x128xf32, #tpu.memory_space<vmem>>) dst(%dma_wait3A_243 : memref<10112x128xf32, #tpu.memory_space<vmem_shared>>)
        } else {
        }
        %dma_wait3A_218 = arith.constant 0 : i32
        %dma_wait3A_219 = tpu.memref_slice %arg6[%add3A_212, %dma_wait3A_218] : memref<32x80xi32, #tpu.memory_space<vmem>> -> memref<1x80xi32, #tpu.memory_space<vmem>>
        %dma_wait3A_220 = tpu.memref_squeeze %dma_wait3A_219 : memref<1x80xi32, #tpu.memory_space<vmem>> -> memref<80xi32, #tpu.memory_space<vmem>>
        %dma_wait3A_221 = arith.constant 0 : i32
        %dma_wait3A_222 = arith.constant 0 : i32
        %dma_wait3A_223 = tpu.memref_slice %arg2[%dma_wait3A_221, %dma_wait3A_222] : memref<10000x128xf32, #tpu.memory_space<hbm>> -> memref<10000x128xf32, #tpu.memory_space<hbm>>
        tpu.wait_indirect_dma semaphore(%arg16 : memref<!tpu.dma_semaphore, #tpu.memory_space<semaphore_mem>>) src(%dma_wait3A_223 : memref<10000x128xf32, #tpu.memory_space<hbm>>) dst(%arg11 : memref<80x128xf32, #tpu.memory_space<vmem>>)
        %dma_start3A_224 = arith.constant 0 : i32
        %dma_start3A_225 = tpu.memref_slice %arg7[%add3A_212, %dma_start3A_224] : memref<32x80xi32, #tpu.memory_space<vmem>> -> memref<1x80xi32, #tpu.memory_space<vmem>>
        %dma_start3A_226 = tpu.memref_squeeze %dma_start3A_225 : memref<1x80xi32, #tpu.memory_space<vmem>> -> memref<80xi32, #tpu.memory_space<vmem>>
        %dma_start3A_227 = arith.constant 0 : i32
        %dma_start3A_228 = arith.constant 0 : i32
        %dma_start3A_229 = tpu.memref_slice %arg12[%dma_start3A_227, %dma_start3A_228] : memref<10112x128xf32, #tpu.memory_space<vmem_shared>> -> memref<10112x128xf32, #tpu.memory_space<vmem_shared>>
        tpu.enqueue_indirect_dma source(%arg11 : memref<80x128xf32, #tpu.memory_space<vmem>>) target(%dma_start3A_229 : memref<10112x128xf32, #tpu.memory_space<vmem_shared>>) offsets(%dma_start3A_226 : memref<80xi32, #tpu.memory_space<vmem>>) semaphore(%arg20 : memref<!tpu.dma_semaphore, #tpu.memory_space<semaphore_mem>>) {add = true}
        %add3A_230 = arith.constant 3 : i32
        %add3A_231 = arith.addi %add3A_212, %add3A_230 : i32
        %lt3A_232 = arith.constant 32 : i32
        %lt3A_233 = arith.cmpi slt, %add3A_231, %lt3A_232 : i32
        %convert_element_type3A_234 = arith.extui %lt3A_233 : i1 to i32
        %cond3A_235 = arith.constant 0 : i32
        %cond3A_236 = arith.cmpi ne, %convert_element_type3A_234, %cond3A_235 : i32
        scf.if %cond3A_236 {
          %add3A_237 = arith.constant 3 : i32
          %add3A_238 = arith.addi %add3A_212, %add3A_237 : i32
          %dma_start3A_239 = arith.constant 0 : i32
          %dma_start3A_240 = tpu.memref_slice %arg6[%add3A_238, %dma_start3A_239] : memref<32x80xi32, #tpu.memory_space<vmem>> -> memref<1x80xi32, #tpu.memory_space<vmem>>
          %dma_start3A_241 = tpu.memref_squeeze %dma_start3A_240 : memref<1x80xi32, #tpu.memory_space<vmem>> -> memref<80xi32, #tpu.memory_space<vmem>>
          %dma_start3A_242 = arith.constant 0 : i32
          %dma_start3A_243 = arith.constant 0 : i32
          %dma_start3A_244 = tpu.memref_slice %arg2[%dma_start3A_242, %dma_start3A_243] : memref<10000x128xf32, #tpu.memory_space<hbm>> -> memref<10000x128xf32, #tpu.memory_space<hbm>>
          tpu.enqueue_indirect_dma source(%dma_start3A_244 : memref<10000x128xf32, #tpu.memory_space<hbm>>) target(%arg10 : memref<80x128xf32, #tpu.memory_space<vmem>>) offsets(%dma_start3A_241 : memref<80xi32, #tpu.memory_space<vmem>>) semaphore(%arg15 : memref<!tpu.dma_semaphore, #tpu.memory_space<semaphore_mem>>)
        } else {
        }
      }
      %scan3A_118 = arith.constant 8 : i32
      %dma_wait3A = arith.constant 31 : i32
      %dma_wait3A_119 = arith.constant 0 : i32
      %dma_wait3A_120 = tpu.memref_slice %arg7[%dma_wait3A, %dma_wait3A_119] : memref<32x80xi32, #tpu.memory_space<vmem>> -> memref<1x80xi32, #tpu.memory_space<vmem>>
      %dma_wait3A_121 = tpu.memref_squeeze %dma_wait3A_120 : memref<1x80xi32, #tpu.memory_space<vmem>> -> memref<80xi32, #tpu.memory_space<vmem>>
      %dma_wait3A_122 = arith.constant 0 : i32
      %dma_wait3A_123 = arith.constant 0 : i32
      %dma_wait3A_124 = tpu.memref_slice %arg12[%dma_wait3A_122, %dma_wait3A_123] : memref<10112x128xf32, #tpu.memory_space<vmem_shared>> -> memref<10112x128xf32, #tpu.memory_space<vmem_shared>>
      tpu.wait_indirect_dma semaphore(%arg20 : memref<!tpu.dma_semaphore, #tpu.memory_space<semaphore_mem>>) src(%arg11 : memref<80x128xf32, #tpu.memory_space<vmem>>) dst(%dma_wait3A_124 : memref<10112x128xf32, #tpu.memory_space<vmem_shared>>)
    } else {
    }
    "tpu.trace_stop"() : () -> ()
    "tpu.trace_start"() <{level = 10 : i32, message = "edges_3"}> : () -> ()
    %mul3A_69 = arith.constant 4 : i32
    %mul3A_70 = arith.muli %add3A, %mul3A_69 : i32
    %add3A_71 = arith.constant 3 : i32
    %add3A_72 = arith.addi %mul3A_70, %add3A_71 : i32
    %lt3A_73 = arith.constant 125 : i32
    %lt3A_74 = arith.cmpi slt, %add3A_72, %lt3A_73 : i32
    %convert_element_type3A_75 = arith.extui %lt3A_74 : i1 to i32
    %cond3A_76 = arith.constant 0 : i32
    %cond3A_77 = arith.cmpi ne, %convert_element_type3A_75, %cond3A_76 : i32
    scf.if %cond3A_77 {
      %mul3A_88 = arith.constant 32 : i32
      %mul3A_89 = arith.muli %add3A_72, %mul3A_88 : i32
      %run_scoped3A = arith.constant 0 : i32
      "tpu.region"() ({
        %run_scoped3A_125 = tpu.sem_alloc : memref<!tpu.dma_semaphore, #tpu.memory_space<semaphore_mem>>
        %dma_start3A_126 = arith.constant 0 : i32
        %dma_start3A_127 = tpu.memref_slice %arg3[%run_scoped3A, %mul3A_89, %dma_start3A_126] : memref<2x4000x80xi32, #tpu.memory_space<hbm>> -> memref<1x32x80xi32, #tpu.memory_space<hbm>>
        %dma_start3A_128 = tpu.memref_squeeze %dma_start3A_127 : memref<1x32x80xi32, #tpu.memory_space<hbm>> -> memref<32x80xi32, #tpu.memory_space<hbm>>
        %dma_start3A_129 = arith.constant 0 : i32
        %dma_start3A_130 = tpu.memref_slice %arg3[%run_scoped3A, %mul3A_89, %dma_start3A_129] : memref<2x4000x80xi32, #tpu.memory_space<hbm>> -> memref<1x32x80xi32, #tpu.memory_space<hbm>>
        %dma_start3A_131 = tpu.memref_squeeze %dma_start3A_130 : memref<1x32x80xi32, #tpu.memory_space<hbm>> -> memref<32x80xi32, #tpu.memory_space<hbm>>
        tpu.enqueue_dma source(%dma_start3A_131 : memref<32x80xi32, #tpu.memory_space<hbm>>) target(%arg6 : memref<32x80xi32, #tpu.memory_space<vmem>>) target_semaphore(%run_scoped3A_125 : memref<!tpu.dma_semaphore, #tpu.memory_space<semaphore_mem>>)
        %dma_wait3A_132 = arith.constant 0 : i32
        %dma_wait3A_133 = tpu.memref_slice %arg3[%run_scoped3A, %mul3A_89, %dma_wait3A_132] : memref<2x4000x80xi32, #tpu.memory_space<hbm>> -> memref<1x32x80xi32, #tpu.memory_space<hbm>>
        %dma_wait3A_134 = tpu.memref_squeeze %dma_wait3A_133 : memref<1x32x80xi32, #tpu.memory_space<hbm>> -> memref<32x80xi32, #tpu.memory_space<hbm>>
        %dma_wait3A_135 = arith.constant 0 : i32
        %dma_wait3A_136 = tpu.memref_slice %arg3[%run_scoped3A, %mul3A_89, %dma_wait3A_135] : memref<2x4000x80xi32, #tpu.memory_space<hbm>> -> memref<1x32x80xi32, #tpu.memory_space<hbm>>
        %dma_wait3A_137 = tpu.memref_squeeze %dma_wait3A_136 : memref<1x32x80xi32, #tpu.memory_space<hbm>> -> memref<32x80xi32, #tpu.memory_space<hbm>>
        tpu.wait_dma2 semaphore(%run_scoped3A_125 : memref<!tpu.dma_semaphore, #tpu.memory_space<semaphore_mem>>) src(%dma_wait3A_137 : memref<32x80xi32, #tpu.memory_space<hbm>>) dst(%arg6 : memref<32x80xi32, #tpu.memory_space<vmem>>)
        tpu.yield
      }) : () -> ()
      %mul3A_90 = arith.constant 32 : i32
      %mul3A_91 = arith.muli %add3A_72, %mul3A_90 : i32
      %run_scoped3A_92 = arith.constant 1 : i32
      "tpu.region"() ({
        %run_scoped3A_125 = tpu.sem_alloc : memref<!tpu.dma_semaphore, #tpu.memory_space<semaphore_mem>>
        %dma_start3A_126 = arith.constant 0 : i32
        %dma_start3A_127 = tpu.memref_slice %arg3[%run_scoped3A_92, %mul3A_91, %dma_start3A_126] : memref<2x4000x80xi32, #tpu.memory_space<hbm>> -> memref<1x32x80xi32, #tpu.memory_space<hbm>>
        %dma_start3A_128 = tpu.memref_squeeze %dma_start3A_127 : memref<1x32x80xi32, #tpu.memory_space<hbm>> -> memref<32x80xi32, #tpu.memory_space<hbm>>
        %dma_start3A_129 = arith.constant 0 : i32
        %dma_start3A_130 = tpu.memref_slice %arg3[%run_scoped3A_92, %mul3A_91, %dma_start3A_129] : memref<2x4000x80xi32, #tpu.memory_space<hbm>> -> memref<1x32x80xi32, #tpu.memory_space<hbm>>
        %dma_start3A_131 = tpu.memref_squeeze %dma_start3A_130 : memref<1x32x80xi32, #tpu.memory_space<hbm>> -> memref<32x80xi32, #tpu.memory_space<hbm>>
        tpu.enqueue_dma source(%dma_start3A_131 : memref<32x80xi32, #tpu.memory_space<hbm>>) target(%arg7 : memref<32x80xi32, #tpu.memory_space<vmem>>) target_semaphore(%run_scoped3A_125 : memref<!tpu.dma_semaphore, #tpu.memory_space<semaphore_mem>>)
        %dma_wait3A_132 = arith.constant 0 : i32
        %dma_wait3A_133 = tpu.memref_slice %arg3[%run_scoped3A_92, %mul3A_91, %dma_wait3A_132] : memref<2x4000x80xi32, #tpu.memory_space<hbm>> -> memref<1x32x80xi32, #tpu.memory_space<hbm>>
        %dma_wait3A_134 = tpu.memref_squeeze %dma_wait3A_133 : memref<1x32x80xi32, #tpu.memory_space<hbm>> -> memref<32x80xi32, #tpu.memory_space<hbm>>
        %dma_wait3A_135 = arith.constant 0 : i32
        %dma_wait3A_136 = tpu.memref_slice %arg3[%run_scoped3A_92, %mul3A_91, %dma_wait3A_135] : memref<2x4000x80xi32, #tpu.memory_space<hbm>> -> memref<1x32x80xi32, #tpu.memory_space<hbm>>
        %dma_wait3A_137 = tpu.memref_squeeze %dma_wait3A_136 : memref<1x32x80xi32, #tpu.memory_space<hbm>> -> memref<32x80xi32, #tpu.memory_space<hbm>>
        tpu.wait_dma2 semaphore(%run_scoped3A_125 : memref<!tpu.dma_semaphore, #tpu.memory_space<semaphore_mem>>) src(%dma_wait3A_137 : memref<32x80xi32, #tpu.memory_space<hbm>>) dst(%arg7 : memref<32x80xi32, #tpu.memory_space<vmem>>)
        tpu.yield
      }) : () -> ()
      %dma_start3A = arith.constant 0 : i32
      %dma_start3A_93 = arith.constant 0 : i32
      %dma_start3A_94 = tpu.memref_slice %arg6[%dma_start3A, %dma_start3A_93] : memref<32x80xi32, #tpu.memory_space<vmem>> -> memref<1x80xi32, #tpu.memory_space<vmem>>
      %dma_start3A_95 = tpu.memref_squeeze %dma_start3A_94 : memref<1x80xi32, #tpu.memory_space<vmem>> -> memref<80xi32, #tpu.memory_space<vmem>>
      %dma_start3A_96 = arith.constant 0 : i32
      %dma_start3A_97 = arith.constant 0 : i32
      %dma_start3A_98 = tpu.memref_slice %arg2[%dma_start3A_96, %dma_start3A_97] : memref<10000x128xf32, #tpu.memory_space<hbm>> -> memref<10000x128xf32, #tpu.memory_space<hbm>>
      tpu.enqueue_indirect_dma source(%dma_start3A_98 : memref<10000x128xf32, #tpu.memory_space<hbm>>) target(%arg8 : memref<80x128xf32, #tpu.memory_space<vmem>>) offsets(%dma_start3A_95 : memref<80xi32, #tpu.memory_space<vmem>>) semaphore(%arg13 : memref<!tpu.dma_semaphore, #tpu.memory_space<semaphore_mem>>)
      %dma_start3A_99 = arith.constant 1 : i32
      %dma_start3A_100 = arith.constant 0 : i32
      %dma_start3A_101 = tpu.memref_slice %arg6[%dma_start3A_99, %dma_start3A_100] : memref<32x80xi32, #tpu.memory_space<vmem>> -> memref<1x80xi32, #tpu.memory_space<vmem>>
      %dma_start3A_102 = tpu.memref_squeeze %dma_start3A_101 : memref<1x80xi32, #tpu.memory_space<vmem>> -> memref<80xi32, #tpu.memory_space<vmem>>
      %dma_start3A_103 = arith.constant 0 : i32
      %dma_start3A_104 = arith.constant 0 : i32
      %dma_start3A_105 = tpu.memref_slice %arg2[%dma_start3A_103, %dma_start3A_104] : memref<10000x128xf32, #tpu.memory_space<hbm>> -> memref<10000x128xf32, #tpu.memory_space<hbm>>
      tpu.enqueue_indirect_dma source(%dma_start3A_105 : memref<10000x128xf32, #tpu.memory_space<hbm>>) target(%arg9 : memref<80x128xf32, #tpu.memory_space<vmem>>) offsets(%dma_start3A_102 : memref<80xi32, #tpu.memory_space<vmem>>) semaphore(%arg14 : memref<!tpu.dma_semaphore, #tpu.memory_space<semaphore_mem>>)
      %dma_start3A_106 = arith.constant 2 : i32
      %dma_start3A_107 = arith.constant 0 : i32
      %dma_start3A_108 = tpu.memref_slice %arg6[%dma_start3A_106, %dma_start3A_107] : memref<32x80xi32, #tpu.memory_space<vmem>> -> memref<1x80xi32, #tpu.memory_space<vmem>>
      %dma_start3A_109 = tpu.memref_squeeze %dma_start3A_108 : memref<1x80xi32, #tpu.memory_space<vmem>> -> memref<80xi32, #tpu.memory_space<vmem>>
      %dma_start3A_110 = arith.constant 0 : i32
      %dma_start3A_111 = arith.constant 0 : i32
      %dma_start3A_112 = tpu.memref_slice %arg2[%dma_start3A_110, %dma_start3A_111] : memref<10000x128xf32, #tpu.memory_space<hbm>> -> memref<10000x128xf32, #tpu.memory_space<hbm>>
      tpu.enqueue_indirect_dma source(%dma_start3A_112 : memref<10000x128xf32, #tpu.memory_space<hbm>>) target(%arg10 : memref<80x128xf32, #tpu.memory_space<vmem>>) offsets(%dma_start3A_109 : memref<80xi32, #tpu.memory_space<vmem>>) semaphore(%arg15 : memref<!tpu.dma_semaphore, #tpu.memory_space<semaphore_mem>>)
      %scan3A_113 = arith.constant 0 : i32
      %scan3A_114 = arith.constant 0 : i32
      %scan3A_115 = arith.constant 8 : i32
      %scan3A_116 = arith.addi %scan3A_114, %scan3A_115 : i32
      %scan3A_117 = arith.constant 1 : i32
      scf.for %scan3A_125 = %scan3A_114 to %scan3A_116 step %scan3A_117  : i32 {
        %mul3A_126 = arith.constant 4 : i32
        %mul3A_127 = arith.muli %mul3A_126, %scan3A_125 : i32
        %add3A_128 = arith.constant 0 : i32
        %add3A_129 = arith.addi %mul3A_127, %add3A_128 : i32
        %ge3A = arith.constant 1 : i32
        %ge3A_130 = arith.cmpi sge, %add3A_129, %ge3A : i32
        %convert_element_type3A_131 = arith.extui %ge3A_130 : i1 to i32
        %cond3A_132 = arith.constant 0 : i32
        %cond3A_133 = arith.cmpi ne, %convert_element_type3A_131, %cond3A_132 : i32
        scf.if %cond3A_133 {
          %sub3A = arith.constant 1 : i32
          %sub3A_237 = arith.subi %add3A_129, %sub3A : i32
          %dma_wait3A_238 = arith.constant 0 : i32
          %dma_wait3A_239 = tpu.memref_slice %arg7[%sub3A_237, %dma_wait3A_238] : memref<32x80xi32, #tpu.memory_space<vmem>> -> memref<1x80xi32, #tpu.memory_space<vmem>>
          %dma_wait3A_240 = tpu.memref_squeeze %dma_wait3A_239 : memref<1x80xi32, #tpu.memory_space<vmem>> -> memref<80xi32, #tpu.memory_space<vmem>>
          %dma_wait3A_241 = arith.constant 0 : i32
          %dma_wait3A_242 = arith.constant 0 : i32
          %dma_wait3A_243 = tpu.memref_slice %arg12[%dma_wait3A_241, %dma_wait3A_242] : memref<10112x128xf32, #tpu.memory_space<vmem_shared>> -> memref<10112x128xf32, #tpu.memory_space<vmem_shared>>
          tpu.wait_indirect_dma semaphore(%arg20 : memref<!tpu.dma_semaphore, #tpu.memory_space<semaphore_mem>>) src(%arg11 : memref<80x128xf32, #tpu.memory_space<vmem>>) dst(%dma_wait3A_243 : memref<10112x128xf32, #tpu.memory_space<vmem_shared>>)
        } else {
        }
        %dma_wait3A_134 = arith.constant 0 : i32
        %dma_wait3A_135 = tpu.memref_slice %arg6[%add3A_129, %dma_wait3A_134] : memref<32x80xi32, #tpu.memory_space<vmem>> -> memref<1x80xi32, #tpu.memory_space<vmem>>
        %dma_wait3A_136 = tpu.memref_squeeze %dma_wait3A_135 : memref<1x80xi32, #tpu.memory_space<vmem>> -> memref<80xi32, #tpu.memory_space<vmem>>
        %dma_wait3A_137 = arith.constant 0 : i32
        %dma_wait3A_138 = arith.constant 0 : i32
        %dma_wait3A_139 = tpu.memref_slice %arg2[%dma_wait3A_137, %dma_wait3A_138] : memref<10000x128xf32, #tpu.memory_space<hbm>> -> memref<10000x128xf32, #tpu.memory_space<hbm>>
        tpu.wait_indirect_dma semaphore(%arg13 : memref<!tpu.dma_semaphore, #tpu.memory_space<semaphore_mem>>) src(%dma_wait3A_139 : memref<10000x128xf32, #tpu.memory_space<hbm>>) dst(%arg8 : memref<80x128xf32, #tpu.memory_space<vmem>>)
        %dma_start3A_140 = arith.constant 0 : i32
        %dma_start3A_141 = tpu.memref_slice %arg7[%add3A_129, %dma_start3A_140] : memref<32x80xi32, #tpu.memory_space<vmem>> -> memref<1x80xi32, #tpu.memory_space<vmem>>
        %dma_start3A_142 = tpu.memref_squeeze %dma_start3A_141 : memref<1x80xi32, #tpu.memory_space<vmem>> -> memref<80xi32, #tpu.memory_space<vmem>>
        %dma_start3A_143 = arith.constant 0 : i32
        %dma_start3A_144 = arith.constant 0 : i32
        %dma_start3A_145 = tpu.memref_slice %arg12[%dma_start3A_143, %dma_start3A_144] : memref<10112x128xf32, #tpu.memory_space<vmem_shared>> -> memref<10112x128xf32, #tpu.memory_space<vmem_shared>>
        tpu.enqueue_indirect_dma source(%arg8 : memref<80x128xf32, #tpu.memory_space<vmem>>) target(%dma_start3A_145 : memref<10112x128xf32, #tpu.memory_space<vmem_shared>>) offsets(%dma_start3A_142 : memref<80xi32, #tpu.memory_space<vmem>>) semaphore(%arg17 : memref<!tpu.dma_semaphore, #tpu.memory_space<semaphore_mem>>) {add = true}
        %add3A_146 = arith.constant 3 : i32
        %add3A_147 = arith.addi %add3A_129, %add3A_146 : i32
        %lt3A_148 = arith.constant 32 : i32
        %lt3A_149 = arith.cmpi slt, %add3A_147, %lt3A_148 : i32
        %convert_element_type3A_150 = arith.extui %lt3A_149 : i1 to i32
        %cond3A_151 = arith.constant 0 : i32
        %cond3A_152 = arith.cmpi ne, %convert_element_type3A_150, %cond3A_151 : i32
        scf.if %cond3A_152 {
          %add3A_237 = arith.constant 3 : i32
          %add3A_238 = arith.addi %add3A_129, %add3A_237 : i32
          %dma_start3A_239 = arith.constant 0 : i32
          %dma_start3A_240 = tpu.memref_slice %arg6[%add3A_238, %dma_start3A_239] : memref<32x80xi32, #tpu.memory_space<vmem>> -> memref<1x80xi32, #tpu.memory_space<vmem>>
          %dma_start3A_241 = tpu.memref_squeeze %dma_start3A_240 : memref<1x80xi32, #tpu.memory_space<vmem>> -> memref<80xi32, #tpu.memory_space<vmem>>
          %dma_start3A_242 = arith.constant 0 : i32
          %dma_start3A_243 = arith.constant 0 : i32
          %dma_start3A_244 = tpu.memref_slice %arg2[%dma_start3A_242, %dma_start3A_243] : memref<10000x128xf32, #tpu.memory_space<hbm>> -> memref<10000x128xf32, #tpu.memory_space<hbm>>
          tpu.enqueue_indirect_dma source(%dma_start3A_244 : memref<10000x128xf32, #tpu.memory_space<hbm>>) target(%arg11 : memref<80x128xf32, #tpu.memory_space<vmem>>) offsets(%dma_start3A_241 : memref<80xi32, #tpu.memory_space<vmem>>) semaphore(%arg16 : memref<!tpu.dma_semaphore, #tpu.memory_space<semaphore_mem>>)
        } else {
        }
        %mul3A_153 = arith.constant 4 : i32
        %mul3A_154 = arith.muli %mul3A_153, %scan3A_125 : i32
        %add3A_155 = arith.constant 1 : i32
        %add3A_156 = arith.addi %mul3A_154, %add3A_155 : i32
        %ge3A_157 = arith.constant 1 : i32
        %ge3A_158 = arith.cmpi sge, %add3A_156, %ge3A_157 : i32
        %convert_element_type3A_159 = arith.extui %ge3A_158 : i1 to i32
        %cond3A_160 = arith.constant 0 : i32
        %cond3A_161 = arith.cmpi ne, %convert_element_type3A_159, %cond3A_160 : i32
        scf.if %cond3A_161 {
          %sub3A = arith.constant 1 : i32
          %sub3A_237 = arith.subi %add3A_156, %sub3A : i32
          %dma_wait3A_238 = arith.constant 0 : i32
          %dma_wait3A_239 = tpu.memref_slice %arg7[%sub3A_237, %dma_wait3A_238] : memref<32x80xi32, #tpu.memory_space<vmem>> -> memref<1x80xi32, #tpu.memory_space<vmem>>
          %dma_wait3A_240 = tpu.memref_squeeze %dma_wait3A_239 : memref<1x80xi32, #tpu.memory_space<vmem>> -> memref<80xi32, #tpu.memory_space<vmem>>
          %dma_wait3A_241 = arith.constant 0 : i32
          %dma_wait3A_242 = arith.constant 0 : i32
          %dma_wait3A_243 = tpu.memref_slice %arg12[%dma_wait3A_241, %dma_wait3A_242] : memref<10112x128xf32, #tpu.memory_space<vmem_shared>> -> memref<10112x128xf32, #tpu.memory_space<vmem_shared>>
          tpu.wait_indirect_dma semaphore(%arg17 : memref<!tpu.dma_semaphore, #tpu.memory_space<semaphore_mem>>) src(%arg8 : memref<80x128xf32, #tpu.memory_space<vmem>>) dst(%dma_wait3A_243 : memref<10112x128xf32, #tpu.memory_space<vmem_shared>>)
        } else {
        }
        %dma_wait3A_162 = arith.constant 0 : i32
        %dma_wait3A_163 = tpu.memref_slice %arg6[%add3A_156, %dma_wait3A_162] : memref<32x80xi32, #tpu.memory_space<vmem>> -> memref<1x80xi32, #tpu.memory_space<vmem>>
        %dma_wait3A_164 = tpu.memref_squeeze %dma_wait3A_163 : memref<1x80xi32, #tpu.memory_space<vmem>> -> memref<80xi32, #tpu.memory_space<vmem>>
        %dma_wait3A_165 = arith.constant 0 : i32
        %dma_wait3A_166 = arith.constant 0 : i32
        %dma_wait3A_167 = tpu.memref_slice %arg2[%dma_wait3A_165, %dma_wait3A_166] : memref<10000x128xf32, #tpu.memory_space<hbm>> -> memref<10000x128xf32, #tpu.memory_space<hbm>>
        tpu.wait_indirect_dma semaphore(%arg14 : memref<!tpu.dma_semaphore, #tpu.memory_space<semaphore_mem>>) src(%dma_wait3A_167 : memref<10000x128xf32, #tpu.memory_space<hbm>>) dst(%arg9 : memref<80x128xf32, #tpu.memory_space<vmem>>)
        %dma_start3A_168 = arith.constant 0 : i32
        %dma_start3A_169 = tpu.memref_slice %arg7[%add3A_156, %dma_start3A_168] : memref<32x80xi32, #tpu.memory_space<vmem>> -> memref<1x80xi32, #tpu.memory_space<vmem>>
        %dma_start3A_170 = tpu.memref_squeeze %dma_start3A_169 : memref<1x80xi32, #tpu.memory_space<vmem>> -> memref<80xi32, #tpu.memory_space<vmem>>
        %dma_start3A_171 = arith.constant 0 : i32
        %dma_start3A_172 = arith.constant 0 : i32
        %dma_start3A_173 = tpu.memref_slice %arg12[%dma_start3A_171, %dma_start3A_172] : memref<10112x128xf32, #tpu.memory_space<vmem_shared>> -> memref<10112x128xf32, #tpu.memory_space<vmem_shared>>
        tpu.enqueue_indirect_dma source(%arg9 : memref<80x128xf32, #tpu.memory_space<vmem>>) target(%dma_start3A_173 : memref<10112x128xf32, #tpu.memory_space<vmem_shared>>) offsets(%dma_start3A_170 : memref<80xi32, #tpu.memory_space<vmem>>) semaphore(%arg18 : memref<!tpu.dma_semaphore, #tpu.memory_space<semaphore_mem>>) {add = true}
        %add3A_174 = arith.constant 3 : i32
        %add3A_175 = arith.addi %add3A_156, %add3A_174 : i32
        %lt3A_176 = arith.constant 32 : i32
        %lt3A_177 = arith.cmpi slt, %add3A_175, %lt3A_176 : i32
        %convert_element_type3A_178 = arith.extui %lt3A_177 : i1 to i32
        %cond3A_179 = arith.constant 0 : i32
        %cond3A_180 = arith.cmpi ne, %convert_element_type3A_178, %cond3A_179 : i32
        scf.if %cond3A_180 {
          %add3A_237 = arith.constant 3 : i32
          %add3A_238 = arith.addi %add3A_156, %add3A_237 : i32
          %dma_start3A_239 = arith.constant 0 : i32
          %dma_start3A_240 = tpu.memref_slice %arg6[%add3A_238, %dma_start3A_239] : memref<32x80xi32, #tpu.memory_space<vmem>> -> memref<1x80xi32, #tpu.memory_space<vmem>>
          %dma_start3A_241 = tpu.memref_squeeze %dma_start3A_240 : memref<1x80xi32, #tpu.memory_space<vmem>> -> memref<80xi32, #tpu.memory_space<vmem>>
          %dma_start3A_242 = arith.constant 0 : i32
          %dma_start3A_243 = arith.constant 0 : i32
          %dma_start3A_244 = tpu.memref_slice %arg2[%dma_start3A_242, %dma_start3A_243] : memref<10000x128xf32, #tpu.memory_space<hbm>> -> memref<10000x128xf32, #tpu.memory_space<hbm>>
          tpu.enqueue_indirect_dma source(%dma_start3A_244 : memref<10000x128xf32, #tpu.memory_space<hbm>>) target(%arg8 : memref<80x128xf32, #tpu.memory_space<vmem>>) offsets(%dma_start3A_241 : memref<80xi32, #tpu.memory_space<vmem>>) semaphore(%arg13 : memref<!tpu.dma_semaphore, #tpu.memory_space<semaphore_mem>>)
        } else {
        }
        %mul3A_181 = arith.constant 4 : i32
        %mul3A_182 = arith.muli %mul3A_181, %scan3A_125 : i32
        %add3A_183 = arith.constant 2 : i32
        %add3A_184 = arith.addi %mul3A_182, %add3A_183 : i32
        %ge3A_185 = arith.constant 1 : i32
        %ge3A_186 = arith.cmpi sge, %add3A_184, %ge3A_185 : i32
        %convert_element_type3A_187 = arith.extui %ge3A_186 : i1 to i32
        %cond3A_188 = arith.constant 0 : i32
        %cond3A_189 = arith.cmpi ne, %convert_element_type3A_187, %cond3A_188 : i32
        scf.if %cond3A_189 {
          %sub3A = arith.constant 1 : i32
          %sub3A_237 = arith.subi %add3A_184, %sub3A : i32
          %dma_wait3A_238 = arith.constant 0 : i32
          %dma_wait3A_239 = tpu.memref_slice %arg7[%sub3A_237, %dma_wait3A_238] : memref<32x80xi32, #tpu.memory_space<vmem>> -> memref<1x80xi32, #tpu.memory_space<vmem>>
          %dma_wait3A_240 = tpu.memref_squeeze %dma_wait3A_239 : memref<1x80xi32, #tpu.memory_space<vmem>> -> memref<80xi32, #tpu.memory_space<vmem>>
          %dma_wait3A_241 = arith.constant 0 : i32
          %dma_wait3A_242 = arith.constant 0 : i32
          %dma_wait3A_243 = tpu.memref_slice %arg12[%dma_wait3A_241, %dma_wait3A_242] : memref<10112x128xf32, #tpu.memory_space<vmem_shared>> -> memref<10112x128xf32, #tpu.memory_space<vmem_shared>>
          tpu.wait_indirect_dma semaphore(%arg18 : memref<!tpu.dma_semaphore, #tpu.memory_space<semaphore_mem>>) src(%arg9 : memref<80x128xf32, #tpu.memory_space<vmem>>) dst(%dma_wait3A_243 : memref<10112x128xf32, #tpu.memory_space<vmem_shared>>)
        } else {
        }
        %dma_wait3A_190 = arith.constant 0 : i32
        %dma_wait3A_191 = tpu.memref_slice %arg6[%add3A_184, %dma_wait3A_190] : memref<32x80xi32, #tpu.memory_space<vmem>> -> memref<1x80xi32, #tpu.memory_space<vmem>>
        %dma_wait3A_192 = tpu.memref_squeeze %dma_wait3A_191 : memref<1x80xi32, #tpu.memory_space<vmem>> -> memref<80xi32, #tpu.memory_space<vmem>>
        %dma_wait3A_193 = arith.constant 0 : i32
        %dma_wait3A_194 = arith.constant 0 : i32
        %dma_wait3A_195 = tpu.memref_slice %arg2[%dma_wait3A_193, %dma_wait3A_194] : memref<10000x128xf32, #tpu.memory_space<hbm>> -> memref<10000x128xf32, #tpu.memory_space<hbm>>
        tpu.wait_indirect_dma semaphore(%arg15 : memref<!tpu.dma_semaphore, #tpu.memory_space<semaphore_mem>>) src(%dma_wait3A_195 : memref<10000x128xf32, #tpu.memory_space<hbm>>) dst(%arg10 : memref<80x128xf32, #tpu.memory_space<vmem>>)
        %dma_start3A_196 = arith.constant 0 : i32
        %dma_start3A_197 = tpu.memref_slice %arg7[%add3A_184, %dma_start3A_196] : memref<32x80xi32, #tpu.memory_space<vmem>> -> memref<1x80xi32, #tpu.memory_space<vmem>>
        %dma_start3A_198 = tpu.memref_squeeze %dma_start3A_197 : memref<1x80xi32, #tpu.memory_space<vmem>> -> memref<80xi32, #tpu.memory_space<vmem>>
        %dma_start3A_199 = arith.constant 0 : i32
        %dma_start3A_200 = arith.constant 0 : i32
        %dma_start3A_201 = tpu.memref_slice %arg12[%dma_start3A_199, %dma_start3A_200] : memref<10112x128xf32, #tpu.memory_space<vmem_shared>> -> memref<10112x128xf32, #tpu.memory_space<vmem_shared>>
        tpu.enqueue_indirect_dma source(%arg10 : memref<80x128xf32, #tpu.memory_space<vmem>>) target(%dma_start3A_201 : memref<10112x128xf32, #tpu.memory_space<vmem_shared>>) offsets(%dma_start3A_198 : memref<80xi32, #tpu.memory_space<vmem>>) semaphore(%arg19 : memref<!tpu.dma_semaphore, #tpu.memory_space<semaphore_mem>>) {add = true}
        %add3A_202 = arith.constant 3 : i32
        %add3A_203 = arith.addi %add3A_184, %add3A_202 : i32
        %lt3A_204 = arith.constant 32 : i32
        %lt3A_205 = arith.cmpi slt, %add3A_203, %lt3A_204 : i32
        %convert_element_type3A_206 = arith.extui %lt3A_205 : i1 to i32
        %cond3A_207 = arith.constant 0 : i32
        %cond3A_208 = arith.cmpi ne, %convert_element_type3A_206, %cond3A_207 : i32
        scf.if %cond3A_208 {
          %add3A_237 = arith.constant 3 : i32
          %add3A_238 = arith.addi %add3A_184, %add3A_237 : i32
          %dma_start3A_239 = arith.constant 0 : i32
          %dma_start3A_240 = tpu.memref_slice %arg6[%add3A_238, %dma_start3A_239] : memref<32x80xi32, #tpu.memory_space<vmem>> -> memref<1x80xi32, #tpu.memory_space<vmem>>
          %dma_start3A_241 = tpu.memref_squeeze %dma_start3A_240 : memref<1x80xi32, #tpu.memory_space<vmem>> -> memref<80xi32, #tpu.memory_space<vmem>>
          %dma_start3A_242 = arith.constant 0 : i32
          %dma_start3A_243 = arith.constant 0 : i32
          %dma_start3A_244 = tpu.memref_slice %arg2[%dma_start3A_242, %dma_start3A_243] : memref<10000x128xf32, #tpu.memory_space<hbm>> -> memref<10000x128xf32, #tpu.memory_space<hbm>>
          tpu.enqueue_indirect_dma source(%dma_start3A_244 : memref<10000x128xf32, #tpu.memory_space<hbm>>) target(%arg9 : memref<80x128xf32, #tpu.memory_space<vmem>>) offsets(%dma_start3A_241 : memref<80xi32, #tpu.memory_space<vmem>>) semaphore(%arg14 : memref<!tpu.dma_semaphore, #tpu.memory_space<semaphore_mem>>)
        } else {
        }
        %mul3A_209 = arith.constant 4 : i32
        %mul3A_210 = arith.muli %mul3A_209, %scan3A_125 : i32
        %add3A_211 = arith.constant 3 : i32
        %add3A_212 = arith.addi %mul3A_210, %add3A_211 : i32
        %ge3A_213 = arith.constant 1 : i32
        %ge3A_214 = arith.cmpi sge, %add3A_212, %ge3A_213 : i32
        %convert_element_type3A_215 = arith.extui %ge3A_214 : i1 to i32
        %cond3A_216 = arith.constant 0 : i32
        %cond3A_217 = arith.cmpi ne, %convert_element_type3A_215, %cond3A_216 : i32
        scf.if %cond3A_217 {
          %sub3A = arith.constant 1 : i32
          %sub3A_237 = arith.subi %add3A_212, %sub3A : i32
          %dma_wait3A_238 = arith.constant 0 : i32
          %dma_wait3A_239 = tpu.memref_slice %arg7[%sub3A_237, %dma_wait3A_238] : memref<32x80xi32, #tpu.memory_space<vmem>> -> memref<1x80xi32, #tpu.memory_space<vmem>>
          %dma_wait3A_240 = tpu.memref_squeeze %dma_wait3A_239 : memref<1x80xi32, #tpu.memory_space<vmem>> -> memref<80xi32, #tpu.memory_space<vmem>>
          %dma_wait3A_241 = arith.constant 0 : i32
          %dma_wait3A_242 = arith.constant 0 : i32
          %dma_wait3A_243 = tpu.memref_slice %arg12[%dma_wait3A_241, %dma_wait3A_242] : memref<10112x128xf32, #tpu.memory_space<vmem_shared>> -> memref<10112x128xf32, #tpu.memory_space<vmem_shared>>
          tpu.wait_indirect_dma semaphore(%arg19 : memref<!tpu.dma_semaphore, #tpu.memory_space<semaphore_mem>>) src(%arg10 : memref<80x128xf32, #tpu.memory_space<vmem>>) dst(%dma_wait3A_243 : memref<10112x128xf32, #tpu.memory_space<vmem_shared>>)
        } else {
        }
        %dma_wait3A_218 = arith.constant 0 : i32
        %dma_wait3A_219 = tpu.memref_slice %arg6[%add3A_212, %dma_wait3A_218] : memref<32x80xi32, #tpu.memory_space<vmem>> -> memref<1x80xi32, #tpu.memory_space<vmem>>
        %dma_wait3A_220 = tpu.memref_squeeze %dma_wait3A_219 : memref<1x80xi32, #tpu.memory_space<vmem>> -> memref<80xi32, #tpu.memory_space<vmem>>
        %dma_wait3A_221 = arith.constant 0 : i32
        %dma_wait3A_222 = arith.constant 0 : i32
        %dma_wait3A_223 = tpu.memref_slice %arg2[%dma_wait3A_221, %dma_wait3A_222] : memref<10000x128xf32, #tpu.memory_space<hbm>> -> memref<10000x128xf32, #tpu.memory_space<hbm>>
        tpu.wait_indirect_dma semaphore(%arg16 : memref<!tpu.dma_semaphore, #tpu.memory_space<semaphore_mem>>) src(%dma_wait3A_223 : memref<10000x128xf32, #tpu.memory_space<hbm>>) dst(%arg11 : memref<80x128xf32, #tpu.memory_space<vmem>>)
        %dma_start3A_224 = arith.constant 0 : i32
        %dma_start3A_225 = tpu.memref_slice %arg7[%add3A_212, %dma_start3A_224] : memref<32x80xi32, #tpu.memory_space<vmem>> -> memref<1x80xi32, #tpu.memory_space<vmem>>
        %dma_start3A_226 = tpu.memref_squeeze %dma_start3A_225 : memref<1x80xi32, #tpu.memory_space<vmem>> -> memref<80xi32, #tpu.memory_space<vmem>>
        %dma_start3A_227 = arith.constant 0 : i32
        %dma_start3A_228 = arith.constant 0 : i32
        %dma_start3A_229 = tpu.memref_slice %arg12[%dma_start3A_227, %dma_start3A_228] : memref<10112x128xf32, #tpu.memory_space<vmem_shared>> -> memref<10112x128xf32, #tpu.memory_space<vmem_shared>>
        tpu.enqueue_indirect_dma source(%arg11 : memref<80x128xf32, #tpu.memory_space<vmem>>) target(%dma_start3A_229 : memref<10112x128xf32, #tpu.memory_space<vmem_shared>>) offsets(%dma_start3A_226 : memref<80xi32, #tpu.memory_space<vmem>>) semaphore(%arg20 : memref<!tpu.dma_semaphore, #tpu.memory_space<semaphore_mem>>) {add = true}
        %add3A_230 = arith.constant 3 : i32
        %add3A_231 = arith.addi %add3A_212, %add3A_230 : i32
        %lt3A_232 = arith.constant 32 : i32
        %lt3A_233 = arith.cmpi slt, %add3A_231, %lt3A_232 : i32
        %convert_element_type3A_234 = arith.extui %lt3A_233 : i1 to i32
        %cond3A_235 = arith.constant 0 : i32
        %cond3A_236 = arith.cmpi ne, %convert_element_type3A_234, %cond3A_235 : i32
        scf.if %cond3A_236 {
          %add3A_237 = arith.constant 3 : i32
          %add3A_238 = arith.addi %add3A_212, %add3A_237 : i32
          %dma_start3A_239 = arith.constant 0 : i32
          %dma_start3A_240 = tpu.memref_slice %arg6[%add3A_238, %dma_start3A_239] : memref<32x80xi32, #tpu.memory_space<vmem>> -> memref<1x80xi32, #tpu.memory_space<vmem>>
          %dma_start3A_241 = tpu.memref_squeeze %dma_start3A_240 : memref<1x80xi32, #tpu.memory_space<vmem>> -> memref<80xi32, #tpu.memory_space<vmem>>
          %dma_start3A_242 = arith.constant 0 : i32
          %dma_start3A_243 = arith.constant 0 : i32
          %dma_start3A_244 = tpu.memref_slice %arg2[%dma_start3A_242, %dma_start3A_243] : memref<10000x128xf32, #tpu.memory_space<hbm>> -> memref<10000x128xf32, #tpu.memory_space<hbm>>
          tpu.enqueue_indirect_dma source(%dma_start3A_244 : memref<10000x128xf32, #tpu.memory_space<hbm>>) target(%arg10 : memref<80x128xf32, #tpu.memory_space<vmem>>) offsets(%dma_start3A_241 : memref<80xi32, #tpu.memory_space<vmem>>) semaphore(%arg15 : memref<!tpu.dma_semaphore, #tpu.memory_space<semaphore_mem>>)
        } else {
        }
      }
      %scan3A_118 = arith.constant 8 : i32
      %dma_wait3A = arith.constant 31 : i32
      %dma_wait3A_119 = arith.constant 0 : i32
      %dma_wait3A_120 = tpu.memref_slice %arg7[%dma_wait3A, %dma_wait3A_119] : memref<32x80xi32, #tpu.memory_space<vmem>> -> memref<1x80xi32, #tpu.memory_space<vmem>>
      %dma_wait3A_121 = tpu.memref_squeeze %dma_wait3A_120 : memref<1x80xi32, #tpu.memory_space<vmem>> -> memref<80xi32, #tpu.memory_space<vmem>>
      %dma_wait3A_122 = arith.constant 0 : i32
      %dma_wait3A_123 = arith.constant 0 : i32
      %dma_wait3A_124 = tpu.memref_slice %arg12[%dma_wait3A_122, %dma_wait3A_123] : memref<10112x128xf32, #tpu.memory_space<vmem_shared>> -> memref<10112x128xf32, #tpu.memory_space<vmem_shared>>
      tpu.wait_indirect_dma semaphore(%arg20 : memref<!tpu.dma_semaphore, #tpu.memory_space<semaphore_mem>>) src(%arg11 : memref<80x128xf32, #tpu.memory_space<vmem>>) dst(%dma_wait3A_124 : memref<10112x128xf32, #tpu.memory_space<vmem_shared>>)
    } else {
    }
    "tpu.trace_stop"() : () -> ()
    %barrier3A_78 = arith.constant 0 : index
    tpu.barrier barrier_id(%barrier3A_78)
    %eq3A = arith.constant 0 : i32
    "tpu.trace_start"() <{level = 10 : i32, message = "dump"}> : () -> ()
    %eq3A_79 = arith.cmpi eq, %arg0, %eq3A : i32
    %convert_element_type3A_80 = arith.extui %eq3A_79 : i1 to i32
    %cond3A_81 = arith.constant 0 : i32
    %cond3A_82 = arith.cmpi ne, %convert_element_type3A_80, %cond3A_81 : i32
    scf.if %cond3A_82 {
      %mul3A_88 = arith.constant 632 : i32
      %mul3A_89 = arith.muli %arg1, %mul3A_88 : i32
      %mul3A_90 = arith.constant 632 : i32
      %mul3A_91 = arith.muli %arg1, %mul3A_90 : i32
      "tpu.region"() ({
        %run_scoped3A = tpu.sem_alloc : memref<!tpu.dma_semaphore, #tpu.memory_space<semaphore_mem>>
        %dma_start3A = arith.constant 0 : i32
        %dma_start3A_92 = tpu.memref_slice %arg4[%mul3A_91, %dma_start3A] : memref<10112x128xf32, #tpu.memory_space<hbm>> -> memref<632x128xf32, #tpu.memory_space<hbm>>
        %dma_start3A_93 = arith.constant 0 : i32
        %dma_start3A_94 = tpu.memref_slice %arg12[%mul3A_89, %dma_start3A_93] : memref<10112x128xf32, #tpu.memory_space<vmem_shared>> -> memref<632x128xf32, #tpu.memory_space<vmem_shared>>
        tpu.enqueue_dma source(%dma_start3A_94 : memref<632x128xf32, #tpu.memory_space<vmem_shared>>) target(%dma_start3A_92 : memref<632x128xf32, #tpu.memory_space<hbm>>) target_semaphore(%run_scoped3A : memref<!tpu.dma_semaphore, #tpu.memory_space<semaphore_mem>>)
        %dma_wait3A = arith.constant 0 : i32
        %dma_wait3A_95 = tpu.memref_slice %arg4[%mul3A_91, %dma_wait3A] : memref<10112x128xf32, #tpu.memory_space<hbm>> -> memref<632x128xf32, #tpu.memory_space<hbm>>
        %dma_wait3A_96 = arith.constant 0 : i32
        %dma_wait3A_97 = tpu.memref_slice %arg12[%mul3A_89, %dma_wait3A_96] : memref<10112x128xf32, #tpu.memory_space<vmem_shared>> -> memref<632x128xf32, #tpu.memory_space<vmem_shared>>
        tpu.wait_dma2 semaphore(%run_scoped3A : memref<!tpu.dma_semaphore, #tpu.memory_space<semaphore_mem>>) src(%dma_wait3A_97 : memref<632x128xf32, #tpu.memory_space<vmem_shared>>) dst(%dma_wait3A_95 : memref<632x128xf32, #tpu.memory_space<hbm>>)
        tpu.yield
      }) : () -> ()
    } else {
    }
    %eq3A_83 = arith.constant 1 : i32
    %eq3A_84 = arith.cmpi eq, %arg0, %eq3A_83 : i32
    %convert_element_type3A_85 = arith.extui %eq3A_84 : i1 to i32
    %cond3A_86 = arith.constant 0 : i32
    %cond3A_87 = arith.cmpi ne, %convert_element_type3A_85, %cond3A_86 : i32
    scf.if %cond3A_87 {
      %mul3A_88 = arith.constant 632 : i32
      %mul3A_89 = arith.muli %arg1, %mul3A_88 : i32
      %mul3A_90 = arith.constant 632 : i32
      %mul3A_91 = arith.muli %arg1, %mul3A_90 : i32
      "tpu.region"() ({
        %run_scoped3A = tpu.sem_alloc : memref<!tpu.dma_semaphore, #tpu.memory_space<semaphore_mem>>
        %dma_start3A = arith.constant 0 : i32
        %dma_start3A_92 = tpu.memref_slice %arg5[%mul3A_91, %dma_start3A] : memref<10112x128xf32, #tpu.memory_space<hbm>> -> memref<632x128xf32, #tpu.memory_space<hbm>>
        %dma_start3A_93 = arith.constant 0 : i32
        %dma_start3A_94 = tpu.memref_slice %arg12[%mul3A_89, %dma_start3A_93] : memref<10112x128xf32, #tpu.memory_space<vmem_shared>> -> memref<632x128xf32, #tpu.memory_space<vmem_shared>>
        tpu.enqueue_dma source(%dma_start3A_94 : memref<632x128xf32, #tpu.memory_space<vmem_shared>>) target(%dma_start3A_92 : memref<632x128xf32, #tpu.memory_space<hbm>>) target_semaphore(%run_scoped3A : memref<!tpu.dma_semaphore, #tpu.memory_space<semaphore_mem>>)
        %dma_wait3A = arith.constant 0 : i32
        %dma_wait3A_95 = tpu.memref_slice %arg5[%mul3A_91, %dma_wait3A] : memref<10112x128xf32, #tpu.memory_space<hbm>> -> memref<632x128xf32, #tpu.memory_space<hbm>>
        %dma_wait3A_96 = arith.constant 0 : i32
        %dma_wait3A_97 = tpu.memref_slice %arg12[%mul3A_89, %dma_wait3A_96] : memref<10112x128xf32, #tpu.memory_space<vmem_shared>> -> memref<632x128xf32, #tpu.memory_space<vmem_shared>>
        tpu.wait_dma2 semaphore(%run_scoped3A : memref<!tpu.dma_semaphore, #tpu.memory_space<semaphore_mem>>) src(%dma_wait3A_97 : memref<632x128xf32, #tpu.memory_space<vmem_shared>>) dst(%dma_wait3A_95 : memref<632x128xf32, #tpu.memory_space<hbm>>)
        tpu.yield
      }) : () -> ()
    } else {
    }
    "tpu.trace_stop"() : () -> ()
    return
  }
}

module attributes {stable_mosaic.version = 14 : i64} {
  func.func @_mlp_body(%arg0: i32, %arg1: memref<1000x128xf32, #tpu.memory_space<vmem>>, %arg2: memref<1000x128xf32, #tpu.memory_space<vmem>>, %arg3: memref<1000x128xf32, #tpu.memory_space<vmem>>, %arg4: memref<128x128xf32, #tpu.memory_space<vmem>>, %arg5: memref<1x128xf32, #tpu.memory_space<vmem>>, %arg6: memref<128x128xf32, #tpu.memory_space<vmem>>, %arg7: memref<1x128xf32, #tpu.memory_space<vmem>>, %arg8: memref<1x128xf32, #tpu.memory_space<vmem>>, %arg9: memref<1x128xf32, #tpu.memory_space<vmem>>, %arg10: memref<1000x128xf32, #tpu.memory_space<vmem>>) attributes {dimension_semantics = [#tpu.dimension_semantics<arbitrary>], iteration_bounds = array<i64: 10>, scalar_prefetch = 0 : i64, scratch_operands = 0 : i64, tpu.core_type = #tpu.core_type<tc>, window_params = [{transform_indices = @transform_0, window_bounds = array<i64: 1000, 128>}, {transform_indices = @transform_1, window_bounds = array<i64: 1000, 128>}, {transform_indices = @transform_2, window_bounds = array<i64: 1000, 128>}, {pipeline_mode = #tpu.pipeline_mode<synchronous>, transform_indices = @transform_3, window_bounds = array<i64: 128, 128>}, {pipeline_mode = #tpu.pipeline_mode<synchronous>, transform_indices = @transform_4, window_bounds = array<i64: 1, 128>}, {pipeline_mode = #tpu.pipeline_mode<synchronous>, transform_indices = @transform_5, window_bounds = array<i64: 128, 128>}, {pipeline_mode = #tpu.pipeline_mode<synchronous>, transform_indices = @transform_6, window_bounds = array<i64: 1, 128>}, {pipeline_mode = #tpu.pipeline_mode<synchronous>, transform_indices = @transform_7, window_bounds = array<i64: 1, 128>}, {pipeline_mode = #tpu.pipeline_mode<synchronous>, transform_indices = @transform_8, window_bounds = array<i64: 1, 128>}, {transform_indices = @transform_9, window_bounds = array<i64: 1000, 128>}]} {
    %get3A = arith.constant 0 : index
    %get3A_0 = arith.constant 0 : index
    %get3A_1 = vector.load %arg1[%get3A, %get3A_0] : memref<1000x128xf32, #tpu.memory_space<vmem>>, vector<1000x128xf32>
    %get3A_2 = arith.constant 0 : index
    %get3A_3 = arith.constant 0 : index
    %get3A_4 = vector.load %arg2[%get3A_2, %get3A_3] : memref<1000x128xf32, #tpu.memory_space<vmem>>, vector<1000x128xf32>
    %add3A = arith.addf %get3A_1, %get3A_4 : vector<1000x128xf32>
    %get3A_5 = arith.constant 0 : index
    %get3A_6 = arith.constant 0 : index
    %get3A_7 = vector.load %arg3[%get3A_5, %get3A_6] : memref<1000x128xf32, #tpu.memory_space<vmem>>, vector<1000x128xf32>
    %add3A_8 = arith.addf %add3A, %get3A_7 : vector<1000x128xf32>
    %get3A_9 = arith.constant 0 : index
    %get3A_10 = arith.constant 0 : index
    %get3A_11 = vector.load %arg4[%get3A_9, %get3A_10] : memref<128x128xf32, #tpu.memory_space<vmem>>, vector<128x128xf32>
    %dot_general3A = arith.constant dense<0.000000e+00> : vector<1000x128xf32>
    %dot_general3A_12 = tpu.matmul %add3A_8, %get3A_11, %dot_general3A {dimension_numbers = #tpu.dot_dimension_numbers<[1], [0], [0], [1], [0, 0, 1, 1], [], []>, transpose_lhs_hint = false} : vector<1000x128xf32>, vector<128x128xf32>, vector<1000x128xf32> -> vector<1000x128xf32>
    %get3A_13 = arith.constant 0 : index
    %get3A_14 = arith.constant 0 : index
    %get3A_15 = vector.load %arg5[%get3A_13, %get3A_14] : memref<1x128xf32, #tpu.memory_space<vmem>>, vector<1x128xf32>
    %add3A_16 = vector.broadcast %get3A_15 : vector<1x128xf32> to vector<1000x128xf32>
    %add3A_17 = arith.addf %dot_general3A_12, %add3A_16 : vector<1000x128xf32>
    %max3A = arith.constant 0.000000e+00 : f32
    %max3A_18 = vector.broadcast %max3A : f32 to vector<1000x128xf32>
    %max3A_19 = arith.maximumf %add3A_17, %max3A_18 : vector<1000x128xf32>
    %get3A_20 = arith.constant 0 : index
    %get3A_21 = arith.constant 0 : index
    %get3A_22 = vector.load %arg6[%get3A_20, %get3A_21] : memref<128x128xf32, #tpu.memory_space<vmem>>, vector<128x128xf32>
    %dot_general3A_23 = arith.constant dense<0.000000e+00> : vector<1000x128xf32>
    %dot_general3A_24 = tpu.matmul %max3A_19, %get3A_22, %dot_general3A_23 {dimension_numbers = #tpu.dot_dimension_numbers<[1], [0], [0], [1], [0, 0, 1, 1], [], []>, transpose_lhs_hint = false} : vector<1000x128xf32>, vector<128x128xf32>, vector<1000x128xf32> -> vector<1000x128xf32>
    %get3A_25 = arith.constant 0 : index
    %get3A_26 = arith.constant 0 : index
    %get3A_27 = vector.load %arg7[%get3A_25, %get3A_26] : memref<1x128xf32, #tpu.memory_space<vmem>>, vector<1x128xf32>
    %add3A_28 = vector.broadcast %get3A_27 : vector<1x128xf32> to vector<1000x128xf32>
    %add3A_29 = arith.addf %dot_general3A_24, %add3A_28 : vector<1000x128xf32>
    %reduce_sum3A = arith.constant dense<0.000000e+00> : vector<1000xf32>
    %reduce_sum3A_30 = vector.multi_reduction <add>, %add3A_29, %reduce_sum3A [1] : vector<1000x128xf32> to vector<1000xf32>
    %broadcast_in_dim3A = vector.shape_cast %reduce_sum3A_30 : vector<1000xf32> to vector<1000x1xf32>
    %div3A = arith.constant 1.280000e+02 : f32
    %div3A_31 = vector.broadcast %div3A : f32 to vector<1000x1xf32>
    %div3A_32 = arith.divf %broadcast_in_dim3A, %div3A_31 : vector<1000x1xf32>
    %sub3A = vector.broadcast %div3A_32 : vector<1000x1xf32> to vector<1000x128xf32>
    %sub3A_33 = arith.subf %add3A_29, %sub3A : vector<1000x128xf32>
    %mul3A = arith.mulf %sub3A_33, %sub3A_33 : vector<1000x128xf32>
    %reduce_sum3A_34 = arith.constant dense<0.000000e+00> : vector<1000xf32>
    %reduce_sum3A_35 = vector.multi_reduction <add>, %mul3A, %reduce_sum3A_34 [1] : vector<1000x128xf32> to vector<1000xf32>
    %broadcast_in_dim3A_36 = vector.shape_cast %reduce_sum3A_35 : vector<1000xf32> to vector<1000x1xf32>
    %div3A_37 = arith.constant 1.280000e+02 : f32
    %div3A_38 = vector.broadcast %div3A_37 : f32 to vector<1000x1xf32>
    %div3A_39 = arith.divf %broadcast_in_dim3A_36, %div3A_38 : vector<1000x1xf32>
    %add3A_40 = arith.constant 9.99999974E-6 : f32
    %add3A_41 = vector.broadcast %add3A_40 : f32 to vector<1000x1xf32>
    %add3A_42 = arith.addf %div3A_39, %add3A_41 : vector<1000x1xf32>
    %rsqrt3A = math.rsqrt %add3A_42 : vector<1000x1xf32>
    %mul3A_43 = vector.broadcast %rsqrt3A : vector<1000x1xf32> to vector<1000x128xf32>
    %mul3A_44 = arith.mulf %sub3A_33, %mul3A_43 : vector<1000x128xf32>
    %get3A_45 = arith.constant 0 : index
    %get3A_46 = arith.constant 0 : index
    %get3A_47 = vector.load %arg8[%get3A_45, %get3A_46] : memref<1x128xf32, #tpu.memory_space<vmem>>, vector<1x128xf32>
    %mul3A_48 = vector.broadcast %get3A_47 : vector<1x128xf32> to vector<1000x128xf32>
    %mul3A_49 = arith.mulf %mul3A_44, %mul3A_48 : vector<1000x128xf32>
    %get3A_50 = arith.constant 0 : index
    %get3A_51 = arith.constant 0 : index
    %get3A_52 = vector.load %arg9[%get3A_50, %get3A_51] : memref<1x128xf32, #tpu.memory_space<vmem>>, vector<1x128xf32>
    %add3A_53 = vector.broadcast %get3A_52 : vector<1x128xf32> to vector<1000x128xf32>
    %add3A_54 = arith.addf %mul3A_49, %add3A_53 : vector<1000x128xf32>
    %max3A_55 = arith.constant 0.000000e+00 : f32
    %max3A_56 = vector.broadcast %max3A_55 : f32 to vector<1000x128xf32>
    %max3A_57 = arith.maximumf %add3A_54, %max3A_56 : vector<1000x128xf32>
    %swap3A = arith.constant 0 : index
    %swap3A_58 = arith.constant 0 : index
    %swap3A_59 = vector.load %arg10[%swap3A, %swap3A_58] : memref<1000x128xf32, #tpu.memory_space<vmem>>, vector<1000x128xf32>
    tpu.vector_store %arg10[%swap3A, %swap3A_58], %max3A_57 {strides = array<i32>} : memref<1000x128xf32, #tpu.memory_space<vmem>>, vector<1000x128xf32>,
    return
  }
  func.func @transform_0(%arg0: i32) -> (i32, i32) {
    %c0_i32 = arith.constant 0 : i32
    %c0_i32_0 = arith.constant 0 : i32
    return %arg0, %c0_i32 : i32, i32
  }
  func.func @transform_1(%arg0: i32) -> (i32, i32) {
    %c0_i32 = arith.constant 0 : i32
    %c0_i32_0 = arith.constant 0 : i32
    return %arg0, %c0_i32 : i32, i32
  }
  func.func @transform_2(%arg0: i32) -> (i32, i32) {
    %c0_i32 = arith.constant 0 : i32
    %c0_i32_0 = arith.constant 0 : i32
    return %arg0, %c0_i32 : i32, i32
  }
  func.func @transform_3(%arg0: i32) -> (i32, i32) {
    %c0_i32 = arith.constant 0 : i32
    %c0_i32_0 = arith.constant 0 : i32
    %c0_i32_1 = arith.constant 0 : i32
    return %c0_i32, %c0_i32_0 : i32, i32
  }
  func.func @transform_4(%arg0: i32) -> (i32, i32) {
    %c0_i32 = arith.constant 0 : i32
    %c0_i32_0 = arith.constant 0 : i32
    %c0_i32_1 = arith.constant 0 : i32
    return %c0_i32, %c0_i32_0 : i32, i32
  }
  func.func @transform_5(%arg0: i32) -> (i32, i32) {
    %c0_i32 = arith.constant 0 : i32
    %c0_i32_0 = arith.constant 0 : i32
    %c0_i32_1 = arith.constant 0 : i32
    return %c0_i32, %c0_i32_0 : i32, i32
  }
  func.func @transform_6(%arg0: i32) -> (i32, i32) {
    %c0_i32 = arith.constant 0 : i32
    %c0_i32_0 = arith.constant 0 : i32
    %c0_i32_1 = arith.constant 0 : i32
    return %c0_i32, %c0_i32_0 : i32, i32
  }
  func.func @transform_7(%arg0: i32) -> (i32, i32) {
    %c0_i32 = arith.constant 0 : i32
    %c0_i32_0 = arith.constant 0 : i32
    %c0_i32_1 = arith.constant 0 : i32
    return %c0_i32, %c0_i32_0 : i32, i32
  }
  func.func @transform_8(%arg0: i32) -> (i32, i32) {
    %c0_i32 = arith.constant 0 : i32
    %c0_i32_0 = arith.constant 0 : i32
    %c0_i32_1 = arith.constant 0 : i32
    return %c0_i32, %c0_i32_0 : i32, i32
  }
  func.func @transform_9(%arg0: i32) -> (i32, i32) {
    %c0_i32 = arith.constant 0 : i32
    %c0_i32_0 = arith.constant 0 : i32
    return %arg0, %c0_i32 : i32, i32
  }
}

module attributes {stable_mosaic.version = 14 : i64} {
  func.func @_mlp_body(%arg0: i32, %arg1: memref<1000x128xf32, #tpu.memory_space<vmem>>, %arg2: memref<1000x128xf32, #tpu.memory_space<vmem>>, %arg3: memref<1000x128xf32, #tpu.memory_space<vmem>>, %arg4: memref<128x128xf32, #tpu.memory_space<vmem>>, %arg5: memref<1x128xf32, #tpu.memory_space<vmem>>, %arg6: memref<128x128xf32, #tpu.memory_space<vmem>>, %arg7: memref<1x128xf32, #tpu.memory_space<vmem>>, %arg8: memref<1x128xf32, #tpu.memory_space<vmem>>, %arg9: memref<1x128xf32, #tpu.memory_space<vmem>>, %arg10: memref<1000x128xf32, #tpu.memory_space<vmem>>) attributes {dimension_semantics = [#tpu.dimension_semantics<arbitrary>], iteration_bounds = array<i64: 10>, scalar_prefetch = 0 : i64, scratch_operands = 0 : i64, tpu.core_type = #tpu.core_type<tc>, window_params = [{transform_indices = @transform_0, window_bounds = array<i64: 1000, 128>}, {transform_indices = @transform_1, window_bounds = array<i64: 1000, 128>}, {transform_indices = @transform_2, window_bounds = array<i64: 1000, 128>}, {pipeline_mode = #tpu.pipeline_mode<synchronous>, transform_indices = @transform_3, window_bounds = array<i64: 128, 128>}, {pipeline_mode = #tpu.pipeline_mode<synchronous>, transform_indices = @transform_4, window_bounds = array<i64: 1, 128>}, {pipeline_mode = #tpu.pipeline_mode<synchronous>, transform_indices = @transform_5, window_bounds = array<i64: 128, 128>}, {pipeline_mode = #tpu.pipeline_mode<synchronous>, transform_indices = @transform_6, window_bounds = array<i64: 1, 128>}, {pipeline_mode = #tpu.pipeline_mode<synchronous>, transform_indices = @transform_7, window_bounds = array<i64: 1, 128>}, {pipeline_mode = #tpu.pipeline_mode<synchronous>, transform_indices = @transform_8, window_bounds = array<i64: 1, 128>}, {transform_indices = @transform_9, window_bounds = array<i64: 1000, 128>}]} {
    %get3A = arith.constant 0 : index
    %get3A_0 = arith.constant 0 : index
    %get3A_1 = vector.load %arg1[%get3A, %get3A_0] : memref<1000x128xf32, #tpu.memory_space<vmem>>, vector<1000x128xf32>
    %get3A_2 = arith.constant 0 : index
    %get3A_3 = arith.constant 0 : index
    %get3A_4 = vector.load %arg2[%get3A_2, %get3A_3] : memref<1000x128xf32, #tpu.memory_space<vmem>>, vector<1000x128xf32>
    %add3A = arith.addf %get3A_1, %get3A_4 : vector<1000x128xf32>
    %get3A_5 = arith.constant 0 : index
    %get3A_6 = arith.constant 0 : index
    %get3A_7 = vector.load %arg3[%get3A_5, %get3A_6] : memref<1000x128xf32, #tpu.memory_space<vmem>>, vector<1000x128xf32>
    %add3A_8 = arith.addf %add3A, %get3A_7 : vector<1000x128xf32>
    %get3A_9 = arith.constant 0 : index
    %get3A_10 = arith.constant 0 : index
    %get3A_11 = vector.load %arg4[%get3A_9, %get3A_10] : memref<128x128xf32, #tpu.memory_space<vmem>>, vector<128x128xf32>
    %dot_general3A = arith.constant dense<0.000000e+00> : vector<1000x128xf32>
    %dot_general3A_12 = tpu.matmul %add3A_8, %get3A_11, %dot_general3A {dimension_numbers = #tpu.dot_dimension_numbers<[1], [0], [0], [1], [0, 0, 1, 1], [], []>, transpose_lhs_hint = false} : vector<1000x128xf32>, vector<128x128xf32>, vector<1000x128xf32> -> vector<1000x128xf32>
    %get3A_13 = arith.constant 0 : index
    %get3A_14 = arith.constant 0 : index
    %get3A_15 = vector.load %arg5[%get3A_13, %get3A_14] : memref<1x128xf32, #tpu.memory_space<vmem>>, vector<1x128xf32>
    %add3A_16 = vector.broadcast %get3A_15 : vector<1x128xf32> to vector<1000x128xf32>
    %add3A_17 = arith.addf %dot_general3A_12, %add3A_16 : vector<1000x128xf32>
    %max3A = arith.constant 0.000000e+00 : f32
    %max3A_18 = vector.broadcast %max3A : f32 to vector<1000x128xf32>
    %max3A_19 = arith.maximumf %add3A_17, %max3A_18 : vector<1000x128xf32>
    %get3A_20 = arith.constant 0 : index
    %get3A_21 = arith.constant 0 : index
    %get3A_22 = vector.load %arg6[%get3A_20, %get3A_21] : memref<128x128xf32, #tpu.memory_space<vmem>>, vector<128x128xf32>
    %dot_general3A_23 = arith.constant dense<0.000000e+00> : vector<1000x128xf32>
    %dot_general3A_24 = tpu.matmul %max3A_19, %get3A_22, %dot_general3A_23 {dimension_numbers = #tpu.dot_dimension_numbers<[1], [0], [0], [1], [0, 0, 1, 1], [], []>, transpose_lhs_hint = false} : vector<1000x128xf32>, vector<128x128xf32>, vector<1000x128xf32> -> vector<1000x128xf32>
    %get3A_25 = arith.constant 0 : index
    %get3A_26 = arith.constant 0 : index
    %get3A_27 = vector.load %arg7[%get3A_25, %get3A_26] : memref<1x128xf32, #tpu.memory_space<vmem>>, vector<1x128xf32>
    %add3A_28 = vector.broadcast %get3A_27 : vector<1x128xf32> to vector<1000x128xf32>
    %add3A_29 = arith.addf %dot_general3A_24, %add3A_28 : vector<1000x128xf32>
    %reduce_sum3A = arith.constant dense<0.000000e+00> : vector<1000xf32>
    %reduce_sum3A_30 = vector.multi_reduction <add>, %add3A_29, %reduce_sum3A [1] : vector<1000x128xf32> to vector<1000xf32>
    %broadcast_in_dim3A = vector.shape_cast %reduce_sum3A_30 : vector<1000xf32> to vector<1000x1xf32>
    %div3A = arith.constant 1.280000e+02 : f32
    %div3A_31 = vector.broadcast %div3A : f32 to vector<1000x1xf32>
    %div3A_32 = arith.divf %broadcast_in_dim3A, %div3A_31 : vector<1000x1xf32>
    %sub3A = vector.broadcast %div3A_32 : vector<1000x1xf32> to vector<1000x128xf32>
    %sub3A_33 = arith.subf %add3A_29, %sub3A : vector<1000x128xf32>
    %mul3A = arith.mulf %sub3A_33, %sub3A_33 : vector<1000x128xf32>
    %reduce_sum3A_34 = arith.constant dense<0.000000e+00> : vector<1000xf32>
    %reduce_sum3A_35 = vector.multi_reduction <add>, %mul3A, %reduce_sum3A_34 [1] : vector<1000x128xf32> to vector<1000xf32>
    %broadcast_in_dim3A_36 = vector.shape_cast %reduce_sum3A_35 : vector<1000xf32> to vector<1000x1xf32>
    %div3A_37 = arith.constant 1.280000e+02 : f32
    %div3A_38 = vector.broadcast %div3A_37 : f32 to vector<1000x1xf32>
    %div3A_39 = arith.divf %broadcast_in_dim3A_36, %div3A_38 : vector<1000x1xf32>
    %add3A_40 = arith.constant 9.99999974E-6 : f32
    %add3A_41 = vector.broadcast %add3A_40 : f32 to vector<1000x1xf32>
    %add3A_42 = arith.addf %div3A_39, %add3A_41 : vector<1000x1xf32>
    %rsqrt3A = math.rsqrt %add3A_42 : vector<1000x1xf32>
    %mul3A_43 = vector.broadcast %rsqrt3A : vector<1000x1xf32> to vector<1000x128xf32>
    %mul3A_44 = arith.mulf %sub3A_33, %mul3A_43 : vector<1000x128xf32>
    %get3A_45 = arith.constant 0 : index
    %get3A_46 = arith.constant 0 : index
    %get3A_47 = vector.load %arg8[%get3A_45, %get3A_46] : memref<1x128xf32, #tpu.memory_space<vmem>>, vector<1x128xf32>
    %mul3A_48 = vector.broadcast %get3A_47 : vector<1x128xf32> to vector<1000x128xf32>
    %mul3A_49 = arith.mulf %mul3A_44, %mul3A_48 : vector<1000x128xf32>
    %get3A_50 = arith.constant 0 : index
    %get3A_51 = arith.constant 0 : index
    %get3A_52 = vector.load %arg9[%get3A_50, %get3A_51] : memref<1x128xf32, #tpu.memory_space<vmem>>, vector<1x128xf32>
    %add3A_53 = vector.broadcast %get3A_52 : vector<1x128xf32> to vector<1000x128xf32>
    %add3A_54 = arith.addf %mul3A_49, %add3A_53 : vector<1000x128xf32>
    %max3A_55 = arith.constant 0.000000e+00 : f32
    %max3A_56 = vector.broadcast %max3A_55 : f32 to vector<1000x128xf32>
    %max3A_57 = arith.maximumf %add3A_54, %max3A_56 : vector<1000x128xf32>
    %swap3A = arith.constant 0 : index
    %swap3A_58 = arith.constant 0 : index
    %swap3A_59 = vector.load %arg10[%swap3A, %swap3A_58] : memref<1000x128xf32, #tpu.memory_space<vmem>>, vector<1000x128xf32>
    tpu.vector_store %arg10[%swap3A, %swap3A_58], %max3A_57 {strides = array<i32>} : memref<1000x128xf32, #tpu.memory_space<vmem>>, vector<1000x128xf32>,
    return
  }
  func.func @transform_0(%arg0: i32) -> (i32, i32) {
    %c0_i32 = arith.constant 0 : i32
    %c0_i32_0 = arith.constant 0 : i32
    return %arg0, %c0_i32 : i32, i32
  }
  func.func @transform_1(%arg0: i32) -> (i32, i32) {
    %c0_i32 = arith.constant 0 : i32
    %c0_i32_0 = arith.constant 0 : i32
    return %arg0, %c0_i32 : i32, i32
  }
  func.func @transform_2(%arg0: i32) -> (i32, i32) {
    %c0_i32 = arith.constant 0 : i32
    %c0_i32_0 = arith.constant 0 : i32
    return %arg0, %c0_i32 : i32, i32
  }
  func.func @transform_3(%arg0: i32) -> (i32, i32) {
    %c0_i32 = arith.constant 0 : i32
    %c0_i32_0 = arith.constant 0 : i32
    %c0_i32_1 = arith.constant 0 : i32
    return %c0_i32, %c0_i32_0 : i32, i32
  }
  func.func @transform_4(%arg0: i32) -> (i32, i32) {
    %c0_i32 = arith.constant 0 : i32
    %c0_i32_0 = arith.constant 0 : i32
    %c0_i32_1 = arith.constant 0 : i32
    return %c0_i32, %c0_i32_0 : i32, i32
  }
  func.func @transform_5(%arg0: i32) -> (i32, i32) {
    %c0_i32 = arith.constant 0 : i32
    %c0_i32_0 = arith.constant 0 : i32
    %c0_i32_1 = arith.constant 0 : i32
    return %c0_i32, %c0_i32_0 : i32, i32
  }
  func.func @transform_6(%arg0: i32) -> (i32, i32) {
    %c0_i32 = arith.constant 0 : i32
    %c0_i32_0 = arith.constant 0 : i32
    %c0_i32_1 = arith.constant 0 : i32
    return %c0_i32, %c0_i32_0 : i32, i32
  }
  func.func @transform_7(%arg0: i32) -> (i32, i32) {
    %c0_i32 = arith.constant 0 : i32
    %c0_i32_0 = arith.constant 0 : i32
    %c0_i32_1 = arith.constant 0 : i32
    return %c0_i32, %c0_i32_0 : i32, i32
  }
  func.func @transform_8(%arg0: i32) -> (i32, i32) {
    %c0_i32 = arith.constant 0 : i32
    %c0_i32_0 = arith.constant 0 : i32
    %c0_i32_1 = arith.constant 0 : i32
    return %c0_i32, %c0_i32_0 : i32, i32
  }
  func.func @transform_9(%arg0: i32) -> (i32, i32) {
    %c0_i32 = arith.constant 0 : i32
    %c0_i32_0 = arith.constant 0 : i32
    return %arg0, %c0_i32 : i32, i32
  }
}

</mosaic_0001>

<sc_bundles>
// kernel: kernel.6.cloned.1.call-start
scs
__scs_entry_jumppad:
0x0: {  	(pc) =	sbr.rel $0x88, $3  }
0x1: {  	(tag) =	ssettag $0x0;
	lr =	simm.s32 $0x1  }
0x2: {  	[smem:$0x3F93] =	sst lr;
	_ =	strace $0xD0000000  }
0x3: {  	_ = 	snop  }
0x4: {  	_ = 	snop  }
0x5: {  	_ = 	snop  }
0x6: {  	_ = 	snop  }
0x7: {  	_ = 	snop  }
__scs_overlays_trampoline_lowered:
0x8: {  	[smem:$0x3FA2] =	sst s0  }
0x9: {  	[smem:$0x3FA3] =	sst s1  }
0xa: {  	[smem:$0x3FA4] =	sst s2  }
0xb: {  	[smem:$0x3FA5] =	sst s3  }
0xc: {  	[smem:$0x3FA6] =	sst s4  }
0xd: {  	[smem:$0x3FA7] =	sst s5  }
0xe: {  	[smem:$0x3FA8] =	sst s6  }
0xf: {  	[smem:$0x3FA9] =	sst s7  }
0x10: {  	[smem:$0x3FAA] =	sst s8  }
0x11: {  	[smem:$0x3FAB] =	sst s9;
	s0 =	simm.s32 @!p0 $0x0  }
0x12: {  	s1 =	sld [smem:$0x3F91];
	s0 =	simm.s32 @p0 $0x1  }
0x13: {  	[smem:$0x3FAC] =	sst s0;
	s0 =	simm.s32 @!p1 $0x0  }
0x14: {  	s2 =	sld [smem:$0x3F90];
	s0 =	simm.s32 @p1 $0x1  }
0x15: {  	[smem:$0x3FAD] =	sst s0;
	s0 =	simm.s32 @!p2 $0x0  }
0x16: {  	s3 =	sld [smem:$0x3FDB];
	s0 =	simm.s32 @p2 $0x1  }
0x17: {  	s4 =	simm.s32 $0x1BF5;
	[smem:$0x3FAF] =	sst s0  }
0x18: {  	s0 =	sld [smem:$0x3F92];
	_ =	swait.ge [sflag:s4], $0x0  }
0x19: {  	s7 =	sld [smem:$0x3F93]  }
0x1a: {  	s8 =	sadd.s32 $0xFFFFE003, lr  }
0x1b: {  	s9 =	sadd.s32 $0xFFFFFEF7, lr;
	s5 =	simm.s32 $0xFFFFFFFF;
	p2 =	slt.u32 s8, $0xFFFFF086  }
0x1c: {  	p1 =	slt.u32 s9, $0xF7A;
	s5 =	simm.s32 @!p2 $0x0  }
0x1d: {  	s5 =	simm.s32 @p1 $0x1;
	p0 =	seq.s32 s7, s2  }
0x1e: {  	s7 =	smul.u32 @!p0 $0xF7A, s2;
	p2 =	seq.s32 @!p0 s5, $0x0  }
0x1f: {  	s9 =	smul.u32 $0xF7A, s1;
	s8 =	simm.s32 @!p0 $0x1BF5;
	p2 =	por !p2, p0  }
0x20: {  	[sflag:s8] =	ssyncset.s32 @!p0 $0xFFFFF086;
	s6 =	sadd.s32 @!p0 s3, s7;
	s7 =	simm.s32 @!p0 $0x108  }
0x21: {  	s3 =	sadd.s32 s3, s9;
	s6 =	sadd.s32 @!p0 $0x88, s6;
	s7 =	simm.s32 @p2 $0x1082  }
0x22: {  	[simem:s7], [sflag:s8] =	dma.local @!p0 [hbm:s6], $0xF7A  }
0x23: {  	s9 =	sor.u32 $0xD0000000, s2;
	s6 =	simm.s32 $0x108;
	_ =	swait.ge @!p0 [sflag:s8], $0x0  }
0x24: {  	s3 =	sadd.s32 $0x88, s3;
	s6 =	simm.s32 @!p1 $0x1082;
	[sflag:s4] =	ssyncset.s32 $0xFFFFF086  }
0x25: {  	[simem:s6], [sflag:s4] =	dma.local [hbm:s3], $0xF7A  }
0x26: {  	[smem:$0x3F93] =	sst s1;
	(tag) =	ssettag s2;
	_ =	strace s9  }
0x27: {  	s1 =	sld [smem:$0x3FA3]  }
0x28: {  	s2 =	sld [smem:$0x3FA4]  }
0x29: {  	s4 =	sld [smem:$0x3FA6]  }
0x2a: {  	p0 =	seq.s32 s5, $0x0;
	s5 =	sld [smem:$0x3FA7]  }
0x2b: {  	s6 =	sld [smem:$0x3FA8]  }
0x2c: {  	s7 =	sld [smem:$0x3FA9]  }
0x2d: {  	s3 =	simm.s32 $0x108;
	s8 =	sld [smem:$0x3FAA]  }
0x2e: {  	s3 =	simm.s32 @!p0 $0x1082;
	s9 =	sld [smem:$0x3FAB]  }
0x2f: {  	lr =	sadd.s32 s0, s3;
	s0 =	sld [smem:$0x3FA2]  }
0x30: {  	s3 =	sld [smem:$0x3FA5]  }
0x31: {  	[smem:$0x3FAE] =	sst s10  }
0x32: {  	s10 =	sld [smem:$0x3FAC];
	_ =	sdelay $0x3  }
0x33: {  	p0 =	seq.s32 s10, $0x1;
	s10 =	sld [smem:$0x3FAE];
	_ =	sdelay $0x3  }
0x34: {  	[smem:$0x3FAE] =	sst s10  }
0x35: {  	s10 =	sld [smem:$0x3FAD];
	_ =	sdelay $0x3  }
0x36: {  	p1 =	seq.s32 s10, $0x1;
	s10 =	sld [smem:$0x3FAE];
	_ =	sdelay $0x3  }
0x37: {  	[smem:$0x3FAE] =	sst s10  }
0x38: {  	s10 =	sld [smem:$0x3FAF]  }
0x39: {  	_ = 	snop;
	(pc) =	sbr.ind lr, $3  }
0x3a: {  	_ = 	snop  }
0x3b: {  	_ = 	snop  }
0x3c: {  	p2 =	seq.s32 s10, $0x1;
	s10 =	sld [smem:$0x3FAE]  }
0x3d: {  	_ =	shalt  }
0x3e: {  	_ =	shalt  }
0x3f: {  	_ =	shalt  }
0x40: {  	_ =	shalt  }
0x41: {  	_ =	shalt  }
0x42: {  	_ =	shalt  }
0x43: {  	_ =	shalt  }
0x44: {  	_ =	shalt  }
0x45: {  	_ =	shalt  }
0x46: {  	_ =	shalt  }
0x47: {  	_ =	shalt  }
0x48: {  	_ =	shalt  }
0x49: {  	_ =	shalt  }
0x4a: {  	_ =	shalt  }
0x4b: {  	_ =	shalt  }
0x4c: {  	_ =	shalt  }
0x4d: {  	_ =	shalt  }
0x4e: {  	_ =	shalt  }
0x4f: {  	_ =	shalt  }
0x50: {  	_ =	shalt  }
0x51: {  	_ =	shalt  }
0x52: {  	_ =	shalt  }
0x53: {  	_ =	shalt  }
0x54: {  	_ =	shalt  }
0x55: {  	_ =	shalt  }
0x56: {  	_ =	shalt  }
0x57: {  	_ =	shalt  }
0x58: {  	_ =	shalt  }
0x59: {  	_ =	shalt  }
0x5a: {  	_ =	shalt  }
0x5b: {  	_ =	shalt  }
0x5c: {  	_ =	shalt  }
0x5d: {  	_ =	shalt  }
0x5e: {  	_ =	shalt  }
0x5f: {  	_ =	shalt  }
0x60: {  	_ =	shalt  }
0x61: {  	_ =	shalt  }
0x62: {  	_ =	shalt  }
0x63: {  	_ =	shalt  }
0x64: {  	_ =	shalt  }
0x65: {  	_ =	shalt  }
0x66: {  	_ =	shalt  }
0x67: {  	_ =	shalt  }
0x68: {  	_ =	shalt  }
0x69: {  	_ =	shalt  }
0x6a: {  	_ =	shalt  }
0x6b: {  	_ =	shalt  }
0x6c: {  	_ =	shalt  }
0x6d: {  	_ =	shalt  }
0x6e: {  	_ =	shalt  }
0x6f: {  	_ =	shalt  }
0x70: {  	_ =	shalt  }
0x71: {  	_ =	shalt  }
0x72: {  	_ =	shalt  }
0x73: {  	_ =	shalt  }
0x74: {  	_ =	shalt  }
0x75: {  	_ =	shalt  }
0x76: {  	_ =	shalt  }
0x77: {  	_ =	shalt  }
0x78: {  	_ =	shalt  }
0x79: {  	_ =	shalt  }
0x7a: {  	_ =	shalt  }
0x7b: {  	_ =	shalt  }
0x7c: {  	_ =	shalt  }
0x7d: {  	_ =	shalt  }
0x7e: {  	_ =	shalt  }
0x7f: {  	_ =	shalt  }
0x80: {  	_ =	shalt  }
0x81: {  	_ =	shalt  }
0x82: {  	_ =	shalt  }
0x83: {  	_ =	shalt  }
0x84: {  	_ =	shalt  }
0x85: {  	_ =	shalt  }
0x86: {  	_ =	shalt  }
0x87: {  	_ =	shalt  }
.Lfunc_end0:
.L_simem_size_0:
called_computation_lowered:
.L_overlay_start_0:
0x88: {  	s2 =	sld [smem:$0x3FD9]  }
0x89: {  	s3 =	sld [smem:$0x3FFE];
	_ =	sdelay $0x1  }
0x8a: {  	s1 =	srdreg.scid  }
0x8b: {  	s0 =	sand.u32 $0x1, s1  }
0x8c: {  	s17 =	sshll.u32 s0, $0xA;
	s2 =	sadd.s32 s3, s2  }
0x8d: {  	s2 =	sadd.s32 s2, s17  }
0x8e: {  	[smem:$0x3FBA] =	sst s2  }
0x8f: {  	_ = 	snop  }
0x90: {  	s2 =	sld [smem:$0x3FC9];
	(tm) =	ssettm $0x1  }
0x91: {  	s18 =	sld [smem:$0x3FFB];
	_ =	sdelay $0x3  }
0x92: {  	_ =	strace s18  }
0x93: {  	s3 =	sld [smem:$0x3FFC];
	_ =	sdelay $0x3  }
0x94: {  	_ =	strace s3  }
0x95: {  	s3 =	sld [smem:$0x3FFD];
	_ =	sdelay $0x3  }
0x96: {  	_ =	strace s3  }
0x97: {  	_ =	strace $0x8FFFFFFF  }
0x98: {  	s19 =	sld [smem:$0x3FDB];
	_ =	sdelay $0x1  }
0x99: {  	s4 =	simm.s32 $_scs_section_size  }
0x9a: {  	s5 =	simm.s32 $_size__tile_overlayer_lowered;
	s6 =	simm.s32 $_tile_overlayer_lowered  }
0x9b: {  	s22 =	simm.s32 $0x1BFF;
	s21 =	sshll.u32 s6, $0x1;
	s3 =	sadd.s32 s4, s19  }
0x9c: {  	s7 =	simm.s32 $0x0;
	s20 =	sshll.u32 s5, $0x1;
	s5 =	sadd.s32 s21, s3  }
0x9d: {  	[timem:s7], [sflag:s22] =	dma.local [hbm:s5], s20  }
0x9e: {  	_ =	swait.ge [sflag:s22], s20  }
0x9f: {  	s4 =	ssub.s32 $0x0, s20;
	[sflag:s22] =	ssyncset.done $0x0  }
0xa0: {  	[sflag:s22] =	ssyncadd.s32 s4;
	_ =	sdelay $0x1  }
0xa1: {  	s23 =	simm.s32 $0x1B8B  }
0xa2: {  	_ =	swait.ge [sflag:s23], $0x1  }
0xa3: {  	[sflag:s23] =	ssyncset.done $0x0  }
0xa4: {  	s25 =	simm.s32 $0x1B8E;
	s24 =	sld [smem:$0x3FFE];
	[sflag:s23] =	ssyncadd.s32 $0xFFFFFFFF  }
0xa5: {  	s26 =	simm.s32 $execute0_lowered;
	[smem:$0x3FD2] =	sst s25  }
0xa6: {  	s5 =	sshll.u32 s26, $0x1;
	_ =	strace $0x80000046;
	[dreg:$0x1] =	wrdreg $0xFFFFFFFF  }
0xa7: {  	s28 =	simm.s32 $_size_execute0_lowered;
	s3 =	sadd.s32 s3, s5;
	[dreg:$0x0] =	wrdreg $0x0  }
0xa8: {  	s5 =	sshll.u32 s28, $0x1;
	[dreg:$0x2] =	wrdreg s3  }
0xa9: {  	[dreg:$0x3] =	wrdreg s5  }
0xaa: {  	[dreg:$0x4] =	wrdreg $0xC0  }
0xab: {  	_ =	task [dreg:s7], $0x5FFFF  }
0xac: {  	[dreg:$0x1] =	wrdreg $0xFFFFFFFF  }
0xad: {  	[dreg:$0x0] =	wrdreg $0x60  }
0xae: {  	[dreg:$0x2] =	wrdreg s2  }
0xaf: {  	[dreg:$0x3] =	wrdreg s24  }
0xb0: {  	[dreg:$0x4] =	wrdreg $0xC0000  }
0xb1: {  	[dreg:$0x5] =	wrdreg $0x9  }
0xb2: {  	_ =	task.clear_ibuf [dreg:s7], $0x6FFFF;
	_ =	strace $0x90000046  }
0xb3: {  	s29 =	simm.s32 $0x9;
	_ =	strace $0x8000004E  }
0xb4: {  	_ =	swait.ge [sflag:s29], $0x1  }
0xb5: {  	[sflag:s29] =	ssyncadd.s32 $0xFFFFFFFF  }
0xb6: {  	_ =	strace $0x9000004E  }
0xb7: {  	_ =	sfence  }
0xb8: {  	s30 =	sld [smem:$0x0];
	_ =	sdelay $0x2  }
0xb9: {  	s31 =	sshll.u32 s1, $0xD;
	s1 =	sshrl.u32 s1, $0x2  }
0xba: {  	s3 =	sand.u32 $0x4000, s31;
	s1 =	sadd.s32 s1, s30  }
0xbb: {  	s0 =	sor.u32 s3, s0;
	s1 =	sshll.u32 s1, $0x11  }
0xbc: {  	s0 =	sor.u32 s1, s0  }
0xbd: {  	s0 =	sadd.s32 $0x8F2B, s0  }
0xbe: {  	[sflag:s0] =	ssyncadd.remote.s32 $0x1  }
0xbf: {  	_ =	sfence.sel $0xFFFF  }
0xc0: {  	[dreg:$0x0] =	wrdreg $0xFFFFFFFF;
	(pc) =	sbr.abs _section_cstart, $3  }
0xc1: {  	[dreg:$0x1] =	wrdreg $0xFFFFFFFF  }
0xc2: {  	_ =	task.clear_ibuf [dreg:s7], $0x2FFFF;
	_ =	strace $0x9FFFFFFF  }
0xc3: {  	(tm) =	ssettm $0x7FFFFFFF  }
tec
execute0_lowered:
.L_overlay_start_1:
0x0: {  	(tag) =	ssettag $0x1  }
0x1: {  	s1 =	rddreg [dreg:$0x0]  }
0x2: {  	s0 =	rddreg [dreg:$0x1]  }
0x3: {  	s2 =	rddreg [dreg:$0x2];
	s4 =	simm.s32 $0x0;
	s3 =	srdreg.scid  }
0x4: {  	s14 =	stileid.u32;
	s29 =	simm.s32 $0x4800;
	s31 =	simm.s32 $0x7000  }
0x5: {  	[smem:$0x7FF] =	sst s4;
	s3 =	sand.u32 $0x1, s3;
	s7 =	smul.u32 $0x4F000, s14  }
0x6: {  	s8 =	sadd.s32 $0x3C00, s0;
	s11 =	sadd.s32 $0x13600, s0;
	_ =	strace $0x80000047  }
0x7: {  	s5 =	ssub.s32 $0x2, s3;
	s6 =	sshll.u32 s3, $0x4;
	p0 =	seq.s32 s3, $0x1  }
0x8: {  	s3 =	simm.s32 $0x4A800;
	s9 =	sshrl.u32 s5, $0x1;
	s6 =	sor.u32 s14, s6  }
0x9: {  	s28 =	sshrl.u32 s7, $0x2;
	s3 =	simm.s32 @!p0 $0x23000;
	s30 =	sshll.u32 s6, $0xB  }
0xa: {  	s9 =	ssub.s32 s5, s9;
	s5 =	sadd.s32 s28, s2;
	s7 =	sadd.s32 s30, s11  }
0xb: {  	s14 =	smul.u32 $0x2780, s14;
	s12 =	sadd.s32 $0x2800, s5;
	[dreg:$0x5] =	wrdreg s7  }
0xc: {  	s10 =	sshll.u32 s6, $0x2;
	s13 =	sadd.s32 $0x5000, s5;
	[dreg:$0x6] =	wrdreg s12  }
0xd: {  	s0 =	sadd.s32 s3, s0;
	s16 =	sadd.s32 $0x7800, s5;
	[dreg:$0x7] =	wrdreg s13  }
0xe: {  	p0 =	seq.s32 s6, $0x1F;
	s17 =	sadd.s32 $0xA000, s5;
	[dreg:$0x8] =	wrdreg s16  }
0xf: {  	s3 =	simm.s32 $0x6;
	s18 =	sadd.s32 $0xC800, s5;
	[dreg:$0x9] =	wrdreg s17  }
0x10: {  	s15 =	sadd.s32 s8, s30;
	s19 =	sadd.s32 $0xF000, s5;
	[dreg:$0xa] =	wrdreg s18  }
0x11: {  	s20 =	sadd.s32 $0x11800, s5;
	s21 =	sor.u32 $0x2, s10;
	[dreg:$0xb] =	wrdreg s19  }
0x12: {  	s0 =	sadd.s32 s0, s14;
	s30 =	smax.u32 s9, $0x1;
	[dreg:$0xc] =	wrdreg s20  }
0x13: {  	s9 =	simm.s32 $0x280;
	s14 =	simm.s32 $0x8;
	[dreg:$0x12] =	wrdreg s0  }
0x14: {  	s10 =	sshll.u32 s21, $0x9;
	s12 =	sshllo.u32 s6, $0x2;
	[dreg:$0x4] =	wrdreg s15  }
0x15: {  	s26 =	sadd.s32 $0x200, s15;
	s28 =	sadd.s32 $0xFC00, s15;
	[dreg:$0x14] =	wrdreg s30  }
0x16: {  	p1 =	sgt.u32 s21, $0x7C;
	s0 =	simm.s32 $0x9800;
	s15 =	simm.s32 $0x1  }
0x17: {  	s17 =	simm.s32 $0x5;
	s18 =	simm.s32 $0x2;
	s21 =	simm.s32 $0x200  }
0x18: {  	s7 =	simm.s32 $0x3;
	s20 =	simm.s32 $0x0;
	s13 =	sshll.u32 s12, $0x9  }
0x19: {  	s22 =	sadd.s32 s8, s10;
	s23 =	sadd.s32 s10, s11;
	[dreg:$0x11] =	wrdreg s26  }
0x1a: {  	[dreg:$0x13] =	wrdreg s28;
	p2 =	sgt.u32 s12, $0x7C;
	s26 =	simm.s32 $0x2000  }
.Ltmp0:
0x1b: {  	s10 =	simm.s32 $0x7;
	[dreg:$0xd] =	wrdreg s22;
	(pc) =	sbr.rel .LBB2_1-.Ltmp0, $4  }
0x1c: {  	s12 =	simm.s32 $0x1180;
	[dreg:$0xe] =	wrdreg s23;
	s24 =	sadd.s32 s8, s13  }
0x1d: {  	s25 =	sadd.s32 s13, s11;
	s23 =	simm.s32 $0x9;
	s8 =	simm.s32 $0x1100  }
0x1e: {  	s11 =	simm.s32 $0x4;
	s13 =	simm.s32 $0x300;
	[dreg:$0xf] =	wrdreg s24  }
0x1f: {  	v0 =	vimm.f32 $0.0e+00;
	[dreg:$0x10] =	wrdreg s25;
	s24 =	simm.s32 $0x1000;
	s25 =	simm.s32 $0x50  }
.LBB2_20:
0x20: {  	_ =	swait.ge [sflag:s14], $0x2800  }
0x21: {  	[sflag:s14] =	ssyncset.done $0x0  }
0x22: {  	[sflag:s14] =	ssyncadd.s32 $0xFFFFD800  }
.LBB2_21:
0x23: {  	_ =	strace $0x9000004C  }
0x24: {  	s6 =	stileid.u32;
	[bflag:$0x0] =	sbarrier.arrive $0xFFFF  }
0x25: {  	s6 =	sshll.u32 s6, $0x6;
	_ =	strace $0x8000004D  }
0x26: {  	s16 =	sshrl.u32 s5, $0x3;
	s6 =	sor.u32 $0x1C09, s6;
	s19 =	rddreg [dreg:$0x12]  }
0x27: {  	[hbm:s19], [sflag:s6] =	dma.local [spmem:s16], $0x2780  }
0x28: {  	_ =	swait.ge [sflag:s23], $0x2780  }
0x29: {  	s20 =	sadd.s32 $0x1, s20;
	s30 =	rddreg [dreg:$0x14]  }
0x2a: {  	p3 =	sne.s32 s20, s30  }
.Ltmp1:
0x2b: {  	_ = 	snop;
	(pc) =	sbr.rel @!p3 .LBB2_22-.Ltmp1, $4  }
0x2c: {  	_ = 	snop  }
0x2d: {  	[sflag:s23] =	ssyncset.done $0x0  }
0x2e: {  	[sflag:s23] =	ssyncadd.s32 $0xFFFFD880  }
0x2f: {  	_ =	strace $0x9000004D  }
.LBB2_1:
0x30: {  	s6 =	rddreg [dreg:$0x4]  }
0x31: {  	[tilespmem:s4], [sflag:$0x9] =	stream.linear.gather [hbm4b:s6+s4], $0x1000, $0x38;
	[tilespmem:$0x1FC00] =	vst v63  }
0x32: {  	_ =	swait.ge [sflag:s23], $0x1000  }
0x33: {  	[sflag:s23] =	ssyncset.done $0x0  }
0x34: {  	s22 =	rddreg [dreg:$0x5];
	[sflag:s23] =	ssyncadd.s32 $0xFFFFF000  }
0x35: {  	[tilespmem:s24], [sflag:$0x9] =	stream.linear.gather [hbm4b:s22+s4], $0x1000, $0x38;
	[tilespmem:$0x1FC00] =	vst v63  }
0x36: {  	_ =	swait.ge [sflag:s23], $0x1000  }
0x37: {  	[sflag:s23] =	ssyncset.done $0x0  }
0x38: {  	[sflag:s23] =	ssyncadd.s32 $0xFFFFF000  }
0x39: {  	[tilespmem:s26], [sflag:$0x1] =	stream.indirect.gather [hbm4b:s1+s25], $0x80, s4, s25, $0xb8;
	[tilespmem:$0x1FC00] =	vst v63  }
0x3a: {  	s28 =	simm.s32 $0x80  }
0x3b: {  	[tilespmem:s29], [sflag:$0x2] =	stream.indirect.gather [hbm4b:s1+s25], $0x80, s28, s25, $0xb8;
	[tilespmem:$0x1FC00] =	vst v63  }
0x3c: {  	s30 =	simm.s32 $0x100  }
0x3d: {  	[tilespmem:s31], [sflag:$0x3] =	stream.indirect.gather [hbm4b:s1+s25], $0x80, s30, s25, $0xb8;
	[tilespmem:$0x1FC00] =	vst v63  }
0x3e: {  	s6 =	simm.s32 $0x0;
	s22 =	simm.s32 $0x200;
	_ =	strace $0x80000048  }
.LBB2_2:
0x3f: {  	p3 =	sne.s32 s22, $0x9E00;
	[tilespmem:s6+$0x9870] =	vst v0  }
0x40: {  	[tilespmem:s6+$0x9800] =	vst v0  }
0x41: {  	[tilespmem:s6+$0x9810] =	vst v0  }
.Ltmp2:
0x42: {  	[tilespmem:s6+$0x9820] =	vst v0;
	(pc) =	sbr.rel @p3 .LBB2_2-.Ltmp2, $4  }
0x43: {  	[tilespmem:s6+$0x9830] =	vst v0  }
0x44: {  	[tilespmem:s6+$0x9840] =	vst v0  }
0x45: {  	[tilespmem:s6+$0x9850] =	vst v0  }
0x46: {  	[tilespmem:s6+$0x9860] =	vst v0;
	s6 =	sshra.s32 s22, $0x2;
	s22 =	sadd.s32 $0x200, s22  }
0x47: {  	[tilespmem:s6+$0x9870] =	vst v0  }
0x48: {  	[tilespmem:s6+$0x9800] =	vst v0  }
0x49: {  	[tilespmem:s6+$0x9810] =	vst v0  }
0x4a: {  	[tilespmem:s6+$0x9820] =	vst v0  }
0x4b: {  	[tilespmem:s6+$0x9830] =	vst v0  }
0x4c: {  	[tilespmem:s6+$0x9840] =	vst v0  }
0x4d: {  	[tilespmem:s6+$0x9850] =	vst v0  }
0x4e: {  	[tilespmem:s6+$0x9860] =	vst v0  }
0x4f: {  	[spmem:s5] =	stream.linear.scatter [tilespmem:s0], [sflag:$0x9], $0x2800, $0x200038;
	[tilespmem:$0x1FC00] =	vst v63  }
0x50: {  	_ =	swait.ge [sflag:s23], $0x2800  }
0x51: {  	[sflag:s23] =	ssyncset.done $0x0  }
0x52: {  	s19 =	rddreg [dreg:$0x6];
	[sflag:s23] =	ssyncadd.s32 $0xFFFFD800  }
0x53: {  	[spmem:s19] =	stream.linear.scatter [tilespmem:s0], [sflag:$0x9], $0x2800, $0x200038;
	[tilespmem:$0x1FC00] =	vst v63  }
0x54: {  	_ =	swait.ge [sflag:s23], $0x2800  }
0x55: {  	[sflag:s23] =	ssyncset.done $0x0  }
0x56: {  	s22 =	rddreg [dreg:$0x7];
	[sflag:s23] =	ssyncadd.s32 $0xFFFFD800  }
0x57: {  	[spmem:s22] =	stream.linear.scatter [tilespmem:s0], [sflag:$0x9], $0x2800, $0x200038;
	[tilespmem:$0x1FC00] =	vst v63  }
0x58: {  	_ =	swait.ge [sflag:s23], $0x2800  }
0x59: {  	[sflag:s23] =	ssyncset.done $0x0  }
0x5a: {  	s28 =	rddreg [dreg:$0x8];
	[sflag:s23] =	ssyncadd.s32 $0xFFFFD800  }
0x5b: {  	[spmem:s28] =	stream.linear.scatter [tilespmem:s0], [sflag:$0x9], $0x2800, $0x200038;
	[tilespmem:$0x1FC00] =	vst v63  }
0x5c: {  	_ =	swait.ge [sflag:s23], $0x2800  }
0x5d: {  	[sflag:s23] =	ssyncset.done $0x0  }
0x5e: {  	s30 =	rddreg [dreg:$0x9];
	[sflag:s23] =	ssyncadd.s32 $0xFFFFD800  }
0x5f: {  	[spmem:s30] =	stream.linear.scatter [tilespmem:s0], [sflag:$0x9], $0x2800, $0x200038;
	[tilespmem:$0x1FC00] =	vst v63  }
0x60: {  	_ =	swait.ge [sflag:s23], $0x2800  }
0x61: {  	[sflag:s23] =	ssyncset.done $0x0  }
0x62: {  	s16 =	rddreg [dreg:$0xa];
	[sflag:s23] =	ssyncadd.s32 $0xFFFFD800  }
0x63: {  	[spmem:s16] =	stream.linear.scatter [tilespmem:s0], [sflag:$0x9], $0x2800, $0x200038;
	[tilespmem:$0x1FC00] =	vst v63  }
0x64: {  	_ =	swait.ge [sflag:s23], $0x2800  }
0x65: {  	[sflag:s23] =	ssyncset.done $0x0  }
0x66: {  	s19 =	rddreg [dreg:$0xb];
	[sflag:s23] =	ssyncadd.s32 $0xFFFFD800  }
0x67: {  	[spmem:s19] =	stream.linear.scatter [tilespmem:s0], [sflag:$0x9], $0x2800, $0x200038;
	[tilespmem:$0x1FC00] =	vst v63  }
0x68: {  	_ =	swait.ge [sflag:s23], $0x2800  }
0x69: {  	[sflag:s23] =	ssyncset.done $0x0  }
0x6a: {  	s22 =	rddreg [dreg:$0xc];
	[sflag:s23] =	ssyncadd.s32 $0xFFFFD800  }
0x6b: {  	[spmem:s22] =	stream.linear.scatter [tilespmem:s0], [sflag:$0x9], $0x2400, $0x200038;
	[tilespmem:$0x1FC00] =	vst v63  }
0x6c: {  	_ =	swait.ge [sflag:s23], $0x2400  }
0x6d: {  	[sflag:s23] =	ssyncset.done $0x0  }
0x6e: {  	[sflag:s23] =	ssyncadd.s32 $0xFFFFDC00  }
0x6f: {  	[bflag:$0x0] =	sbarrier.arrive $0xFFFF  }
0x70: {  	_ =	strace $0x90000048  }
0x71: {  	_ =	strace $0x80000049  }
0x72: {  	_ =	swait.ge [sflag:s15], $0x2800  }
0x73: {  	[sflag:s15] =	ssyncset.done $0x0  }
0x74: {  	[sflag:s15] =	ssyncadd.s32 $0xFFFFD800  }
0x75: {  	[spmem:s2] =	stream.indirect.scatter.add.f32 [tilespmem:s26], [sflag:$0x5], $0x80, s24, s25, $0x2000b8;
	[tilespmem:$0x1FC00] =	vst v63  }
0x76: {  	s28 =	simm.s32 $0x180  }
0x77: {  	[tilespmem:s0], [sflag:$0x4] =	stream.indirect.gather [hbm4b:s1+s25], $0x80, s28, s25, $0x2000b8;
	[tilespmem:$0x1FC00] =	vst v63  }
0x78: {  	_ =	swait.ge [sflag:s17], $0x2800  }
0x79: {  	[sflag:s17] =	ssyncset.done $0x0  }
0x7a: {  	[sflag:s17] =	ssyncadd.s32 $0xFFFFD800  }
0x7b: {  	_ =	swait.ge [sflag:s18], $0x2800  }
0x7c: {  	[sflag:s18] =	ssyncset.done $0x0  }
0x7d: {  	s30 =	simm.s32 $0x1080;
	[sflag:s18] =	ssyncadd.s32 $0xFFFFD800  }
0x7e: {  	[spmem:s2] =	stream.indirect.scatter.add.f32 [tilespmem:s29], [sflag:$0x6], $0x80, s30, s25, $0x2000b8;
	[tilespmem:$0x1FC00] =	vst v63  }
0x7f: {  	_ = 	snop  }
0x80: {  	[tilespmem:s26], [sflag:$0x1] =	stream.indirect.gather [hbm4b:s1+s25], $0x80, s21, s25, $0x2000b8;
	[tilespmem:$0x1FC00] =	vst v63  }
0x81: {  	_ =	swait.ge [sflag:s3], $0x2800  }
0x82: {  	[sflag:s3] =	ssyncset.done $0x0  }
0x83: {  	[sflag:s3] =	ssyncadd.s32 $0xFFFFD800  }
0x84: {  	_ =	swait.ge [sflag:s7], $0x2800  }
0x85: {  	[sflag:s7] =	ssyncset.done $0x0  }
0x86: {  	[sflag:s7] =	ssyncadd.s32 $0xFFFFD800  }
0x87: {  	[spmem:s2] =	stream.indirect.scatter.add.f32 [tilespmem:s31], [sflag:$0x7], $0x80, s8, s25, $0x2000b8;
	[tilespmem:$0x1FC00] =	vst v63  }
0x88: {  	_ = 	snop  }
0x89: {  	[tilespmem:s29], [sflag:$0x2] =	stream.indirect.gather [hbm4b:s1+s25], $0x80, s9, s25, $0x2000b8;
	[tilespmem:$0x1FC00] =	vst v63  }
0x8a: {  	_ =	swait.ge [sflag:s10], $0x2800  }
0x8b: {  	[sflag:s10] =	ssyncset.done $0x0  }
0x8c: {  	[sflag:s10] =	ssyncadd.s32 $0xFFFFD800  }
0x8d: {  	_ =	swait.ge [sflag:s11], $0x2800  }
0x8e: {  	[sflag:s11] =	ssyncset.done $0x0  }
0x8f: {  	[sflag:s11] =	ssyncadd.s32 $0xFFFFD800  }
0x90: {  	[spmem:s2] =	stream.indirect.scatter.add.f32 [tilespmem:s0], [sflag:$0x8], $0x80, s12, s25, $0x2000b8;
	[tilespmem:$0x1FC00] =	vst v63  }
0x91: {  	s22 =	simm.s32 $0x0  }
0x92: {  	[tilespmem:s31], [sflag:$0x3] =	stream.indirect.gather [hbm4b:s1+s25], $0x80, s13, s25, $0x2000b8;
	[tilespmem:$0x1FC00] =	vst v63  }
.LBB2_4:
0x93: {  	_ =	swait.ge [sflag:s14], $0x2800  }
0x94: {  	[sflag:s14] =	ssyncset.done $0x0  }
0x95: {  	[sflag:s14] =	ssyncadd.s32 $0xFFFFD800  }
0x96: {  	_ =	swait.ge [sflag:s15], $0x2800  }
0x97: {  	s6 =	sshra.s32 s22, $0x2;
	[sflag:s15] =	ssyncset.done $0x0  }
0x98: {  	s28 =	sadd.s32 $0x1200, s6;
	[sflag:s15] =	ssyncadd.s32 $0xFFFFD800  }
0x99: {  	[spmem:s2] =	stream.indirect.scatter.add.f32 [tilespmem:s26], [sflag:$0x5], $0x80, s28, s25, $0x2000b8;
	[tilespmem:$0x1FC00] =	vst v63  }
0x9a: {  	s16 =	sadd.s32 $0x380, s6  }
0x9b: {  	[tilespmem:s0], [sflag:$0x4] =	stream.indirect.gather [hbm4b:s1+s25], $0x80, s16, s25, $0x2000b8;
	[tilespmem:$0x1FC00] =	vst v63  }
0x9c: {  	_ =	swait.ge [sflag:s17], $0x2800  }
0x9d: {  	[sflag:s17] =	ssyncset.done $0x0  }
0x9e: {  	[sflag:s17] =	ssyncadd.s32 $0xFFFFD800  }
0x9f: {  	_ =	swait.ge [sflag:s18], $0x2800  }
0xa0: {  	p3 =	seq.s32 s22, $0x3000;
	[sflag:s18] =	ssyncset.done $0x0  }
0xa1: {  	s19 =	sadd.s32 $0x1280, s6;
	s28 =	simm.s32 @p3 $0x6;
	[sflag:s18] =	ssyncadd.s32 $0xFFFFD800  }
0xa2: {  	[spmem:s2] =	stream.indirect.scatter.add.f32 [tilespmem:s29], [sflag:$0x6], $0x80, s19, s25, $0x2000b8;
	[tilespmem:$0x1FC00] =	vst v63  }
0xa3: {  	_ =	swait.ge @p3 [sflag:s28], $0x2800  }
0xa4: {  	[sflag:s28] =	ssyncset.done @p3 $0x0  }
0xa5: {  	[sflag:s28] =	ssyncadd.s32 @p3 $0xFFFFD800;
	s28 =	simm.s32 @p3 $0x3  }
0xa6: {  	_ =	swait.ge @p3 [sflag:s28], $0x2800  }
0xa7: {  	[sflag:s28] =	ssyncset.done @p3 $0x0  }
0xa8: {  	[sflag:s28] =	ssyncadd.s32 @p3 $0xFFFFD800;
	s28 =	sshra.s32 @p3 s22, $0x2  }
0xa9: {  	s30 =	simm.s32 @p3 $0x50;
	s16 =	simm.s32 @p3 $0x7000;
	s28 =	sadd.s32 @p3 $0x1300, s28  }
0xaa: {  	[spmem:s2] =	stream.indirect.scatter.add.f32 @p3 [tilespmem:s16], [sflag:$0x7], $0x80, s28, s30, $0x2000b8;
	[tilespmem:$0x1FC00] =	vst v63  }
0xab: {  	s16 =	sshra.s32 @!p3 s22, $0x2  }
0xac: {  	s19 =	simm.s32 @!p3 $0x2000;
	s30 =	simm.s32 @!p3 $0x50;
	s28 =	sadd.s32 @!p3 $0x400, s16  }
0xad: {  	[tilespmem:s19], [sflag:$0x1] =	stream.indirect.gather @!p3 [hbm4b:s1+s30], $0x80, s28, s30, $0x2000b8;
	[tilespmem:$0x1FC00] =	vst v63  }
0xae: {  	s19 =	simm.s32 @!p3 $0x6  }
0xaf: {  	_ =	swait.ge @!p3 [sflag:s19], $0x2800  }
0xb0: {  	[sflag:s19] =	ssyncset.done @!p3 $0x0  }
0xb1: {  	[sflag:s19] =	ssyncadd.s32 @!p3 $0xFFFFD800;
	s19 =	simm.s32 @!p3 $0x3  }
0xb2: {  	_ =	swait.ge @!p3 [sflag:s19], $0x2800  }
0xb3: {  	[sflag:s19] =	ssyncset.done @!p3 $0x0  }
0xb4: {  	s28 =	simm.s32 @!p3 $0x7000;
	[sflag:s19] =	ssyncadd.s32 @!p3 $0xFFFFD800;
	s19 =	sadd.s32 @!p3 $0x1300, s16  }
0xb5: {  	[spmem:s2] =	stream.indirect.scatter.add.f32 @!p3 [tilespmem:s28], [sflag:$0x7], $0x80, s19, s30, $0x2000b8;
	[tilespmem:$0x1FC00] =	vst v63  }
0xb6: {  	s16 =	sadd.s32 @!p3 $0x480, s16;
	s19 =	simm.s32 @!p3 $0x4800  }
0xb7: {  	[tilespmem:s19], [sflag:$0x2] =	stream.indirect.gather @!p3 [hbm4b:s1+s30], $0x80, s16, s30, $0x2000b8;
	[tilespmem:$0x1FC00] =	vst v63  }
0xb8: {  	_ =	swait.ge [sflag:s10], $0x2800  }
0xb9: {  	[sflag:s10] =	ssyncset.done $0x0  }
.Ltmp3:
0xba: {  	[sflag:s10] =	ssyncadd.s32 $0xFFFFD800;
	(pc) =	sbr.rel @p3 .LBB2_6-.Ltmp3, $4  }
0xbb: {  	_ =	swait.ge [sflag:s11], $0x2800  }
0xbc: {  	[sflag:s11] =	ssyncset.done $0x0  }
0xbd: {  	s30 =	sadd.s32 $0x1380, s6;
	[sflag:s11] =	ssyncadd.s32 $0xFFFFD800  }
0xbe: {  	[spmem:s2] =	stream.indirect.scatter.add.f32 [tilespmem:s0], [sflag:$0x8], $0x80, s30, s25, $0x2000b8;
	[tilespmem:$0x1FC00] =	vst v63  }
.Ltmp4:
0xbf: {  	(pc) =	sbr.rel .LBB2_4-.Ltmp4, $3  }
0xc0: {  	_ =	sdelay $0x1  }
0xc1: {  	s6 =	sadd.s32 $0x500, s6;
	s22 =	sadd.s32 $0x800, s22  }
0xc2: {  	[tilespmem:s31], [sflag:$0x3] =	stream.indirect.gather [hbm4b:s1+s25], $0x80, s6, s25, $0x2000b8;
	[tilespmem:$0x1FC00] =	vst v63  }
.LBB2_6:
.Ltmp5:
0xc3: {  	_ =	swait.ge [sflag:s14], $0x2800;
	(pc) =	sbr.rel @p0 .LBB2_11-.Ltmp5, $4  }
0xc4: {  	[sflag:s14] =	ssyncset.done $0x0  }
0xc5: {  	[sflag:s14] =	ssyncadd.s32 $0xFFFFD800  }
0xc6: {  	_ =	strace $0x90000049  }
0xc7: {  	_ =	strace $0x8000004A  }
0xc8: {  	s22 =	simm.s32 $0x0;
	s6 =	rddreg [dreg:$0x11]  }
0xc9: {  	[tilespmem:s22], [sflag:$0x9] =	stream.linear.gather [hbm4b:s6+s22], $0x1000, $0x200038;
	[tilespmem:$0x1FC00] =	vst v63  }
0xca: {  	_ =	swait.ge [sflag:s23], $0x1000  }
0xcb: {  	[sflag:s23] =	ssyncset.done $0x0  }
0xcc: {  	s30 =	rddreg [dreg:$0x13];
	[sflag:s23] =	ssyncadd.s32 $0xFFFFF000  }
0xcd: {  	[tilespmem:s24], [sflag:$0x9] =	stream.linear.gather [hbm4b:s30+s22], $0x1000, $0x200038;
	[tilespmem:$0x1FC00] =	vst v63  }
0xce: {  	_ =	swait.ge [sflag:s23], $0x1000  }
0xcf: {  	[sflag:s23] =	ssyncset.done $0x0  }
0xd0: {  	[sflag:s23] =	ssyncadd.s32 $0xFFFFF000  }
0xd1: {  	[tilespmem:s26], [sflag:$0x1] =	stream.indirect.gather [hbm4b:s1+s25], $0x80, s22, s25, $0x2000b8;
	[tilespmem:$0x1FC00] =	vst v63  }
0xd2: {  	s16 =	simm.s32 $0x80  }
0xd3: {  	[tilespmem:s29], [sflag:$0x2] =	stream.indirect.gather [hbm4b:s1+s25], $0x80, s16, s25, $0x2000b8;
	[tilespmem:$0x1FC00] =	vst v63  }
0xd4: {  	s19 =	simm.s32 $0x100  }
0xd5: {  	[tilespmem:s31], [sflag:$0x3] =	stream.indirect.gather [hbm4b:s1+s25], $0x80, s19, s25, $0x2000b8;
	[tilespmem:$0x1FC00] =	vst v63  }
0xd6: {  	_ =	swait.ge [sflag:s15], $0x2800  }
0xd7: {  	[sflag:s15] =	ssyncset.done $0x0  }
0xd8: {  	[sflag:s15] =	ssyncadd.s32 $0xFFFFD800  }
0xd9: {  	[spmem:s2] =	stream.indirect.scatter.add.f32 [tilespmem:s26], [sflag:$0x5], $0x80, s24, s25, $0x2000b8;
	[tilespmem:$0x1FC00] =	vst v63  }
0xda: {  	s28 =	simm.s32 $0x180  }
0xdb: {  	[tilespmem:s0], [sflag:$0x4] =	stream.indirect.gather [hbm4b:s1+s25], $0x80, s28, s25, $0x2000b8;
	[tilespmem:$0x1FC00] =	vst v63  }
0xdc: {  	_ =	swait.ge [sflag:s17], $0x2800  }
0xdd: {  	[sflag:s17] =	ssyncset.done $0x0  }
0xde: {  	[sflag:s17] =	ssyncadd.s32 $0xFFFFD800  }
0xdf: {  	_ =	swait.ge [sflag:s18], $0x2800  }
0xe0: {  	[sflag:s18] =	ssyncset.done $0x0  }
0xe1: {  	s30 =	simm.s32 $0x1080;
	[sflag:s18] =	ssyncadd.s32 $0xFFFFD800  }
0xe2: {  	[spmem:s2] =	stream.indirect.scatter.add.f32 [tilespmem:s29], [sflag:$0x6], $0x80, s30, s25, $0x2000b8;
	[tilespmem:$0x1FC00] =	vst v63  }
0xe3: {  	_ = 	snop  }
0xe4: {  	[tilespmem:s26], [sflag:$0x1] =	stream.indirect.gather [hbm4b:s1+s25], $0x80, s21, s25, $0x2000b8;
	[tilespmem:$0x1FC00] =	vst v63  }
0xe5: {  	_ =	swait.ge [sflag:s3], $0x2800  }
0xe6: {  	[sflag:s3] =	ssyncset.done $0x0  }
0xe7: {  	[sflag:s3] =	ssyncadd.s32 $0xFFFFD800  }
0xe8: {  	_ =	swait.ge [sflag:s7], $0x2800  }
0xe9: {  	[sflag:s7] =	ssyncset.done $0x0  }
0xea: {  	[sflag:s7] =	ssyncadd.s32 $0xFFFFD800  }
0xeb: {  	[spmem:s2] =	stream.indirect.scatter.add.f32 [tilespmem:s31], [sflag:$0x7], $0x80, s8, s25, $0x2000b8;
	[tilespmem:$0x1FC00] =	vst v63  }
0xec: {  	_ = 	snop  }
0xed: {  	[tilespmem:s29], [sflag:$0x2] =	stream.indirect.gather [hbm4b:s1+s25], $0x80, s9, s25, $0x2000b8;
	[tilespmem:$0x1FC00] =	vst v63  }
0xee: {  	_ =	swait.ge [sflag:s10], $0x2800  }
0xef: {  	[sflag:s10] =	ssyncset.done $0x0  }
0xf0: {  	[sflag:s10] =	ssyncadd.s32 $0xFFFFD800  }
0xf1: {  	_ =	swait.ge [sflag:s11], $0x2800  }
0xf2: {  	[sflag:s11] =	ssyncset.done $0x0  }
0xf3: {  	[sflag:s11] =	ssyncadd.s32 $0xFFFFD800  }
0xf4: {  	[spmem:s2] =	stream.indirect.scatter.add.f32 [tilespmem:s0], [sflag:$0x8], $0x80, s12, s25, $0x2000b8;
	[tilespmem:$0x1FC00] =	vst v63  }
0xf5: {  	_ = 	snop  }
0xf6: {  	[tilespmem:s31], [sflag:$0x3] =	stream.indirect.gather [hbm4b:s1+s25], $0x80, s13, s25, $0x2000b8;
	[tilespmem:$0x1FC00] =	vst v63  }
.LBB2_8:
0xf7: {  	_ =	swait.ge [sflag:s14], $0x2800  }
0xf8: {  	[sflag:s14] =	ssyncset.done $0x0  }
0xf9: {  	[sflag:s14] =	ssyncadd.s32 $0xFFFFD800  }
0xfa: {  	_ =	swait.ge [sflag:s15], $0x2800  }
0xfb: {  	s6 =	sshra.s32 s22, $0x2;
	[sflag:s15] =	ssyncset.done $0x0  }
0xfc: {  	s16 =	sadd.s32 $0x1200, s6;
	[sflag:s15] =	ssyncadd.s32 $0xFFFFD800  }
0xfd: {  	[spmem:s2] =	stream.indirect.scatter.add.f32 [tilespmem:s26], [sflag:$0x5], $0x80, s16, s25, $0x2000b8;
	[tilespmem:$0x1FC00] =	vst v63  }
0xfe: {  	s19 =	sadd.s32 $0x380, s6  }
0xff: {  	[tilespmem:s0], [sflag:$0x4] =	stream.indirect.gather [hbm4b:s1+s25], $0x80, s19, s25, $0x2000b8;
	[tilespmem:$0x1FC00] =	vst v63  }
0x100: {  	_ =	swait.ge [sflag:s17], $0x2800  }
0x101: {  	[sflag:s17] =	ssyncset.done $0x0  }
0x102: {  	[sflag:s17] =	ssyncadd.s32 $0xFFFFD800  }
0x103: {  	_ =	swait.ge [sflag:s18], $0x2800  }
0x104: {  	p3 =	seq.s32 s22, $0x3000;
	[sflag:s18] =	ssyncset.done $0x0  }
0x105: {  	s28 =	sadd.s32 $0x1280, s6;
	s16 =	simm.s32 @p3 $0x6;
	[sflag:s18] =	ssyncadd.s32 $0xFFFFD800  }
0x106: {  	[spmem:s2] =	stream.indirect.scatter.add.f32 [tilespmem:s29], [sflag:$0x6], $0x80, s28, s25, $0x2000b8;
	[tilespmem:$0x1FC00] =	vst v63  }
0x107: {  	_ =	swait.ge @p3 [sflag:s16], $0x2800  }
0x108: {  	[sflag:s16] =	ssyncset.done @p3 $0x0  }
0x109: {  	[sflag:s16] =	ssyncadd.s32 @p3 $0xFFFFD800;
	s16 =	simm.s32 @p3 $0x3  }
0x10a: {  	_ =	swait.ge @p3 [sflag:s16], $0x2800  }
0x10b: {  	[sflag:s16] =	ssyncset.done @p3 $0x0  }
0x10c: {  	[sflag:s16] =	ssyncadd.s32 @p3 $0xFFFFD800;
	s16 =	sshra.s32 @p3 s22, $0x2  }
0x10d: {  	s19 =	simm.s32 @p3 $0x50;
	s28 =	simm.s32 @p3 $0x7000;
	s16 =	sadd.s32 @p3 $0x1300, s16  }
0x10e: {  	[spmem:s2] =	stream.indirect.scatter.add.f32 @p3 [tilespmem:s28], [sflag:$0x7], $0x80, s16, s19, $0x2000b8;
	[tilespmem:$0x1FC00] =	vst v63  }
0x10f: {  	s16 =	sshra.s32 @!p3 s22, $0x2  }
0x110: {  	s30 =	simm.s32 @!p3 $0x2000;
	s28 =	simm.s32 @!p3 $0x50;
	s19 =	sadd.s32 @!p3 $0x400, s16  }
0x111: {  	[tilespmem:s30], [sflag:$0x1] =	stream.indirect.gather @!p3 [hbm4b:s1+s28], $0x80, s19, s28, $0x2000b8;
	[tilespmem:$0x1FC00] =	vst v63  }
0x112: {  	s19 =	simm.s32 @!p3 $0x6  }
0x113: {  	_ =	swait.ge @!p3 [sflag:s19], $0x2800  }
0x114: {  	[sflag:s19] =	ssyncset.done @!p3 $0x0  }
0x115: {  	[sflag:s19] =	ssyncadd.s32 @!p3 $0xFFFFD800;
	s19 =	simm.s32 @!p3 $0x3  }
0x116: {  	_ =	swait.ge @!p3 [sflag:s19], $0x2800  }
0x117: {  	[sflag:s19] =	ssyncset.done @!p3 $0x0  }
0x118: {  	s30 =	simm.s32 @!p3 $0x7000;
	[sflag:s19] =	ssyncadd.s32 @!p3 $0xFFFFD800;
	s19 =	sadd.s32 @!p3 $0x1300, s16  }
0x119: {  	[spmem:s2] =	stream.indirect.scatter.add.f32 @!p3 [tilespmem:s30], [sflag:$0x7], $0x80, s19, s28, $0x2000b8;
	[tilespmem:$0x1FC00] =	vst v63  }
0x11a: {  	s16 =	sadd.s32 @!p3 $0x480, s16;
	s19 =	simm.s32 @!p3 $0x4800  }
0x11b: {  	[tilespmem:s19], [sflag:$0x2] =	stream.indirect.gather @!p3 [hbm4b:s1+s28], $0x80, s16, s28, $0x2000b8;
	[tilespmem:$0x1FC00] =	vst v63  }
0x11c: {  	_ =	swait.ge [sflag:s10], $0x2800  }
0x11d: {  	[sflag:s10] =	ssyncset.done $0x0  }
.Ltmp6:
0x11e: {  	[sflag:s10] =	ssyncadd.s32 $0xFFFFD800;
	(pc) =	sbr.rel @p3 .LBB2_10-.Ltmp6, $4  }
0x11f: {  	_ =	swait.ge [sflag:s11], $0x2800  }
0x120: {  	[sflag:s11] =	ssyncset.done $0x0  }
0x121: {  	s30 =	sadd.s32 $0x1380, s6;
	[sflag:s11] =	ssyncadd.s32 $0xFFFFD800  }
0x122: {  	[spmem:s2] =	stream.indirect.scatter.add.f32 [tilespmem:s0], [sflag:$0x8], $0x80, s30, s25, $0x2000b8;
	[tilespmem:$0x1FC00] =	vst v63  }
.Ltmp7:
0x123: {  	(pc) =	sbr.rel .LBB2_8-.Ltmp7, $3  }
0x124: {  	_ =	sdelay $0x1  }
0x125: {  	s6 =	sadd.s32 $0x500, s6;
	s22 =	sadd.s32 $0x800, s22  }
0x126: {  	[tilespmem:s31], [sflag:$0x3] =	stream.indirect.gather [hbm4b:s1+s25], $0x80, s6, s25, $0x2000b8;
	[tilespmem:$0x1FC00] =	vst v63  }
.LBB2_10:
0x127: {  	_ =	swait.ge [sflag:s14], $0x2800  }
0x128: {  	[sflag:s14] =	ssyncset.done $0x0  }
0x129: {  	[sflag:s14] =	ssyncadd.s32 $0xFFFFD800  }
.LBB2_11:
.Ltmp8:
0x12a: {  	(pc) =	sbr.rel @p1 .LBB2_16-.Ltmp8, $3  }
0x12b: {  	_ =	sdelay $0x1  }
0x12c: {  	_ =	strace $0x9000004A  }
0x12d: {  	_ =	strace $0x8000004B  }
0x12e: {  	s22 =	simm.s32 $0x0;
	s6 =	rddreg [dreg:$0xd]  }
0x12f: {  	[tilespmem:s22], [sflag:$0x9] =	stream.linear.gather [hbm4b:s6+s22], $0x1000, $0x200038;
	[tilespmem:$0x1FC00] =	vst v63  }
0x130: {  	_ =	swait.ge [sflag:s23], $0x1000  }
0x131: {  	[sflag:s23] =	ssyncset.done $0x0  }
0x132: {  	s30 =	rddreg [dreg:$0xe];
	[sflag:s23] =	ssyncadd.s32 $0xFFFFF000  }
0x133: {  	[tilespmem:s24], [sflag:$0x9] =	stream.linear.gather [hbm4b:s30+s22], $0x1000, $0x200038;
	[tilespmem:$0x1FC00] =	vst v63  }
0x134: {  	_ =	swait.ge [sflag:s23], $0x1000  }
0x135: {  	[sflag:s23] =	ssyncset.done $0x0  }
0x136: {  	[sflag:s23] =	ssyncadd.s32 $0xFFFFF000  }
0x137: {  	[tilespmem:s26], [sflag:$0x1] =	stream.indirect.gather [hbm4b:s1+s25], $0x80, s22, s25, $0x2000b8;
	[tilespmem:$0x1FC00] =	vst v63  }
0x138: {  	s16 =	simm.s32 $0x80  }
0x139: {  	[tilespmem:s29], [sflag:$0x2] =	stream.indirect.gather [hbm4b:s1+s25], $0x80, s16, s25, $0x2000b8;
	[tilespmem:$0x1FC00] =	vst v63  }
0x13a: {  	s19 =	simm.s32 $0x100  }
0x13b: {  	[tilespmem:s31], [sflag:$0x3] =	stream.indirect.gather [hbm4b:s1+s25], $0x80, s19, s25, $0x2000b8;
	[tilespmem:$0x1FC00] =	vst v63  }
0x13c: {  	_ =	swait.ge [sflag:s15], $0x2800  }
0x13d: {  	[sflag:s15] =	ssyncset.done $0x0  }
0x13e: {  	[sflag:s15] =	ssyncadd.s32 $0xFFFFD800  }
0x13f: {  	[spmem:s2] =	stream.indirect.scatter.add.f32 [tilespmem:s26], [sflag:$0x5], $0x80, s24, s25, $0x2000b8;
	[tilespmem:$0x1FC00] =	vst v63  }
0x140: {  	s28 =	simm.s32 $0x180  }
0x141: {  	[tilespmem:s0], [sflag:$0x4] =	stream.indirect.gather [hbm4b:s1+s25], $0x80, s28, s25, $0x2000b8;
	[tilespmem:$0x1FC00] =	vst v63  }
0x142: {  	_ =	swait.ge [sflag:s17], $0x2800  }
0x143: {  	[sflag:s17] =	ssyncset.done $0x0  }
0x144: {  	[sflag:s17] =	ssyncadd.s32 $0xFFFFD800  }
0x145: {  	_ =	swait.ge [sflag:s18], $0x2800  }
0x146: {  	[sflag:s18] =	ssyncset.done $0x0  }
0x147: {  	s30 =	simm.s32 $0x1080;
	[sflag:s18] =	ssyncadd.s32 $0xFFFFD800  }
0x148: {  	[spmem:s2] =	stream.indirect.scatter.add.f32 [tilespmem:s29], [sflag:$0x6], $0x80, s30, s25, $0x2000b8;
	[tilespmem:$0x1FC00] =	vst v63  }
0x149: {  	_ = 	snop  }
0x14a: {  	[tilespmem:s26], [sflag:$0x1] =	stream.indirect.gather [hbm4b:s1+s25], $0x80, s21, s25, $0x2000b8;
	[tilespmem:$0x1FC00] =	vst v63  }
0x14b: {  	_ =	swait.ge [sflag:s3], $0x2800  }
0x14c: {  	[sflag:s3] =	ssyncset.done $0x0  }
0x14d: {  	[sflag:s3] =	ssyncadd.s32 $0xFFFFD800  }
0x14e: {  	_ =	swait.ge [sflag:s7], $0x2800  }
0x14f: {  	[sflag:s7] =	ssyncset.done $0x0  }
0x150: {  	[sflag:s7] =	ssyncadd.s32 $0xFFFFD800  }
0x151: {  	[spmem:s2] =	stream.indirect.scatter.add.f32 [tilespmem:s31], [sflag:$0x7], $0x80, s8, s25, $0x2000b8;
	[tilespmem:$0x1FC00] =	vst v63  }
0x152: {  	_ = 	snop  }
0x153: {  	[tilespmem:s29], [sflag:$0x2] =	stream.indirect.gather [hbm4b:s1+s25], $0x80, s9, s25, $0x2000b8;
	[tilespmem:$0x1FC00] =	vst v63  }
0x154: {  	_ =	swait.ge [sflag:s10], $0x2800  }
0x155: {  	[sflag:s10] =	ssyncset.done $0x0  }
0x156: {  	[sflag:s10] =	ssyncadd.s32 $0xFFFFD800  }
0x157: {  	_ =	swait.ge [sflag:s11], $0x2800  }
0x158: {  	[sflag:s11] =	ssyncset.done $0x0  }
0x159: {  	[sflag:s11] =	ssyncadd.s32 $0xFFFFD800  }
0x15a: {  	[spmem:s2] =	stream.indirect.scatter.add.f32 [tilespmem:s0], [sflag:$0x8], $0x80, s12, s25, $0x2000b8;
	[tilespmem:$0x1FC00] =	vst v63  }
0x15b: {  	_ = 	snop  }
0x15c: {  	[tilespmem:s31], [sflag:$0x3] =	stream.indirect.gather [hbm4b:s1+s25], $0x80, s13, s25, $0x2000b8;
	[tilespmem:$0x1FC00] =	vst v63  }
.LBB2_13:
0x15d: {  	_ =	swait.ge [sflag:s14], $0x2800  }
0x15e: {  	[sflag:s14] =	ssyncset.done $0x0  }
0x15f: {  	[sflag:s14] =	ssyncadd.s32 $0xFFFFD800  }
0x160: {  	_ =	swait.ge [sflag:s15], $0x2800  }
0x161: {  	s6 =	sshra.s32 s22, $0x2;
	[sflag:s15] =	ssyncset.done $0x0  }
0x162: {  	s16 =	sadd.s32 $0x1200, s6;
	[sflag:s15] =	ssyncadd.s32 $0xFFFFD800  }
0x163: {  	[spmem:s2] =	stream.indirect.scatter.add.f32 [tilespmem:s26], [sflag:$0x5], $0x80, s16, s25, $0x2000b8;
	[tilespmem:$0x1FC00] =	vst v63  }
0x164: {  	s19 =	sadd.s32 $0x380, s6  }
0x165: {  	[tilespmem:s0], [sflag:$0x4] =	stream.indirect.gather [hbm4b:s1+s25], $0x80, s19, s25, $0x2000b8;
	[tilespmem:$0x1FC00] =	vst v63  }
0x166: {  	_ =	swait.ge [sflag:s17], $0x2800  }
0x167: {  	[sflag:s17] =	ssyncset.done $0x0  }
0x168: {  	[sflag:s17] =	ssyncadd.s32 $0xFFFFD800  }
0x169: {  	_ =	swait.ge [sflag:s18], $0x2800  }
0x16a: {  	p3 =	seq.s32 s22, $0x3000;
	[sflag:s18] =	ssyncset.done $0x0  }
0x16b: {  	s28 =	sadd.s32 $0x1280, s6;
	s16 =	simm.s32 @p3 $0x6;
	[sflag:s18] =	ssyncadd.s32 $0xFFFFD800  }
0x16c: {  	[spmem:s2] =	stream.indirect.scatter.add.f32 [tilespmem:s29], [sflag:$0x6], $0x80, s28, s25, $0x2000b8;
	[tilespmem:$0x1FC00] =	vst v63  }
0x16d: {  	_ =	swait.ge @p3 [sflag:s16], $0x2800  }
0x16e: {  	[sflag:s16] =	ssyncset.done @p3 $0x0  }
0x16f: {  	[sflag:s16] =	ssyncadd.s32 @p3 $0xFFFFD800;
	s16 =	simm.s32 @p3 $0x3  }
0x170: {  	_ =	swait.ge @p3 [sflag:s16], $0x2800  }
0x171: {  	[sflag:s16] =	ssyncset.done @p3 $0x0  }
0x172: {  	[sflag:s16] =	ssyncadd.s32 @p3 $0xFFFFD800;
	s16 =	sshra.s32 @p3 s22, $0x2  }
0x173: {  	s19 =	simm.s32 @p3 $0x50;
	s28 =	simm.s32 @p3 $0x7000;
	s16 =	sadd.s32 @p3 $0x1300, s16  }
0x174: {  	[spmem:s2] =	stream.indirect.scatter.add.f32 @p3 [tilespmem:s28], [sflag:$0x7], $0x80, s16, s19, $0x2000b8;
	[tilespmem:$0x1FC00] =	vst v63  }
0x175: {  	s16 =	sshra.s32 @!p3 s22, $0x2  }
0x176: {  	s30 =	simm.s32 @!p3 $0x2000;
	s28 =	simm.s32 @!p3 $0x50;
	s19 =	sadd.s32 @!p3 $0x400, s16  }
0x177: {  	[tilespmem:s30], [sflag:$0x1] =	stream.indirect.gather @!p3 [hbm4b:s1+s28], $0x80, s19, s28, $0x2000b8;
	[tilespmem:$0x1FC00] =	vst v63  }
0x178: {  	s19 =	simm.s32 @!p3 $0x6  }
0x179: {  	_ =	swait.ge @!p3 [sflag:s19], $0x2800  }
0x17a: {  	[sflag:s19] =	ssyncset.done @!p3 $0x0  }
0x17b: {  	[sflag:s19] =	ssyncadd.s32 @!p3 $0xFFFFD800;
	s19 =	simm.s32 @!p3 $0x3  }
0x17c: {  	_ =	swait.ge @!p3 [sflag:s19], $0x2800  }
0x17d: {  	[sflag:s19] =	ssyncset.done @!p3 $0x0  }
0x17e: {  	s30 =	simm.s32 @!p3 $0x7000;
	[sflag:s19] =	ssyncadd.s32 @!p3 $0xFFFFD800;
	s19 =	sadd.s32 @!p3 $0x1300, s16  }
0x17f: {  	[spmem:s2] =	stream.indirect.scatter.add.f32 @!p3 [tilespmem:s30], [sflag:$0x7], $0x80, s19, s28, $0x2000b8;
	[tilespmem:$0x1FC00] =	vst v63  }
0x180: {  	s16 =	sadd.s32 @!p3 $0x480, s16;
	s19 =	simm.s32 @!p3 $0x4800  }
0x181: {  	[tilespmem:s19], [sflag:$0x2] =	stream.indirect.gather @!p3 [hbm4b:s1+s28], $0x80, s16, s28, $0x2000b8;
	[tilespmem:$0x1FC00] =	vst v63  }
0x182: {  	_ =	swait.ge [sflag:s10], $0x2800  }
0x183: {  	[sflag:s10] =	ssyncset.done $0x0  }
.Ltmp9:
0x184: {  	[sflag:s10] =	ssyncadd.s32 $0xFFFFD800;
	(pc) =	sbr.rel @p3 .LBB2_15-.Ltmp9, $4  }
0x185: {  	_ =	swait.ge [sflag:s11], $0x2800  }
0x186: {  	[sflag:s11] =	ssyncset.done $0x0  }
0x187: {  	s30 =	sadd.s32 $0x1380, s6;
	[sflag:s11] =	ssyncadd.s32 $0xFFFFD800  }
0x188: {  	[spmem:s2] =	stream.indirect.scatter.add.f32 [tilespmem:s0], [sflag:$0x8], $0x80, s30, s25, $0x2000b8;
	[tilespmem:$0x1FC00] =	vst v63  }
.Ltmp10:
0x189: {  	(pc) =	sbr.rel .LBB2_13-.Ltmp10, $3  }
0x18a: {  	_ =	sdelay $0x1  }
0x18b: {  	s6 =	sadd.s32 $0x500, s6;
	s22 =	sadd.s32 $0x800, s22  }
0x18c: {  	[tilespmem:s31], [sflag:$0x3] =	stream.indirect.gather [hbm4b:s1+s25], $0x80, s6, s25, $0x2000b8;
	[tilespmem:$0x1FC00] =	vst v63  }
.LBB2_15:
0x18d: {  	_ =	swait.ge [sflag:s14], $0x2800  }
0x18e: {  	[sflag:s14] =	ssyncset.done $0x0  }
0x18f: {  	[sflag:s14] =	ssyncadd.s32 $0xFFFFD800  }
.LBB2_16:
.Ltmp11:
0x190: {  	(pc) =	sbr.rel @p2 .LBB2_21-.Ltmp11, $3  }
0x191: {  	_ =	sdelay $0x1  }
0x192: {  	_ =	strace $0x9000004B  }
0x193: {  	_ =	strace $0x8000004C  }
0x194: {  	s22 =	simm.s32 $0x0;
	s6 =	rddreg [dreg:$0xf]  }
0x195: {  	[tilespmem:s22], [sflag:$0x9] =	stream.linear.gather [hbm4b:s6+s22], $0x1000, $0x200038;
	[tilespmem:$0x1FC00] =	vst v63  }
0x196: {  	_ =	swait.ge [sflag:s23], $0x1000  }
0x197: {  	[sflag:s23] =	ssyncset.done $0x0  }
0x198: {  	s30 =	rddreg [dreg:$0x10];
	[sflag:s23] =	ssyncadd.s32 $0xFFFFF000  }
0x199: {  	[tilespmem:s24], [sflag:$0x9] =	stream.linear.gather [hbm4b:s30+s22], $0x1000, $0x200038;
	[tilespmem:$0x1FC00] =	vst v63  }
0x19a: {  	_ =	swait.ge [sflag:s23], $0x1000  }
0x19b: {  	[sflag:s23] =	ssyncset.done $0x0  }
0x19c: {  	[sflag:s23] =	ssyncadd.s32 $0xFFFFF000  }
0x19d: {  	[tilespmem:s26], [sflag:$0x1] =	stream.indirect.gather [hbm4b:s1+s25], $0x80, s22, s25, $0x2000b8;
	[tilespmem:$0x1FC00] =	vst v63  }
0x19e: {  	s16 =	simm.s32 $0x80  }
0x19f: {  	[tilespmem:s29], [sflag:$0x2] =	stream.indirect.gather [hbm4b:s1+s25], $0x80, s16, s25, $0x2000b8;
	[tilespmem:$0x1FC00] =	vst v63  }
0x1a0: {  	s19 =	simm.s32 $0x100  }
0x1a1: {  	[tilespmem:s31], [sflag:$0x3] =	stream.indirect.gather [hbm4b:s1+s25], $0x80, s19, s25, $0x2000b8;
	[tilespmem:$0x1FC00] =	vst v63  }
0x1a2: {  	_ =	swait.ge [sflag:s15], $0x2800  }
0x1a3: {  	[sflag:s15] =	ssyncset.done $0x0  }
0x1a4: {  	[sflag:s15] =	ssyncadd.s32 $0xFFFFD800  }
0x1a5: {  	[spmem:s2] =	stream.indirect.scatter.add.f32 [tilespmem:s26], [sflag:$0x5], $0x80, s24, s25, $0x2000b8;
	[tilespmem:$0x1FC00] =	vst v63  }
0x1a6: {  	s28 =	simm.s32 $0x180  }
0x1a7: {  	[tilespmem:s0], [sflag:$0x4] =	stream.indirect.gather [hbm4b:s1+s25], $0x80, s28, s25, $0x2000b8;
	[tilespmem:$0x1FC00] =	vst v63  }
0x1a8: {  	_ =	swait.ge [sflag:s17], $0x2800  }
0x1a9: {  	[sflag:s17] =	ssyncset.done $0x0  }
0x1aa: {  	[sflag:s17] =	ssyncadd.s32 $0xFFFFD800  }
0x1ab: {  	_ =	swait.ge [sflag:s18], $0x2800  }
0x1ac: {  	[sflag:s18] =	ssyncset.done $0x0  }
0x1ad: {  	s30 =	simm.s32 $0x1080;
	[sflag:s18] =	ssyncadd.s32 $0xFFFFD800  }
0x1ae: {  	[spmem:s2] =	stream.indirect.scatter.add.f32 [tilespmem:s29], [sflag:$0x6], $0x80, s30, s25, $0x2000b8;
	[tilespmem:$0x1FC00] =	vst v63  }
0x1af: {  	_ = 	snop  }
0x1b0: {  	[tilespmem:s26], [sflag:$0x1] =	stream.indirect.gather [hbm4b:s1+s25], $0x80, s21, s25, $0x2000b8;
	[tilespmem:$0x1FC00] =	vst v63  }
0x1b1: {  	_ =	swait.ge [sflag:s3], $0x2800  }
0x1b2: {  	[sflag:s3] =	ssyncset.done $0x0  }
0x1b3: {  	[sflag:s3] =	ssyncadd.s32 $0xFFFFD800  }
0x1b4: {  	_ =	swait.ge [sflag:s7], $0x2800  }
0x1b5: {  	[sflag:s7] =	ssyncset.done $0x0  }
0x1b6: {  	[sflag:s7] =	ssyncadd.s32 $0xFFFFD800  }
0x1b7: {  	[spmem:s2] =	stream.indirect.scatter.add.f32 [tilespmem:s31], [sflag:$0x7], $0x80, s8, s25, $0x2000b8;
	[tilespmem:$0x1FC00] =	vst v63  }
0x1b8: {  	_ = 	snop  }
0x1b9: {  	[tilespmem:s29], [sflag:$0x2] =	stream.indirect.gather [hbm4b:s1+s25], $0x80, s9, s25, $0x2000b8;
	[tilespmem:$0x1FC00] =	vst v63  }
0x1ba: {  	_ =	swait.ge [sflag:s10], $0x2800  }
0x1bb: {  	[sflag:s10] =	ssyncset.done $0x0  }
0x1bc: {  	[sflag:s10] =	ssyncadd.s32 $0xFFFFD800  }
0x1bd: {  	_ =	swait.ge [sflag:s11], $0x2800  }
0x1be: {  	[sflag:s11] =	ssyncset.done $0x0  }
0x1bf: {  	[sflag:s11] =	ssyncadd.s32 $0xFFFFD800  }
0x1c0: {  	[spmem:s2] =	stream.indirect.scatter.add.f32 [tilespmem:s0], [sflag:$0x8], $0x80, s12, s25, $0x2000b8;
	[tilespmem:$0x1FC00] =	vst v63  }
0x1c1: {  	_ = 	snop  }
0x1c2: {  	[tilespmem:s31], [sflag:$0x3] =	stream.indirect.gather [hbm4b:s1+s25], $0x80, s13, s25, $0x2000b8;
	[tilespmem:$0x1FC00] =	vst v63  }
.LBB2_18:
0x1c3: {  	_ =	swait.ge [sflag:s14], $0x2800  }
0x1c4: {  	[sflag:s14] =	ssyncset.done $0x0  }
0x1c5: {  	[sflag:s14] =	ssyncadd.s32 $0xFFFFD800  }
0x1c6: {  	_ =	swait.ge [sflag:s15], $0x2800  }
0x1c7: {  	s6 =	sshra.s32 s22, $0x2;
	[sflag:s15] =	ssyncset.done $0x0  }
0x1c8: {  	s16 =	sadd.s32 $0x1200, s6;
	[sflag:s15] =	ssyncadd.s32 $0xFFFFD800  }
0x1c9: {  	[spmem:s2] =	stream.indirect.scatter.add.f32 [tilespmem:s26], [sflag:$0x5], $0x80, s16, s25, $0x2000b8;
	[tilespmem:$0x1FC00] =	vst v63  }
0x1ca: {  	s19 =	sadd.s32 $0x380, s6  }
0x1cb: {  	[tilespmem:s0], [sflag:$0x4] =	stream.indirect.gather [hbm4b:s1+s25], $0x80, s19, s25, $0x2000b8;
	[tilespmem:$0x1FC00] =	vst v63  }
0x1cc: {  	_ =	swait.ge [sflag:s17], $0x2800  }
0x1cd: {  	[sflag:s17] =	ssyncset.done $0x0  }
0x1ce: {  	[sflag:s17] =	ssyncadd.s32 $0xFFFFD800  }
0x1cf: {  	_ =	swait.ge [sflag:s18], $0x2800  }
0x1d0: {  	p3 =	seq.s32 s22, $0x3000;
	[sflag:s18] =	ssyncset.done $0x0  }
0x1d1: {  	s28 =	sadd.s32 $0x1280, s6;
	s16 =	simm.s32 @p3 $0x6;
	[sflag:s18] =	ssyncadd.s32 $0xFFFFD800  }
0x1d2: {  	[spmem:s2] =	stream.indirect.scatter.add.f32 [tilespmem:s29], [sflag:$0x6], $0x80, s28, s25, $0x2000b8;
	[tilespmem:$0x1FC00] =	vst v63  }
0x1d3: {  	_ =	swait.ge @p3 [sflag:s16], $0x2800  }
0x1d4: {  	[sflag:s16] =	ssyncset.done @p3 $0x0  }
0x1d5: {  	[sflag:s16] =	ssyncadd.s32 @p3 $0xFFFFD800;
	s16 =	simm.s32 @p3 $0x3  }
0x1d6: {  	_ =	swait.ge @p3 [sflag:s16], $0x2800  }
0x1d7: {  	[sflag:s16] =	ssyncset.done @p3 $0x0  }
0x1d8: {  	[sflag:s16] =	ssyncadd.s32 @p3 $0xFFFFD800;
	s16 =	sshra.s32 @p3 s22, $0x2  }
0x1d9: {  	s19 =	simm.s32 @p3 $0x50;
	s28 =	simm.s32 @p3 $0x7000;
	s16 =	sadd.s32 @p3 $0x1300, s16  }
0x1da: {  	[spmem:s2] =	stream.indirect.scatter.add.f32 @p3 [tilespmem:s28], [sflag:$0x7], $0x80, s16, s19, $0x2000b8;
	[tilespmem:$0x1FC00] =	vst v63  }
0x1db: {  	s16 =	sshra.s32 @!p3 s22, $0x2  }
0x1dc: {  	s30 =	simm.s32 @!p3 $0x2000;
	s28 =	simm.s32 @!p3 $0x50;
	s19 =	sadd.s32 @!p3 $0x400, s16  }
0x1dd: {  	[tilespmem:s30], [sflag:$0x1] =	stream.indirect.gather @!p3 [hbm4b:s1+s28], $0x80, s19, s28, $0x2000b8;
	[tilespmem:$0x1FC00] =	vst v63  }
0x1de: {  	s19 =	simm.s32 @!p3 $0x6  }
0x1df: {  	_ =	swait.ge @!p3 [sflag:s19], $0x2800  }
0x1e0: {  	[sflag:s19] =	ssyncset.done @!p3 $0x0  }
0x1e1: {  	[sflag:s19] =	ssyncadd.s32 @!p3 $0xFFFFD800;
	s19 =	simm.s32 @!p3 $0x3  }
0x1e2: {  	_ =	swait.ge @!p3 [sflag:s19], $0x2800  }
0x1e3: {  	[sflag:s19] =	ssyncset.done @!p3 $0x0  }
0x1e4: {  	s30 =	simm.s32 @!p3 $0x7000;
	[sflag:s19] =	ssyncadd.s32 @!p3 $0xFFFFD800;
	s19 =	sadd.s32 @!p3 $0x1300, s16  }
0x1e5: {  	[spmem:s2] =	stream.indirect.scatter.add.f32 @!p3 [tilespmem:s30], [sflag:$0x7], $0x80, s19, s28, $0x2000b8;
	[tilespmem:$0x1FC00] =	vst v63  }
0x1e6: {  	s16 =	sadd.s32 @!p3 $0x480, s16;
	s19 =	simm.s32 @!p3 $0x4800  }
0x1e7: {  	[tilespmem:s19], [sflag:$0x2] =	stream.indirect.gather @!p3 [hbm4b:s1+s28], $0x80, s16, s28, $0x2000b8;
	[tilespmem:$0x1FC00] =	vst v63  }
0x1e8: {  	_ =	swait.ge [sflag:s10], $0x2800  }
0x1e9: {  	[sflag:s10] =	ssyncset.done $0x0  }
.Ltmp12:
0x1ea: {  	[sflag:s10] =	ssyncadd.s32 $0xFFFFD800;
	(pc) =	sbr.rel @p3 .LBB2_20-.Ltmp12, $4  }
0x1eb: {  	_ =	swait.ge [sflag:s11], $0x2800  }
0x1ec: {  	[sflag:s11] =	ssyncset.done $0x0  }
0x1ed: {  	s30 =	sadd.s32 $0x1380, s6;
	[sflag:s11] =	ssyncadd.s32 $0xFFFFD800  }
0x1ee: {  	[spmem:s2] =	stream.indirect.scatter.add.f32 [tilespmem:s0], [sflag:$0x8], $0x80, s30, s25, $0x2000b8;
	[tilespmem:$0x1FC00] =	vst v63  }
.Ltmp13:
0x1ef: {  	(pc) =	sbr.rel .LBB2_18-.Ltmp13, $3  }
0x1f0: {  	_ =	sdelay $0x1  }
0x1f1: {  	s6 =	sadd.s32 $0x500, s6;
	s22 =	sadd.s32 $0x800, s22  }
0x1f2: {  	[tilespmem:s31], [sflag:$0x3] =	stream.indirect.gather [hbm4b:s1+s25], $0x80, s6, s25, $0x2000b8;
	[tilespmem:$0x1FC00] =	vst v63  }
.LBB2_22:
0x1f3: {  	_ =	sfence.sel $0x180000  }
0x1f4: {  	[bflag:$0x0] =	sbarrier.arrive $0xFFFF  }
0x1f5: {  	_ =	strace $0x90000047  }
0x1f6: {  	s0 =	stileid.u32;
	[bflag:$0x2] =	sbarrier.arrive $0xFFFF  }
0x1f7: {  	p0 =	sne.s32 s0, $0x0;
	s0 =	rddreg [dreg:$0x3]  }
0x1f8: {  	s0 =	sadd.s32 @!p0 $0x100000, s0  }
0x1f9: {  	[sflag:s0] =	ssyncadd.tile.s32 @!p0 $0x1;
	_ =	shalt  }
.Lfunc_end2:
_tile_overlayer_lowered:
.L_overlay_start_2:
0x1fa: {  	(tag) =	ssettag $0x2  }
0x1fb: {  	s0 =	rddreg [dreg:$0x0];
	s2 =	stileid.u32  }
0x1fc: {  	s1 =	rddreg [dreg:$0x1];
	p0 =	sne.s32 s2, $0x0  }
0x1fd: {  	s3 =	rddreg [dreg:$0x2];
	[bflag:$0x3] =	sbarrier.arrive $0xFFFF;
	s2 =	simm.s32 @!p0 $0x1C09  }
0x1fe: {  	[timem:s3], [sflag:s2] =	dma.local @!p0 [hbm:s0], s1  }
0x1ff: {  	s0 =	simm.s32 @!p0 $0x9  }
0x200: {  	_ =	swait.ge @!p0 [sflag:s0], s1  }
0x201: {  	s1 =	ssub.s32 @!p0 $0x0, s1;
	[sflag:s0] =	ssyncset.done @!p0 $0x0  }
0x202: {  	[sflag:s0] =	ssyncadd.s32 @!p0 s1  }
0x203: {  	[bflag:$0x3] =	sbarrier.arrive $0xFFFF  }
0x204: {  	_ =	shalt  }

// kernel: kernel.9.cloned.1.call-start
scs
__scs_entry_jumppad:
0x0: {  	(pc) =	sbr.rel $0x88, $3  }
0x1: {  	(tag) =	ssettag $0x0;
	lr =	simm.s32 $0x1  }
0x2: {  	[smem:$0x3F93] =	sst lr;
	_ =	strace $0xD0000000  }
0x3: {  	_ = 	snop  }
0x4: {  	_ = 	snop  }
0x5: {  	_ = 	snop  }
0x6: {  	_ = 	snop  }
0x7: {  	_ = 	snop  }
__scs_overlays_trampoline_lowered:
0x8: {  	[smem:$0x3FA2] =	sst s0  }
0x9: {  	[smem:$0x3FA3] =	sst s1  }
0xa: {  	[smem:$0x3FA4] =	sst s2  }
0xb: {  	[smem:$0x3FA5] =	sst s3  }
0xc: {  	[smem:$0x3FA6] =	sst s4  }
0xd: {  	[smem:$0x3FA7] =	sst s5  }
0xe: {  	[smem:$0x3FA8] =	sst s6  }
0xf: {  	[smem:$0x3FA9] =	sst s7  }
0x10: {  	[smem:$0x3FAA] =	sst s8  }
0x11: {  	[smem:$0x3FAB] =	sst s9;
	s0 =	simm.s32 @!p0 $0x0  }
0x12: {  	s1 =	sld [smem:$0x3F91];
	s0 =	simm.s32 @p0 $0x1  }
0x13: {  	[smem:$0x3FAC] =	sst s0;
	s0 =	simm.s32 @!p1 $0x0  }
0x14: {  	s2 =	sld [smem:$0x3F90];
	s0 =	simm.s32 @p1 $0x1  }
0x15: {  	[smem:$0x3FAD] =	sst s0;
	s0 =	simm.s32 @!p2 $0x0  }
0x16: {  	s3 =	sld [smem:$0x3FDB];
	s0 =	simm.s32 @p2 $0x1  }
0x17: {  	s4 =	simm.s32 $0x1BF5;
	[smem:$0x3FAF] =	sst s0  }
0x18: {  	s0 =	sld [smem:$0x3F92];
	_ =	swait.ge [sflag:s4], $0x0  }
0x19: {  	s7 =	sld [smem:$0x3F93]  }
0x1a: {  	s8 =	sadd.s32 $0xFFFFE003, lr  }
0x1b: {  	s9 =	sadd.s32 $0xFFFFFEF7, lr;
	s5 =	simm.s32 $0xFFFFFFFF;
	p2 =	slt.u32 s8, $0xFFFFF086  }
0x1c: {  	p1 =	slt.u32 s9, $0xF7A;
	s5 =	simm.s32 @!p2 $0x0  }
0x1d: {  	s5 =	simm.s32 @p1 $0x1;
	p0 =	seq.s32 s7, s2  }
0x1e: {  	s7 =	smul.u32 @!p0 $0xF7A, s2;
	p2 =	seq.s32 @!p0 s5, $0x0  }
0x1f: {  	s9 =	smul.u32 $0xF7A, s1;
	s8 =	simm.s32 @!p0 $0x1BF5;
	p2 =	por !p2, p0  }
0x20: {  	[sflag:s8] =	ssyncset.s32 @!p0 $0xFFFFF086;
	s6 =	sadd.s32 @!p0 s3, s7;
	s7 =	simm.s32 @!p0 $0x108  }
0x21: {  	s3 =	sadd.s32 s3, s9;
	s6 =	sadd.s32 @!p0 $0x88, s6;
	s7 =	simm.s32 @p2 $0x1082  }
0x22: {  	[simem:s7], [sflag:s8] =	dma.local @!p0 [hbm:s6], $0xF7A  }
0x23: {  	s9 =	sor.u32 $0xD0000000, s2;
	s6 =	simm.s32 $0x108;
	_ =	swait.ge @!p0 [sflag:s8], $0x0  }
0x24: {  	s3 =	sadd.s32 $0x88, s3;
	s6 =	simm.s32 @!p1 $0x1082;
	[sflag:s4] =	ssyncset.s32 $0xFFFFF086  }
0x25: {  	[simem:s6], [sflag:s4] =	dma.local [hbm:s3], $0xF7A  }
0x26: {  	[smem:$0x3F93] =	sst s1;
	(tag) =	ssettag s2;
	_ =	strace s9  }
0x27: {  	s1 =	sld [smem:$0x3FA3]  }
0x28: {  	s2 =	sld [smem:$0x3FA4]  }
0x29: {  	s4 =	sld [smem:$0x3FA6]  }
0x2a: {  	p0 =	seq.s32 s5, $0x0;
	s5 =	sld [smem:$0x3FA7]  }
0x2b: {  	s6 =	sld [smem:$0x3FA8]  }
0x2c: {  	s7 =	sld [smem:$0x3FA9]  }
0x2d: {  	s3 =	simm.s32 $0x108;
	s8 =	sld [smem:$0x3FAA]  }
0x2e: {  	s3 =	simm.s32 @!p0 $0x1082;
	s9 =	sld [smem:$0x3FAB]  }
0x2f: {  	lr =	sadd.s32 s0, s3;
	s0 =	sld [smem:$0x3FA2]  }
0x30: {  	s3 =	sld [smem:$0x3FA5]  }
0x31: {  	[smem:$0x3FAE] =	sst s10  }
0x32: {  	s10 =	sld [smem:$0x3FAC];
	_ =	sdelay $0x3  }
0x33: {  	p0 =	seq.s32 s10, $0x1;
	s10 =	sld [smem:$0x3FAE];
	_ =	sdelay $0x3  }
0x34: {  	[smem:$0x3FAE] =	sst s10  }
0x35: {  	s10 =	sld [smem:$0x3FAD];
	_ =	sdelay $0x3  }
0x36: {  	p1 =	seq.s32 s10, $0x1;
	s10 =	sld [smem:$0x3FAE];
	_ =	sdelay $0x3  }
0x37: {  	[smem:$0x3FAE] =	sst s10  }
0x38: {  	s10 =	sld [smem:$0x3FAF]  }
0x39: {  	_ = 	snop;
	(pc) =	sbr.ind lr, $3  }
0x3a: {  	_ = 	snop  }
0x3b: {  	_ = 	snop  }
0x3c: {  	p2 =	seq.s32 s10, $0x1;
	s10 =	sld [smem:$0x3FAE]  }
0x3d: {  	_ =	shalt  }
0x3e: {  	_ =	shalt  }
0x3f: {  	_ =	shalt  }
0x40: {  	_ =	shalt  }
0x41: {  	_ =	shalt  }
0x42: {  	_ =	shalt  }
0x43: {  	_ =	shalt  }
0x44: {  	_ =	shalt  }
0x45: {  	_ =	shalt  }
0x46: {  	_ =	shalt  }
0x47: {  	_ =	shalt  }
0x48: {  	_ =	shalt  }
0x49: {  	_ =	shalt  }
0x4a: {  	_ =	shalt  }
0x4b: {  	_ =	shalt  }
0x4c: {  	_ =	shalt  }
0x4d: {  	_ =	shalt  }
0x4e: {  	_ =	shalt  }
0x4f: {  	_ =	shalt  }
0x50: {  	_ =	shalt  }
0x51: {  	_ =	shalt  }
0x52: {  	_ =	shalt  }
0x53: {  	_ =	shalt  }
0x54: {  	_ =	shalt  }
0x55: {  	_ =	shalt  }
0x56: {  	_ =	shalt  }
0x57: {  	_ =	shalt  }
0x58: {  	_ =	shalt  }
0x59: {  	_ =	shalt  }
0x5a: {  	_ =	shalt  }
0x5b: {  	_ =	shalt  }
0x5c: {  	_ =	shalt  }
0x5d: {  	_ =	shalt  }
0x5e: {  	_ =	shalt  }
0x5f: {  	_ =	shalt  }
0x60: {  	_ =	shalt  }
0x61: {  	_ =	shalt  }
0x62: {  	_ =	shalt  }
0x63: {  	_ =	shalt  }
0x64: {  	_ =	shalt  }
0x65: {  	_ =	shalt  }
0x66: {  	_ =	shalt  }
0x67: {  	_ =	shalt  }
0x68: {  	_ =	shalt  }
0x69: {  	_ =	shalt  }
0x6a: {  	_ =	shalt  }
0x6b: {  	_ =	shalt  }
0x6c: {  	_ =	shalt  }
0x6d: {  	_ =	shalt  }
0x6e: {  	_ =	shalt  }
0x6f: {  	_ =	shalt  }
0x70: {  	_ =	shalt  }
0x71: {  	_ =	shalt  }
0x72: {  	_ =	shalt  }
0x73: {  	_ =	shalt  }
0x74: {  	_ =	shalt  }
0x75: {  	_ =	shalt  }
0x76: {  	_ =	shalt  }
0x77: {  	_ =	shalt  }
0x78: {  	_ =	shalt  }
0x79: {  	_ =	shalt  }
0x7a: {  	_ =	shalt  }
0x7b: {  	_ =	shalt  }
0x7c: {  	_ =	shalt  }
0x7d: {  	_ =	shalt  }
0x7e: {  	_ =	shalt  }
0x7f: {  	_ =	shalt  }
0x80: {  	_ =	shalt  }
0x81: {  	_ =	shalt  }
0x82: {  	_ =	shalt  }
0x83: {  	_ =	shalt  }
0x84: {  	_ =	shalt  }
0x85: {  	_ =	shalt  }
0x86: {  	_ =	shalt  }
0x87: {  	_ =	shalt  }
.Lfunc_end0:
.L_simem_size_0:
called_computation.1_lowered:
.L_overlay_start_0:
0x88: {  	s2 =	sld [smem:$0x3FD9]  }
0x89: {  	s3 =	sld [smem:$0x3FFE];
	_ =	sdelay $0x1  }
0x8a: {  	s1 =	srdreg.scid  }
0x8b: {  	s0 =	sand.u32 $0x1, s1  }
0x8c: {  	s17 =	sshll.u32 s0, $0xA;
	s2 =	sadd.s32 s3, s2  }
0x8d: {  	s2 =	sadd.s32 s2, s17  }
0x8e: {  	[smem:$0x3FBA] =	sst s2  }
0x8f: {  	_ = 	snop  }
0x90: {  	s2 =	sld [smem:$0x3FD0];
	(tm) =	ssettm $0x1  }
0x91: {  	s18 =	sld [smem:$0x3FFB];
	_ =	sdelay $0x3  }
0x92: {  	_ =	strace s18  }
0x93: {  	s3 =	sld [smem:$0x3FFC];
	_ =	sdelay $0x3  }
0x94: {  	_ =	strace s3  }
0x95: {  	s3 =	sld [smem:$0x3FFD];
	_ =	sdelay $0x3  }
0x96: {  	_ =	strace s3  }
0x97: {  	_ =	strace $0x8FFFFFFF  }
0x98: {  	s19 =	sld [smem:$0x3FDB];
	_ =	sdelay $0x1  }
0x99: {  	s4 =	simm.s32 $_scs_section_size  }
0x9a: {  	s5 =	simm.s32 $_size__tile_overlayer_lowered;
	s6 =	simm.s32 $_tile_overlayer_lowered  }
0x9b: {  	s22 =	simm.s32 $0x1BFF;
	s21 =	sshll.u32 s6, $0x1;
	s3 =	sadd.s32 s4, s19  }
0x9c: {  	s7 =	simm.s32 $0x0;
	s20 =	sshll.u32 s5, $0x1;
	s5 =	sadd.s32 s21, s3  }
0x9d: {  	[timem:s7], [sflag:s22] =	dma.local [hbm:s5], s20  }
0x9e: {  	_ =	swait.ge [sflag:s22], s20  }
0x9f: {  	s4 =	ssub.s32 $0x0, s20;
	[sflag:s22] =	ssyncset.done $0x0  }
0xa0: {  	[sflag:s22] =	ssyncadd.s32 s4;
	_ =	sdelay $0x1  }
0xa1: {  	s23 =	simm.s32 $0x1B8B  }
0xa2: {  	_ =	swait.ge [sflag:s23], $0x1  }
0xa3: {  	[sflag:s23] =	ssyncset.done $0x0  }
0xa4: {  	s25 =	simm.s32 $0x1B8E;
	s24 =	sld [smem:$0x3FFE];
	[sflag:s23] =	ssyncadd.s32 $0xFFFFFFFF  }
0xa5: {  	s26 =	simm.s32 $execute0_lowered;
	[smem:$0x3FD2] =	sst s25  }
0xa6: {  	s5 =	sshll.u32 s26, $0x1;
	_ =	strace $0x8000004F;
	[dreg:$0x1] =	wrdreg $0xFFFFFFFF  }
0xa7: {  	s28 =	simm.s32 $_size_execute0_lowered;
	s3 =	sadd.s32 s3, s5;
	[dreg:$0x0] =	wrdreg $0x0  }
0xa8: {  	s5 =	sshll.u32 s28, $0x1;
	[dreg:$0x2] =	wrdreg s3  }
0xa9: {  	[dreg:$0x3] =	wrdreg s5  }
0xaa: {  	[dreg:$0x4] =	wrdreg $0xC0  }
0xab: {  	_ =	task [dreg:s7], $0x5FFFF  }
0xac: {  	[dreg:$0x1] =	wrdreg $0xFFFFFFFF  }
0xad: {  	[dreg:$0x0] =	wrdreg $0x60  }
0xae: {  	[dreg:$0x2] =	wrdreg s2  }
0xaf: {  	[dreg:$0x3] =	wrdreg s24  }
0xb0: {  	[dreg:$0x4] =	wrdreg $0xC0000  }
0xb1: {  	[dreg:$0x5] =	wrdreg $0x9  }
0xb2: {  	_ =	task.clear_ibuf [dreg:s7], $0x6FFFF;
	_ =	strace $0x9000004F  }
0xb3: {  	s29 =	simm.s32 $0x9;
	_ =	strace $0x80000057  }
0xb4: {  	_ =	swait.ge [sflag:s29], $0x1  }
0xb5: {  	[sflag:s29] =	ssyncadd.s32 $0xFFFFFFFF  }
0xb6: {  	_ =	strace $0x90000057  }
0xb7: {  	_ =	sfence  }
0xb8: {  	s30 =	sld [smem:$0x0];
	_ =	sdelay $0x2  }
0xb9: {  	s31 =	sshll.u32 s1, $0xD;
	s1 =	sshrl.u32 s1, $0x2  }
0xba: {  	s3 =	sand.u32 $0x4000, s31;
	s1 =	sadd.s32 s1, s30  }
0xbb: {  	s0 =	sor.u32 s3, s0;
	s1 =	sshll.u32 s1, $0x11  }
0xbc: {  	s0 =	sor.u32 s1, s0  }
0xbd: {  	s0 =	sadd.s32 $0x8F2B, s0  }
0xbe: {  	[sflag:s0] =	ssyncadd.remote.s32 $0x1  }
0xbf: {  	_ =	sfence.sel $0xFFFF  }
0xc0: {  	[dreg:$0x0] =	wrdreg $0xFFFFFFFF;
	(pc) =	sbr.abs _section_cstart, $3  }
0xc1: {  	[dreg:$0x1] =	wrdreg $0xFFFFFFFF  }
0xc2: {  	_ =	task.clear_ibuf [dreg:s7], $0x2FFFF;
	_ =	strace $0x9FFFFFFF  }
0xc3: {  	(tm) =	ssettm $0x7FFFFFFF  }
tec
execute0_lowered:
.L_overlay_start_1:
0x0: {  	(tag) =	ssettag $0x1  }
0x1: {  	s1 =	rddreg [dreg:$0x0]  }
0x2: {  	s0 =	rddreg [dreg:$0x1]  }
0x3: {  	s2 =	rddreg [dreg:$0x2];
	s4 =	simm.s32 $0x0;
	s3 =	srdreg.scid  }
0x4: {  	s14 =	stileid.u32;
	s29 =	simm.s32 $0x4800;
	s31 =	simm.s32 $0x7000  }
0x5: {  	[smem:$0x7FF] =	sst s4;
	s3 =	sand.u32 $0x1, s3;
	s7 =	smul.u32 $0x4F000, s14  }
0x6: {  	s8 =	sadd.s32 $0x3C00, s0;
	s11 =	sadd.s32 $0x13600, s0;
	_ =	strace $0x80000050  }
0x7: {  	s5 =	ssub.s32 $0x2, s3;
	s6 =	sshll.u32 s3, $0x4;
	p0 =	seq.s32 s3, $0x1  }
0x8: {  	s3 =	simm.s32 $0x4A800;
	s9 =	sshrl.u32 s5, $0x1;
	s6 =	sor.u32 s14, s6  }
0x9: {  	s28 =	sshrl.u32 s7, $0x2;
	s3 =	simm.s32 @!p0 $0x23000;
	s30 =	sshll.u32 s6, $0xB  }
0xa: {  	s9 =	ssub.s32 s5, s9;
	s5 =	sadd.s32 s28, s2;
	s7 =	sadd.s32 s30, s11  }
0xb: {  	s14 =	smul.u32 $0x2780, s14;
	s12 =	sadd.s32 $0x2800, s5;
	[dreg:$0x5] =	wrdreg s7  }
0xc: {  	s10 =	sshll.u32 s6, $0x2;
	s13 =	sadd.s32 $0x5000, s5;
	[dreg:$0x6] =	wrdreg s12  }
0xd: {  	s0 =	sadd.s32 s3, s0;
	s16 =	sadd.s32 $0x7800, s5;
	[dreg:$0x7] =	wrdreg s13  }
0xe: {  	p0 =	seq.s32 s6, $0x1F;
	s17 =	sadd.s32 $0xA000, s5;
	[dreg:$0x8] =	wrdreg s16  }
0xf: {  	s3 =	simm.s32 $0x6;
	s18 =	sadd.s32 $0xC800, s5;
	[dreg:$0x9] =	wrdreg s17  }
0x10: {  	s15 =	sadd.s32 s8, s30;
	s19 =	sadd.s32 $0xF000, s5;
	[dreg:$0xa] =	wrdreg s18  }
0x11: {  	s20 =	sadd.s32 $0x11800, s5;
	s21 =	sor.u32 $0x2, s10;
	[dreg:$0xb] =	wrdreg s19  }
0x12: {  	s0 =	sadd.s32 s0, s14;
	s30 =	smax.u32 s9, $0x1;
	[dreg:$0xc] =	wrdreg s20  }
0x13: {  	s9 =	simm.s32 $0x280;
	s14 =	simm.s32 $0x8;
	[dreg:$0x12] =	wrdreg s0  }
0x14: {  	s10 =	sshll.u32 s21, $0x9;
	s12 =	sshllo.u32 s6, $0x2;
	[dreg:$0x4] =	wrdreg s15  }
0x15: {  	s26 =	sadd.s32 $0x200, s15;
	s28 =	sadd.s32 $0xFC00, s15;
	[dreg:$0x14] =	wrdreg s30  }
0x16: {  	p1 =	sgt.u32 s21, $0x7C;
	s0 =	simm.s32 $0x9800;
	s15 =	simm.s32 $0x1  }
0x17: {  	s17 =	simm.s32 $0x5;
	s18 =	simm.s32 $0x2;
	s21 =	simm.s32 $0x200  }
0x18: {  	s7 =	simm.s32 $0x3;
	s20 =	simm.s32 $0x0;
	s13 =	sshll.u32 s12, $0x9  }
0x19: {  	s22 =	sadd.s32 s8, s10;
	s23 =	sadd.s32 s10, s11;
	[dreg:$0x11] =	wrdreg s26  }
0x1a: {  	[dreg:$0x13] =	wrdreg s28;
	p2 =	sgt.u32 s12, $0x7C;
	s26 =	simm.s32 $0x2000  }
.Ltmp0:
0x1b: {  	s10 =	simm.s32 $0x7;
	[dreg:$0xd] =	wrdreg s22;
	(pc) =	sbr.rel .LBB2_1-.Ltmp0, $4  }
0x1c: {  	s12 =	simm.s32 $0x1180;
	[dreg:$0xe] =	wrdreg s23;
	s24 =	sadd.s32 s8, s13  }
0x1d: {  	s25 =	sadd.s32 s13, s11;
	s23 =	simm.s32 $0x9;
	s8 =	simm.s32 $0x1100  }
0x1e: {  	s11 =	simm.s32 $0x4;
	s13 =	simm.s32 $0x300;
	[dreg:$0xf] =	wrdreg s24  }
0x1f: {  	v0 =	vimm.f32 $0.0e+00;
	[dreg:$0x10] =	wrdreg s25;
	s24 =	simm.s32 $0x1000;
	s25 =	simm.s32 $0x50  }
.LBB2_20:
0x20: {  	_ =	swait.ge [sflag:s14], $0x2800  }
0x21: {  	[sflag:s14] =	ssyncset.done $0x0  }
0x22: {  	[sflag:s14] =	ssyncadd.s32 $0xFFFFD800  }
.LBB2_21:
0x23: {  	_ =	strace $0x90000055  }
0x24: {  	s6 =	stileid.u32;
	[bflag:$0x0] =	sbarrier.arrive $0xFFFF  }
0x25: {  	s6 =	sshll.u32 s6, $0x6;
	_ =	strace $0x80000056  }
0x26: {  	s16 =	sshrl.u32 s5, $0x3;
	s6 =	sor.u32 $0x1C09, s6;
	s19 =	rddreg [dreg:$0x12]  }
0x27: {  	[hbm:s19], [sflag:s6] =	dma.local [spmem:s16], $0x2780  }
0x28: {  	_ =	swait.ge [sflag:s23], $0x2780  }
0x29: {  	s20 =	sadd.s32 $0x1, s20;
	s30 =	rddreg [dreg:$0x14]  }
0x2a: {  	p3 =	sne.s32 s20, s30  }
.Ltmp1:
0x2b: {  	_ = 	snop;
	(pc) =	sbr.rel @!p3 .LBB2_22-.Ltmp1, $4  }
0x2c: {  	_ = 	snop  }
0x2d: {  	[sflag:s23] =	ssyncset.done $0x0  }
0x2e: {  	[sflag:s23] =	ssyncadd.s32 $0xFFFFD880  }
0x2f: {  	_ =	strace $0x90000056  }
.LBB2_1:
0x30: {  	s6 =	rddreg [dreg:$0x4]  }
0x31: {  	[tilespmem:s4], [sflag:$0x9] =	stream.linear.gather [hbm4b:s6+s4], $0x1000, $0x38;
	[tilespmem:$0x1FC00] =	vst v63  }
0x32: {  	_ =	swait.ge [sflag:s23], $0x1000  }
0x33: {  	[sflag:s23] =	ssyncset.done $0x0  }
0x34: {  	s22 =	rddreg [dreg:$0x5];
	[sflag:s23] =	ssyncadd.s32 $0xFFFFF000  }
0x35: {  	[tilespmem:s24], [sflag:$0x9] =	stream.linear.gather [hbm4b:s22+s4], $0x1000, $0x38;
	[tilespmem:$0x1FC00] =	vst v63  }
0x36: {  	_ =	swait.ge [sflag:s23], $0x1000  }
0x37: {  	[sflag:s23] =	ssyncset.done $0x0  }
0x38: {  	[sflag:s23] =	ssyncadd.s32 $0xFFFFF000  }
0x39: {  	[tilespmem:s26], [sflag:$0x1] =	stream.indirect.gather [hbm4b:s1+s25], $0x80, s4, s25, $0xb8;
	[tilespmem:$0x1FC00] =	vst v63  }
0x3a: {  	s28 =	simm.s32 $0x80  }
0x3b: {  	[tilespmem:s29], [sflag:$0x2] =	stream.indirect.gather [hbm4b:s1+s25], $0x80, s28, s25, $0xb8;
	[tilespmem:$0x1FC00] =	vst v63  }
0x3c: {  	s30 =	simm.s32 $0x100  }
0x3d: {  	[tilespmem:s31], [sflag:$0x3] =	stream.indirect.gather [hbm4b:s1+s25], $0x80, s30, s25, $0xb8;
	[tilespmem:$0x1FC00] =	vst v63  }
0x3e: {  	s6 =	simm.s32 $0x0;
	s22 =	simm.s32 $0x200;
	_ =	strace $0x80000051  }
.LBB2_2:
0x3f: {  	p3 =	sne.s32 s22, $0x9E00;
	[tilespmem:s6+$0x9870] =	vst v0  }
0x40: {  	[tilespmem:s6+$0x9800] =	vst v0  }
0x41: {  	[tilespmem:s6+$0x9810] =	vst v0  }
.Ltmp2:
0x42: {  	[tilespmem:s6+$0x9820] =	vst v0;
	(pc) =	sbr.rel @p3 .LBB2_2-.Ltmp2, $4  }
0x43: {  	[tilespmem:s6+$0x9830] =	vst v0  }
0x44: {  	[tilespmem:s6+$0x9840] =	vst v0  }
0x45: {  	[tilespmem:s6+$0x9850] =	vst v0  }
0x46: {  	[tilespmem:s6+$0x9860] =	vst v0;
	s6 =	sshra.s32 s22, $0x2;
	s22 =	sadd.s32 $0x200, s22  }
0x47: {  	[tilespmem:s6+$0x9870] =	vst v0  }
0x48: {  	[tilespmem:s6+$0x9800] =	vst v0  }
0x49: {  	[tilespmem:s6+$0x9810] =	vst v0  }
0x4a: {  	[tilespmem:s6+$0x9820] =	vst v0  }
0x4b: {  	[tilespmem:s6+$0x9830] =	vst v0  }
0x4c: {  	[tilespmem:s6+$0x9840] =	vst v0  }
0x4d: {  	[tilespmem:s6+$0x9850] =	vst v0  }
0x4e: {  	[tilespmem:s6+$0x9860] =	vst v0  }
0x4f: {  	[spmem:s5] =	stream.linear.scatter [tilespmem:s0], [sflag:$0x9], $0x2800, $0x200038;
	[tilespmem:$0x1FC00] =	vst v63  }
0x50: {  	_ =	swait.ge [sflag:s23], $0x2800  }
0x51: {  	[sflag:s23] =	ssyncset.done $0x0  }
0x52: {  	s19 =	rddreg [dreg:$0x6];
	[sflag:s23] =	ssyncadd.s32 $0xFFFFD800  }
0x53: {  	[spmem:s19] =	stream.linear.scatter [tilespmem:s0], [sflag:$0x9], $0x2800, $0x200038;
	[tilespmem:$0x1FC00] =	vst v63  }
0x54: {  	_ =	swait.ge [sflag:s23], $0x2800  }
0x55: {  	[sflag:s23] =	ssyncset.done $0x0  }
0x56: {  	s22 =	rddreg [dreg:$0x7];
	[sflag:s23] =	ssyncadd.s32 $0xFFFFD800  }
0x57: {  	[spmem:s22] =	stream.linear.scatter [tilespmem:s0], [sflag:$0x9], $0x2800, $0x200038;
	[tilespmem:$0x1FC00] =	vst v63  }
0x58: {  	_ =	swait.ge [sflag:s23], $0x2800  }
0x59: {  	[sflag:s23] =	ssyncset.done $0x0  }
0x5a: {  	s28 =	rddreg [dreg:$0x8];
	[sflag:s23] =	ssyncadd.s32 $0xFFFFD800  }
0x5b: {  	[spmem:s28] =	stream.linear.scatter [tilespmem:s0], [sflag:$0x9], $0x2800, $0x200038;
	[tilespmem:$0x1FC00] =	vst v63  }
0x5c: {  	_ =	swait.ge [sflag:s23], $0x2800  }
0x5d: {  	[sflag:s23] =	ssyncset.done $0x0  }
0x5e: {  	s30 =	rddreg [dreg:$0x9];
	[sflag:s23] =	ssyncadd.s32 $0xFFFFD800  }
0x5f: {  	[spmem:s30] =	stream.linear.scatter [tilespmem:s0], [sflag:$0x9], $0x2800, $0x200038;
	[tilespmem:$0x1FC00] =	vst v63  }
0x60: {  	_ =	swait.ge [sflag:s23], $0x2800  }
0x61: {  	[sflag:s23] =	ssyncset.done $0x0  }
0x62: {  	s16 =	rddreg [dreg:$0xa];
	[sflag:s23] =	ssyncadd.s32 $0xFFFFD800  }
0x63: {  	[spmem:s16] =	stream.linear.scatter [tilespmem:s0], [sflag:$0x9], $0x2800, $0x200038;
	[tilespmem:$0x1FC00] =	vst v63  }
0x64: {  	_ =	swait.ge [sflag:s23], $0x2800  }
0x65: {  	[sflag:s23] =	ssyncset.done $0x0  }
0x66: {  	s19 =	rddreg [dreg:$0xb];
	[sflag:s23] =	ssyncadd.s32 $0xFFFFD800  }
0x67: {  	[spmem:s19] =	stream.linear.scatter [tilespmem:s0], [sflag:$0x9], $0x2800, $0x200038;
	[tilespmem:$0x1FC00] =	vst v63  }
0x68: {  	_ =	swait.ge [sflag:s23], $0x2800  }
0x69: {  	[sflag:s23] =	ssyncset.done $0x0  }
0x6a: {  	s22 =	rddreg [dreg:$0xc];
	[sflag:s23] =	ssyncadd.s32 $0xFFFFD800  }
0x6b: {  	[spmem:s22] =	stream.linear.scatter [tilespmem:s0], [sflag:$0x9], $0x2400, $0x200038;
	[tilespmem:$0x1FC00] =	vst v63  }
0x6c: {  	_ =	swait.ge [sflag:s23], $0x2400  }
0x6d: {  	[sflag:s23] =	ssyncset.done $0x0  }
0x6e: {  	[sflag:s23] =	ssyncadd.s32 $0xFFFFDC00  }
0x6f: {  	[bflag:$0x0] =	sbarrier.arrive $0xFFFF  }
0x70: {  	_ =	strace $0x90000051  }
0x71: {  	_ =	strace $0x80000052  }
0x72: {  	_ =	swait.ge [sflag:s15], $0x2800  }
0x73: {  	[sflag:s15] =	ssyncset.done $0x0  }
0x74: {  	[sflag:s15] =	ssyncadd.s32 $0xFFFFD800  }
0x75: {  	[spmem:s2] =	stream.indirect.scatter.add.f32 [tilespmem:s26], [sflag:$0x5], $0x80, s24, s25, $0x2000b8;
	[tilespmem:$0x1FC00] =	vst v63  }
0x76: {  	s28 =	simm.s32 $0x180  }
0x77: {  	[tilespmem:s0], [sflag:$0x4] =	stream.indirect.gather [hbm4b:s1+s25], $0x80, s28, s25, $0x2000b8;
	[tilespmem:$0x1FC00] =	vst v63  }
0x78: {  	_ =	swait.ge [sflag:s17], $0x2800  }
0x79: {  	[sflag:s17] =	ssyncset.done $0x0  }
0x7a: {  	[sflag:s17] =	ssyncadd.s32 $0xFFFFD800  }
0x7b: {  	_ =	swait.ge [sflag:s18], $0x2800  }
0x7c: {  	[sflag:s18] =	ssyncset.done $0x0  }
0x7d: {  	s30 =	simm.s32 $0x1080;
	[sflag:s18] =	ssyncadd.s32 $0xFFFFD800  }
0x7e: {  	[spmem:s2] =	stream.indirect.scatter.add.f32 [tilespmem:s29], [sflag:$0x6], $0x80, s30, s25, $0x2000b8;
	[tilespmem:$0x1FC00] =	vst v63  }
0x7f: {  	_ = 	snop  }
0x80: {  	[tilespmem:s26], [sflag:$0x1] =	stream.indirect.gather [hbm4b:s1+s25], $0x80, s21, s25, $0x2000b8;
	[tilespmem:$0x1FC00] =	vst v63  }
0x81: {  	_ =	swait.ge [sflag:s3], $0x2800  }
0x82: {  	[sflag:s3] =	ssyncset.done $0x0  }
0x83: {  	[sflag:s3] =	ssyncadd.s32 $0xFFFFD800  }
0x84: {  	_ =	swait.ge [sflag:s7], $0x2800  }
0x85: {  	[sflag:s7] =	ssyncset.done $0x0  }
0x86: {  	[sflag:s7] =	ssyncadd.s32 $0xFFFFD800  }
0x87: {  	[spmem:s2] =	stream.indirect.scatter.add.f32 [tilespmem:s31], [sflag:$0x7], $0x80, s8, s25, $0x2000b8;
	[tilespmem:$0x1FC00] =	vst v63  }
0x88: {  	_ = 	snop  }
0x89: {  	[tilespmem:s29], [sflag:$0x2] =	stream.indirect.gather [hbm4b:s1+s25], $0x80, s9, s25, $0x2000b8;
	[tilespmem:$0x1FC00] =	vst v63  }
0x8a: {  	_ =	swait.ge [sflag:s10], $0x2800  }
0x8b: {  	[sflag:s10] =	ssyncset.done $0x0  }
0x8c: {  	[sflag:s10] =	ssyncadd.s32 $0xFFFFD800  }
0x8d: {  	_ =	swait.ge [sflag:s11], $0x2800  }
0x8e: {  	[sflag:s11] =	ssyncset.done $0x0  }
0x8f: {  	[sflag:s11] =	ssyncadd.s32 $0xFFFFD800  }
0x90: {  	[spmem:s2] =	stream.indirect.scatter.add.f32 [tilespmem:s0], [sflag:$0x8], $0x80, s12, s25, $0x2000b8;
	[tilespmem:$0x1FC00] =	vst v63  }
0x91: {  	s22 =	simm.s32 $0x0  }
0x92: {  	[tilespmem:s31], [sflag:$0x3] =	stream.indirect.gather [hbm4b:s1+s25], $0x80, s13, s25, $0x2000b8;
	[tilespmem:$0x1FC00] =	vst v63  }
.LBB2_4:
0x93: {  	_ =	swait.ge [sflag:s14], $0x2800  }
0x94: {  	[sflag:s14] =	ssyncset.done $0x0  }
0x95: {  	[sflag:s14] =	ssyncadd.s32 $0xFFFFD800  }
0x96: {  	_ =	swait.ge [sflag:s15], $0x2800  }
0x97: {  	s6 =	sshra.s32 s22, $0x2;
	[sflag:s15] =	ssyncset.done $0x0  }
0x98: {  	s28 =	sadd.s32 $0x1200, s6;
	[sflag:s15] =	ssyncadd.s32 $0xFFFFD800  }
0x99: {  	[spmem:s2] =	stream.indirect.scatter.add.f32 [tilespmem:s26], [sflag:$0x5], $0x80, s28, s25, $0x2000b8;
	[tilespmem:$0x1FC00] =	vst v63  }
0x9a: {  	s16 =	sadd.s32 $0x380, s6  }
0x9b: {  	[tilespmem:s0], [sflag:$0x4] =	stream.indirect.gather [hbm4b:s1+s25], $0x80, s16, s25, $0x2000b8;
	[tilespmem:$0x1FC00] =	vst v63  }
0x9c: {  	_ =	swait.ge [sflag:s17], $0x2800  }
0x9d: {  	[sflag:s17] =	ssyncset.done $0x0  }
0x9e: {  	[sflag:s17] =	ssyncadd.s32 $0xFFFFD800  }
0x9f: {  	_ =	swait.ge [sflag:s18], $0x2800  }
0xa0: {  	p3 =	seq.s32 s22, $0x3000;
	[sflag:s18] =	ssyncset.done $0x0  }
0xa1: {  	s19 =	sadd.s32 $0x1280, s6;
	s28 =	simm.s32 @p3 $0x6;
	[sflag:s18] =	ssyncadd.s32 $0xFFFFD800  }
0xa2: {  	[spmem:s2] =	stream.indirect.scatter.add.f32 [tilespmem:s29], [sflag:$0x6], $0x80, s19, s25, $0x2000b8;
	[tilespmem:$0x1FC00] =	vst v63  }
0xa3: {  	_ =	swait.ge @p3 [sflag:s28], $0x2800  }
0xa4: {  	[sflag:s28] =	ssyncset.done @p3 $0x0  }
0xa5: {  	[sflag:s28] =	ssyncadd.s32 @p3 $0xFFFFD800;
	s28 =	simm.s32 @p3 $0x3  }
0xa6: {  	_ =	swait.ge @p3 [sflag:s28], $0x2800  }
0xa7: {  	[sflag:s28] =	ssyncset.done @p3 $0x0  }
0xa8: {  	[sflag:s28] =	ssyncadd.s32 @p3 $0xFFFFD800;
	s28 =	sshra.s32 @p3 s22, $0x2  }
0xa9: {  	s30 =	simm.s32 @p3 $0x50;
	s16 =	simm.s32 @p3 $0x7000;
	s28 =	sadd.s32 @p3 $0x1300, s28  }
0xaa: {  	[spmem:s2] =	stream.indirect.scatter.add.f32 @p3 [tilespmem:s16], [sflag:$0x7], $0x80, s28, s30, $0x2000b8;
	[tilespmem:$0x1FC00] =	vst v63  }
0xab: {  	s16 =	sshra.s32 @!p3 s22, $0x2  }
0xac: {  	s19 =	simm.s32 @!p3 $0x2000;
	s30 =	simm.s32 @!p3 $0x50;
	s28 =	sadd.s32 @!p3 $0x400, s16  }
0xad: {  	[tilespmem:s19], [sflag:$0x1] =	stream.indirect.gather @!p3 [hbm4b:s1+s30], $0x80, s28, s30, $0x2000b8;
	[tilespmem:$0x1FC00] =	vst v63  }
0xae: {  	s19 =	simm.s32 @!p3 $0x6  }
0xaf: {  	_ =	swait.ge @!p3 [sflag:s19], $0x2800  }
0xb0: {  	[sflag:s19] =	ssyncset.done @!p3 $0x0  }
0xb1: {  	[sflag:s19] =	ssyncadd.s32 @!p3 $0xFFFFD800;
	s19 =	simm.s32 @!p3 $0x3  }
0xb2: {  	_ =	swait.ge @!p3 [sflag:s19], $0x2800  }
0xb3: {  	[sflag:s19] =	ssyncset.done @!p3 $0x0  }
0xb4: {  	s28 =	simm.s32 @!p3 $0x7000;
	[sflag:s19] =	ssyncadd.s32 @!p3 $0xFFFFD800;
	s19 =	sadd.s32 @!p3 $0x1300, s16  }
0xb5: {  	[spmem:s2] =	stream.indirect.scatter.add.f32 @!p3 [tilespmem:s28], [sflag:$0x7], $0x80, s19, s30, $0x2000b8;
	[tilespmem:$0x1FC00] =	vst v63  }
0xb6: {  	s16 =	sadd.s32 @!p3 $0x480, s16;
	s19 =	simm.s32 @!p3 $0x4800  }
0xb7: {  	[tilespmem:s19], [sflag:$0x2] =	stream.indirect.gather @!p3 [hbm4b:s1+s30], $0x80, s16, s30, $0x2000b8;
	[tilespmem:$0x1FC00] =	vst v63  }
0xb8: {  	_ =	swait.ge [sflag:s10], $0x2800  }
0xb9: {  	[sflag:s10] =	ssyncset.done $0x0  }
.Ltmp3:
0xba: {  	[sflag:s10] =	ssyncadd.s32 $0xFFFFD800;
	(pc) =	sbr.rel @p3 .LBB2_6-.Ltmp3, $4  }
0xbb: {  	_ =	swait.ge [sflag:s11], $0x2800  }
0xbc: {  	[sflag:s11] =	ssyncset.done $0x0  }
0xbd: {  	s30 =	sadd.s32 $0x1380, s6;
	[sflag:s11] =	ssyncadd.s32 $0xFFFFD800  }
0xbe: {  	[spmem:s2] =	stream.indirect.scatter.add.f32 [tilespmem:s0], [sflag:$0x8], $0x80, s30, s25, $0x2000b8;
	[tilespmem:$0x1FC00] =	vst v63  }
.Ltmp4:
0xbf: {  	(pc) =	sbr.rel .LBB2_4-.Ltmp4, $3  }
0xc0: {  	_ =	sdelay $0x1  }
0xc1: {  	s6 =	sadd.s32 $0x500, s6;
	s22 =	sadd.s32 $0x800, s22  }
0xc2: {  	[tilespmem:s31], [sflag:$0x3] =	stream.indirect.gather [hbm4b:s1+s25], $0x80, s6, s25, $0x2000b8;
	[tilespmem:$0x1FC00] =	vst v63  }
.LBB2_6:
.Ltmp5:
0xc3: {  	_ =	swait.ge [sflag:s14], $0x2800;
	(pc) =	sbr.rel @p0 .LBB2_11-.Ltmp5, $4  }
0xc4: {  	[sflag:s14] =	ssyncset.done $0x0  }
0xc5: {  	[sflag:s14] =	ssyncadd.s32 $0xFFFFD800  }
0xc6: {  	_ =	strace $0x90000052  }
0xc7: {  	_ =	strace $0x80000053  }
0xc8: {  	s22 =	simm.s32 $0x0;
	s6 =	rddreg [dreg:$0x11]  }
0xc9: {  	[tilespmem:s22], [sflag:$0x9] =	stream.linear.gather [hbm4b:s6+s22], $0x1000, $0x200038;
	[tilespmem:$0x1FC00] =	vst v63  }
0xca: {  	_ =	swait.ge [sflag:s23], $0x1000  }
0xcb: {  	[sflag:s23] =	ssyncset.done $0x0  }
0xcc: {  	s30 =	rddreg [dreg:$0x13];
	[sflag:s23] =	ssyncadd.s32 $0xFFFFF000  }
0xcd: {  	[tilespmem:s24], [sflag:$0x9] =	stream.linear.gather [hbm4b:s30+s22], $0x1000, $0x200038;
	[tilespmem:$0x1FC00] =	vst v63  }
0xce: {  	_ =	swait.ge [sflag:s23], $0x1000  }
0xcf: {  	[sflag:s23] =	ssyncset.done $0x0  }
0xd0: {  	[sflag:s23] =	ssyncadd.s32 $0xFFFFF000  }
0xd1: {  	[tilespmem:s26], [sflag:$0x1] =	stream.indirect.gather [hbm4b:s1+s25], $0x80, s22, s25, $0x2000b8;
	[tilespmem:$0x1FC00] =	vst v63  }
0xd2: {  	s16 =	simm.s32 $0x80  }
0xd3: {  	[tilespmem:s29], [sflag:$0x2] =	stream.indirect.gather [hbm4b:s1+s25], $0x80, s16, s25, $0x2000b8;
	[tilespmem:$0x1FC00] =	vst v63  }
0xd4: {  	s19 =	simm.s32 $0x100  }
0xd5: {  	[tilespmem:s31], [sflag:$0x3] =	stream.indirect.gather [hbm4b:s1+s25], $0x80, s19, s25, $0x2000b8;
	[tilespmem:$0x1FC00] =	vst v63  }
0xd6: {  	_ =	swait.ge [sflag:s15], $0x2800  }
0xd7: {  	[sflag:s15] =	ssyncset.done $0x0  }
0xd8: {  	[sflag:s15] =	ssyncadd.s32 $0xFFFFD800  }
0xd9: {  	[spmem:s2] =	stream.indirect.scatter.add.f32 [tilespmem:s26], [sflag:$0x5], $0x80, s24, s25, $0x2000b8;
	[tilespmem:$0x1FC00] =	vst v63  }
0xda: {  	s28 =	simm.s32 $0x180  }
0xdb: {  	[tilespmem:s0], [sflag:$0x4] =	stream.indirect.gather [hbm4b:s1+s25], $0x80, s28, s25, $0x2000b8;
	[tilespmem:$0x1FC00] =	vst v63  }
0xdc: {  	_ =	swait.ge [sflag:s17], $0x2800  }
0xdd: {  	[sflag:s17] =	ssyncset.done $0x0  }
0xde: {  	[sflag:s17] =	ssyncadd.s32 $0xFFFFD800  }
0xdf: {  	_ =	swait.ge [sflag:s18], $0x2800  }
0xe0: {  	[sflag:s18] =	ssyncset.done $0x0  }
0xe1: {  	s30 =	simm.s32 $0x1080;
	[sflag:s18] =	ssyncadd.s32 $0xFFFFD800  }
0xe2: {  	[spmem:s2] =	stream.indirect.scatter.add.f32 [tilespmem:s29], [sflag:$0x6], $0x80, s30, s25, $0x2000b8;
	[tilespmem:$0x1FC00] =	vst v63  }
0xe3: {  	_ = 	snop  }
0xe4: {  	[tilespmem:s26], [sflag:$0x1] =	stream.indirect.gather [hbm4b:s1+s25], $0x80, s21, s25, $0x2000b8;
	[tilespmem:$0x1FC00] =	vst v63  }
0xe5: {  	_ =	swait.ge [sflag:s3], $0x2800  }
0xe6: {  	[sflag:s3] =	ssyncset.done $0x0  }
0xe7: {  	[sflag:s3] =	ssyncadd.s32 $0xFFFFD800  }
0xe8: {  	_ =	swait.ge [sflag:s7], $0x2800  }
0xe9: {  	[sflag:s7] =	ssyncset.done $0x0  }
0xea: {  	[sflag:s7] =	ssyncadd.s32 $0xFFFFD800  }
0xeb: {  	[spmem:s2] =	stream.indirect.scatter.add.f32 [tilespmem:s31], [sflag:$0x7], $0x80, s8, s25, $0x2000b8;
	[tilespmem:$0x1FC00] =	vst v63  }
0xec: {  	_ = 	snop  }
0xed: {  	[tilespmem:s29], [sflag:$0x2] =	stream.indirect.gather [hbm4b:s1+s25], $0x80, s9, s25, $0x2000b8;
	[tilespmem:$0x1FC00] =	vst v63  }
0xee: {  	_ =	swait.ge [sflag:s10], $0x2800  }
0xef: {  	[sflag:s10] =	ssyncset.done $0x0  }
0xf0: {  	[sflag:s10] =	ssyncadd.s32 $0xFFFFD800  }
0xf1: {  	_ =	swait.ge [sflag:s11], $0x2800  }
0xf2: {  	[sflag:s11] =	ssyncset.done $0x0  }
0xf3: {  	[sflag:s11] =	ssyncadd.s32 $0xFFFFD800  }
0xf4: {  	[spmem:s2] =	stream.indirect.scatter.add.f32 [tilespmem:s0], [sflag:$0x8], $0x80, s12, s25, $0x2000b8;
	[tilespmem:$0x1FC00] =	vst v63  }
0xf5: {  	_ = 	snop  }
0xf6: {  	[tilespmem:s31], [sflag:$0x3] =	stream.indirect.gather [hbm4b:s1+s25], $0x80, s13, s25, $0x2000b8;
	[tilespmem:$0x1FC00] =	vst v63  }
.LBB2_8:
0xf7: {  	_ =	swait.ge [sflag:s14], $0x2800  }
0xf8: {  	[sflag:s14] =	ssyncset.done $0x0  }
0xf9: {  	[sflag:s14] =	ssyncadd.s32 $0xFFFFD800  }
0xfa: {  	_ =	swait.ge [sflag:s15], $0x2800  }
0xfb: {  	s6 =	sshra.s32 s22, $0x2;
	[sflag:s15] =	ssyncset.done $0x0  }
0xfc: {  	s16 =	sadd.s32 $0x1200, s6;
	[sflag:s15] =	ssyncadd.s32 $0xFFFFD800  }
0xfd: {  	[spmem:s2] =	stream.indirect.scatter.add.f32 [tilespmem:s26], [sflag:$0x5], $0x80, s16, s25, $0x2000b8;
	[tilespmem:$0x1FC00] =	vst v63  }
0xfe: {  	s19 =	sadd.s32 $0x380, s6  }
0xff: {  	[tilespmem:s0], [sflag:$0x4] =	stream.indirect.gather [hbm4b:s1+s25], $0x80, s19, s25, $0x2000b8;
	[tilespmem:$0x1FC00] =	vst v63  }
0x100: {  	_ =	swait.ge [sflag:s17], $0x2800  }
0x101: {  	[sflag:s17] =	ssyncset.done $0x0  }
0x102: {  	[sflag:s17] =	ssyncadd.s32 $0xFFFFD800  }
0x103: {  	_ =	swait.ge [sflag:s18], $0x2800  }
0x104: {  	p3 =	seq.s32 s22, $0x3000;
	[sflag:s18] =	ssyncset.done $0x0  }
0x105: {  	s28 =	sadd.s32 $0x1280, s6;
	s16 =	simm.s32 @p3 $0x6;
	[sflag:s18] =	ssyncadd.s32 $0xFFFFD800  }
0x106: {  	[spmem:s2] =	stream.indirect.scatter.add.f32 [tilespmem:s29], [sflag:$0x6], $0x80, s28, s25, $0x2000b8;
	[tilespmem:$0x1FC00] =	vst v63  }
0x107: {  	_ =	swait.ge @p3 [sflag:s16], $0x2800  }
0x108: {  	[sflag:s16] =	ssyncset.done @p3 $0x0  }
0x109: {  	[sflag:s16] =	ssyncadd.s32 @p3 $0xFFFFD800;
	s16 =	simm.s32 @p3 $0x3  }
0x10a: {  	_ =	swait.ge @p3 [sflag:s16], $0x2800  }
0x10b: {  	[sflag:s16] =	ssyncset.done @p3 $0x0  }
0x10c: {  	[sflag:s16] =	ssyncadd.s32 @p3 $0xFFFFD800;
	s16 =	sshra.s32 @p3 s22, $0x2  }
0x10d: {  	s19 =	simm.s32 @p3 $0x50;
	s28 =	simm.s32 @p3 $0x7000;
	s16 =	sadd.s32 @p3 $0x1300, s16  }
0x10e: {  	[spmem:s2] =	stream.indirect.scatter.add.f32 @p3 [tilespmem:s28], [sflag:$0x7], $0x80, s16, s19, $0x2000b8;
	[tilespmem:$0x1FC00] =	vst v63  }
0x10f: {  	s16 =	sshra.s32 @!p3 s22, $0x2  }
0x110: {  	s30 =	simm.s32 @!p3 $0x2000;
	s28 =	simm.s32 @!p3 $0x50;
	s19 =	sadd.s32 @!p3 $0x400, s16  }
0x111: {  	[tilespmem:s30], [sflag:$0x1] =	stream.indirect.gather @!p3 [hbm4b:s1+s28], $0x80, s19, s28, $0x2000b8;
	[tilespmem:$0x1FC00] =	vst v63  }
0x112: {  	s19 =	simm.s32 @!p3 $0x6  }
0x113: {  	_ =	swait.ge @!p3 [sflag:s19], $0x2800  }
0x114: {  	[sflag:s19] =	ssyncset.done @!p3 $0x0  }
0x115: {  	[sflag:s19] =	ssyncadd.s32 @!p3 $0xFFFFD800;
	s19 =	simm.s32 @!p3 $0x3  }
0x116: {  	_ =	swait.ge @!p3 [sflag:s19], $0x2800  }
0x117: {  	[sflag:s19] =	ssyncset.done @!p3 $0x0  }
0x118: {  	s30 =	simm.s32 @!p3 $0x7000;
	[sflag:s19] =	ssyncadd.s32 @!p3 $0xFFFFD800;
	s19 =	sadd.s32 @!p3 $0x1300, s16  }
0x119: {  	[spmem:s2] =	stream.indirect.scatter.add.f32 @!p3 [tilespmem:s30], [sflag:$0x7], $0x80, s19, s28, $0x2000b8;
	[tilespmem:$0x1FC00] =	vst v63  }
0x11a: {  	s16 =	sadd.s32 @!p3 $0x480, s16;
	s19 =	simm.s32 @!p3 $0x4800  }
0x11b: {  	[tilespmem:s19], [sflag:$0x2] =	stream.indirect.gather @!p3 [hbm4b:s1+s28], $0x80, s16, s28, $0x2000b8;
	[tilespmem:$0x1FC00] =	vst v63  }
0x11c: {  	_ =	swait.ge [sflag:s10], $0x2800  }
0x11d: {  	[sflag:s10] =	ssyncset.done $0x0  }
.Ltmp6:
0x11e: {  	[sflag:s10] =	ssyncadd.s32 $0xFFFFD800;
	(pc) =	sbr.rel @p3 .LBB2_10-.Ltmp6, $4  }
0x11f: {  	_ =	swait.ge [sflag:s11], $0x2800  }
0x120: {  	[sflag:s11] =	ssyncset.done $0x0  }
0x121: {  	s30 =	sadd.s32 $0x1380, s6;
	[sflag:s11] =	ssyncadd.s32 $0xFFFFD800  }
0x122: {  	[spmem:s2] =	stream.indirect.scatter.add.f32 [tilespmem:s0], [sflag:$0x8], $0x80, s30, s25, $0x2000b8;
	[tilespmem:$0x1FC00] =	vst v63  }
.Ltmp7:
0x123: {  	(pc) =	sbr.rel .LBB2_8-.Ltmp7, $3  }
0x124: {  	_ =	sdelay $0x1  }
0x125: {  	s6 =	sadd.s32 $0x500, s6;
	s22 =	sadd.s32 $0x800, s22  }
0x126: {  	[tilespmem:s31], [sflag:$0x3] =	stream.indirect.gather [hbm4b:s1+s25], $0x80, s6, s25, $0x2000b8;
	[tilespmem:$0x1FC00] =	vst v63  }
.LBB2_10:
0x127: {  	_ =	swait.ge [sflag:s14], $0x2800  }
0x128: {  	[sflag:s14] =	ssyncset.done $0x0  }
0x129: {  	[sflag:s14] =	ssyncadd.s32 $0xFFFFD800  }
.LBB2_11:
.Ltmp8:
0x12a: {  	(pc) =	sbr.rel @p1 .LBB2_16-.Ltmp8, $3  }
0x12b: {  	_ =	sdelay $0x1  }
0x12c: {  	_ =	strace $0x90000053  }
0x12d: {  	_ =	strace $0x80000054  }
0x12e: {  	s22 =	simm.s32 $0x0;
	s6 =	rddreg [dreg:$0xd]  }
0x12f: {  	[tilespmem:s22], [sflag:$0x9] =	stream.linear.gather [hbm4b:s6+s22], $0x1000, $0x200038;
	[tilespmem:$0x1FC00] =	vst v63  }
0x130: {  	_ =	swait.ge [sflag:s23], $0x1000  }
0x131: {  	[sflag:s23] =	ssyncset.done $0x0  }
0x132: {  	s30 =	rddreg [dreg:$0xe];
	[sflag:s23] =	ssyncadd.s32 $0xFFFFF000  }
0x133: {  	[tilespmem:s24], [sflag:$0x9] =	stream.linear.gather [hbm4b:s30+s22], $0x1000, $0x200038;
	[tilespmem:$0x1FC00] =	vst v63  }
0x134: {  	_ =	swait.ge [sflag:s23], $0x1000  }
0x135: {  	[sflag:s23] =	ssyncset.done $0x0  }
0x136: {  	[sflag:s23] =	ssyncadd.s32 $0xFFFFF000  }
0x137: {  	[tilespmem:s26], [sflag:$0x1] =	stream.indirect.gather [hbm4b:s1+s25], $0x80, s22, s25, $0x2000b8;
	[tilespmem:$0x1FC00] =	vst v63  }
0x138: {  	s16 =	simm.s32 $0x80  }
0x139: {  	[tilespmem:s29], [sflag:$0x2] =	stream.indirect.gather [hbm4b:s1+s25], $0x80, s16, s25, $0x2000b8;
	[tilespmem:$0x1FC00] =	vst v63  }
0x13a: {  	s19 =	simm.s32 $0x100  }
0x13b: {  	[tilespmem:s31], [sflag:$0x3] =	stream.indirect.gather [hbm4b:s1+s25], $0x80, s19, s25, $0x2000b8;
	[tilespmem:$0x1FC00] =	vst v63  }
0x13c: {  	_ =	swait.ge [sflag:s15], $0x2800  }
0x13d: {  	[sflag:s15] =	ssyncset.done $0x0  }
0x13e: {  	[sflag:s15] =	ssyncadd.s32 $0xFFFFD800  }
0x13f: {  	[spmem:s2] =	stream.indirect.scatter.add.f32 [tilespmem:s26], [sflag:$0x5], $0x80, s24, s25, $0x2000b8;
	[tilespmem:$0x1FC00] =	vst v63  }
0x140: {  	s28 =	simm.s32 $0x180  }
0x141: {  	[tilespmem:s0], [sflag:$0x4] =	stream.indirect.gather [hbm4b:s1+s25], $0x80, s28, s25, $0x2000b8;
	[tilespmem:$0x1FC00] =	vst v63  }
0x142: {  	_ =	swait.ge [sflag:s17], $0x2800  }
0x143: {  	[sflag:s17] =	ssyncset.done $0x0  }
0x144: {  	[sflag:s17] =	ssyncadd.s32 $0xFFFFD800  }
0x145: {  	_ =	swait.ge [sflag:s18], $0x2800  }
0x146: {  	[sflag:s18] =	ssyncset.done $0x0  }
0x147: {  	s30 =	simm.s32 $0x1080;
	[sflag:s18] =	ssyncadd.s32 $0xFFFFD800  }
0x148: {  	[spmem:s2] =	stream.indirect.scatter.add.f32 [tilespmem:s29], [sflag:$0x6], $0x80, s30, s25, $0x2000b8;
	[tilespmem:$0x1FC00] =	vst v63  }
0x149: {  	_ = 	snop  }
0x14a: {  	[tilespmem:s26], [sflag:$0x1] =	stream.indirect.gather [hbm4b:s1+s25], $0x80, s21, s25, $0x2000b8;
	[tilespmem:$0x1FC00] =	vst v63  }
0x14b: {  	_ =	swait.ge [sflag:s3], $0x2800  }
0x14c: {  	[sflag:s3] =	ssyncset.done $0x0  }
0x14d: {  	[sflag:s3] =	ssyncadd.s32 $0xFFFFD800  }
0x14e: {  	_ =	swait.ge [sflag:s7], $0x2800  }
0x14f: {  	[sflag:s7] =	ssyncset.done $0x0  }
0x150: {  	[sflag:s7] =	ssyncadd.s32 $0xFFFFD800  }
0x151: {  	[spmem:s2] =	stream.indirect.scatter.add.f32 [tilespmem:s31], [sflag:$0x7], $0x80, s8, s25, $0x2000b8;
	[tilespmem:$0x1FC00] =	vst v63  }
0x152: {  	_ = 	snop  }
0x153: {  	[tilespmem:s29], [sflag:$0x2] =	stream.indirect.gather [hbm4b:s1+s25], $0x80, s9, s25, $0x2000b8;
	[tilespmem:$0x1FC00] =	vst v63  }
0x154: {  	_ =	swait.ge [sflag:s10], $0x2800  }
0x155: {  	[sflag:s10] =	ssyncset.done $0x0  }
0x156: {  	[sflag:s10] =	ssyncadd.s32 $0xFFFFD800  }
0x157: {  	_ =	swait.ge [sflag:s11], $0x2800  }
0x158: {  	[sflag:s11] =	ssyncset.done $0x0  }
0x159: {  	[sflag:s11] =	ssyncadd.s32 $0xFFFFD800  }
0x15a: {  	[spmem:s2] =	stream.indirect.scatter.add.f32 [tilespmem:s0], [sflag:$0x8], $0x80, s12, s25, $0x2000b8;
	[tilespmem:$0x1FC00] =	vst v63  }
0x15b: {  	_ = 	snop  }
0x15c: {  	[tilespmem:s31], [sflag:$0x3] =	stream.indirect.gather [hbm4b:s1+s25], $0x80, s13, s25, $0x2000b8;
	[tilespmem:$0x1FC00] =	vst v63  }
.LBB2_13:
0x15d: {  	_ =	swait.ge [sflag:s14], $0x2800  }
0x15e: {  	[sflag:s14] =	ssyncset.done $0x0  }
0x15f: {  	[sflag:s14] =	ssyncadd.s32 $0xFFFFD800  }
0x160: {  	_ =	swait.ge [sflag:s15], $0x2800  }
0x161: {  	s6 =	sshra.s32 s22, $0x2;
	[sflag:s15] =	ssyncset.done $0x0  }
0x162: {  	s16 =	sadd.s32 $0x1200, s6;
	[sflag:s15] =	ssyncadd.s32 $0xFFFFD800  }
0x163: {  	[spmem:s2] =	stream.indirect.scatter.add.f32 [tilespmem:s26], [sflag:$0x5], $0x80, s16, s25, $0x2000b8;
	[tilespmem:$0x1FC00] =	vst v63  }
0x164: {  	s19 =	sadd.s32 $0x380, s6  }
0x165: {  	[tilespmem:s0], [sflag:$0x4] =	stream.indirect.gather [hbm4b:s1+s25], $0x80, s19, s25, $0x2000b8;
	[tilespmem:$0x1FC00] =	vst v63  }
0x166: {  	_ =	swait.ge [sflag:s17], $0x2800  }
0x167: {  	[sflag:s17] =	ssyncset.done $0x0  }
0x168: {  	[sflag:s17] =	ssyncadd.s32 $0xFFFFD800  }
0x169: {  	_ =	swait.ge [sflag:s18], $0x2800  }
0x16a: {  	p3 =	seq.s32 s22, $0x3000;
	[sflag:s18] =	ssyncset.done $0x0  }
0x16b: {  	s28 =	sadd.s32 $0x1280, s6;
	s16 =	simm.s32 @p3 $0x6;
	[sflag:s18] =	ssyncadd.s32 $0xFFFFD800  }
0x16c: {  	[spmem:s2] =	stream.indirect.scatter.add.f32 [tilespmem:s29], [sflag:$0x6], $0x80, s28, s25, $0x2000b8;
	[tilespmem:$0x1FC00] =	vst v63  }
0x16d: {  	_ =	swait.ge @p3 [sflag:s16], $0x2800  }
0x16e: {  	[sflag:s16] =	ssyncset.done @p3 $0x0  }
0x16f: {  	[sflag:s16] =	ssyncadd.s32 @p3 $0xFFFFD800;
	s16 =	simm.s32 @p3 $0x3  }
0x170: {  	_ =	swait.ge @p3 [sflag:s16], $0x2800  }
0x171: {  	[sflag:s16] =	ssyncset.done @p3 $0x0  }
0x172: {  	[sflag:s16] =	ssyncadd.s32 @p3 $0xFFFFD800;
	s16 =	sshra.s32 @p3 s22, $0x2  }
0x173: {  	s19 =	simm.s32 @p3 $0x50;
	s28 =	simm.s32 @p3 $0x7000;
	s16 =	sadd.s32 @p3 $0x1300, s16  }
0x174: {  	[spmem:s2] =	stream.indirect.scatter.add.f32 @p3 [tilespmem:s28], [sflag:$0x7], $0x80, s16, s19, $0x2000b8;
	[tilespmem:$0x1FC00] =	vst v63  }
0x175: {  	s16 =	sshra.s32 @!p3 s22, $0x2  }
0x176: {  	s30 =	simm.s32 @!p3 $0x2000;
	s28 =	simm.s32 @!p3 $0x50;
	s19 =	sadd.s32 @!p3 $0x400, s16  }
0x177: {  	[tilespmem:s30], [sflag:$0x1] =	stream.indirect.gather @!p3 [hbm4b:s1+s28], $0x80, s19, s28, $0x2000b8;
	[tilespmem:$0x1FC00] =	vst v63  }
0x178: {  	s19 =	simm.s32 @!p3 $0x6  }
0x179: {  	_ =	swait.ge @!p3 [sflag:s19], $0x2800  }
0x17a: {  	[sflag:s19] =	ssyncset.done @!p3 $0x0  }
0x17b: {  	[sflag:s19] =	ssyncadd.s32 @!p3 $0xFFFFD800;
	s19 =	simm.s32 @!p3 $0x3  }
0x17c: {  	_ =	swait.ge @!p3 [sflag:s19], $0x2800  }
0x17d: {  	[sflag:s19] =	ssyncset.done @!p3 $0x0  }
0x17e: {  	s30 =	simm.s32 @!p3 $0x7000;
	[sflag:s19] =	ssyncadd.s32 @!p3 $0xFFFFD800;
	s19 =	sadd.s32 @!p3 $0x1300, s16  }
0x17f: {  	[spmem:s2] =	stream.indirect.scatter.add.f32 @!p3 [tilespmem:s30], [sflag:$0x7], $0x80, s19, s28, $0x2000b8;
	[tilespmem:$0x1FC00] =	vst v63  }
0x180: {  	s16 =	sadd.s32 @!p3 $0x480, s16;
	s19 =	simm.s32 @!p3 $0x4800  }
0x181: {  	[tilespmem:s19], [sflag:$0x2] =	stream.indirect.gather @!p3 [hbm4b:s1+s28], $0x80, s16, s28, $0x2000b8;
	[tilespmem:$0x1FC00] =	vst v63  }
0x182: {  	_ =	swait.ge [sflag:s10], $0x2800  }
0x183: {  	[sflag:s10] =	ssyncset.done $0x0  }
.Ltmp9:
0x184: {  	[sflag:s10] =	ssyncadd.s32 $0xFFFFD800;
	(pc) =	sbr.rel @p3 .LBB2_15-.Ltmp9, $4  }
0x185: {  	_ =	swait.ge [sflag:s11], $0x2800  }
0x186: {  	[sflag:s11] =	ssyncset.done $0x0  }
0x187: {  	s30 =	sadd.s32 $0x1380, s6;
	[sflag:s11] =	ssyncadd.s32 $0xFFFFD800  }
0x188: {  	[spmem:s2] =	stream.indirect.scatter.add.f32 [tilespmem:s0], [sflag:$0x8], $0x80, s30, s25, $0x2000b8;
	[tilespmem:$0x1FC00] =	vst v63  }
.Ltmp10:
0x189: {  	(pc) =	sbr.rel .LBB2_13-.Ltmp10, $3  }
0x18a: {  	_ =	sdelay $0x1  }
0x18b: {  	s6 =	sadd.s32 $0x500, s6;
	s22 =	sadd.s32 $0x800, s22  }
0x18c: {  	[tilespmem:s31], [sflag:$0x3] =	stream.indirect.gather [hbm4b:s1+s25], $0x80, s6, s25, $0x2000b8;
	[tilespmem:$0x1FC00] =	vst v63  }
.LBB2_15:
0x18d: {  	_ =	swait.ge [sflag:s14], $0x2800  }
0x18e: {  	[sflag:s14] =	ssyncset.done $0x0  }
0x18f: {  	[sflag:s14] =	ssyncadd.s32 $0xFFFFD800  }
.LBB2_16:
.Ltmp11:
0x190: {  	(pc) =	sbr.rel @p2 .LBB2_21-.Ltmp11, $3  }
0x191: {  	_ =	sdelay $0x1  }
0x192: {  	_ =	strace $0x90000054  }
0x193: {  	_ =	strace $0x80000055  }
0x194: {  	s22 =	simm.s32 $0x0;
	s6 =	rddreg [dreg:$0xf]  }
0x195: {  	[tilespmem:s22], [sflag:$0x9] =	stream.linear.gather [hbm4b:s6+s22], $0x1000, $0x200038;
	[tilespmem:$0x1FC00] =	vst v63  }
0x196: {  	_ =	swait.ge [sflag:s23], $0x1000  }
0x197: {  	[sflag:s23] =	ssyncset.done $0x0  }
0x198: {  	s30 =	rddreg [dreg:$0x10];
	[sflag:s23] =	ssyncadd.s32 $0xFFFFF000  }
0x199: {  	[tilespmem:s24], [sflag:$0x9] =	stream.linear.gather [hbm4b:s30+s22], $0x1000, $0x200038;
	[tilespmem:$0x1FC00] =	vst v63  }
0x19a: {  	_ =	swait.ge [sflag:s23], $0x1000  }
0x19b: {  	[sflag:s23] =	ssyncset.done $0x0  }
0x19c: {  	[sflag:s23] =	ssyncadd.s32 $0xFFFFF000  }
0x19d: {  	[tilespmem:s26], [sflag:$0x1] =	stream.indirect.gather [hbm4b:s1+s25], $0x80, s22, s25, $0x2000b8;
	[tilespmem:$0x1FC00] =	vst v63  }
0x19e: {  	s16 =	simm.s32 $0x80  }
0x19f: {  	[tilespmem:s29], [sflag:$0x2] =	stream.indirect.gather [hbm4b:s1+s25], $0x80, s16, s25, $0x2000b8;
	[tilespmem:$0x1FC00] =	vst v63  }
0x1a0: {  	s19 =	simm.s32 $0x100  }
0x1a1: {  	[tilespmem:s31], [sflag:$0x3] =	stream.indirect.gather [hbm4b:s1+s25], $0x80, s19, s25, $0x2000b8;
	[tilespmem:$0x1FC00] =	vst v63  }
0x1a2: {  	_ =	swait.ge [sflag:s15], $0x2800  }
0x1a3: {  	[sflag:s15] =	ssyncset.done $0x0  }
0x1a4: {  	[sflag:s15] =	ssyncadd.s32 $0xFFFFD800  }
0x1a5: {  	[spmem:s2] =	stream.indirect.scatter.add.f32 [tilespmem:s26], [sflag:$0x5], $0x80, s24, s25, $0x2000b8;
	[tilespmem:$0x1FC00] =	vst v63  }
0x1a6: {  	s28 =	simm.s32 $0x180  }
0x1a7: {  	[tilespmem:s0], [sflag:$0x4] =	stream.indirect.gather [hbm4b:s1+s25], $0x80, s28, s25, $0x2000b8;
	[tilespmem:$0x1FC00] =	vst v63  }
0x1a8: {  	_ =	swait.ge [sflag:s17], $0x2800  }
0x1a9: {  	[sflag:s17] =	ssyncset.done $0x0  }
0x1aa: {  	[sflag:s17] =	ssyncadd.s32 $0xFFFFD800  }
0x1ab: {  	_ =	swait.ge [sflag:s18], $0x2800  }
0x1ac: {  	[sflag:s18] =	ssyncset.done $0x0  }
0x1ad: {  	s30 =	simm.s32 $0x1080;
	[sflag:s18] =	ssyncadd.s32 $0xFFFFD800  }
0x1ae: {  	[spmem:s2] =	stream.indirect.scatter.add.f32 [tilespmem:s29], [sflag:$0x6], $0x80, s30, s25, $0x2000b8;
	[tilespmem:$0x1FC00] =	vst v63  }
0x1af: {  	_ = 	snop  }
0x1b0: {  	[tilespmem:s26], [sflag:$0x1] =	stream.indirect.gather [hbm4b:s1+s25], $0x80, s21, s25, $0x2000b8;
	[tilespmem:$0x1FC00] =	vst v63  }
0x1b1: {  	_ =	swait.ge [sflag:s3], $0x2800  }
0x1b2: {  	[sflag:s3] =	ssyncset.done $0x0  }
0x1b3: {  	[sflag:s3] =	ssyncadd.s32 $0xFFFFD800  }
0x1b4: {  	_ =	swait.ge [sflag:s7], $0x2800  }
0x1b5: {  	[sflag:s7] =	ssyncset.done $0x0  }
0x1b6: {  	[sflag:s7] =	ssyncadd.s32 $0xFFFFD800  }
0x1b7: {  	[spmem:s2] =	stream.indirect.scatter.add.f32 [tilespmem:s31], [sflag:$0x7], $0x80, s8, s25, $0x2000b8;
	[tilespmem:$0x1FC00] =	vst v63  }
0x1b8: {  	_ = 	snop  }
0x1b9: {  	[tilespmem:s29], [sflag:$0x2] =	stream.indirect.gather [hbm4b:s1+s25], $0x80, s9, s25, $0x2000b8;
	[tilespmem:$0x1FC00] =	vst v63  }
0x1ba: {  	_ =	swait.ge [sflag:s10], $0x2800  }
0x1bb: {  	[sflag:s10] =	ssyncset.done $0x0  }
0x1bc: {  	[sflag:s10] =	ssyncadd.s32 $0xFFFFD800  }
0x1bd: {  	_ =	swait.ge [sflag:s11], $0x2800  }
0x1be: {  	[sflag:s11] =	ssyncset.done $0x0  }
0x1bf: {  	[sflag:s11] =	ssyncadd.s32 $0xFFFFD800  }
0x1c0: {  	[spmem:s2] =	stream.indirect.scatter.add.f32 [tilespmem:s0], [sflag:$0x8], $0x80, s12, s25, $0x2000b8;
	[tilespmem:$0x1FC00] =	vst v63  }
0x1c1: {  	_ = 	snop  }
0x1c2: {  	[tilespmem:s31], [sflag:$0x3] =	stream.indirect.gather [hbm4b:s1+s25], $0x80, s13, s25, $0x2000b8;
	[tilespmem:$0x1FC00] =	vst v63  }
.LBB2_18:
0x1c3: {  	_ =	swait.ge [sflag:s14], $0x2800  }
0x1c4: {  	[sflag:s14] =	ssyncset.done $0x0  }
0x1c5: {  	[sflag:s14] =	ssyncadd.s32 $0xFFFFD800  }
0x1c6: {  	_ =	swait.ge [sflag:s15], $0x2800  }
0x1c7: {  	s6 =	sshra.s32 s22, $0x2;
	[sflag:s15] =	ssyncset.done $0x0  }
0x1c8: {  	s16 =	sadd.s32 $0x1200, s6;
	[sflag:s15] =	ssyncadd.s32 $0xFFFFD800  }
0x1c9: {  	[spmem:s2] =	stream.indirect.scatter.add.f32 [tilespmem:s26], [sflag:$0x5], $0x80, s16, s25, $0x2000b8;
	[tilespmem:$0x1FC00] =	vst v63  }
0x1ca: {  	s19 =	sadd.s32 $0x380, s6  }
0x1cb: {  	[tilespmem:s0], [sflag:$0x4] =	stream.indirect.gather [hbm4b:s1+s25], $0x80, s19, s25, $0x2000b8;
	[tilespmem:$0x1FC00] =	vst v63  }
0x1cc: {  	_ =	swait.ge [sflag:s17], $0x2800  }
0x1cd: {  	[sflag:s17] =	ssyncset.done $0x0  }
0x1ce: {  	[sflag:s17] =	ssyncadd.s32 $0xFFFFD800  }
0x1cf: {  	_ =	swait.ge [sflag:s18], $0x2800  }
0x1d0: {  	p3 =	seq.s32 s22, $0x3000;
	[sflag:s18] =	ssyncset.done $0x0  }
0x1d1: {  	s28 =	sadd.s32 $0x1280, s6;
	s16 =	simm.s32 @p3 $0x6;
	[sflag:s18] =	ssyncadd.s32 $0xFFFFD800  }
0x1d2: {  	[spmem:s2] =	stream.indirect.scatter.add.f32 [tilespmem:s29], [sflag:$0x6], $0x80, s28, s25, $0x2000b8;
	[tilespmem:$0x1FC00] =	vst v63  }
0x1d3: {  	_ =	swait.ge @p3 [sflag:s16], $0x2800  }
0x1d4: {  	[sflag:s16] =	ssyncset.done @p3 $0x0  }
0x1d5: {  	[sflag:s16] =	ssyncadd.s32 @p3 $0xFFFFD800;
	s16 =	simm.s32 @p3 $0x3  }
0x1d6: {  	_ =	swait.ge @p3 [sflag:s16], $0x2800  }
0x1d7: {  	[sflag:s16] =	ssyncset.done @p3 $0x0  }
0x1d8: {  	[sflag:s16] =	ssyncadd.s32 @p3 $0xFFFFD800;
	s16 =	sshra.s32 @p3 s22, $0x2  }
0x1d9: {  	s19 =	simm.s32 @p3 $0x50;
	s28 =	simm.s32 @p3 $0x7000;
	s16 =	sadd.s32 @p3 $0x1300, s16  }
0x1da: {  	[spmem:s2] =	stream.indirect.scatter.add.f32 @p3 [tilespmem:s28], [sflag:$0x7], $0x80, s16, s19, $0x2000b8;
	[tilespmem:$0x1FC00] =	vst v63  }
0x1db: {  	s16 =	sshra.s32 @!p3 s22, $0x2  }
0x1dc: {  	s30 =	simm.s32 @!p3 $0x2000;
	s28 =	simm.s32 @!p3 $0x50;
	s19 =	sadd.s32 @!p3 $0x400, s16  }
0x1dd: {  	[tilespmem:s30], [sflag:$0x1] =	stream.indirect.gather @!p3 [hbm4b:s1+s28], $0x80, s19, s28, $0x2000b8;
	[tilespmem:$0x1FC00] =	vst v63  }
0x1de: {  	s19 =	simm.s32 @!p3 $0x6  }
0x1df: {  	_ =	swait.ge @!p3 [sflag:s19], $0x2800  }
0x1e0: {  	[sflag:s19] =	ssyncset.done @!p3 $0x0  }
0x1e1: {  	[sflag:s19] =	ssyncadd.s32 @!p3 $0xFFFFD800;
	s19 =	simm.s32 @!p3 $0x3  }
0x1e2: {  	_ =	swait.ge @!p3 [sflag:s19], $0x2800  }
0x1e3: {  	[sflag:s19] =	ssyncset.done @!p3 $0x0  }
0x1e4: {  	s30 =	simm.s32 @!p3 $0x7000;
	[sflag:s19] =	ssyncadd.s32 @!p3 $0xFFFFD800;
	s19 =	sadd.s32 @!p3 $0x1300, s16  }
0x1e5: {  	[spmem:s2] =	stream.indirect.scatter.add.f32 @!p3 [tilespmem:s30], [sflag:$0x7], $0x80, s19, s28, $0x2000b8;
	[tilespmem:$0x1FC00] =	vst v63  }
0x1e6: {  	s16 =	sadd.s32 @!p3 $0x480, s16;
	s19 =	simm.s32 @!p3 $0x4800  }
0x1e7: {  	[tilespmem:s19], [sflag:$0x2] =	stream.indirect.gather @!p3 [hbm4b:s1+s28], $0x80, s16, s28, $0x2000b8;
	[tilespmem:$0x1FC00] =	vst v63  }
0x1e8: {  	_ =	swait.ge [sflag:s10], $0x2800  }
0x1e9: {  	[sflag:s10] =	ssyncset.done $0x0  }
.Ltmp12:
0x1ea: {  	[sflag:s10] =	ssyncadd.s32 $0xFFFFD800;
	(pc) =	sbr.rel @p3 .LBB2_20-.Ltmp12, $4  }
0x1eb: {  	_ =	swait.ge [sflag:s11], $0x2800  }
0x1ec: {  	[sflag:s11] =	ssyncset.done $0x0  }
0x1ed: {  	s30 =	sadd.s32 $0x1380, s6;
	[sflag:s11] =	ssyncadd.s32 $0xFFFFD800  }
0x1ee: {  	[spmem:s2] =	stream.indirect.scatter.add.f32 [tilespmem:s0], [sflag:$0x8], $0x80, s30, s25, $0x2000b8;
	[tilespmem:$0x1FC00] =	vst v63  }
.Ltmp13:
0x1ef: {  	(pc) =	sbr.rel .LBB2_18-.Ltmp13, $3  }
0x1f0: {  	_ =	sdelay $0x1  }
0x1f1: {  	s6 =	sadd.s32 $0x500, s6;
	s22 =	sadd.s32 $0x800, s22  }
0x1f2: {  	[tilespmem:s31], [sflag:$0x3] =	stream.indirect.gather [hbm4b:s1+s25], $0x80, s6, s25, $0x2000b8;
	[tilespmem:$0x1FC00] =	vst v63  }
.LBB2_22:
0x1f3: {  	_ =	sfence.sel $0x180000  }
0x1f4: {  	[bflag:$0x0] =	sbarrier.arrive $0xFFFF  }
0x1f5: {  	_ =	strace $0x90000050  }
0x1f6: {  	s0 =	stileid.u32;
	[bflag:$0x2] =	sbarrier.arrive $0xFFFF  }
0x1f7: {  	p0 =	sne.s32 s0, $0x0;
	s0 =	rddreg [dreg:$0x3]  }
0x1f8: {  	s0 =	sadd.s32 @!p0 $0x100000, s0  }
0x1f9: {  	[sflag:s0] =	ssyncadd.tile.s32 @!p0 $0x1;
	_ =	shalt  }
.Lfunc_end2:
_tile_overlayer_lowered:
.L_overlay_start_2:
0x1fa: {  	(tag) =	ssettag $0x2  }
0x1fb: {  	s0 =	rddreg [dreg:$0x0];
	s2 =	stileid.u32  }
0x1fc: {  	s1 =	rddreg [dreg:$0x1];
	p0 =	sne.s32 s2, $0x0  }
0x1fd: {  	s3 =	rddreg [dreg:$0x2];
	[bflag:$0x3] =	sbarrier.arrive $0xFFFF;
	s2 =	simm.s32 @!p0 $0x1C09  }
0x1fe: {  	[timem:s3], [sflag:s2] =	dma.local @!p0 [hbm:s0], s1  }
0x1ff: {  	s0 =	simm.s32 @!p0 $0x9  }
0x200: {  	_ =	swait.ge @!p0 [sflag:s0], s1  }
0x201: {  	s1 =	ssub.s32 @!p0 $0x0, s1;
	[sflag:s0] =	ssyncset.done @!p0 $0x0  }
0x202: {  	[sflag:s0] =	ssyncadd.s32 @!p0 s1  }
0x203: {  	[bflag:$0x3] =	sbarrier.arrive $0xFFFF  }
0x204: {  	_ =	shalt  }

</sc_bundles>
